<compile_context>
chip_gen: v7x
topology: tpu7x:2x2x1
jax: 0.10.2.dev20260603
libtpu: 0.0.44.dev20260713+nightly
codegen_flags: <defaults>
</compile_context>

<pallas_src>
import functools

import jax
import jax.numpy as jnp
from jax import lax
from jax.experimental import pallas as pl
from jax.experimental.pallas import tpu as pltpu
from jax.experimental.pallas import tpu_sc as plsc

_N = 10000
_E = 320000
_D = 128
_NC = 2
_NS = 16
_NW = _NC * _NS
_C = 128
_NCH = -(-_E // (_NW * _C))
_EP = _NW * _NCH * _C
_CH0 = 96
_CH1 = 62
_CHM = max(_CH0, _CH1)
_EP2 = _NS * (_CH0 + _CH1) * _C
_NP = 10240
_ZCH = _NP // (_NS * _C)
_RPT = _NP // _NS

_mesh = plsc.VectorSubcoreMesh(
    core_axis_name="c", subcore_axis_name="s", num_cores=_NC, num_subcores=_NS
)


def _sc_scatter_body(g_hbm, sd_hbm, out_hbm, ibuf, rows2, acc, gsem0, gsem1, isem0, isem1):
    c = lax.axis_index("c")
    s = lax.axis_index("s")
    w = s * _NC + c

    def zrow(i, carry):
        for j in range(_D // 16):
            rows2[0, i, pl.ds(j * 16, 16)] = jnp.zeros((16,), jnp.float32)
        return carry

    lax.fori_loop(0, _C, zrow, 0)
    for k in range(_ZCH):
        pltpu.sync_copy(rows2.at[0], acc.at[pl.ds((s * _ZCH + k) * _C, _C)])
    plsc.subcore_barrier()

    pltpu.sync_copy(sd_hbm.at[w, 0], ibuf.at[0])
    pltpu.sync_copy(sd_hbm.at[w, 1], ibuf.at[1])
    pltpu.async_copy(g_hbm.at[ibuf.at[0, 0]], rows2.at[0], gsem0)
    pltpu.async_copy(g_hbm.at[ibuf.at[1, 0]], rows2.at[1], gsem1)
    pltpu.async_copy(sd_hbm.at[w, 2], ibuf.at[2], isem0)
    pltpu.async_copy(sd_hbm.at[w, 3], ibuf.at[3], isem1)

    nch = jnp.where(c == 0, _CH0, _CH1)

    def one(j, u):
        rb = rows2.at[u]
        gsem = (gsem0, gsem1)[u]
        isem = (isem0, isem1)[u]
        q = lax.rem(j, 4)
        pltpu.make_async_copy(g_hbm.at[ibuf.at[q, 0]], rb, gsem).wait()
        pltpu.sync_copy(rb, acc.at[ibuf.at[q, 1]], add=True)

        @pl.when(j < nch - 2)
        def _():
            qn = lax.rem(j + 2, 4)
            pltpu.make_async_copy(sd_hbm.at[w, 0], ibuf.at[qn], isem).wait()
            pltpu.async_copy(g_hbm.at[ibuf.at[qn, 0]], rb, gsem)

        @pl.when(j < nch - 4)
        def _():
            pltpu.async_copy(sd_hbm.at[w, j + 4], ibuf.at[q], isem)

    def pair(t, carry):
        one(2 * t, 0)
        one(2 * t + 1, 1)
        return carry

    lax.fori_loop(0, nch // 2, pair, 0)
    plsc.subcore_barrier()
    pltpu.sync_copy(acc.at[pl.ds(s * _RPT, _RPT)], out_hbm.at[c, pl.ds(s * _RPT, _RPT)])


_sc_scatter = pl.kernel(
    _sc_scatter_body,
    out_type=jax.ShapeDtypeStruct((_NC, _NP, _D), jnp.float32),
    mesh=_mesh,
    scratch_types=[
        pltpu.VMEM((4, 2, _C), jnp.int32),
        pltpu.VMEM((2, _C, _D), jnp.float32),
        pltpu.VMEM_SHARED((_NP, _D), jnp.float32),
        pltpu.SemaphoreType.DMA,
        pltpu.SemaphoreType.DMA,
        pltpu.SemaphoreType.DMA,
        pltpu.SemaphoreType.DMA,
    ],
)


def _sc_degree_body(sd_hbm, out_hbm, sd_v, rows, acc, sem, isem):
    c = lax.axis_index("c")
    s = lax.axis_index("s")
    w = s * _NC + c

    idx_cp = pltpu.async_copy(sd_hbm.at[w], sd_v, isem)
    nch = jnp.where(c == 0, _CH0, _CH1)

    def fillv(val):
        def body(i, carry):
            for j in range(_D // 16):
                rows[i, pl.ds(j * 16, 16)] = jnp.full((16,), val, jnp.float32)
            return carry
        return body

    lax.fori_loop(0, _C, fillv(0.0), 0)
    for k in range(_ZCH):
        pltpu.sync_copy(rows, acc.at[pl.ds((s * _ZCH + k) * _C, _C)])
    lax.fori_loop(0, _C, fillv(1.0), 0)
    idx_cp.wait()
    plsc.subcore_barrier()

    pltpu.async_copy(rows, acc.at[sd_v.at[0, 1]], sem, add=True)

    def chunk(j, carry):
        @pl.when(j < nch - 1)
        def _():
            pltpu.async_copy(rows, acc.at[sd_v.at[j + 1, 1]], sem, add=True)

        pltpu.make_async_copy(rows, acc.at[sd_v.at[j, 1]], sem).wait()
        return carry

    lax.fori_loop(0, nch, chunk, 0)
    plsc.subcore_barrier()
    pltpu.sync_copy(acc.at[pl.ds(s * _RPT, _RPT)], out_hbm.at[c, pl.ds(s * _RPT, _RPT)])


_sc_degree = pl.kernel(
    _sc_degree_body,
    out_type=jax.ShapeDtypeStruct((_NC, _NP, _D), jnp.float32),
    mesh=_mesh,
    scratch_types=[
        pltpu.VMEM((_CHM, 2, _C), jnp.int32),
        pltpu.VMEM((_C, _D), jnp.float32),
        pltpu.VMEM_SHARED((_NP, _D), jnp.float32),
        pltpu.SemaphoreType.DMA,
        pltpu.SemaphoreType.DMA,
    ],
)


_RB = 2000
_GRID = (_N // _RB,)


def _tc_gin_body(deg_ref, x_ref, w_ref, g_ref, dinv_ref):
    d = 1.0 + deg_ref[0, :, 0:1] + deg_ref[1, :, 0:1]
    dinv = lax.rsqrt(d)
    dinv_ref[...] = dinv
    h = jnp.dot(x_ref[...], w_ref[...], preferred_element_type=jnp.float32)
    g_ref[...] = h * dinv


_tc_gin = pl.pallas_call(
    _tc_gin_body,
    grid=_GRID,
    in_specs=[
        pl.BlockSpec((2, _RB, _D), lambda i: (0, i, 0)),
        pl.BlockSpec((_RB, _D), lambda i: (i, 0)),
        pl.BlockSpec((_D, _D), lambda i: (0, 0)),
    ],
    out_specs=[
        pl.BlockSpec((_RB, _D), lambda i: (i, 0)),
        pl.BlockSpec((_RB, 1), lambda i: (i, 0)),
    ],
    out_shape=[
        jax.ShapeDtypeStruct((_N, _D), jnp.float32),
        jax.ShapeDtypeStruct((_N, 1), jnp.float32),
    ],
)


def _tc_layer_body(p_ref, g_ref, dinv_ref, b_ref, w_ref, gn_ref):
    dinv = dinv_ref[...]
    t = (p_ref[0] + p_ref[1] + g_ref[...]) * dinv + b_ref[...]
    act = jnp.where(t > 0, t, jnp.exp(jnp.minimum(t, 0.0)) - 1.0)
    h = jnp.dot(act, w_ref[...], preferred_element_type=jnp.float32)
    gn_ref[...] = h * dinv


_tc_layer = pl.pallas_call(
    _tc_layer_body,
    grid=_GRID,
    in_specs=[
        pl.BlockSpec((2, _RB, _D), lambda i: (0, i, 0)),
        pl.BlockSpec((_RB, _D), lambda i: (i, 0)),
        pl.BlockSpec((_RB, 1), lambda i: (i, 0)),
        pl.BlockSpec((1, _D), lambda i: (0, 0)),
        pl.BlockSpec((_D, _D), lambda i: (0, 0)),
    ],
    out_specs=pl.BlockSpec((_RB, _D), lambda i: (i, 0)),
    out_shape=jax.ShapeDtypeStruct((_N, _D), jnp.float32),
)


def _tc_final_body(p_ref, g_ref, dinv_ref, b_ref, o_ref):
    o_ref[...] = (p_ref[0] + p_ref[1] + g_ref[...]) * dinv_ref[...] + b_ref[...]


_tc_final = pl.pallas_call(
    _tc_final_body,
    grid=_GRID,
    in_specs=[
        pl.BlockSpec((2, _RB, _D), lambda i: (0, i, 0)),
        pl.BlockSpec((_RB, _D), lambda i: (i, 0)),
        pl.BlockSpec((_RB, 1), lambda i: (i, 0)),
        pl.BlockSpec((1, _D), lambda i: (0, 0)),
    ],
    out_specs=pl.BlockSpec((_RB, _D), lambda i: (i, 0)),
    out_shape=jax.ShapeDtypeStruct((_N, _D), jnp.float32),
)


def kernel(x, edge_index, W1, b1, W2, b2, W3, b3):
    src = edge_index[0]
    dst = edge_index[1]

    ecf = _NS * _CH0 * _C
    pad2 = _EP2 - _E
    srcp = jnp.concatenate([src, jnp.zeros((pad2,), jnp.int32)])
    dstp = jnp.concatenate([dst, jnp.full((pad2,), _N, jnp.int32)])
    def part(sp, dp, nch):
        g = jnp.stack([sp.reshape(_NS, nch, _C), dp.reshape(_NS, nch, _C)], axis=2)
        if nch < _CHM:
            g = jnp.concatenate(
                [g, jnp.zeros((_NS, _CHM - nch, 2, _C), jnp.int32)], axis=1
            )
        return g

    part0 = part(srcp[:ecf], dstp[:ecf], _CH0)
    part1 = part(srcp[ecf:], dstp[ecf:], _CH1)
    sd = jnp.stack([part0, part1], axis=1).reshape(_NW, _CHM, 2, _C)

    degp = _sc_degree(sd)
    g1, dinv = _tc_gin(degp, x, W1)
    p = _sc_scatter(g1, sd)
    g2 = _tc_layer(p, g1, dinv, b1.reshape(1, _D), W2)
    p = _sc_scatter(g2, sd)
    g3 = _tc_layer(p, g2, dinv, b2.reshape(1, _D), W3)
    p = _sc_scatter(g3, sd)
    return _tc_final(p, g3, dinv, b3.reshape(1, _D))

# --- scband reference (transcript-rebuilt; emitter-appended) ---
"""Pipeline reference for scband-gcnemb-17291538334379 (READ-ONLY COPY).

The authoritative reference and input builder live on the scoring server;
editing this copy changes nothing except your own understanding.
"""

import jax, jax.numpy as jnp
import numpy as np

N = 10000
E = 320000
D_IN = 128
H = 128


def _gcn_layer(x, src, dst, norm, W, b):
    h = x @ W
    msg = h[src] * norm[:, None]
    out = jax.ops.segment_sum(msg, dst, num_segments=N)
    return out + b


def setup_inputs(seed: int = 0) -> dict:
    key = jax.random.key(seed)
    ks = jax.random.split(key, 8)
    x = jax.random.normal(ks[0], (N, D_IN), dtype=jnp.float32)
    edge_index = jax.random.randint(ks[1], (2, E), 0, N, dtype=jnp.int32)
    W1 = jax.random.normal(ks[2], (D_IN, H), dtype=jnp.float32) * (1.0 / np.sqrt(D_IN))
    b1 = jnp.zeros((H,), dtype=jnp.float32)
    W2 = jax.random.normal(ks[3], (H, H), dtype=jnp.float32) * (1.0 / np.sqrt(H))
    b2 = jnp.zeros((H,), dtype=jnp.float32)
    W3 = jax.random.normal(ks[4], (H, H), dtype=jnp.float32) * (1.0 / np.sqrt(H))
    b3 = jnp.zeros((H,), dtype=jnp.float32)
    return {"x": x, "edge_index": edge_index, "W1": W1, "b1": b1, "W2": W2, "b2": b2, "W3": W3, "b3": b3}


def reference(x, edge_index, W1, b1, W2, b2, W3, b3):
    # GCNConv with added self-loops and symmetric normalization (PyG defaults).
    src = edge_index[0]
    dst = edge_index[1]
    loop = jnp.arange(N, dtype=src.dtype)
    src = jnp.concatenate([src, loop])
    dst = jnp.concatenate([dst, loop])
    deg = jnp.zeros((N,), dtype=jnp.float32).at[dst].add(1.0)
    deg_inv_sqrt = jnp.where(deg > 0, jax.lax.rsqrt(jnp.maximum(deg, 1e-12)), 0.0)
    norm = deg_inv_sqrt[src] * deg_inv_sqrt[dst]

    h = _gcn_layer(x, src, dst, norm, W1, b1)
    h = jax.nn.elu(h)
    # dropout is identity in eval mode (training=False)
    h = _gcn_layer(h, src, dst, norm, W2, b2)
    h = jax.nn.elu(h)
    h = _gcn_layer(h, src, dst, norm, W3, b3)
    return h

if __name__ == "__main__":
    import jax
    _d = setup_inputs()
    print(jax.jit(kernel)(*tuple(_d.values())))

</pallas_src>

<mosaic_0001>
#map = affine_map<(d0, d1) -> (0, 0)>
#map1 = affine_map<(d0, d1) -> (0, 0, 0, 0)>
#map2 = affine_map<(d0, d1) -> (0, 0, 0)>
module attributes {stable_mosaic.version = 14 : i64} {
  func.func @_sc_scatter_body(%arg0: i32, %arg1: i32, %arg2: memref<10000x128xf32, #tpu.memory_space<hbm>>, %arg3: memref<32x96x2x128xi32, #tpu.memory_space<hbm>>, %arg4: memref<2x10240x128xf32, #tpu.memory_space<hbm>>, %arg5: memref<4x2x128xi32, #tpu.memory_space<vmem>>, %arg6: memref<2x128x128xf32, #tpu.memory_space<vmem>>, %arg7: memref<10240x128xf32, #tpu.memory_space<vmem_shared>>, %arg8: memref<!tpu.dma_semaphore, #tpu.memory_space<semaphore_mem>>, %arg9: memref<!tpu.dma_semaphore, #tpu.memory_space<semaphore_mem>>, %arg10: memref<!tpu.dma_semaphore, #tpu.memory_space<semaphore_mem>>, %arg11: memref<!tpu.dma_semaphore, #tpu.memory_space<semaphore_mem>>) attributes {dimension_semantics = [#tpu.dimension_semantics<core_parallel>, #tpu.dimension_semantics<subcore_parallel>], iteration_bounds = array<i64: 2, 16>, scalar_prefetch = 0 : i64, scratch_operands = 7 : i64, tpu.core_type = #tpu.core_type<sc_vector_subcore>, window_params = [{transform_indices = #map}, {transform_indices = #map1}, {transform_indices = #map2}]} {
    %mul3A = arith.constant 2 : i32
    %mul3A_0 = arith.muli %arg1, %mul3A : i32
    %add3A = arith.addi %mul3A_0, %arg0 : i32
    %scan3A = arith.constant 0 : i32
    %scan3A_1 = arith.constant 0 : i32
    %scan3A_2 = arith.constant 128 : i32
    %scan3A_3 = arith.addi %scan3A_1, %scan3A_2 : i32
    %scan3A_4 = arith.constant 1 : i32
    scf.for %scan3A_139 = %scan3A_1 to %scan3A_3 step %scan3A_4  : i32 {
      %broadcast_in_dim3A = arith.constant 0.000000e+00 : f32
      %broadcast_in_dim3A_140 = vector.broadcast %broadcast_in_dim3A : f32 to vector<16xf32>
      %swap3A = arith.constant 0 : i32
      %swap3A_141 = arith.index_cast %swap3A : i32 to index
      %swap3A_142 = arith.index_cast %scan3A_139 : i32 to index
      %swap3A_143 = arith.constant 0 : index
      %swap3A_144 = tpu.vector_load %arg6[%swap3A_141, %swap3A_142, %swap3A_143] {strides = array<i32>} : memref<2x128x128xf32, #tpu.memory_space<vmem>>, vector<1x1x16xf32>,
      %swap3A_145 = vector.shape_cast %swap3A_144 : vector<1x1x16xf32> to vector<16xf32>
      %swap3A_146 = vector.shape_cast %broadcast_in_dim3A_140 : vector<16xf32> to vector<1x1x16xf32>
      tpu.vector_store %arg6[%swap3A_141, %swap3A_142, %swap3A_143], %swap3A_146 {strides = array<i32>} : memref<2x128x128xf32, #tpu.memory_space<vmem>>, vector<1x1x16xf32>,
      %broadcast_in_dim3A_147 = arith.constant 0.000000e+00 : f32
      %broadcast_in_dim3A_148 = vector.broadcast %broadcast_in_dim3A_147 : f32 to vector<16xf32>
      %swap3A_149 = arith.constant 0 : i32
      %swap3A_150 = arith.index_cast %swap3A_149 : i32 to index
      %swap3A_151 = arith.index_cast %scan3A_139 : i32 to index
      %swap3A_152 = arith.constant 16 : index
      %swap3A_153 = tpu.vector_load %arg6[%swap3A_150, %swap3A_151, %swap3A_152] {strides = array<i32>} : memref<2x128x128xf32, #tpu.memory_space<vmem>>, vector<1x1x16xf32>,
      %swap3A_154 = vector.shape_cast %swap3A_153 : vector<1x1x16xf32> to vector<16xf32>
      %swap3A_155 = vector.shape_cast %broadcast_in_dim3A_148 : vector<16xf32> to vector<1x1x16xf32>
      tpu.vector_store %arg6[%swap3A_150, %swap3A_151, %swap3A_152], %swap3A_155 {strides = array<i32>} : memref<2x128x128xf32, #tpu.memory_space<vmem>>, vector<1x1x16xf32>,
      %broadcast_in_dim3A_156 = arith.constant 0.000000e+00 : f32
      %broadcast_in_dim3A_157 = vector.broadcast %broadcast_in_dim3A_156 : f32 to vector<16xf32>
      %swap3A_158 = arith.constant 0 : i32
      %swap3A_159 = arith.index_cast %swap3A_158 : i32 to index
      %swap3A_160 = arith.index_cast %scan3A_139 : i32 to index
      %swap3A_161 = arith.constant 32 : index
      %swap3A_162 = tpu.vector_load %arg6[%swap3A_159, %swap3A_160, %swap3A_161] {strides = array<i32>} : memref<2x128x128xf32, #tpu.memory_space<vmem>>, vector<1x1x16xf32>,
      %swap3A_163 = vector.shape_cast %swap3A_162 : vector<1x1x16xf32> to vector<16xf32>
      %swap3A_164 = vector.shape_cast %broadcast_in_dim3A_157 : vector<16xf32> to vector<1x1x16xf32>
      tpu.vector_store %arg6[%swap3A_159, %swap3A_160, %swap3A_161], %swap3A_164 {strides = array<i32>} : memref<2x128x128xf32, #tpu.memory_space<vmem>>, vector<1x1x16xf32>,
      %broadcast_in_dim3A_165 = arith.constant 0.000000e+00 : f32
      %broadcast_in_dim3A_166 = vector.broadcast %broadcast_in_dim3A_165 : f32 to vector<16xf32>
      %swap3A_167 = arith.constant 0 : i32
      %swap3A_168 = arith.index_cast %swap3A_167 : i32 to index
      %swap3A_169 = arith.index_cast %scan3A_139 : i32 to index
      %swap3A_170 = arith.constant 48 : index
      %swap3A_171 = tpu.vector_load %arg6[%swap3A_168, %swap3A_169, %swap3A_170] {strides = array<i32>} : memref<2x128x128xf32, #tpu.memory_space<vmem>>, vector<1x1x16xf32>,
      %swap3A_172 = vector.shape_cast %swap3A_171 : vector<1x1x16xf32> to vector<16xf32>
      %swap3A_173 = vector.shape_cast %broadcast_in_dim3A_166 : vector<16xf32> to vector<1x1x16xf32>
      tpu.vector_store %arg6[%swap3A_168, %swap3A_169, %swap3A_170], %swap3A_173 {strides = array<i32>} : memref<2x128x128xf32, #tpu.memory_space<vmem>>, vector<1x1x16xf32>,
      %broadcast_in_dim3A_174 = arith.constant 0.000000e+00 : f32
      %broadcast_in_dim3A_175 = vector.broadcast %broadcast_in_dim3A_174 : f32 to vector<16xf32>
      %swap3A_176 = arith.constant 0 : i32
      %swap3A_177 = arith.index_cast %swap3A_176 : i32 to index
      %swap3A_178 = arith.index_cast %scan3A_139 : i32 to index
      %swap3A_179 = arith.constant 64 : index
      %swap3A_180 = tpu.vector_load %arg6[%swap3A_177, %swap3A_178, %swap3A_179] {strides = array<i32>} : memref<2x128x128xf32, #tpu.memory_space<vmem>>, vector<1x1x16xf32>,
      %swap3A_181 = vector.shape_cast %swap3A_180 : vector<1x1x16xf32> to vector<16xf32>
      %swap3A_182 = vector.shape_cast %broadcast_in_dim3A_175 : vector<16xf32> to vector<1x1x16xf32>
      tpu.vector_store %arg6[%swap3A_177, %swap3A_178, %swap3A_179], %swap3A_182 {strides = array<i32>} : memref<2x128x128xf32, #tpu.memory_space<vmem>>, vector<1x1x16xf32>,
      %broadcast_in_dim3A_183 = arith.constant 0.000000e+00 : f32
      %broadcast_in_dim3A_184 = vector.broadcast %broadcast_in_dim3A_183 : f32 to vector<16xf32>
      %swap3A_185 = arith.constant 0 : i32
      %swap3A_186 = arith.index_cast %swap3A_185 : i32 to index
      %swap3A_187 = arith.index_cast %scan3A_139 : i32 to index
      %swap3A_188 = arith.constant 80 : index
      %swap3A_189 = tpu.vector_load %arg6[%swap3A_186, %swap3A_187, %swap3A_188] {strides = array<i32>} : memref<2x128x128xf32, #tpu.memory_space<vmem>>, vector<1x1x16xf32>,
      %swap3A_190 = vector.shape_cast %swap3A_189 : vector<1x1x16xf32> to vector<16xf32>
      %swap3A_191 = vector.shape_cast %broadcast_in_dim3A_184 : vector<16xf32> to vector<1x1x16xf32>
      tpu.vector_store %arg6[%swap3A_186, %swap3A_187, %swap3A_188], %swap3A_191 {strides = array<i32>} : memref<2x128x128xf32, #tpu.memory_space<vmem>>, vector<1x1x16xf32>,
      %broadcast_in_dim3A_192 = arith.constant 0.000000e+00 : f32
      %broadcast_in_dim3A_193 = vector.broadcast %broadcast_in_dim3A_192 : f32 to vector<16xf32>
      %swap3A_194 = arith.constant 0 : i32
      %swap3A_195 = arith.index_cast %swap3A_194 : i32 to index
      %swap3A_196 = arith.index_cast %scan3A_139 : i32 to index
      %swap3A_197 = arith.constant 96 : index
      %swap3A_198 = tpu.vector_load %arg6[%swap3A_195, %swap3A_196, %swap3A_197] {strides = array<i32>} : memref<2x128x128xf32, #tpu.memory_space<vmem>>, vector<1x1x16xf32>,
      %swap3A_199 = vector.shape_cast %swap3A_198 : vector<1x1x16xf32> to vector<16xf32>
      %swap3A_200 = vector.shape_cast %broadcast_in_dim3A_193 : vector<16xf32> to vector<1x1x16xf32>
      tpu.vector_store %arg6[%swap3A_195, %swap3A_196, %swap3A_197], %swap3A_200 {strides = array<i32>} : memref<2x128x128xf32, #tpu.memory_space<vmem>>, vector<1x1x16xf32>,
      %broadcast_in_dim3A_201 = arith.constant 0.000000e+00 : f32
      %broadcast_in_dim3A_202 = vector.broadcast %broadcast_in_dim3A_201 : f32 to vector<16xf32>
      %swap3A_203 = arith.constant 0 : i32
      %swap3A_204 = arith.index_cast %swap3A_203 : i32 to index
      %swap3A_205 = arith.index_cast %scan3A_139 : i32 to index
      %swap3A_206 = arith.constant 112 : index
      %swap3A_207 = tpu.vector_load %arg6[%swap3A_204, %swap3A_205, %swap3A_206] {strides = array<i32>} : memref<2x128x128xf32, #tpu.memory_space<vmem>>, vector<1x1x16xf32>,
      %swap3A_208 = vector.shape_cast %swap3A_207 : vector<1x1x16xf32> to vector<16xf32>
      %swap3A_209 = vector.shape_cast %broadcast_in_dim3A_202 : vector<16xf32> to vector<1x1x16xf32>
      tpu.vector_store %arg6[%swap3A_204, %swap3A_205, %swap3A_206], %swap3A_209 {strides = array<i32>} : memref<2x128x128xf32, #tpu.memory_space<vmem>>, vector<1x1x16xf32>,
    }
    %scan3A_5 = arith.constant 128 : i32
    %mul3A_6 = arith.constant 5 : i32
    %mul3A_7 = arith.muli %arg1, %mul3A_6 : i32
    %add3A_8 = arith.constant 0 : i32
    %add3A_9 = arith.addi %mul3A_7, %add3A_8 : i32
    %mul3A_10 = arith.constant 128 : i32
    %mul3A_11 = arith.muli %add3A_9, %mul3A_10 : i32
    %run_scoped3A = arith.constant 0 : i32
    "tpu.region"() ({
      %run_scoped3A_139 = tpu.sem_alloc : memref<!tpu.dma_semaphore, #tpu.memory_space<semaphore_mem>>
      %dma_start3A_140 = arith.constant 0 : i32
      %dma_start3A_141 = arith.constant 0 : i32
      %dma_start3A_142 = tpu.memref_slice %arg6[%run_scoped3A, %dma_start3A_140, %dma_start3A_141] : memref<2x128x128xf32, #tpu.memory_space<vmem>> -> memref<1x128x128xf32, #tpu.memory_space<vmem>>
      %dma_start3A_143 = tpu.memref_squeeze %dma_start3A_142 : memref<1x128x128xf32, #tpu.memory_space<vmem>> -> memref<128x128xf32, #tpu.memory_space<vmem>>
      %dma_start3A_144 = arith.constant 0 : i32
      %dma_start3A_145 = tpu.memref_slice %arg7[%mul3A_11, %dma_start3A_144] : memref<10240x128xf32, #tpu.memory_space<vmem_shared>> -> memref<128x128xf32, #tpu.memory_space<vmem_shared>>
      %dma_start3A_146 = arith.constant 0 : i32
      %dma_start3A_147 = tpu.memref_slice %arg7[%mul3A_11, %dma_start3A_146] : memref<10240x128xf32, #tpu.memory_space<vmem_shared>> -> memref<128x128xf32, #tpu.memory_space<vmem_shared>>
      %dma_start3A_148 = arith.constant 0 : i32
      %dma_start3A_149 = arith.constant 0 : i32
      %dma_start3A_150 = tpu.memref_slice %arg6[%run_scoped3A, %dma_start3A_148, %dma_start3A_149] : memref<2x128x128xf32, #tpu.memory_space<vmem>> -> memref<1x128x128xf32, #tpu.memory_space<vmem>>
      %dma_start3A_151 = tpu.memref_squeeze %dma_start3A_150 : memref<1x128x128xf32, #tpu.memory_space<vmem>> -> memref<128x128xf32, #tpu.memory_space<vmem>>
      tpu.enqueue_dma source(%dma_start3A_151 : memref<128x128xf32, #tpu.memory_space<vmem>>) target(%dma_start3A_147 : memref<128x128xf32, #tpu.memory_space<vmem_shared>>) target_semaphore(%run_scoped3A_139 : memref<!tpu.dma_semaphore, #tpu.memory_space<semaphore_mem>>)
      %dma_wait3A = arith.constant 0 : i32
      %dma_wait3A_152 = arith.constant 0 : i32
      %dma_wait3A_153 = tpu.memref_slice %arg6[%run_scoped3A, %dma_wait3A, %dma_wait3A_152] : memref<2x128x128xf32, #tpu.memory_space<vmem>> -> memref<1x128x128xf32, #tpu.memory_space<vmem>>
      %dma_wait3A_154 = tpu.memref_squeeze %dma_wait3A_153 : memref<1x128x128xf32, #tpu.memory_space<vmem>> -> memref<128x128xf32, #tpu.memory_space<vmem>>
      %dma_wait3A_155 = arith.constant 0 : i32
      %dma_wait3A_156 = tpu.memref_slice %arg7[%mul3A_11, %dma_wait3A_155] : memref<10240x128xf32, #tpu.memory_space<vmem_shared>> -> memref<128x128xf32, #tpu.memory_space<vmem_shared>>
      %dma_wait3A_157 = arith.constant 0 : i32
      %dma_wait3A_158 = tpu.memref_slice %arg7[%mul3A_11, %dma_wait3A_157] : memref<10240x128xf32, #tpu.memory_space<vmem_shared>> -> memref<128x128xf32, #tpu.memory_space<vmem_shared>>
      %dma_wait3A_159 = arith.constant 0 : i32
      %dma_wait3A_160 = arith.constant 0 : i32
      %dma_wait3A_161 = tpu.memref_slice %arg6[%run_scoped3A, %dma_wait3A_159, %dma_wait3A_160] : memref<2x128x128xf32, #tpu.memory_space<vmem>> -> memref<1x128x128xf32, #tpu.memory_space<vmem>>
      %dma_wait3A_162 = tpu.memref_squeeze %dma_wait3A_161 : memref<1x128x128xf32, #tpu.memory_space<vmem>> -> memref<128x128xf32, #tpu.memory_space<vmem>>
      tpu.wait_dma2 semaphore(%run_scoped3A_139 : memref<!tpu.dma_semaphore, #tpu.memory_space<semaphore_mem>>) src(%dma_wait3A_162 : memref<128x128xf32, #tpu.memory_space<vmem>>) dst(%dma_wait3A_158 : memref<128x128xf32, #tpu.memory_space<vmem_shared>>)
      tpu.yield
    }) : () -> ()
    %mul3A_12 = arith.constant 5 : i32
    %mul3A_13 = arith.muli %arg1, %mul3A_12 : i32
    %add3A_14 = arith.constant 1 : i32
    %add3A_15 = arith.addi %mul3A_13, %add3A_14 : i32
    %mul3A_16 = arith.constant 128 : i32
    %mul3A_17 = arith.muli %add3A_15, %mul3A_16 : i32
    %run_scoped3A_18 = arith.constant 0 : i32
    "tpu.region"() ({
      %run_scoped3A_139 = tpu.sem_alloc : memref<!tpu.dma_semaphore, #tpu.memory_space<semaphore_mem>>
      %dma_start3A_140 = arith.constant 0 : i32
      %dma_start3A_141 = arith.constant 0 : i32
      %dma_start3A_142 = tpu.memref_slice %arg6[%run_scoped3A_18, %dma_start3A_140, %dma_start3A_141] : memref<2x128x128xf32, #tpu.memory_space<vmem>> -> memref<1x128x128xf32, #tpu.memory_space<vmem>>
      %dma_start3A_143 = tpu.memref_squeeze %dma_start3A_142 : memref<1x128x128xf32, #tpu.memory_space<vmem>> -> memref<128x128xf32, #tpu.memory_space<vmem>>
      %dma_start3A_144 = arith.constant 0 : i32
      %dma_start3A_145 = tpu.memref_slice %arg7[%mul3A_17, %dma_start3A_144] : memref<10240x128xf32, #tpu.memory_space<vmem_shared>> -> memref<128x128xf32, #tpu.memory_space<vmem_shared>>
      %dma_start3A_146 = arith.constant 0 : i32
      %dma_start3A_147 = tpu.memref_slice %arg7[%mul3A_17, %dma_start3A_146] : memref<10240x128xf32, #tpu.memory_space<vmem_shared>> -> memref<128x128xf32, #tpu.memory_space<vmem_shared>>
      %dma_start3A_148 = arith.constant 0 : i32
      %dma_start3A_149 = arith.constant 0 : i32
      %dma_start3A_150 = tpu.memref_slice %arg6[%run_scoped3A_18, %dma_start3A_148, %dma_start3A_149] : memref<2x128x128xf32, #tpu.memory_space<vmem>> -> memref<1x128x128xf32, #tpu.memory_space<vmem>>
      %dma_start3A_151 = tpu.memref_squeeze %dma_start3A_150 : memref<1x128x128xf32, #tpu.memory_space<vmem>> -> memref<128x128xf32, #tpu.memory_space<vmem>>
      tpu.enqueue_dma source(%dma_start3A_151 : memref<128x128xf32, #tpu.memory_space<vmem>>) target(%dma_start3A_147 : memref<128x128xf32, #tpu.memory_space<vmem_shared>>) target_semaphore(%run_scoped3A_139 : memref<!tpu.dma_semaphore, #tpu.memory_space<semaphore_mem>>)
      %dma_wait3A = arith.constant 0 : i32
      %dma_wait3A_152 = arith.constant 0 : i32
      %dma_wait3A_153 = tpu.memref_slice %arg6[%run_scoped3A_18, %dma_wait3A, %dma_wait3A_152] : memref<2x128x128xf32, #tpu.memory_space<vmem>> -> memref<1x128x128xf32, #tpu.memory_space<vmem>>
      %dma_wait3A_154 = tpu.memref_squeeze %dma_wait3A_153 : memref<1x128x128xf32, #tpu.memory_space<vmem>> -> memref<128x128xf32, #tpu.memory_space<vmem>>
      %dma_wait3A_155 = arith.constant 0 : i32
      %dma_wait3A_156 = tpu.memref_slice %arg7[%mul3A_17, %dma_wait3A_155] : memref<10240x128xf32, #tpu.memory_space<vmem_shared>> -> memref<128x128xf32, #tpu.memory_space<vmem_shared>>
      %dma_wait3A_157 = arith.constant 0 : i32
      %dma_wait3A_158 = tpu.memref_slice %arg7[%mul3A_17, %dma_wait3A_157] : memref<10240x128xf32, #tpu.memory_space<vmem_shared>> -> memref<128x128xf32, #tpu.memory_space<vmem_shared>>
      %dma_wait3A_159 = arith.constant 0 : i32
      %dma_wait3A_160 = arith.constant 0 : i32
      %dma_wait3A_161 = tpu.memref_slice %arg6[%run_scoped3A_18, %dma_wait3A_159, %dma_wait3A_160] : memref<2x128x128xf32, #tpu.memory_space<vmem>> -> memref<1x128x128xf32, #tpu.memory_space<vmem>>
      %dma_wait3A_162 = tpu.memref_squeeze %dma_wait3A_161 : memref<1x128x128xf32, #tpu.memory_space<vmem>> -> memref<128x128xf32, #tpu.memory_space<vmem>>
      tpu.wait_dma2 semaphore(%run_scoped3A_139 : memref<!tpu.dma_semaphore, #tpu.memory_space<semaphore_mem>>) src(%dma_wait3A_162 : memref<128x128xf32, #tpu.memory_space<vmem>>) dst(%dma_wait3A_158 : memref<128x128xf32, #tpu.memory_space<vmem_shared>>)
      tpu.yield
    }) : () -> ()
    %mul3A_19 = arith.constant 5 : i32
    %mul3A_20 = arith.muli %arg1, %mul3A_19 : i32
    %add3A_21 = arith.constant 2 : i32
    %add3A_22 = arith.addi %mul3A_20, %add3A_21 : i32
    %mul3A_23 = arith.constant 128 : i32
    %mul3A_24 = arith.muli %add3A_22, %mul3A_23 : i32
    %run_scoped3A_25 = arith.constant 0 : i32
    "tpu.region"() ({
      %run_scoped3A_139 = tpu.sem_alloc : memref<!tpu.dma_semaphore, #tpu.memory_space<semaphore_mem>>
      %dma_start3A_140 = arith.constant 0 : i32
      %dma_start3A_141 = arith.constant 0 : i32
      %dma_start3A_142 = tpu.memref_slice %arg6[%run_scoped3A_25, %dma_start3A_140, %dma_start3A_141] : memref<2x128x128xf32, #tpu.memory_space<vmem>> -> memref<1x128x128xf32, #tpu.memory_space<vmem>>
      %dma_start3A_143 = tpu.memref_squeeze %dma_start3A_142 : memref<1x128x128xf32, #tpu.memory_space<vmem>> -> memref<128x128xf32, #tpu.memory_space<vmem>>
      %dma_start3A_144 = arith.constant 0 : i32
      %dma_start3A_145 = tpu.memref_slice %arg7[%mul3A_24, %dma_start3A_144] : memref<10240x128xf32, #tpu.memory_space<vmem_shared>> -> memref<128x128xf32, #tpu.memory_space<vmem_shared>>
      %dma_start3A_146 = arith.constant 0 : i32
      %dma_start3A_147 = tpu.memref_slice %arg7[%mul3A_24, %dma_start3A_146] : memref<10240x128xf32, #tpu.memory_space<vmem_shared>> -> memref<128x128xf32, #tpu.memory_space<vmem_shared>>
      %dma_start3A_148 = arith.constant 0 : i32
      %dma_start3A_149 = arith.constant 0 : i32
      %dma_start3A_150 = tpu.memref_slice %arg6[%run_scoped3A_25, %dma_start3A_148, %dma_start3A_149] : memref<2x128x128xf32, #tpu.memory_space<vmem>> -> memref<1x128x128xf32, #tpu.memory_space<vmem>>
      %dma_start3A_151 = tpu.memref_squeeze %dma_start3A_150 : memref<1x128x128xf32, #tpu.memory_space<vmem>> -> memref<128x128xf32, #tpu.memory_space<vmem>>
      tpu.enqueue_dma source(%dma_start3A_151 : memref<128x128xf32, #tpu.memory_space<vmem>>) target(%dma_start3A_147 : memref<128x128xf32, #tpu.memory_space<vmem_shared>>) target_semaphore(%run_scoped3A_139 : memref<!tpu.dma_semaphore, #tpu.memory_space<semaphore_mem>>)
      %dma_wait3A = arith.constant 0 : i32
      %dma_wait3A_152 = arith.constant 0 : i32
      %dma_wait3A_153 = tpu.memref_slice %arg6[%run_scoped3A_25, %dma_wait3A, %dma_wait3A_152] : memref<2x128x128xf32, #tpu.memory_space<vmem>> -> memref<1x128x128xf32, #tpu.memory_space<vmem>>
      %dma_wait3A_154 = tpu.memref_squeeze %dma_wait3A_153 : memref<1x128x128xf32, #tpu.memory_space<vmem>> -> memref<128x128xf32, #tpu.memory_space<vmem>>
      %dma_wait3A_155 = arith.constant 0 : i32
      %dma_wait3A_156 = tpu.memref_slice %arg7[%mul3A_24, %dma_wait3A_155] : memref<10240x128xf32, #tpu.memory_space<vmem_shared>> -> memref<128x128xf32, #tpu.memory_space<vmem_shared>>
      %dma_wait3A_157 = arith.constant 0 : i32
      %dma_wait3A_158 = tpu.memref_slice %arg7[%mul3A_24, %dma_wait3A_157] : memref<10240x128xf32, #tpu.memory_space<vmem_shared>> -> memref<128x128xf32, #tpu.memory_space<vmem_shared>>
      %dma_wait3A_159 = arith.constant 0 : i32
      %dma_wait3A_160 = arith.constant 0 : i32
      %dma_wait3A_161 = tpu.memref_slice %arg6[%run_scoped3A_25, %dma_wait3A_159, %dma_wait3A_160] : memref<2x128x128xf32, #tpu.memory_space<vmem>> -> memref<1x128x128xf32, #tpu.memory_space<vmem>>
      %dma_wait3A_162 = tpu.memref_squeeze %dma_wait3A_161 : memref<1x128x128xf32, #tpu.memory_space<vmem>> -> memref<128x128xf32, #tpu.memory_space<vmem>>
      tpu.wait_dma2 semaphore(%run_scoped3A_139 : memref<!tpu.dma_semaphore, #tpu.memory_space<semaphore_mem>>) src(%dma_wait3A_162 : memref<128x128xf32, #tpu.memory_space<vmem>>) dst(%dma_wait3A_158 : memref<128x128xf32, #tpu.memory_space<vmem_shared>>)
      tpu.yield
    }) : () -> ()
    %mul3A_26 = arith.constant 5 : i32
    %mul3A_27 = arith.muli %arg1, %mul3A_26 : i32
    %add3A_28 = arith.constant 3 : i32
    %add3A_29 = arith.addi %mul3A_27, %add3A_28 : i32
    %mul3A_30 = arith.constant 128 : i32
    %mul3A_31 = arith.muli %add3A_29, %mul3A_30 : i32
    %run_scoped3A_32 = arith.constant 0 : i32
    "tpu.region"() ({
      %run_scoped3A_139 = tpu.sem_alloc : memref<!tpu.dma_semaphore, #tpu.memory_space<semaphore_mem>>
      %dma_start3A_140 = arith.constant 0 : i32
      %dma_start3A_141 = arith.constant 0 : i32
      %dma_start3A_142 = tpu.memref_slice %arg6[%run_scoped3A_32, %dma_start3A_140, %dma_start3A_141] : memref<2x128x128xf32, #tpu.memory_space<vmem>> -> memref<1x128x128xf32, #tpu.memory_space<vmem>>
      %dma_start3A_143 = tpu.memref_squeeze %dma_start3A_142 : memref<1x128x128xf32, #tpu.memory_space<vmem>> -> memref<128x128xf32, #tpu.memory_space<vmem>>
      %dma_start3A_144 = arith.constant 0 : i32
      %dma_start3A_145 = tpu.memref_slice %arg7[%mul3A_31, %dma_start3A_144] : memref<10240x128xf32, #tpu.memory_space<vmem_shared>> -> memref<128x128xf32, #tpu.memory_space<vmem_shared>>
      %dma_start3A_146 = arith.constant 0 : i32
      %dma_start3A_147 = tpu.memref_slice %arg7[%mul3A_31, %dma_start3A_146] : memref<10240x128xf32, #tpu.memory_space<vmem_shared>> -> memref<128x128xf32, #tpu.memory_space<vmem_shared>>
      %dma_start3A_148 = arith.constant 0 : i32
      %dma_start3A_149 = arith.constant 0 : i32
      %dma_start3A_150 = tpu.memref_slice %arg6[%run_scoped3A_32, %dma_start3A_148, %dma_start3A_149] : memref<2x128x128xf32, #tpu.memory_space<vmem>> -> memref<1x128x128xf32, #tpu.memory_space<vmem>>
      %dma_start3A_151 = tpu.memref_squeeze %dma_start3A_150 : memref<1x128x128xf32, #tpu.memory_space<vmem>> -> memref<128x128xf32, #tpu.memory_space<vmem>>
      tpu.enqueue_dma source(%dma_start3A_151 : memref<128x128xf32, #tpu.memory_space<vmem>>) target(%dma_start3A_147 : memref<128x128xf32, #tpu.memory_space<vmem_shared>>) target_semaphore(%run_scoped3A_139 : memref<!tpu.dma_semaphore, #tpu.memory_space<semaphore_mem>>)
      %dma_wait3A = arith.constant 0 : i32
      %dma_wait3A_152 = arith.constant 0 : i32
      %dma_wait3A_153 = tpu.memref_slice %arg6[%run_scoped3A_32, %dma_wait3A, %dma_wait3A_152] : memref<2x128x128xf32, #tpu.memory_space<vmem>> -> memref<1x128x128xf32, #tpu.memory_space<vmem>>
      %dma_wait3A_154 = tpu.memref_squeeze %dma_wait3A_153 : memref<1x128x128xf32, #tpu.memory_space<vmem>> -> memref<128x128xf32, #tpu.memory_space<vmem>>
      %dma_wait3A_155 = arith.constant 0 : i32
      %dma_wait3A_156 = tpu.memref_slice %arg7[%mul3A_31, %dma_wait3A_155] : memref<10240x128xf32, #tpu.memory_space<vmem_shared>> -> memref<128x128xf32, #tpu.memory_space<vmem_shared>>
      %dma_wait3A_157 = arith.constant 0 : i32
      %dma_wait3A_158 = tpu.memref_slice %arg7[%mul3A_31, %dma_wait3A_157] : memref<10240x128xf32, #tpu.memory_space<vmem_shared>> -> memref<128x128xf32, #tpu.memory_space<vmem_shared>>
      %dma_wait3A_159 = arith.constant 0 : i32
      %dma_wait3A_160 = arith.constant 0 : i32
      %dma_wait3A_161 = tpu.memref_slice %arg6[%run_scoped3A_32, %dma_wait3A_159, %dma_wait3A_160] : memref<2x128x128xf32, #tpu.memory_space<vmem>> -> memref<1x128x128xf32, #tpu.memory_space<vmem>>
      %dma_wait3A_162 = tpu.memref_squeeze %dma_wait3A_161 : memref<1x128x128xf32, #tpu.memory_space<vmem>> -> memref<128x128xf32, #tpu.memory_space<vmem>>
      tpu.wait_dma2 semaphore(%run_scoped3A_139 : memref<!tpu.dma_semaphore, #tpu.memory_space<semaphore_mem>>) src(%dma_wait3A_162 : memref<128x128xf32, #tpu.memory_space<vmem>>) dst(%dma_wait3A_158 : memref<128x128xf32, #tpu.memory_space<vmem_shared>>)
      tpu.yield
    }) : () -> ()
    %mul3A_33 = arith.constant 5 : i32
    %mul3A_34 = arith.muli %arg1, %mul3A_33 : i32
    %add3A_35 = arith.constant 4 : i32
    %add3A_36 = arith.addi %mul3A_34, %add3A_35 : i32
    %mul3A_37 = arith.constant 128 : i32
    %mul3A_38 = arith.muli %add3A_36, %mul3A_37 : i32
    %run_scoped3A_39 = arith.constant 0 : i32
    "tpu.region"() ({
      %run_scoped3A_139 = tpu.sem_alloc : memref<!tpu.dma_semaphore, #tpu.memory_space<semaphore_mem>>
      %dma_start3A_140 = arith.constant 0 : i32
      %dma_start3A_141 = arith.constant 0 : i32
      %dma_start3A_142 = tpu.memref_slice %arg6[%run_scoped3A_39, %dma_start3A_140, %dma_start3A_141] : memref<2x128x128xf32, #tpu.memory_space<vmem>> -> memref<1x128x128xf32, #tpu.memory_space<vmem>>
      %dma_start3A_143 = tpu.memref_squeeze %dma_start3A_142 : memref<1x128x128xf32, #tpu.memory_space<vmem>> -> memref<128x128xf32, #tpu.memory_space<vmem>>
      %dma_start3A_144 = arith.constant 0 : i32
      %dma_start3A_145 = tpu.memref_slice %arg7[%mul3A_38, %dma_start3A_144] : memref<10240x128xf32, #tpu.memory_space<vmem_shared>> -> memref<128x128xf32, #tpu.memory_space<vmem_shared>>
      %dma_start3A_146 = arith.constant 0 : i32
      %dma_start3A_147 = tpu.memref_slice %arg7[%mul3A_38, %dma_start3A_146] : memref<10240x128xf32, #tpu.memory_space<vmem_shared>> -> memref<128x128xf32, #tpu.memory_space<vmem_shared>>
      %dma_start3A_148 = arith.constant 0 : i32
      %dma_start3A_149 = arith.constant 0 : i32
      %dma_start3A_150 = tpu.memref_slice %arg6[%run_scoped3A_39, %dma_start3A_148, %dma_start3A_149] : memref<2x128x128xf32, #tpu.memory_space<vmem>> -> memref<1x128x128xf32, #tpu.memory_space<vmem>>
      %dma_start3A_151 = tpu.memref_squeeze %dma_start3A_150 : memref<1x128x128xf32, #tpu.memory_space<vmem>> -> memref<128x128xf32, #tpu.memory_space<vmem>>
      tpu.enqueue_dma source(%dma_start3A_151 : memref<128x128xf32, #tpu.memory_space<vmem>>) target(%dma_start3A_147 : memref<128x128xf32, #tpu.memory_space<vmem_shared>>) target_semaphore(%run_scoped3A_139 : memref<!tpu.dma_semaphore, #tpu.memory_space<semaphore_mem>>)
      %dma_wait3A = arith.constant 0 : i32
      %dma_wait3A_152 = arith.constant 0 : i32
      %dma_wait3A_153 = tpu.memref_slice %arg6[%run_scoped3A_39, %dma_wait3A, %dma_wait3A_152] : memref<2x128x128xf32, #tpu.memory_space<vmem>> -> memref<1x128x128xf32, #tpu.memory_space<vmem>>
      %dma_wait3A_154 = tpu.memref_squeeze %dma_wait3A_153 : memref<1x128x128xf32, #tpu.memory_space<vmem>> -> memref<128x128xf32, #tpu.memory_space<vmem>>
      %dma_wait3A_155 = arith.constant 0 : i32
      %dma_wait3A_156 = tpu.memref_slice %arg7[%mul3A_38, %dma_wait3A_155] : memref<10240x128xf32, #tpu.memory_space<vmem_shared>> -> memref<128x128xf32, #tpu.memory_space<vmem_shared>>
      %dma_wait3A_157 = arith.constant 0 : i32
      %dma_wait3A_158 = tpu.memref_slice %arg7[%mul3A_38, %dma_wait3A_157] : memref<10240x128xf32, #tpu.memory_space<vmem_shared>> -> memref<128x128xf32, #tpu.memory_space<vmem_shared>>
      %dma_wait3A_159 = arith.constant 0 : i32
      %dma_wait3A_160 = arith.constant 0 : i32
      %dma_wait3A_161 = tpu.memref_slice %arg6[%run_scoped3A_39, %dma_wait3A_159, %dma_wait3A_160] : memref<2x128x128xf32, #tpu.memory_space<vmem>> -> memref<1x128x128xf32, #tpu.memory_space<vmem>>
      %dma_wait3A_162 = tpu.memref_squeeze %dma_wait3A_161 : memref<1x128x128xf32, #tpu.memory_space<vmem>> -> memref<128x128xf32, #tpu.memory_space<vmem>>
      tpu.wait_dma2 semaphore(%run_scoped3A_139 : memref<!tpu.dma_semaphore, #tpu.memory_space<semaphore_mem>>) src(%dma_wait3A_162 : memref<128x128xf32, #tpu.memory_space<vmem>>) dst(%dma_wait3A_158 : memref<128x128xf32, #tpu.memory_space<vmem_shared>>)
      tpu.yield
    }) : () -> ()
    %barrier3A = arith.constant 0 : index
    tpu.barrier barrier_id(%barrier3A)
    %run_scoped3A_40 = arith.constant 0 : i32
    %run_scoped3A_41 = arith.constant 0 : i32
    "tpu.region"() ({
      %run_scoped3A_139 = tpu.sem_alloc : memref<!tpu.dma_semaphore, #tpu.memory_space<semaphore_mem>>
      %dma_start3A_140 = arith.constant 0 : i32
      %dma_start3A_141 = arith.constant 0 : i32
      %dma_start3A_142 = tpu.memref_slice %arg5[%run_scoped3A_41, %dma_start3A_140, %dma_start3A_141] : memref<4x2x128xi32, #tpu.memory_space<vmem>> -> memref<1x2x128xi32, #tpu.memory_space<vmem>>
      %dma_start3A_143 = tpu.memref_squeeze %dma_start3A_142 : memref<1x2x128xi32, #tpu.memory_space<vmem>> -> memref<2x128xi32, #tpu.memory_space<vmem>>
      %dma_start3A_144 = arith.constant 0 : i32
      %dma_start3A_145 = arith.constant 0 : i32
      %dma_start3A_146 = tpu.memref_slice %arg3[%add3A, %run_scoped3A_40, %dma_start3A_144, %dma_start3A_145] : memref<32x96x2x128xi32, #tpu.memory_space<hbm>> -> memref<1x1x2x128xi32, #tpu.memory_space<hbm>>
      %dma_start3A_147 = tpu.memref_squeeze %dma_start3A_146 : memref<1x1x2x128xi32, #tpu.memory_space<hbm>> -> memref<2x128xi32, #tpu.memory_space<hbm>>
      %dma_start3A_148 = arith.constant 0 : i32
      %dma_start3A_149 = arith.constant 0 : i32
      %dma_start3A_150 = tpu.memref_slice %arg5[%run_scoped3A_41, %dma_start3A_148, %dma_start3A_149] : memref<4x2x128xi32, #tpu.memory_space<vmem>> -> memref<1x2x128xi32, #tpu.memory_space<vmem>>
      %dma_start3A_151 = tpu.memref_squeeze %dma_start3A_150 : memref<1x2x128xi32, #tpu.memory_space<vmem>> -> memref<2x128xi32, #tpu.memory_space<vmem>>
      %dma_start3A_152 = arith.constant 0 : i32
      %dma_start3A_153 = arith.constant 0 : i32
      %dma_start3A_154 = tpu.memref_slice %arg3[%add3A, %run_scoped3A_40, %dma_start3A_152, %dma_start3A_153] : memref<32x96x2x128xi32, #tpu.memory_space<hbm>> -> memref<1x1x2x128xi32, #tpu.memory_space<hbm>>
      %dma_start3A_155 = tpu.memref_squeeze %dma_start3A_154 : memref<1x1x2x128xi32, #tpu.memory_space<hbm>> -> memref<2x128xi32, #tpu.memory_space<hbm>>
      tpu.enqueue_dma source(%dma_start3A_155 : memref<2x128xi32, #tpu.memory_space<hbm>>) target(%dma_start3A_151 : memref<2x128xi32, #tpu.memory_space<vmem>>) target_semaphore(%run_scoped3A_139 : memref<!tpu.dma_semaphore, #tpu.memory_space<semaphore_mem>>)
      %dma_wait3A = arith.constant 0 : i32
      %dma_wait3A_156 = arith.constant 0 : i32
      %dma_wait3A_157 = tpu.memref_slice %arg5[%run_scoped3A_41, %dma_wait3A, %dma_wait3A_156] : memref<4x2x128xi32, #tpu.memory_space<vmem>> -> memref<1x2x128xi32, #tpu.memory_space<vmem>>
      %dma_wait3A_158 = tpu.memref_squeeze %dma_wait3A_157 : memref<1x2x128xi32, #tpu.memory_space<vmem>> -> memref<2x128xi32, #tpu.memory_space<vmem>>
      %dma_wait3A_159 = arith.constant 0 : i32
      %dma_wait3A_160 = arith.constant 0 : i32
      %dma_wait3A_161 = tpu.memref_slice %arg3[%add3A, %run_scoped3A_40, %dma_wait3A_159, %dma_wait3A_160] : memref<32x96x2x128xi32, #tpu.memory_space<hbm>> -> memref<1x1x2x128xi32, #tpu.memory_space<hbm>>
      %dma_wait3A_162 = tpu.memref_squeeze %dma_wait3A_161 : memref<1x1x2x128xi32, #tpu.memory_space<hbm>> -> memref<2x128xi32, #tpu.memory_space<hbm>>
      %dma_wait3A_163 = arith.constant 0 : i32
      %dma_wait3A_164 = arith.constant 0 : i32
      %dma_wait3A_165 = tpu.memref_slice %arg5[%run_scoped3A_41, %dma_wait3A_163, %dma_wait3A_164] : memref<4x2x128xi32, #tpu.memory_space<vmem>> -> memref<1x2x128xi32, #tpu.memory_space<vmem>>
      %dma_wait3A_166 = tpu.memref_squeeze %dma_wait3A_165 : memref<1x2x128xi32, #tpu.memory_space<vmem>> -> memref<2x128xi32, #tpu.memory_space<vmem>>
      %dma_wait3A_167 = arith.constant 0 : i32
      %dma_wait3A_168 = arith.constant 0 : i32
      %dma_wait3A_169 = tpu.memref_slice %arg3[%add3A, %run_scoped3A_40, %dma_wait3A_167, %dma_wait3A_168] : memref<32x96x2x128xi32, #tpu.memory_space<hbm>> -> memref<1x1x2x128xi32, #tpu.memory_space<hbm>>
      %dma_wait3A_170 = tpu.memref_squeeze %dma_wait3A_169 : memref<1x1x2x128xi32, #tpu.memory_space<hbm>> -> memref<2x128xi32, #tpu.memory_space<hbm>>
      tpu.wait_dma2 semaphore(%run_scoped3A_139 : memref<!tpu.dma_semaphore, #tpu.memory_space<semaphore_mem>>) src(%dma_wait3A_170 : memref<2x128xi32, #tpu.memory_space<hbm>>) dst(%dma_wait3A_166 : memref<2x128xi32, #tpu.memory_space<vmem>>)
      tpu.yield
    }) : () -> ()
    %run_scoped3A_42 = arith.constant 1 : i32
    %run_scoped3A_43 = arith.constant 1 : i32
    "tpu.region"() ({
      %run_scoped3A_139 = tpu.sem_alloc : memref<!tpu.dma_semaphore, #tpu.memory_space<semaphore_mem>>
      %dma_start3A_140 = arith.constant 0 : i32
      %dma_start3A_141 = arith.constant 0 : i32
      %dma_start3A_142 = tpu.memref_slice %arg5[%run_scoped3A_43, %dma_start3A_140, %dma_start3A_141] : memref<4x2x128xi32, #tpu.memory_space<vmem>> -> memref<1x2x128xi32, #tpu.memory_space<vmem>>
      %dma_start3A_143 = tpu.memref_squeeze %dma_start3A_142 : memref<1x2x128xi32, #tpu.memory_space<vmem>> -> memref<2x128xi32, #tpu.memory_space<vmem>>
      %dma_start3A_144 = arith.constant 0 : i32
      %dma_start3A_145 = arith.constant 0 : i32
      %dma_start3A_146 = tpu.memref_slice %arg3[%add3A, %run_scoped3A_42, %dma_start3A_144, %dma_start3A_145] : memref<32x96x2x128xi32, #tpu.memory_space<hbm>> -> memref<1x1x2x128xi32, #tpu.memory_space<hbm>>
      %dma_start3A_147 = tpu.memref_squeeze %dma_start3A_146 : memref<1x1x2x128xi32, #tpu.memory_space<hbm>> -> memref<2x128xi32, #tpu.memory_space<hbm>>
      %dma_start3A_148 = arith.constant 0 : i32
      %dma_start3A_149 = arith.constant 0 : i32
      %dma_start3A_150 = tpu.memref_slice %arg5[%run_scoped3A_43, %dma_start3A_148, %dma_start3A_149] : memref<4x2x128xi32, #tpu.memory_space<vmem>> -> memref<1x2x128xi32, #tpu.memory_space<vmem>>
      %dma_start3A_151 = tpu.memref_squeeze %dma_start3A_150 : memref<1x2x128xi32, #tpu.memory_space<vmem>> -> memref<2x128xi32, #tpu.memory_space<vmem>>
      %dma_start3A_152 = arith.constant 0 : i32
      %dma_start3A_153 = arith.constant 0 : i32
      %dma_start3A_154 = tpu.memref_slice %arg3[%add3A, %run_scoped3A_42, %dma_start3A_152, %dma_start3A_153] : memref<32x96x2x128xi32, #tpu.memory_space<hbm>> -> memref<1x1x2x128xi32, #tpu.memory_space<hbm>>
      %dma_start3A_155 = tpu.memref_squeeze %dma_start3A_154 : memref<1x1x2x128xi32, #tpu.memory_space<hbm>> -> memref<2x128xi32, #tpu.memory_space<hbm>>
      tpu.enqueue_dma source(%dma_start3A_155 : memref<2x128xi32, #tpu.memory_space<hbm>>) target(%dma_start3A_151 : memref<2x128xi32, #tpu.memory_space<vmem>>) target_semaphore(%run_scoped3A_139 : memref<!tpu.dma_semaphore, #tpu.memory_space<semaphore_mem>>)
      %dma_wait3A = arith.constant 0 : i32
      %dma_wait3A_156 = arith.constant 0 : i32
      %dma_wait3A_157 = tpu.memref_slice %arg5[%run_scoped3A_43, %dma_wait3A, %dma_wait3A_156] : memref<4x2x128xi32, #tpu.memory_space<vmem>> -> memref<1x2x128xi32, #tpu.memory_space<vmem>>
      %dma_wait3A_158 = tpu.memref_squeeze %dma_wait3A_157 : memref<1x2x128xi32, #tpu.memory_space<vmem>> -> memref<2x128xi32, #tpu.memory_space<vmem>>
      %dma_wait3A_159 = arith.constant 0 : i32
      %dma_wait3A_160 = arith.constant 0 : i32
      %dma_wait3A_161 = tpu.memref_slice %arg3[%add3A, %run_scoped3A_42, %dma_wait3A_159, %dma_wait3A_160] : memref<32x96x2x128xi32, #tpu.memory_space<hbm>> -> memref<1x1x2x128xi32, #tpu.memory_space<hbm>>
      %dma_wait3A_162 = tpu.memref_squeeze %dma_wait3A_161 : memref<1x1x2x128xi32, #tpu.memory_space<hbm>> -> memref<2x128xi32, #tpu.memory_space<hbm>>
      %dma_wait3A_163 = arith.constant 0 : i32
      %dma_wait3A_164 = arith.constant 0 : i32
      %dma_wait3A_165 = tpu.memref_slice %arg5[%run_scoped3A_43, %dma_wait3A_163, %dma_wait3A_164] : memref<4x2x128xi32, #tpu.memory_space<vmem>> -> memref<1x2x128xi32, #tpu.memory_space<vmem>>
      %dma_wait3A_166 = tpu.memref_squeeze %dma_wait3A_165 : memref<1x2x128xi32, #tpu.memory_space<vmem>> -> memref<2x128xi32, #tpu.memory_space<vmem>>
      %dma_wait3A_167 = arith.constant 0 : i32
      %dma_wait3A_168 = arith.constant 0 : i32
      %dma_wait3A_169 = tpu.memref_slice %arg3[%add3A, %run_scoped3A_42, %dma_wait3A_167, %dma_wait3A_168] : memref<32x96x2x128xi32, #tpu.memory_space<hbm>> -> memref<1x1x2x128xi32, #tpu.memory_space<hbm>>
      %dma_wait3A_170 = tpu.memref_squeeze %dma_wait3A_169 : memref<1x1x2x128xi32, #tpu.memory_space<hbm>> -> memref<2x128xi32, #tpu.memory_space<hbm>>
      tpu.wait_dma2 semaphore(%run_scoped3A_139 : memref<!tpu.dma_semaphore, #tpu.memory_space<semaphore_mem>>) src(%dma_wait3A_170 : memref<2x128xi32, #tpu.memory_space<hbm>>) dst(%dma_wait3A_166 : memref<2x128xi32, #tpu.memory_space<vmem>>)
      tpu.yield
    }) : () -> ()
    %dma_start3A = arith.constant 0 : i32
    %dma_start3A_44 = arith.constant 0 : i32
    %dma_start3A_45 = arith.constant 0 : i32
    %dma_start3A_46 = arith.constant 0 : i32
    %dma_start3A_47 = arith.constant 0 : i32
    %dma_start3A_48 = tpu.memref_slice %arg6[%dma_start3A_45, %dma_start3A_46, %dma_start3A_47] : memref<2x128x128xf32, #tpu.memory_space<vmem>> -> memref<1x128x128xf32, #tpu.memory_space<vmem>>
    %dma_start3A_49 = tpu.memref_squeeze %dma_start3A_48 : memref<1x128x128xf32, #tpu.memory_space<vmem>> -> memref<128x128xf32, #tpu.memory_space<vmem>>
    %dma_start3A_50 = arith.constant 0 : i32
    %dma_start3A_51 = tpu.memref_slice %arg5[%dma_start3A, %dma_start3A_44, %dma_start3A_50] : memref<4x2x128xi32, #tpu.memory_space<vmem>> -> memref<1x1x128xi32, #tpu.memory_space<vmem>>
    %dma_start3A_52 = tpu.memref_squeeze %dma_start3A_51 : memref<1x1x128xi32, #tpu.memory_space<vmem>> -> memref<128xi32, #tpu.memory_space<vmem>>
    %dma_start3A_53 = arith.constant 0 : i32
    %dma_start3A_54 = arith.constant 0 : i32
    %dma_start3A_55 = tpu.memref_slice %arg2[%dma_start3A_53, %dma_start3A_54] : memref<10000x128xf32, #tpu.memory_space<hbm>> -> memref<10000x128xf32, #tpu.memory_space<hbm>>
    tpu.enqueue_indirect_dma source(%dma_start3A_55 : memref<10000x128xf32, #tpu.memory_space<hbm>>) target(%dma_start3A_49 : memref<128x128xf32, #tpu.memory_space<vmem>>) offsets(%dma_start3A_52 : memref<128xi32, #tpu.memory_space<vmem>>) semaphore(%arg8 : memref<!tpu.dma_semaphore, #tpu.memory_space<semaphore_mem>>)
    %dma_start3A_56 = arith.constant 1 : i32
    %dma_start3A_57 = arith.constant 0 : i32
    %dma_start3A_58 = arith.constant 1 : i32
    %dma_start3A_59 = arith.constant 0 : i32
    %dma_start3A_60 = arith.constant 0 : i32
    %dma_start3A_61 = tpu.memref_slice %arg6[%dma_start3A_58, %dma_start3A_59, %dma_start3A_60] : memref<2x128x128xf32, #tpu.memory_space<vmem>> -> memref<1x128x128xf32, #tpu.memory_space<vmem>>
    %dma_start3A_62 = tpu.memref_squeeze %dma_start3A_61 : memref<1x128x128xf32, #tpu.memory_space<vmem>> -> memref<128x128xf32, #tpu.memory_space<vmem>>
    %dma_start3A_63 = arith.constant 0 : i32
    %dma_start3A_64 = tpu.memref_slice %arg5[%dma_start3A_56, %dma_start3A_57, %dma_start3A_63] : memref<4x2x128xi32, #tpu.memory_space<vmem>> -> memref<1x1x128xi32, #tpu.memory_space<vmem>>
    %dma_start3A_65 = tpu.memref_squeeze %dma_start3A_64 : memref<1x1x128xi32, #tpu.memory_space<vmem>> -> memref<128xi32, #tpu.memory_space<vmem>>
    %dma_start3A_66 = arith.constant 0 : i32
    %dma_start3A_67 = arith.constant 0 : i32
    %dma_start3A_68 = tpu.memref_slice %arg2[%dma_start3A_66, %dma_start3A_67] : memref<10000x128xf32, #tpu.memory_space<hbm>> -> memref<10000x128xf32, #tpu.memory_space<hbm>>
    tpu.enqueue_indirect_dma source(%dma_start3A_68 : memref<10000x128xf32, #tpu.memory_space<hbm>>) target(%dma_start3A_62 : memref<128x128xf32, #tpu.memory_space<vmem>>) offsets(%dma_start3A_65 : memref<128xi32, #tpu.memory_space<vmem>>) semaphore(%arg9 : memref<!tpu.dma_semaphore, #tpu.memory_space<semaphore_mem>>)
    %dma_start3A_69 = arith.constant 2 : i32
    %dma_start3A_70 = arith.constant 2 : i32
    %dma_start3A_71 = arith.constant 0 : i32
    %dma_start3A_72 = arith.constant 0 : i32
    %dma_start3A_73 = tpu.memref_slice %arg5[%dma_start3A_70, %dma_start3A_71, %dma_start3A_72] : memref<4x2x128xi32, #tpu.memory_space<vmem>> -> memref<1x2x128xi32, #tpu.memory_space<vmem>>
    %dma_start3A_74 = tpu.memref_squeeze %dma_start3A_73 : memref<1x2x128xi32, #tpu.memory_space<vmem>> -> memref<2x128xi32, #tpu.memory_space<vmem>>
    %dma_start3A_75 = arith.constant 0 : i32
    %dma_start3A_76 = arith.constant 0 : i32
    %dma_start3A_77 = tpu.memref_slice %arg3[%add3A, %dma_start3A_69, %dma_start3A_75, %dma_start3A_76] : memref<32x96x2x128xi32, #tpu.memory_space<hbm>> -> memref<1x1x2x128xi32, #tpu.memory_space<hbm>>
    %dma_start3A_78 = tpu.memref_squeeze %dma_start3A_77 : memref<1x1x2x128xi32, #tpu.memory_space<hbm>> -> memref<2x128xi32, #tpu.memory_space<hbm>>
    %dma_start3A_79 = arith.constant 0 : i32
    %dma_start3A_80 = arith.constant 0 : i32
    %dma_start3A_81 = tpu.memref_slice %arg5[%dma_start3A_70, %dma_start3A_79, %dma_start3A_80] : memref<4x2x128xi32, #tpu.memory_space<vmem>> -> memref<1x2x128xi32, #tpu.memory_space<vmem>>
    %dma_start3A_82 = tpu.memref_squeeze %dma_start3A_81 : memref<1x2x128xi32, #tpu.memory_space<vmem>> -> memref<2x128xi32, #tpu.memory_space<vmem>>
    %dma_start3A_83 = arith.constant 0 : i32
    %dma_start3A_84 = arith.constant 0 : i32
    %dma_start3A_85 = tpu.memref_slice %arg3[%add3A, %dma_start3A_69, %dma_start3A_83, %dma_start3A_84] : memref<32x96x2x128xi32, #tpu.memory_space<hbm>> -> memref<1x1x2x128xi32, #tpu.memory_space<hbm>>
    %dma_start3A_86 = tpu.memref_squeeze %dma_start3A_85 : memref<1x1x2x128xi32, #tpu.memory_space<hbm>> -> memref<2x128xi32, #tpu.memory_space<hbm>>
    tpu.enqueue_dma source(%dma_start3A_86 : memref<2x128xi32, #tpu.memory_space<hbm>>) target(%dma_start3A_82 : memref<2x128xi32, #tpu.memory_space<vmem>>) target_semaphore(%arg10 : memref<!tpu.dma_semaphore, #tpu.memory_space<semaphore_mem>>)
    %dma_start3A_87 = arith.constant 3 : i32
    %dma_start3A_88 = arith.constant 3 : i32
    %dma_start3A_89 = arith.constant 0 : i32
    %dma_start3A_90 = arith.constant 0 : i32
    %dma_start3A_91 = tpu.memref_slice %arg5[%dma_start3A_88, %dma_start3A_89, %dma_start3A_90] : memref<4x2x128xi32, #tpu.memory_space<vmem>> -> memref<1x2x128xi32, #tpu.memory_space<vmem>>
    %dma_start3A_92 = tpu.memref_squeeze %dma_start3A_91 : memref<1x2x128xi32, #tpu.memory_space<vmem>> -> memref<2x128xi32, #tpu.memory_space<vmem>>
    %dma_start3A_93 = arith.constant 0 : i32
    %dma_start3A_94 = arith.constant 0 : i32
    %dma_start3A_95 = tpu.memref_slice %arg3[%add3A, %dma_start3A_87, %dma_start3A_93, %dma_start3A_94] : memref<32x96x2x128xi32, #tpu.memory_space<hbm>> -> memref<1x1x2x128xi32, #tpu.memory_space<hbm>>
    %dma_start3A_96 = tpu.memref_squeeze %dma_start3A_95 : memref<1x1x2x128xi32, #tpu.memory_space<hbm>> -> memref<2x128xi32, #tpu.memory_space<hbm>>
    %dma_start3A_97 = arith.constant 0 : i32
    %dma_start3A_98 = arith.constant 0 : i32
    %dma_start3A_99 = tpu.memref_slice %arg5[%dma_start3A_88, %dma_start3A_97, %dma_start3A_98] : memref<4x2x128xi32, #tpu.memory_space<vmem>> -> memref<1x2x128xi32, #tpu.memory_space<vmem>>
    %dma_start3A_100 = tpu.memref_squeeze %dma_start3A_99 : memref<1x2x128xi32, #tpu.memory_space<vmem>> -> memref<2x128xi32, #tpu.memory_space<vmem>>
    %dma_start3A_101 = arith.constant 0 : i32
    %dma_start3A_102 = arith.constant 0 : i32
    %dma_start3A_103 = tpu.memref_slice %arg3[%add3A, %dma_start3A_87, %dma_start3A_101, %dma_start3A_102] : memref<32x96x2x128xi32, #tpu.memory_space<hbm>> -> memref<1x1x2x128xi32, #tpu.memory_space<hbm>>
    %dma_start3A_104 = tpu.memref_squeeze %dma_start3A_103 : memref<1x1x2x128xi32, #tpu.memory_space<hbm>> -> memref<2x128xi32, #tpu.memory_space<hbm>>
    tpu.enqueue_dma source(%dma_start3A_104 : memref<2x128xi32, #tpu.memory_space<hbm>>) target(%dma_start3A_100 : memref<2x128xi32, #tpu.memory_space<vmem>>) target_semaphore(%arg11 : memref<!tpu.dma_semaphore, #tpu.memory_space<semaphore_mem>>)
    %eq3A = arith.constant 0 : i32
    %eq3A_105 = arith.cmpi eq, %arg0, %eq3A : i32
    %jit3A = arith.constant 96 : i32
    %jit3A_106 = arith.constant 62 : i32
    %select_n3A = arith.select %eq3A_105, %jit3A, %jit3A_106 : i32
    %jit3A_107 = arith.constant 2 : i32
    %div3A = arith.divsi %select_n3A, %jit3A_107 : i32
    %sign3A = arith.constant 0 : i32
    %sign3A_108 = arith.cmpi sgt, %select_n3A, %sign3A : i32
    %sign3A_109 = arith.extui %sign3A_108 : i1 to i32
    %sign3A_110 = arith.constant 0 : i32
    %sign3A_111 = arith.cmpi slt, %select_n3A, %sign3A_110 : i32
    %sign3A_112 = arith.extui %sign3A_111 : i1 to i32
    %sign3A_113 = arith.subi %sign3A_109, %sign3A_112 : i32
    %sign3A_114 = arith.constant 0 : i32
    %sign3A_115 = arith.cmpi sgt, %jit3A_107, %sign3A_114 : i32
    %sign3A_116 = arith.extui %sign3A_115 : i1 to i32
    %sign3A_117 = arith.constant 0 : i32
    %sign3A_118 = arith.cmpi slt, %jit3A_107, %sign3A_117 : i32
    %sign3A_119 = arith.extui %sign3A_118 : i1 to i32
    %sign3A_120 = arith.subi %sign3A_116, %sign3A_119 : i32
    %ne3A = arith.cmpi ne, %sign3A_113, %sign3A_120 : i32
    %rem3A = arith.remsi %select_n3A, %jit3A_107 : i32
    %ne3A_121 = arith.constant 0 : i32
    %ne3A_122 = arith.cmpi ne, %rem3A, %ne3A_121 : i32
    %and3A = arith.andi %ne3A, %ne3A_122 : i1
    %sub3A = arith.constant 1 : i32
    %sub3A_123 = arith.subi %div3A, %sub3A : i32
    %select_n3A_124 = arith.select %and3A, %sub3A_123, %div3A : i32
    %while3A = arith.constant 0 : i32
    %while3A_125 = arith.constant 0 : i32
    %while3A_126 = arith.subi %select_n3A_124, %while3A_125 : i32
    %while3A_127 = arith.addi %while3A_125, %while3A_126 : i32
    %while3A_128 = arith.constant 1 : i32
    %while3A_129 = arith.divsi %while3A_126, %while3A_128 : i32
    %while3A_130 = arith.muli %while3A_129, %while3A_128 : i32
    %while3A_131 = arith.addi %while3A_125, %while3A_130 : i32
    %while3A_132 = arith.constant 1 : i32
    scf.for %while3A_139 = %while3A_125 to %while3A_131 step %while3A_132  : i32 {
      %mul3A_140 = arith.constant 2 : i32
      %mul3A_141 = arith.muli %mul3A_140, %while3A_139 : i32
      %rem3A_142 = arith.constant 4 : i32
      %rem3A_143 = arith.remsi %mul3A_141, %rem3A_142 : i32
      %dma_wait3A = arith.constant 0 : i32
      %dma_wait3A_144 = arith.constant 0 : i32
      %dma_wait3A_145 = arith.constant 0 : i32
      %dma_wait3A_146 = arith.constant 0 : i32
      %dma_wait3A_147 = tpu.memref_slice %arg6[%dma_wait3A_144, %dma_wait3A_145, %dma_wait3A_146] : memref<2x128x128xf32, #tpu.memory_space<vmem>> -> memref<1x128x128xf32, #tpu.memory_space<vmem>>
      %dma_wait3A_148 = tpu.memref_squeeze %dma_wait3A_147 : memref<1x128x128xf32, #tpu.memory_space<vmem>> -> memref<128x128xf32, #tpu.memory_space<vmem>>
      %dma_wait3A_149 = arith.constant 0 : i32
      %dma_wait3A_150 = tpu.memref_slice %arg5[%rem3A_143, %dma_wait3A, %dma_wait3A_149] : memref<4x2x128xi32, #tpu.memory_space<vmem>> -> memref<1x1x128xi32, #tpu.memory_space<vmem>>
      %dma_wait3A_151 = tpu.memref_squeeze %dma_wait3A_150 : memref<1x1x128xi32, #tpu.memory_space<vmem>> -> memref<128xi32, #tpu.memory_space<vmem>>
      %dma_wait3A_152 = arith.constant 0 : i32
      %dma_wait3A_153 = arith.constant 0 : i32
      %dma_wait3A_154 = tpu.memref_slice %arg2[%dma_wait3A_152, %dma_wait3A_153] : memref<10000x128xf32, #tpu.memory_space<hbm>> -> memref<10000x128xf32, #tpu.memory_space<hbm>>
      tpu.wait_indirect_dma semaphore(%arg8 : memref<!tpu.dma_semaphore, #tpu.memory_space<semaphore_mem>>) src(%dma_wait3A_154 : memref<10000x128xf32, #tpu.memory_space<hbm>>) dst(%dma_wait3A_148 : memref<128x128xf32, #tpu.memory_space<vmem>>)
      %run_scoped3A_155 = arith.constant 0 : i32
      %run_scoped3A_156 = arith.constant 1 : i32
      "tpu.region"() ({
        %run_scoped3A_200 = tpu.sem_alloc : memref<!tpu.dma_semaphore, #tpu.memory_space<semaphore_mem>>
        %dma_start3A_201 = arith.constant 0 : i32
        %dma_start3A_202 = arith.constant 0 : i32
        %dma_start3A_203 = tpu.memref_slice %arg6[%run_scoped3A_155, %dma_start3A_201, %dma_start3A_202] : memref<2x128x128xf32, #tpu.memory_space<vmem>> -> memref<1x128x128xf32, #tpu.memory_space<vmem>>
        %dma_start3A_204 = tpu.memref_squeeze %dma_start3A_203 : memref<1x128x128xf32, #tpu.memory_space<vmem>> -> memref<128x128xf32, #tpu.memory_space<vmem>>
        %dma_start3A_205 = arith.constant 0 : i32
        %dma_start3A_206 = tpu.memref_slice %arg5[%rem3A_143, %run_scoped3A_156, %dma_start3A_205] : memref<4x2x128xi32, #tpu.memory_space<vmem>> -> memref<1x1x128xi32, #tpu.memory_space<vmem>>
        %dma_start3A_207 = tpu.memref_squeeze %dma_start3A_206 : memref<1x1x128xi32, #tpu.memory_space<vmem>> -> memref<128xi32, #tpu.memory_space<vmem>>
        %dma_start3A_208 = arith.constant 0 : i32
        %dma_start3A_209 = arith.constant 0 : i32
        %dma_start3A_210 = tpu.memref_slice %arg7[%dma_start3A_208, %dma_start3A_209] : memref<10240x128xf32, #tpu.memory_space<vmem_shared>> -> memref<10240x128xf32, #tpu.memory_space<vmem_shared>>
        tpu.enqueue_indirect_dma source(%dma_start3A_204 : memref<128x128xf32, #tpu.memory_space<vmem>>) target(%dma_start3A_210 : memref<10240x128xf32, #tpu.memory_space<vmem_shared>>) offsets(%dma_start3A_207 : memref<128xi32, #tpu.memory_space<vmem>>) semaphore(%run_scoped3A_200 : memref<!tpu.dma_semaphore, #tpu.memory_space<semaphore_mem>>) {add = true}
        %dma_wait3A_211 = arith.constant 0 : i32
        %dma_wait3A_212 = arith.constant 0 : i32
        %dma_wait3A_213 = tpu.memref_slice %arg6[%run_scoped3A_155, %dma_wait3A_211, %dma_wait3A_212] : memref<2x128x128xf32, #tpu.memory_space<vmem>> -> memref<1x128x128xf32, #tpu.memory_space<vmem>>
        %dma_wait3A_214 = tpu.memref_squeeze %dma_wait3A_213 : memref<1x128x128xf32, #tpu.memory_space<vmem>> -> memref<128x128xf32, #tpu.memory_space<vmem>>
        %dma_wait3A_215 = arith.constant 0 : i32
        %dma_wait3A_216 = tpu.memref_slice %arg5[%rem3A_143, %run_scoped3A_156, %dma_wait3A_215] : memref<4x2x128xi32, #tpu.memory_space<vmem>> -> memref<1x1x128xi32, #tpu.memory_space<vmem>>
        %dma_wait3A_217 = tpu.memref_squeeze %dma_wait3A_216 : memref<1x1x128xi32, #tpu.memory_space<vmem>> -> memref<128xi32, #tpu.memory_space<vmem>>
        %dma_wait3A_218 = arith.constant 0 : i32
        %dma_wait3A_219 = arith.constant 0 : i32
        %dma_wait3A_220 = tpu.memref_slice %arg7[%dma_wait3A_218, %dma_wait3A_219] : memref<10240x128xf32, #tpu.memory_space<vmem_shared>> -> memref<10240x128xf32, #tpu.memory_space<vmem_shared>>
        tpu.wait_indirect_dma semaphore(%run_scoped3A_200 : memref<!tpu.dma_semaphore, #tpu.memory_space<semaphore_mem>>) src(%dma_wait3A_214 : memref<128x128xf32, #tpu.memory_space<vmem>>) dst(%dma_wait3A_220 : memref<10240x128xf32, #tpu.memory_space<vmem_shared>>)
        tpu.yield
      }) : () -> ()
      %sub3A_157 = arith.constant 2 : i32
      %sub3A_158 = arith.subi %select_n3A, %sub3A_157 : i32
      %lt3A = arith.cmpi slt, %mul3A_141, %sub3A_158 : i32
      %convert_element_type3A = arith.extui %lt3A : i1 to i32
      %cond3A = arith.constant 0 : i32
      %cond3A_159 = arith.constant 0 : i32
      %cond3A_160 = arith.cmpi ne, %convert_element_type3A, %cond3A_159 : i32
      scf.if %cond3A_160 {
        %add3A_200 = arith.constant 2 : i32
        %add3A_201 = arith.addi %mul3A_141, %add3A_200 : i32
        %rem3A_202 = arith.constant 4 : i32
        %rem3A_203 = arith.remsi %add3A_201, %rem3A_202 : i32
        %dma_wait3A_204 = arith.constant 0 : i32
        %dma_wait3A_205 = arith.constant 0 : i32
        %dma_wait3A_206 = arith.constant 0 : i32
        %dma_wait3A_207 = tpu.memref_slice %arg5[%rem3A_203, %dma_wait3A_205, %dma_wait3A_206] : memref<4x2x128xi32, #tpu.memory_space<vmem>> -> memref<1x2x128xi32, #tpu.memory_space<vmem>>
        %dma_wait3A_208 = tpu.memref_squeeze %dma_wait3A_207 : memref<1x2x128xi32, #tpu.memory_space<vmem>> -> memref<2x128xi32, #tpu.memory_space<vmem>>
        %dma_wait3A_209 = arith.constant 0 : i32
        %dma_wait3A_210 = arith.constant 0 : i32
        %dma_wait3A_211 = tpu.memref_slice %arg3[%add3A, %dma_wait3A_204, %dma_wait3A_209, %dma_wait3A_210] : memref<32x96x2x128xi32, #tpu.memory_space<hbm>> -> memref<1x1x2x128xi32, #tpu.memory_space<hbm>>
        %dma_wait3A_212 = tpu.memref_squeeze %dma_wait3A_211 : memref<1x1x2x128xi32, #tpu.memory_space<hbm>> -> memref<2x128xi32, #tpu.memory_space<hbm>>
        %dma_wait3A_213 = arith.constant 0 : i32
        %dma_wait3A_214 = arith.constant 0 : i32
        %dma_wait3A_215 = tpu.memref_slice %arg5[%rem3A_203, %dma_wait3A_213, %dma_wait3A_214] : memref<4x2x128xi32, #tpu.memory_space<vmem>> -> memref<1x2x128xi32, #tpu.memory_space<vmem>>
        %dma_wait3A_216 = tpu.memref_squeeze %dma_wait3A_215 : memref<1x2x128xi32, #tpu.memory_space<vmem>> -> memref<2x128xi32, #tpu.memory_space<vmem>>
        %dma_wait3A_217 = arith.constant 0 : i32
        %dma_wait3A_218 = arith.constant 0 : i32
        %dma_wait3A_219 = tpu.memref_slice %arg3[%add3A, %dma_wait3A_204, %dma_wait3A_217, %dma_wait3A_218] : memref<32x96x2x128xi32, #tpu.memory_space<hbm>> -> memref<1x1x2x128xi32, #tpu.memory_space<hbm>>
        %dma_wait3A_220 = tpu.memref_squeeze %dma_wait3A_219 : memref<1x1x2x128xi32, #tpu.memory_space<hbm>> -> memref<2x128xi32, #tpu.memory_space<hbm>>
        tpu.wait_dma2 semaphore(%arg10 : memref<!tpu.dma_semaphore, #tpu.memory_space<semaphore_mem>>) src(%dma_wait3A_220 : memref<2x128xi32, #tpu.memory_space<hbm>>) dst(%dma_wait3A_216 : memref<2x128xi32, #tpu.memory_space<vmem>>)
        %dma_start3A_221 = arith.constant 0 : i32
        %dma_start3A_222 = arith.constant 0 : i32
        %dma_start3A_223 = arith.constant 0 : i32
        %dma_start3A_224 = tpu.memref_slice %arg6[%cond3A, %dma_start3A_222, %dma_start3A_223] : memref<2x128x128xf32, #tpu.memory_space<vmem>> -> memref<1x128x128xf32, #tpu.memory_space<vmem>>
        %dma_start3A_225 = tpu.memref_squeeze %dma_start3A_224 : memref<1x128x128xf32, #tpu.memory_space<vmem>> -> memref<128x128xf32, #tpu.memory_space<vmem>>
        %dma_start3A_226 = arith.constant 0 : i32
        %dma_start3A_227 = tpu.memref_slice %arg5[%rem3A_203, %dma_start3A_221, %dma_start3A_226] : memref<4x2x128xi32, #tpu.memory_space<vmem>> -> memref<1x1x128xi32, #tpu.memory_space<vmem>>
        %dma_start3A_228 = tpu.memref_squeeze %dma_start3A_227 : memref<1x1x128xi32, #tpu.memory_space<vmem>> -> memref<128xi32, #tpu.memory_space<vmem>>
        %dma_start3A_229 = arith.constant 0 : i32
        %dma_start3A_230 = arith.constant 0 : i32
        %dma_start3A_231 = tpu.memref_slice %arg2[%dma_start3A_229, %dma_start3A_230] : memref<10000x128xf32, #tpu.memory_space<hbm>> -> memref<10000x128xf32, #tpu.memory_space<hbm>>
        tpu.enqueue_indirect_dma source(%dma_start3A_231 : memref<10000x128xf32, #tpu.memory_space<hbm>>) target(%dma_start3A_225 : memref<128x128xf32, #tpu.memory_space<vmem>>) offsets(%dma_start3A_228 : memref<128xi32, #tpu.memory_space<vmem>>) semaphore(%arg8 : memref<!tpu.dma_semaphore, #tpu.memory_space<semaphore_mem>>)
      } else {
      }
      %sub3A_161 = arith.constant 4 : i32
      %sub3A_162 = arith.subi %select_n3A, %sub3A_161 : i32
      %lt3A_163 = arith.cmpi slt, %mul3A_141, %sub3A_162 : i32
      %convert_element_type3A_164 = arith.extui %lt3A_163 : i1 to i32
      %cond3A_165 = arith.constant 0 : i32
      %cond3A_166 = arith.cmpi ne, %convert_element_type3A_164, %cond3A_165 : i32
      scf.if %cond3A_166 {
        %add3A_200 = arith.constant 4 : i32
        %add3A_201 = arith.addi %mul3A_141, %add3A_200 : i32
        %dma_start3A_202 = arith.constant 0 : i32
        %dma_start3A_203 = arith.constant 0 : i32
        %dma_start3A_204 = tpu.memref_slice %arg5[%rem3A_143, %dma_start3A_202, %dma_start3A_203] : memref<4x2x128xi32, #tpu.memory_space<vmem>> -> memref<1x2x128xi32, #tpu.memory_space<vmem>>
        %dma_start3A_205 = tpu.memref_squeeze %dma_start3A_204 : memref<1x2x128xi32, #tpu.memory_space<vmem>> -> memref<2x128xi32, #tpu.memory_space<vmem>>
        %dma_start3A_206 = arith.constant 0 : i32
        %dma_start3A_207 = arith.constant 0 : i32
        %dma_start3A_208 = tpu.memref_slice %arg3[%add3A, %add3A_201, %dma_start3A_206, %dma_start3A_207] : memref<32x96x2x128xi32, #tpu.memory_space<hbm>> -> memref<1x1x2x128xi32, #tpu.memory_space<hbm>>
        %dma_start3A_209 = tpu.memref_squeeze %dma_start3A_208 : memref<1x1x2x128xi32, #tpu.memory_space<hbm>> -> memref<2x128xi32, #tpu.memory_space<hbm>>
        %dma_start3A_210 = arith.constant 0 : i32
        %dma_start3A_211 = arith.constant 0 : i32
        %dma_start3A_212 = tpu.memref_slice %arg5[%rem3A_143, %dma_start3A_210, %dma_start3A_211] : memref<4x2x128xi32, #tpu.memory_space<vmem>> -> memref<1x2x128xi32, #tpu.memory_space<vmem>>
        %dma_start3A_213 = tpu.memref_squeeze %dma_start3A_212 : memref<1x2x128xi32, #tpu.memory_space<vmem>> -> memref<2x128xi32, #tpu.memory_space<vmem>>
        %dma_start3A_214 = arith.constant 0 : i32
        %dma_start3A_215 = arith.constant 0 : i32
        %dma_start3A_216 = tpu.memref_slice %arg3[%add3A, %add3A_201, %dma_start3A_214, %dma_start3A_215] : memref<32x96x2x128xi32, #tpu.memory_space<hbm>> -> memref<1x1x2x128xi32, #tpu.memory_space<hbm>>
        %dma_start3A_217 = tpu.memref_squeeze %dma_start3A_216 : memref<1x1x2x128xi32, #tpu.memory_space<hbm>> -> memref<2x128xi32, #tpu.memory_space<hbm>>
        tpu.enqueue_dma source(%dma_start3A_217 : memref<2x128xi32, #tpu.memory_space<hbm>>) target(%dma_start3A_213 : memref<2x128xi32, #tpu.memory_space<vmem>>) target_semaphore(%arg10 : memref<!tpu.dma_semaphore, #tpu.memory_space<semaphore_mem>>)
      } else {
      }
      %mul3A_167 = arith.constant 2 : i32
      %mul3A_168 = arith.muli %mul3A_167, %while3A_139 : i32
      %add3A_169 = arith.constant 1 : i32
      %add3A_170 = arith.addi %mul3A_168, %add3A_169 : i32
      %rem3A_171 = arith.constant 4 : i32
      %rem3A_172 = arith.remsi %add3A_170, %rem3A_171 : i32
      %dma_wait3A_173 = arith.constant 0 : i32
      %dma_wait3A_174 = arith.constant 1 : i32
      %dma_wait3A_175 = arith.constant 0 : i32
      %dma_wait3A_176 = arith.constant 0 : i32
      %dma_wait3A_177 = tpu.memref_slice %arg6[%dma_wait3A_174, %dma_wait3A_175, %dma_wait3A_176] : memref<2x128x128xf32, #tpu.memory_space<vmem>> -> memref<1x128x128xf32, #tpu.memory_space<vmem>>
      %dma_wait3A_178 = tpu.memref_squeeze %dma_wait3A_177 : memref<1x128x128xf32, #tpu.memory_space<vmem>> -> memref<128x128xf32, #tpu.memory_space<vmem>>
      %dma_wait3A_179 = arith.constant 0 : i32
      %dma_wait3A_180 = tpu.memref_slice %arg5[%rem3A_172, %dma_wait3A_173, %dma_wait3A_179] : memref<4x2x128xi32, #tpu.memory_space<vmem>> -> memref<1x1x128xi32, #tpu.memory_space<vmem>>
      %dma_wait3A_181 = tpu.memref_squeeze %dma_wait3A_180 : memref<1x1x128xi32, #tpu.memory_space<vmem>> -> memref<128xi32, #tpu.memory_space<vmem>>
      %dma_wait3A_182 = arith.constant 0 : i32
      %dma_wait3A_183 = arith.constant 0 : i32
      %dma_wait3A_184 = tpu.memref_slice %arg2[%dma_wait3A_182, %dma_wait3A_183] : memref<10000x128xf32, #tpu.memory_space<hbm>> -> memref<10000x128xf32, #tpu.memory_space<hbm>>
      tpu.wait_indirect_dma semaphore(%arg9 : memref<!tpu.dma_semaphore, #tpu.memory_space<semaphore_mem>>) src(%dma_wait3A_184 : memref<10000x128xf32, #tpu.memory_space<hbm>>) dst(%dma_wait3A_178 : memref<128x128xf32, #tpu.memory_space<vmem>>)
      %run_scoped3A_185 = arith.constant 1 : i32
      %run_scoped3A_186 = arith.constant 1 : i32
      "tpu.region"() ({
        %run_scoped3A_200 = tpu.sem_alloc : memref<!tpu.dma_semaphore, #tpu.memory_space<semaphore_mem>>
        %dma_start3A_201 = arith.constant 0 : i32
        %dma_start3A_202 = arith.constant 0 : i32
        %dma_start3A_203 = tpu.memref_slice %arg6[%run_scoped3A_185, %dma_start3A_201, %dma_start3A_202] : memref<2x128x128xf32, #tpu.memory_space<vmem>> -> memref<1x128x128xf32, #tpu.memory_space<vmem>>
        %dma_start3A_204 = tpu.memref_squeeze %dma_start3A_203 : memref<1x128x128xf32, #tpu.memory_space<vmem>> -> memref<128x128xf32, #tpu.memory_space<vmem>>
        %dma_start3A_205 = arith.constant 0 : i32
        %dma_start3A_206 = tpu.memref_slice %arg5[%rem3A_172, %run_scoped3A_186, %dma_start3A_205] : memref<4x2x128xi32, #tpu.memory_space<vmem>> -> memref<1x1x128xi32, #tpu.memory_space<vmem>>
        %dma_start3A_207 = tpu.memref_squeeze %dma_start3A_206 : memref<1x1x128xi32, #tpu.memory_space<vmem>> -> memref<128xi32, #tpu.memory_space<vmem>>
        %dma_start3A_208 = arith.constant 0 : i32
        %dma_start3A_209 = arith.constant 0 : i32
        %dma_start3A_210 = tpu.memref_slice %arg7[%dma_start3A_208, %dma_start3A_209] : memref<10240x128xf32, #tpu.memory_space<vmem_shared>> -> memref<10240x128xf32, #tpu.memory_space<vmem_shared>>
        tpu.enqueue_indirect_dma source(%dma_start3A_204 : memref<128x128xf32, #tpu.memory_space<vmem>>) target(%dma_start3A_210 : memref<10240x128xf32, #tpu.memory_space<vmem_shared>>) offsets(%dma_start3A_207 : memref<128xi32, #tpu.memory_space<vmem>>) semaphore(%run_scoped3A_200 : memref<!tpu.dma_semaphore, #tpu.memory_space<semaphore_mem>>) {add = true}
        %dma_wait3A_211 = arith.constant 0 : i32
        %dma_wait3A_212 = arith.constant 0 : i32
        %dma_wait3A_213 = tpu.memref_slice %arg6[%run_scoped3A_185, %dma_wait3A_211, %dma_wait3A_212] : memref<2x128x128xf32, #tpu.memory_space<vmem>> -> memref<1x128x128xf32, #tpu.memory_space<vmem>>
        %dma_wait3A_214 = tpu.memref_squeeze %dma_wait3A_213 : memref<1x128x128xf32, #tpu.memory_space<vmem>> -> memref<128x128xf32, #tpu.memory_space<vmem>>
        %dma_wait3A_215 = arith.constant 0 : i32
        %dma_wait3A_216 = tpu.memref_slice %arg5[%rem3A_172, %run_scoped3A_186, %dma_wait3A_215] : memref<4x2x128xi32, #tpu.memory_space<vmem>> -> memref<1x1x128xi32, #tpu.memory_space<vmem>>
        %dma_wait3A_217 = tpu.memref_squeeze %dma_wait3A_216 : memref<1x1x128xi32, #tpu.memory_space<vmem>> -> memref<128xi32, #tpu.memory_space<vmem>>
        %dma_wait3A_218 = arith.constant 0 : i32
        %dma_wait3A_219 = arith.constant 0 : i32
        %dma_wait3A_220 = tpu.memref_slice %arg7[%dma_wait3A_218, %dma_wait3A_219] : memref<10240x128xf32, #tpu.memory_space<vmem_shared>> -> memref<10240x128xf32, #tpu.memory_space<vmem_shared>>
        tpu.wait_indirect_dma semaphore(%run_scoped3A_200 : memref<!tpu.dma_semaphore, #tpu.memory_space<semaphore_mem>>) src(%dma_wait3A_214 : memref<128x128xf32, #tpu.memory_space<vmem>>) dst(%dma_wait3A_220 : memref<10240x128xf32, #tpu.memory_space<vmem_shared>>)
        tpu.yield
      }) : () -> ()
      %sub3A_187 = arith.constant 2 : i32
      %sub3A_188 = arith.subi %select_n3A, %sub3A_187 : i32
      %lt3A_189 = arith.cmpi slt, %add3A_170, %sub3A_188 : i32
      %convert_element_type3A_190 = arith.extui %lt3A_189 : i1 to i32
      %cond3A_191 = arith.constant 1 : i32
      %cond3A_192 = arith.constant 0 : i32
      %cond3A_193 = arith.cmpi ne, %convert_element_type3A_190, %cond3A_192 : i32
      scf.if %cond3A_193 {
        %add3A_200 = arith.constant 2 : i32
        %add3A_201 = arith.addi %add3A_170, %add3A_200 : i32
        %rem3A_202 = arith.constant 4 : i32
        %rem3A_203 = arith.remsi %add3A_201, %rem3A_202 : i32
        %dma_wait3A_204 = arith.constant 0 : i32
        %dma_wait3A_205 = arith.constant 0 : i32
        %dma_wait3A_206 = arith.constant 0 : i32
        %dma_wait3A_207 = tpu.memref_slice %arg5[%rem3A_203, %dma_wait3A_205, %dma_wait3A_206] : memref<4x2x128xi32, #tpu.memory_space<vmem>> -> memref<1x2x128xi32, #tpu.memory_space<vmem>>
        %dma_wait3A_208 = tpu.memref_squeeze %dma_wait3A_207 : memref<1x2x128xi32, #tpu.memory_space<vmem>> -> memref<2x128xi32, #tpu.memory_space<vmem>>
        %dma_wait3A_209 = arith.constant 0 : i32
        %dma_wait3A_210 = arith.constant 0 : i32
        %dma_wait3A_211 = tpu.memref_slice %arg3[%add3A, %dma_wait3A_204, %dma_wait3A_209, %dma_wait3A_210] : memref<32x96x2x128xi32, #tpu.memory_space<hbm>> -> memref<1x1x2x128xi32, #tpu.memory_space<hbm>>
        %dma_wait3A_212 = tpu.memref_squeeze %dma_wait3A_211 : memref<1x1x2x128xi32, #tpu.memory_space<hbm>> -> memref<2x128xi32, #tpu.memory_space<hbm>>
        %dma_wait3A_213 = arith.constant 0 : i32
        %dma_wait3A_214 = arith.constant 0 : i32
        %dma_wait3A_215 = tpu.memref_slice %arg5[%rem3A_203, %dma_wait3A_213, %dma_wait3A_214] : memref<4x2x128xi32, #tpu.memory_space<vmem>> -> memref<1x2x128xi32, #tpu.memory_space<vmem>>
        %dma_wait3A_216 = tpu.memref_squeeze %dma_wait3A_215 : memref<1x2x128xi32, #tpu.memory_space<vmem>> -> memref<2x128xi32, #tpu.memory_space<vmem>>
        %dma_wait3A_217 = arith.constant 0 : i32
        %dma_wait3A_218 = arith.constant 0 : i32
        %dma_wait3A_219 = tpu.memref_slice %arg3[%add3A, %dma_wait3A_204, %dma_wait3A_217, %dma_wait3A_218] : memref<32x96x2x128xi32, #tpu.memory_space<hbm>> -> memref<1x1x2x128xi32, #tpu.memory_space<hbm>>
        %dma_wait3A_220 = tpu.memref_squeeze %dma_wait3A_219 : memref<1x1x2x128xi32, #tpu.memory_space<hbm>> -> memref<2x128xi32, #tpu.memory_space<hbm>>
        tpu.wait_dma2 semaphore(%arg11 : memref<!tpu.dma_semaphore, #tpu.memory_space<semaphore_mem>>) src(%dma_wait3A_220 : memref<2x128xi32, #tpu.memory_space<hbm>>) dst(%dma_wait3A_216 : memref<2x128xi32, #tpu.memory_space<vmem>>)
        %dma_start3A_221 = arith.constant 0 : i32
        %dma_start3A_222 = arith.constant 0 : i32
        %dma_start3A_223 = arith.constant 0 : i32
        %dma_start3A_224 = tpu.memref_slice %arg6[%cond3A_191, %dma_start3A_222, %dma_start3A_223] : memref<2x128x128xf32, #tpu.memory_space<vmem>> -> memref<1x128x128xf32, #tpu.memory_space<vmem>>
        %dma_start3A_225 = tpu.memref_squeeze %dma_start3A_224 : memref<1x128x128xf32, #tpu.memory_space<vmem>> -> memref<128x128xf32, #tpu.memory_space<vmem>>
        %dma_start3A_226 = arith.constant 0 : i32
        %dma_start3A_227 = tpu.memref_slice %arg5[%rem3A_203, %dma_start3A_221, %dma_start3A_226] : memref<4x2x128xi32, #tpu.memory_space<vmem>> -> memref<1x1x128xi32, #tpu.memory_space<vmem>>
        %dma_start3A_228 = tpu.memref_squeeze %dma_start3A_227 : memref<1x1x128xi32, #tpu.memory_space<vmem>> -> memref<128xi32, #tpu.memory_space<vmem>>
        %dma_start3A_229 = arith.constant 0 : i32
        %dma_start3A_230 = arith.constant 0 : i32
        %dma_start3A_231 = tpu.memref_slice %arg2[%dma_start3A_229, %dma_start3A_230] : memref<10000x128xf32, #tpu.memory_space<hbm>> -> memref<10000x128xf32, #tpu.memory_space<hbm>>
        tpu.enqueue_indirect_dma source(%dma_start3A_231 : memref<10000x128xf32, #tpu.memory_space<hbm>>) target(%dma_start3A_225 : memref<128x128xf32, #tpu.memory_space<vmem>>) offsets(%dma_start3A_228 : memref<128xi32, #tpu.memory_space<vmem>>) semaphore(%arg9 : memref<!tpu.dma_semaphore, #tpu.memory_space<semaphore_mem>>)
      } else {
      }
      %sub3A_194 = arith.constant 4 : i32
      %sub3A_195 = arith.subi %select_n3A, %sub3A_194 : i32
      %lt3A_196 = arith.cmpi slt, %add3A_170, %sub3A_195 : i32
      %convert_element_type3A_197 = arith.extui %lt3A_196 : i1 to i32
      %cond3A_198 = arith.constant 0 : i32
      %cond3A_199 = arith.cmpi ne, %convert_element_type3A_197, %cond3A_198 : i32
      scf.if %cond3A_199 {
        %add3A_200 = arith.constant 4 : i32
        %add3A_201 = arith.addi %add3A_170, %add3A_200 : i32
        %dma_start3A_202 = arith.constant 0 : i32
        %dma_start3A_203 = arith.constant 0 : i32
        %dma_start3A_204 = tpu.memref_slice %arg5[%rem3A_172, %dma_start3A_202, %dma_start3A_203] : memref<4x2x128xi32, #tpu.memory_space<vmem>> -> memref<1x2x128xi32, #tpu.memory_space<vmem>>
        %dma_start3A_205 = tpu.memref_squeeze %dma_start3A_204 : memref<1x2x128xi32, #tpu.memory_space<vmem>> -> memref<2x128xi32, #tpu.memory_space<vmem>>
        %dma_start3A_206 = arith.constant 0 : i32
        %dma_start3A_207 = arith.constant 0 : i32
        %dma_start3A_208 = tpu.memref_slice %arg3[%add3A, %add3A_201, %dma_start3A_206, %dma_start3A_207] : memref<32x96x2x128xi32, #tpu.memory_space<hbm>> -> memref<1x1x2x128xi32, #tpu.memory_space<hbm>>
        %dma_start3A_209 = tpu.memref_squeeze %dma_start3A_208 : memref<1x1x2x128xi32, #tpu.memory_space<hbm>> -> memref<2x128xi32, #tpu.memory_space<hbm>>
        %dma_start3A_210 = arith.constant 0 : i32
        %dma_start3A_211 = arith.constant 0 : i32
        %dma_start3A_212 = tpu.memref_slice %arg5[%rem3A_172, %dma_start3A_210, %dma_start3A_211] : memref<4x2x128xi32, #tpu.memory_space<vmem>> -> memref<1x2x128xi32, #tpu.memory_space<vmem>>
        %dma_start3A_213 = tpu.memref_squeeze %dma_start3A_212 : memref<1x2x128xi32, #tpu.memory_space<vmem>> -> memref<2x128xi32, #tpu.memory_space<vmem>>
        %dma_start3A_214 = arith.constant 0 : i32
        %dma_start3A_215 = arith.constant 0 : i32
        %dma_start3A_216 = tpu.memref_slice %arg3[%add3A, %add3A_201, %dma_start3A_214, %dma_start3A_215] : memref<32x96x2x128xi32, #tpu.memory_space<hbm>> -> memref<1x1x2x128xi32, #tpu.memory_space<hbm>>
        %dma_start3A_217 = tpu.memref_squeeze %dma_start3A_216 : memref<1x1x2x128xi32, #tpu.memory_space<hbm>> -> memref<2x128xi32, #tpu.memory_space<hbm>>
        tpu.enqueue_dma source(%dma_start3A_217 : memref<2x128xi32, #tpu.memory_space<hbm>>) target(%dma_start3A_213 : memref<2x128xi32, #tpu.memory_space<vmem>>) target_semaphore(%arg11 : memref<!tpu.dma_semaphore, #tpu.memory_space<semaphore_mem>>)
      } else {
      }
    }
    %while3A_133 = arith.constant 1 : i32
    scf.for %while3A_139 = %while3A_131 to %while3A_127 step %while3A_133  : i32 {
      %mul3A_140 = arith.constant 2 : i32
      %mul3A_141 = arith.muli %mul3A_140, %while3A_139 : i32
      %rem3A_142 = arith.constant 4 : i32
      %rem3A_143 = arith.remsi %mul3A_141, %rem3A_142 : i32
      %dma_wait3A = arith.constant 0 : i32
      %dma_wait3A_144 = arith.constant 0 : i32
      %dma_wait3A_145 = arith.constant 0 : i32
      %dma_wait3A_146 = arith.constant 0 : i32
      %dma_wait3A_147 = tpu.memref_slice %arg6[%dma_wait3A_144, %dma_wait3A_145, %dma_wait3A_146] : memref<2x128x128xf32, #tpu.memory_space<vmem>> -> memref<1x128x128xf32, #tpu.memory_space<vmem>>
      %dma_wait3A_148 = tpu.memref_squeeze %dma_wait3A_147 : memref<1x128x128xf32, #tpu.memory_space<vmem>> -> memref<128x128xf32, #tpu.memory_space<vmem>>
      %dma_wait3A_149 = arith.constant 0 : i32
      %dma_wait3A_150 = tpu.memref_slice %arg5[%rem3A_143, %dma_wait3A, %dma_wait3A_149] : memref<4x2x128xi32, #tpu.memory_space<vmem>> -> memref<1x1x128xi32, #tpu.memory_space<vmem>>
      %dma_wait3A_151 = tpu.memref_squeeze %dma_wait3A_150 : memref<1x1x128xi32, #tpu.memory_space<vmem>> -> memref<128xi32, #tpu.memory_space<vmem>>
      %dma_wait3A_152 = arith.constant 0 : i32
      %dma_wait3A_153 = arith.constant 0 : i32
      %dma_wait3A_154 = tpu.memref_slice %arg2[%dma_wait3A_152, %dma_wait3A_153] : memref<10000x128xf32, #tpu.memory_space<hbm>> -> memref<10000x128xf32, #tpu.memory_space<hbm>>
      tpu.wait_indirect_dma semaphore(%arg8 : memref<!tpu.dma_semaphore, #tpu.memory_space<semaphore_mem>>) src(%dma_wait3A_154 : memref<10000x128xf32, #tpu.memory_space<hbm>>) dst(%dma_wait3A_148 : memref<128x128xf32, #tpu.memory_space<vmem>>)
      %run_scoped3A_155 = arith.constant 0 : i32
      %run_scoped3A_156 = arith.constant 1 : i32
      "tpu.region"() ({
        %run_scoped3A_200 = tpu.sem_alloc : memref<!tpu.dma_semaphore, #tpu.memory_space<semaphore_mem>>
        %dma_start3A_201 = arith.constant 0 : i32
        %dma_start3A_202 = arith.constant 0 : i32
        %dma_start3A_203 = tpu.memref_slice %arg6[%run_scoped3A_155, %dma_start3A_201, %dma_start3A_202] : memref<2x128x128xf32, #tpu.memory_space<vmem>> -> memref<1x128x128xf32, #tpu.memory_space<vmem>>
        %dma_start3A_204 = tpu.memref_squeeze %dma_start3A_203 : memref<1x128x128xf32, #tpu.memory_space<vmem>> -> memref<128x128xf32, #tpu.memory_space<vmem>>
        %dma_start3A_205 = arith.constant 0 : i32
        %dma_start3A_206 = tpu.memref_slice %arg5[%rem3A_143, %run_scoped3A_156, %dma_start3A_205] : memref<4x2x128xi32, #tpu.memory_space<vmem>> -> memref<1x1x128xi32, #tpu.memory_space<vmem>>
        %dma_start3A_207 = tpu.memref_squeeze %dma_start3A_206 : memref<1x1x128xi32, #tpu.memory_space<vmem>> -> memref<128xi32, #tpu.memory_space<vmem>>
        %dma_start3A_208 = arith.constant 0 : i32
        %dma_start3A_209 = arith.constant 0 : i32
        %dma_start3A_210 = tpu.memref_slice %arg7[%dma_start3A_208, %dma_start3A_209] : memref<10240x128xf32, #tpu.memory_space<vmem_shared>> -> memref<10240x128xf32, #tpu.memory_space<vmem_shared>>
        tpu.enqueue_indirect_dma source(%dma_start3A_204 : memref<128x128xf32, #tpu.memory_space<vmem>>) target(%dma_start3A_210 : memref<10240x128xf32, #tpu.memory_space<vmem_shared>>) offsets(%dma_start3A_207 : memref<128xi32, #tpu.memory_space<vmem>>) semaphore(%run_scoped3A_200 : memref<!tpu.dma_semaphore, #tpu.memory_space<semaphore_mem>>) {add = true}
        %dma_wait3A_211 = arith.constant 0 : i32
        %dma_wait3A_212 = arith.constant 0 : i32
        %dma_wait3A_213 = tpu.memref_slice %arg6[%run_scoped3A_155, %dma_wait3A_211, %dma_wait3A_212] : memref<2x128x128xf32, #tpu.memory_space<vmem>> -> memref<1x128x128xf32, #tpu.memory_space<vmem>>
        %dma_wait3A_214 = tpu.memref_squeeze %dma_wait3A_213 : memref<1x128x128xf32, #tpu.memory_space<vmem>> -> memref<128x128xf32, #tpu.memory_space<vmem>>
        %dma_wait3A_215 = arith.constant 0 : i32
        %dma_wait3A_216 = tpu.memref_slice %arg5[%rem3A_143, %run_scoped3A_156, %dma_wait3A_215] : memref<4x2x128xi32, #tpu.memory_space<vmem>> -> memref<1x1x128xi32, #tpu.memory_space<vmem>>
        %dma_wait3A_217 = tpu.memref_squeeze %dma_wait3A_216 : memref<1x1x128xi32, #tpu.memory_space<vmem>> -> memref<128xi32, #tpu.memory_space<vmem>>
        %dma_wait3A_218 = arith.constant 0 : i32
        %dma_wait3A_219 = arith.constant 0 : i32
        %dma_wait3A_220 = tpu.memref_slice %arg7[%dma_wait3A_218, %dma_wait3A_219] : memref<10240x128xf32, #tpu.memory_space<vmem_shared>> -> memref<10240x128xf32, #tpu.memory_space<vmem_shared>>
        tpu.wait_indirect_dma semaphore(%run_scoped3A_200 : memref<!tpu.dma_semaphore, #tpu.memory_space<semaphore_mem>>) src(%dma_wait3A_214 : memref<128x128xf32, #tpu.memory_space<vmem>>) dst(%dma_wait3A_220 : memref<10240x128xf32, #tpu.memory_space<vmem_shared>>)
        tpu.yield
      }) : () -> ()
      %sub3A_157 = arith.constant 2 : i32
      %sub3A_158 = arith.subi %select_n3A, %sub3A_157 : i32
      %lt3A = arith.cmpi slt, %mul3A_141, %sub3A_158 : i32
      %convert_element_type3A = arith.extui %lt3A : i1 to i32
      %cond3A = arith.constant 0 : i32
      %cond3A_159 = arith.constant 0 : i32
      %cond3A_160 = arith.cmpi ne, %convert_element_type3A, %cond3A_159 : i32
      scf.if %cond3A_160 {
        %add3A_200 = arith.constant 2 : i32
        %add3A_201 = arith.addi %mul3A_141, %add3A_200 : i32
        %rem3A_202 = arith.constant 4 : i32
        %rem3A_203 = arith.remsi %add3A_201, %rem3A_202 : i32
        %dma_wait3A_204 = arith.constant 0 : i32
        %dma_wait3A_205 = arith.constant 0 : i32
        %dma_wait3A_206 = arith.constant 0 : i32
        %dma_wait3A_207 = tpu.memref_slice %arg5[%rem3A_203, %dma_wait3A_205, %dma_wait3A_206] : memref<4x2x128xi32, #tpu.memory_space<vmem>> -> memref<1x2x128xi32, #tpu.memory_space<vmem>>
        %dma_wait3A_208 = tpu.memref_squeeze %dma_wait3A_207 : memref<1x2x128xi32, #tpu.memory_space<vmem>> -> memref<2x128xi32, #tpu.memory_space<vmem>>
        %dma_wait3A_209 = arith.constant 0 : i32
        %dma_wait3A_210 = arith.constant 0 : i32
        %dma_wait3A_211 = tpu.memref_slice %arg3[%add3A, %dma_wait3A_204, %dma_wait3A_209, %dma_wait3A_210] : memref<32x96x2x128xi32, #tpu.memory_space<hbm>> -> memref<1x1x2x128xi32, #tpu.memory_space<hbm>>
        %dma_wait3A_212 = tpu.memref_squeeze %dma_wait3A_211 : memref<1x1x2x128xi32, #tpu.memory_space<hbm>> -> memref<2x128xi32, #tpu.memory_space<hbm>>
        %dma_wait3A_213 = arith.constant 0 : i32
        %dma_wait3A_214 = arith.constant 0 : i32
        %dma_wait3A_215 = tpu.memref_slice %arg5[%rem3A_203, %dma_wait3A_213, %dma_wait3A_214] : memref<4x2x128xi32, #tpu.memory_space<vmem>> -> memref<1x2x128xi32, #tpu.memory_space<vmem>>
        %dma_wait3A_216 = tpu.memref_squeeze %dma_wait3A_215 : memref<1x2x128xi32, #tpu.memory_space<vmem>> -> memref<2x128xi32, #tpu.memory_space<vmem>>
        %dma_wait3A_217 = arith.constant 0 : i32
        %dma_wait3A_218 = arith.constant 0 : i32
        %dma_wait3A_219 = tpu.memref_slice %arg3[%add3A, %dma_wait3A_204, %dma_wait3A_217, %dma_wait3A_218] : memref<32x96x2x128xi32, #tpu.memory_space<hbm>> -> memref<1x1x2x128xi32, #tpu.memory_space<hbm>>
        %dma_wait3A_220 = tpu.memref_squeeze %dma_wait3A_219 : memref<1x1x2x128xi32, #tpu.memory_space<hbm>> -> memref<2x128xi32, #tpu.memory_space<hbm>>
        tpu.wait_dma2 semaphore(%arg10 : memref<!tpu.dma_semaphore, #tpu.memory_space<semaphore_mem>>) src(%dma_wait3A_220 : memref<2x128xi32, #tpu.memory_space<hbm>>) dst(%dma_wait3A_216 : memref<2x128xi32, #tpu.memory_space<vmem>>)
        %dma_start3A_221 = arith.constant 0 : i32
        %dma_start3A_222 = arith.constant 0 : i32
        %dma_start3A_223 = arith.constant 0 : i32
        %dma_start3A_224 = tpu.memref_slice %arg6[%cond3A, %dma_start3A_222, %dma_start3A_223] : memref<2x128x128xf32, #tpu.memory_space<vmem>> -> memref<1x128x128xf32, #tpu.memory_space<vmem>>
        %dma_start3A_225 = tpu.memref_squeeze %dma_start3A_224 : memref<1x128x128xf32, #tpu.memory_space<vmem>> -> memref<128x128xf32, #tpu.memory_space<vmem>>
        %dma_start3A_226 = arith.constant 0 : i32
        %dma_start3A_227 = tpu.memref_slice %arg5[%rem3A_203, %dma_start3A_221, %dma_start3A_226] : memref<4x2x128xi32, #tpu.memory_space<vmem>> -> memref<1x1x128xi32, #tpu.memory_space<vmem>>
        %dma_start3A_228 = tpu.memref_squeeze %dma_start3A_227 : memref<1x1x128xi32, #tpu.memory_space<vmem>> -> memref<128xi32, #tpu.memory_space<vmem>>
        %dma_start3A_229 = arith.constant 0 : i32
        %dma_start3A_230 = arith.constant 0 : i32
        %dma_start3A_231 = tpu.memref_slice %arg2[%dma_start3A_229, %dma_start3A_230] : memref<10000x128xf32, #tpu.memory_space<hbm>> -> memref<10000x128xf32, #tpu.memory_space<hbm>>
        tpu.enqueue_indirect_dma source(%dma_start3A_231 : memref<10000x128xf32, #tpu.memory_space<hbm>>) target(%dma_start3A_225 : memref<128x128xf32, #tpu.memory_space<vmem>>) offsets(%dma_start3A_228 : memref<128xi32, #tpu.memory_space<vmem>>) semaphore(%arg8 : memref<!tpu.dma_semaphore, #tpu.memory_space<semaphore_mem>>)
      } else {
      }
      %sub3A_161 = arith.constant 4 : i32
      %sub3A_162 = arith.subi %select_n3A, %sub3A_161 : i32
      %lt3A_163 = arith.cmpi slt, %mul3A_141, %sub3A_162 : i32
      %convert_element_type3A_164 = arith.extui %lt3A_163 : i1 to i32
      %cond3A_165 = arith.constant 0 : i32
      %cond3A_166 = arith.cmpi ne, %convert_element_type3A_164, %cond3A_165 : i32
      scf.if %cond3A_166 {
        %add3A_200 = arith.constant 4 : i32
        %add3A_201 = arith.addi %mul3A_141, %add3A_200 : i32
        %dma_start3A_202 = arith.constant 0 : i32
        %dma_start3A_203 = arith.constant 0 : i32
        %dma_start3A_204 = tpu.memref_slice %arg5[%rem3A_143, %dma_start3A_202, %dma_start3A_203] : memref<4x2x128xi32, #tpu.memory_space<vmem>> -> memref<1x2x128xi32, #tpu.memory_space<vmem>>
        %dma_start3A_205 = tpu.memref_squeeze %dma_start3A_204 : memref<1x2x128xi32, #tpu.memory_space<vmem>> -> memref<2x128xi32, #tpu.memory_space<vmem>>
        %dma_start3A_206 = arith.constant 0 : i32
        %dma_start3A_207 = arith.constant 0 : i32
        %dma_start3A_208 = tpu.memref_slice %arg3[%add3A, %add3A_201, %dma_start3A_206, %dma_start3A_207] : memref<32x96x2x128xi32, #tpu.memory_space<hbm>> -> memref<1x1x2x128xi32, #tpu.memory_space<hbm>>
        %dma_start3A_209 = tpu.memref_squeeze %dma_start3A_208 : memref<1x1x2x128xi32, #tpu.memory_space<hbm>> -> memref<2x128xi32, #tpu.memory_space<hbm>>
        %dma_start3A_210 = arith.constant 0 : i32
        %dma_start3A_211 = arith.constant 0 : i32
        %dma_start3A_212 = tpu.memref_slice %arg5[%rem3A_143, %dma_start3A_210, %dma_start3A_211] : memref<4x2x128xi32, #tpu.memory_space<vmem>> -> memref<1x2x128xi32, #tpu.memory_space<vmem>>
        %dma_start3A_213 = tpu.memref_squeeze %dma_start3A_212 : memref<1x2x128xi32, #tpu.memory_space<vmem>> -> memref<2x128xi32, #tpu.memory_space<vmem>>
        %dma_start3A_214 = arith.constant 0 : i32
        %dma_start3A_215 = arith.constant 0 : i32
        %dma_start3A_216 = tpu.memref_slice %arg3[%add3A, %add3A_201, %dma_start3A_214, %dma_start3A_215] : memref<32x96x2x128xi32, #tpu.memory_space<hbm>> -> memref<1x1x2x128xi32, #tpu.memory_space<hbm>>
        %dma_start3A_217 = tpu.memref_squeeze %dma_start3A_216 : memref<1x1x2x128xi32, #tpu.memory_space<hbm>> -> memref<2x128xi32, #tpu.memory_space<hbm>>
        tpu.enqueue_dma source(%dma_start3A_217 : memref<2x128xi32, #tpu.memory_space<hbm>>) target(%dma_start3A_213 : memref<2x128xi32, #tpu.memory_space<vmem>>) target_semaphore(%arg10 : memref<!tpu.dma_semaphore, #tpu.memory_space<semaphore_mem>>)
      } else {
      }
      %mul3A_167 = arith.constant 2 : i32
      %mul3A_168 = arith.muli %mul3A_167, %while3A_139 : i32
      %add3A_169 = arith.constant 1 : i32
      %add3A_170 = arith.addi %mul3A_168, %add3A_169 : i32
      %rem3A_171 = arith.constant 4 : i32
      %rem3A_172 = arith.remsi %add3A_170, %rem3A_171 : i32
      %dma_wait3A_173 = arith.constant 0 : i32
      %dma_wait3A_174 = arith.constant 1 : i32
      %dma_wait3A_175 = arith.constant 0 : i32
      %dma_wait3A_176 = arith.constant 0 : i32
      %dma_wait3A_177 = tpu.memref_slice %arg6[%dma_wait3A_174, %dma_wait3A_175, %dma_wait3A_176] : memref<2x128x128xf32, #tpu.memory_space<vmem>> -> memref<1x128x128xf32, #tpu.memory_space<vmem>>
      %dma_wait3A_178 = tpu.memref_squeeze %dma_wait3A_177 : memref<1x128x128xf32, #tpu.memory_space<vmem>> -> memref<128x128xf32, #tpu.memory_space<vmem>>
      %dma_wait3A_179 = arith.constant 0 : i32
      %dma_wait3A_180 = tpu.memref_slice %arg5[%rem3A_172, %dma_wait3A_173, %dma_wait3A_179] : memref<4x2x128xi32, #tpu.memory_space<vmem>> -> memref<1x1x128xi32, #tpu.memory_space<vmem>>
      %dma_wait3A_181 = tpu.memref_squeeze %dma_wait3A_180 : memref<1x1x128xi32, #tpu.memory_space<vmem>> -> memref<128xi32, #tpu.memory_space<vmem>>
      %dma_wait3A_182 = arith.constant 0 : i32
      %dma_wait3A_183 = arith.constant 0 : i32
      %dma_wait3A_184 = tpu.memref_slice %arg2[%dma_wait3A_182, %dma_wait3A_183] : memref<10000x128xf32, #tpu.memory_space<hbm>> -> memref<10000x128xf32, #tpu.memory_space<hbm>>
      tpu.wait_indirect_dma semaphore(%arg9 : memref<!tpu.dma_semaphore, #tpu.memory_space<semaphore_mem>>) src(%dma_wait3A_184 : memref<10000x128xf32, #tpu.memory_space<hbm>>) dst(%dma_wait3A_178 : memref<128x128xf32, #tpu.memory_space<vmem>>)
      %run_scoped3A_185 = arith.constant 1 : i32
      %run_scoped3A_186 = arith.constant 1 : i32
      "tpu.region"() ({
        %run_scoped3A_200 = tpu.sem_alloc : memref<!tpu.dma_semaphore, #tpu.memory_space<semaphore_mem>>
        %dma_start3A_201 = arith.constant 0 : i32
        %dma_start3A_202 = arith.constant 0 : i32
        %dma_start3A_203 = tpu.memref_slice %arg6[%run_scoped3A_185, %dma_start3A_201, %dma_start3A_202] : memref<2x128x128xf32, #tpu.memory_space<vmem>> -> memref<1x128x128xf32, #tpu.memory_space<vmem>>
        %dma_start3A_204 = tpu.memref_squeeze %dma_start3A_203 : memref<1x128x128xf32, #tpu.memory_space<vmem>> -> memref<128x128xf32, #tpu.memory_space<vmem>>
        %dma_start3A_205 = arith.constant 0 : i32
        %dma_start3A_206 = tpu.memref_slice %arg5[%rem3A_172, %run_scoped3A_186, %dma_start3A_205] : memref<4x2x128xi32, #tpu.memory_space<vmem>> -> memref<1x1x128xi32, #tpu.memory_space<vmem>>
        %dma_start3A_207 = tpu.memref_squeeze %dma_start3A_206 : memref<1x1x128xi32, #tpu.memory_space<vmem>> -> memref<128xi32, #tpu.memory_space<vmem>>
        %dma_start3A_208 = arith.constant 0 : i32
        %dma_start3A_209 = arith.constant 0 : i32
        %dma_start3A_210 = tpu.memref_slice %arg7[%dma_start3A_208, %dma_start3A_209] : memref<10240x128xf32, #tpu.memory_space<vmem_shared>> -> memref<10240x128xf32, #tpu.memory_space<vmem_shared>>
        tpu.enqueue_indirect_dma source(%dma_start3A_204 : memref<128x128xf32, #tpu.memory_space<vmem>>) target(%dma_start3A_210 : memref<10240x128xf32, #tpu.memory_space<vmem_shared>>) offsets(%dma_start3A_207 : memref<128xi32, #tpu.memory_space<vmem>>) semaphore(%run_scoped3A_200 : memref<!tpu.dma_semaphore, #tpu.memory_space<semaphore_mem>>) {add = true}
        %dma_wait3A_211 = arith.constant 0 : i32
        %dma_wait3A_212 = arith.constant 0 : i32
        %dma_wait3A_213 = tpu.memref_slice %arg6[%run_scoped3A_185, %dma_wait3A_211, %dma_wait3A_212] : memref<2x128x128xf32, #tpu.memory_space<vmem>> -> memref<1x128x128xf32, #tpu.memory_space<vmem>>
        %dma_wait3A_214 = tpu.memref_squeeze %dma_wait3A_213 : memref<1x128x128xf32, #tpu.memory_space<vmem>> -> memref<128x128xf32, #tpu.memory_space<vmem>>
        %dma_wait3A_215 = arith.constant 0 : i32
        %dma_wait3A_216 = tpu.memref_slice %arg5[%rem3A_172, %run_scoped3A_186, %dma_wait3A_215] : memref<4x2x128xi32, #tpu.memory_space<vmem>> -> memref<1x1x128xi32, #tpu.memory_space<vmem>>
        %dma_wait3A_217 = tpu.memref_squeeze %dma_wait3A_216 : memref<1x1x128xi32, #tpu.memory_space<vmem>> -> memref<128xi32, #tpu.memory_space<vmem>>
        %dma_wait3A_218 = arith.constant 0 : i32
        %dma_wait3A_219 = arith.constant 0 : i32
        %dma_wait3A_220 = tpu.memref_slice %arg7[%dma_wait3A_218, %dma_wait3A_219] : memref<10240x128xf32, #tpu.memory_space<vmem_shared>> -> memref<10240x128xf32, #tpu.memory_space<vmem_shared>>
        tpu.wait_indirect_dma semaphore(%run_scoped3A_200 : memref<!tpu.dma_semaphore, #tpu.memory_space<semaphore_mem>>) src(%dma_wait3A_214 : memref<128x128xf32, #tpu.memory_space<vmem>>) dst(%dma_wait3A_220 : memref<10240x128xf32, #tpu.memory_space<vmem_shared>>)
        tpu.yield
      }) : () -> ()
      %sub3A_187 = arith.constant 2 : i32
      %sub3A_188 = arith.subi %select_n3A, %sub3A_187 : i32
      %lt3A_189 = arith.cmpi slt, %add3A_170, %sub3A_188 : i32
      %convert_element_type3A_190 = arith.extui %lt3A_189 : i1 to i32
      %cond3A_191 = arith.constant 1 : i32
      %cond3A_192 = arith.constant 0 : i32
      %cond3A_193 = arith.cmpi ne, %convert_element_type3A_190, %cond3A_192 : i32
      scf.if %cond3A_193 {
        %add3A_200 = arith.constant 2 : i32
        %add3A_201 = arith.addi %add3A_170, %add3A_200 : i32
        %rem3A_202 = arith.constant 4 : i32
        %rem3A_203 = arith.remsi %add3A_201, %rem3A_202 : i32
        %dma_wait3A_204 = arith.constant 0 : i32
        %dma_wait3A_205 = arith.constant 0 : i32
        %dma_wait3A_206 = arith.constant 0 : i32
        %dma_wait3A_207 = tpu.memref_slice %arg5[%rem3A_203, %dma_wait3A_205, %dma_wait3A_206] : memref<4x2x128xi32, #tpu.memory_space<vmem>> -> memref<1x2x128xi32, #tpu.memory_space<vmem>>
        %dma_wait3A_208 = tpu.memref_squeeze %dma_wait3A_207 : memref<1x2x128xi32, #tpu.memory_space<vmem>> -> memref<2x128xi32, #tpu.memory_space<vmem>>
        %dma_wait3A_209 = arith.constant 0 : i32
        %dma_wait3A_210 = arith.constant 0 : i32
        %dma_wait3A_211 = tpu.memref_slice %arg3[%add3A, %dma_wait3A_204, %dma_wait3A_209, %dma_wait3A_210] : memref<32x96x2x128xi32, #tpu.memory_space<hbm>> -> memref<1x1x2x128xi32, #tpu.memory_space<hbm>>
        %dma_wait3A_212 = tpu.memref_squeeze %dma_wait3A_211 : memref<1x1x2x128xi32, #tpu.memory_space<hbm>> -> memref<2x128xi32, #tpu.memory_space<hbm>>
        %dma_wait3A_213 = arith.constant 0 : i32
        %dma_wait3A_214 = arith.constant 0 : i32
        %dma_wait3A_215 = tpu.memref_slice %arg5[%rem3A_203, %dma_wait3A_213, %dma_wait3A_214] : memref<4x2x128xi32, #tpu.memory_space<vmem>> -> memref<1x2x128xi32, #tpu.memory_space<vmem>>
        %dma_wait3A_216 = tpu.memref_squeeze %dma_wait3A_215 : memref<1x2x128xi32, #tpu.memory_space<vmem>> -> memref<2x128xi32, #tpu.memory_space<vmem>>
        %dma_wait3A_217 = arith.constant 0 : i32
        %dma_wait3A_218 = arith.constant 0 : i32
        %dma_wait3A_219 = tpu.memref_slice %arg3[%add3A, %dma_wait3A_204, %dma_wait3A_217, %dma_wait3A_218] : memref<32x96x2x128xi32, #tpu.memory_space<hbm>> -> memref<1x1x2x128xi32, #tpu.memory_space<hbm>>
        %dma_wait3A_220 = tpu.memref_squeeze %dma_wait3A_219 : memref<1x1x2x128xi32, #tpu.memory_space<hbm>> -> memref<2x128xi32, #tpu.memory_space<hbm>>
        tpu.wait_dma2 semaphore(%arg11 : memref<!tpu.dma_semaphore, #tpu.memory_space<semaphore_mem>>) src(%dma_wait3A_220 : memref<2x128xi32, #tpu.memory_space<hbm>>) dst(%dma_wait3A_216 : memref<2x128xi32, #tpu.memory_space<vmem>>)
        %dma_start3A_221 = arith.constant 0 : i32
        %dma_start3A_222 = arith.constant 0 : i32
        %dma_start3A_223 = arith.constant 0 : i32
        %dma_start3A_224 = tpu.memref_slice %arg6[%cond3A_191, %dma_start3A_222, %dma_start3A_223] : memref<2x128x128xf32, #tpu.memory_space<vmem>> -> memref<1x128x128xf32, #tpu.memory_space<vmem>>
        %dma_start3A_225 = tpu.memref_squeeze %dma_start3A_224 : memref<1x128x128xf32, #tpu.memory_space<vmem>> -> memref<128x128xf32, #tpu.memory_space<vmem>>
        %dma_start3A_226 = arith.constant 0 : i32
        %dma_start3A_227 = tpu.memref_slice %arg5[%rem3A_203, %dma_start3A_221, %dma_start3A_226] : memref<4x2x128xi32, #tpu.memory_space<vmem>> -> memref<1x1x128xi32, #tpu.memory_space<vmem>>
        %dma_start3A_228 = tpu.memref_squeeze %dma_start3A_227 : memref<1x1x128xi32, #tpu.memory_space<vmem>> -> memref<128xi32, #tpu.memory_space<vmem>>
        %dma_start3A_229 = arith.constant 0 : i32
        %dma_start3A_230 = arith.constant 0 : i32
        %dma_start3A_231 = tpu.memref_slice %arg2[%dma_start3A_229, %dma_start3A_230] : memref<10000x128xf32, #tpu.memory_space<hbm>> -> memref<10000x128xf32, #tpu.memory_space<hbm>>
        tpu.enqueue_indirect_dma source(%dma_start3A_231 : memref<10000x128xf32, #tpu.memory_space<hbm>>) target(%dma_start3A_225 : memref<128x128xf32, #tpu.memory_space<vmem>>) offsets(%dma_start3A_228 : memref<128xi32, #tpu.memory_space<vmem>>) semaphore(%arg9 : memref<!tpu.dma_semaphore, #tpu.memory_space<semaphore_mem>>)
      } else {
      }
      %sub3A_194 = arith.constant 4 : i32
      %sub3A_195 = arith.subi %select_n3A, %sub3A_194 : i32
      %lt3A_196 = arith.cmpi slt, %add3A_170, %sub3A_195 : i32
      %convert_element_type3A_197 = arith.extui %lt3A_196 : i1 to i32
      %cond3A_198 = arith.constant 0 : i32
      %cond3A_199 = arith.cmpi ne, %convert_element_type3A_197, %cond3A_198 : i32
      scf.if %cond3A_199 {
        %add3A_200 = arith.constant 4 : i32
        %add3A_201 = arith.addi %add3A_170, %add3A_200 : i32
        %dma_start3A_202 = arith.constant 0 : i32
        %dma_start3A_203 = arith.constant 0 : i32
        %dma_start3A_204 = tpu.memref_slice %arg5[%rem3A_172, %dma_start3A_202, %dma_start3A_203] : memref<4x2x128xi32, #tpu.memory_space<vmem>> -> memref<1x2x128xi32, #tpu.memory_space<vmem>>
        %dma_start3A_205 = tpu.memref_squeeze %dma_start3A_204 : memref<1x2x128xi32, #tpu.memory_space<vmem>> -> memref<2x128xi32, #tpu.memory_space<vmem>>
        %dma_start3A_206 = arith.constant 0 : i32
        %dma_start3A_207 = arith.constant 0 : i32
        %dma_start3A_208 = tpu.memref_slice %arg3[%add3A, %add3A_201, %dma_start3A_206, %dma_start3A_207] : memref<32x96x2x128xi32, #tpu.memory_space<hbm>> -> memref<1x1x2x128xi32, #tpu.memory_space<hbm>>
        %dma_start3A_209 = tpu.memref_squeeze %dma_start3A_208 : memref<1x1x2x128xi32, #tpu.memory_space<hbm>> -> memref<2x128xi32, #tpu.memory_space<hbm>>
        %dma_start3A_210 = arith.constant 0 : i32
        %dma_start3A_211 = arith.constant 0 : i32
        %dma_start3A_212 = tpu.memref_slice %arg5[%rem3A_172, %dma_start3A_210, %dma_start3A_211] : memref<4x2x128xi32, #tpu.memory_space<vmem>> -> memref<1x2x128xi32, #tpu.memory_space<vmem>>
        %dma_start3A_213 = tpu.memref_squeeze %dma_start3A_212 : memref<1x2x128xi32, #tpu.memory_space<vmem>> -> memref<2x128xi32, #tpu.memory_space<vmem>>
        %dma_start3A_214 = arith.constant 0 : i32
        %dma_start3A_215 = arith.constant 0 : i32
        %dma_start3A_216 = tpu.memref_slice %arg3[%add3A, %add3A_201, %dma_start3A_214, %dma_start3A_215] : memref<32x96x2x128xi32, #tpu.memory_space<hbm>> -> memref<1x1x2x128xi32, #tpu.memory_space<hbm>>
        %dma_start3A_217 = tpu.memref_squeeze %dma_start3A_216 : memref<1x1x2x128xi32, #tpu.memory_space<hbm>> -> memref<2x128xi32, #tpu.memory_space<hbm>>
        tpu.enqueue_dma source(%dma_start3A_217 : memref<2x128xi32, #tpu.memory_space<hbm>>) target(%dma_start3A_213 : memref<2x128xi32, #tpu.memory_space<vmem>>) target_semaphore(%arg11 : memref<!tpu.dma_semaphore, #tpu.memory_space<semaphore_mem>>)
      } else {
      }
    }
    %barrier3A_134 = arith.constant 0 : index
    tpu.barrier barrier_id(%barrier3A_134)
    %mul3A_135 = arith.constant 640 : i32
    %mul3A_136 = arith.muli %arg1, %mul3A_135 : i32
    %mul3A_137 = arith.constant 640 : i32
    %mul3A_138 = arith.muli %arg1, %mul3A_137 : i32
    "tpu.region"() ({
      %run_scoped3A_139 = tpu.sem_alloc : memref<!tpu.dma_semaphore, #tpu.memory_space<semaphore_mem>>
      %dma_start3A_140 = arith.constant 0 : i32
      %dma_start3A_141 = tpu.memref_slice %arg4[%arg0, %mul3A_138, %dma_start3A_140] : memref<2x10240x128xf32, #tpu.memory_space<hbm>> -> memref<1x640x128xf32, #tpu.memory_space<hbm>>
      %dma_start3A_142 = tpu.memref_squeeze %dma_start3A_141 : memref<1x640x128xf32, #tpu.memory_space<hbm>> -> memref<640x128xf32, #tpu.memory_space<hbm>>
      %dma_start3A_143 = arith.constant 0 : i32
      %dma_start3A_144 = tpu.memref_slice %arg7[%mul3A_136, %dma_start3A_143] : memref<10240x128xf32, #tpu.memory_space<vmem_shared>> -> memref<640x128xf32, #tpu.memory_space<vmem_shared>>
      tpu.enqueue_dma source(%dma_start3A_144 : memref<640x128xf32, #tpu.memory_space<vmem_shared>>) target(%dma_start3A_142 : memref<640x128xf32, #tpu.memory_space<hbm>>) target_semaphore(%run_scoped3A_139 : memref<!tpu.dma_semaphore, #tpu.memory_space<semaphore_mem>>)
      %dma_wait3A = arith.constant 0 : i32
      %dma_wait3A_145 = tpu.memref_slice %arg4[%arg0, %mul3A_138, %dma_wait3A] : memref<2x10240x128xf32, #tpu.memory_space<hbm>> -> memref<1x640x128xf32, #tpu.memory_space<hbm>>
      %dma_wait3A_146 = tpu.memref_squeeze %dma_wait3A_145 : memref<1x640x128xf32, #tpu.memory_space<hbm>> -> memref<640x128xf32, #tpu.memory_space<hbm>>
      %dma_wait3A_147 = arith.constant 0 : i32
      %dma_wait3A_148 = tpu.memref_slice %arg7[%mul3A_136, %dma_wait3A_147] : memref<10240x128xf32, #tpu.memory_space<vmem_shared>> -> memref<640x128xf32, #tpu.memory_space<vmem_shared>>
      tpu.wait_dma2 semaphore(%run_scoped3A_139 : memref<!tpu.dma_semaphore, #tpu.memory_space<semaphore_mem>>) src(%dma_wait3A_148 : memref<640x128xf32, #tpu.memory_space<vmem_shared>>) dst(%dma_wait3A_146 : memref<640x128xf32, #tpu.memory_space<hbm>>)
      tpu.yield
    }) : () -> ()
    return
  }
}

#map = affine_map<(d0, d1) -> (0, 0)>
#map1 = affine_map<(d0, d1) -> (0, 0, 0, 0)>
#map2 = affine_map<(d0, d1) -> (0, 0, 0)>
module attributes {stable_mosaic.version = 14 : i64} {
  func.func @_sc_scatter_body(%arg0: i32, %arg1: i32, %arg2: memref<10000x128xf32, #tpu.memory_space<hbm>>, %arg3: memref<32x96x2x128xi32, #tpu.memory_space<hbm>>, %arg4: memref<2x10240x128xf32, #tpu.memory_space<hbm>>, %arg5: memref<4x2x128xi32, #tpu.memory_space<vmem>>, %arg6: memref<2x128x128xf32, #tpu.memory_space<vmem>>, %arg7: memref<10240x128xf32, #tpu.memory_space<vmem_shared>>, %arg8: memref<!tpu.dma_semaphore, #tpu.memory_space<semaphore_mem>>, %arg9: memref<!tpu.dma_semaphore, #tpu.memory_space<semaphore_mem>>, %arg10: memref<!tpu.dma_semaphore, #tpu.memory_space<semaphore_mem>>, %arg11: memref<!tpu.dma_semaphore, #tpu.memory_space<semaphore_mem>>) attributes {dimension_semantics = [#tpu.dimension_semantics<core_parallel>, #tpu.dimension_semantics<subcore_parallel>], iteration_bounds = array<i64: 2, 16>, scalar_prefetch = 0 : i64, scratch_operands = 7 : i64, tpu.core_type = #tpu.core_type<sc_vector_subcore>, window_params = [{transform_indices = #map}, {transform_indices = #map1}, {transform_indices = #map2}]} {
    %mul3A = arith.constant 2 : i32
    %mul3A_0 = arith.muli %arg1, %mul3A : i32
    %add3A = arith.addi %mul3A_0, %arg0 : i32
    %scan3A = arith.constant 0 : i32
    %scan3A_1 = arith.constant 0 : i32
    %scan3A_2 = arith.constant 128 : i32
    %scan3A_3 = arith.addi %scan3A_1, %scan3A_2 : i32
    %scan3A_4 = arith.constant 1 : i32
    scf.for %scan3A_139 = %scan3A_1 to %scan3A_3 step %scan3A_4  : i32 {
      %broadcast_in_dim3A = arith.constant 0.000000e+00 : f32
      %broadcast_in_dim3A_140 = vector.broadcast %broadcast_in_dim3A : f32 to vector<16xf32>
      %swap3A = arith.constant 0 : i32
      %swap3A_141 = arith.index_cast %swap3A : i32 to index
      %swap3A_142 = arith.index_cast %scan3A_139 : i32 to index
      %swap3A_143 = arith.constant 0 : index
      %swap3A_144 = tpu.vector_load %arg6[%swap3A_141, %swap3A_142, %swap3A_143] {strides = array<i32>} : memref<2x128x128xf32, #tpu.memory_space<vmem>>, vector<1x1x16xf32>,
      %swap3A_145 = vector.shape_cast %swap3A_144 : vector<1x1x16xf32> to vector<16xf32>
      %swap3A_146 = vector.shape_cast %broadcast_in_dim3A_140 : vector<16xf32> to vector<1x1x16xf32>
      tpu.vector_store %arg6[%swap3A_141, %swap3A_142, %swap3A_143], %swap3A_146 {strides = array<i32>} : memref<2x128x128xf32, #tpu.memory_space<vmem>>, vector<1x1x16xf32>,
      %broadcast_in_dim3A_147 = arith.constant 0.000000e+00 : f32
      %broadcast_in_dim3A_148 = vector.broadcast %broadcast_in_dim3A_147 : f32 to vector<16xf32>
      %swap3A_149 = arith.constant 0 : i32
      %swap3A_150 = arith.index_cast %swap3A_149 : i32 to index
      %swap3A_151 = arith.index_cast %scan3A_139 : i32 to index
      %swap3A_152 = arith.constant 16 : index
      %swap3A_153 = tpu.vector_load %arg6[%swap3A_150, %swap3A_151, %swap3A_152] {strides = array<i32>} : memref<2x128x128xf32, #tpu.memory_space<vmem>>, vector<1x1x16xf32>,
      %swap3A_154 = vector.shape_cast %swap3A_153 : vector<1x1x16xf32> to vector<16xf32>
      %swap3A_155 = vector.shape_cast %broadcast_in_dim3A_148 : vector<16xf32> to vector<1x1x16xf32>
      tpu.vector_store %arg6[%swap3A_150, %swap3A_151, %swap3A_152], %swap3A_155 {strides = array<i32>} : memref<2x128x128xf32, #tpu.memory_space<vmem>>, vector<1x1x16xf32>,
      %broadcast_in_dim3A_156 = arith.constant 0.000000e+00 : f32
      %broadcast_in_dim3A_157 = vector.broadcast %broadcast_in_dim3A_156 : f32 to vector<16xf32>
      %swap3A_158 = arith.constant 0 : i32
      %swap3A_159 = arith.index_cast %swap3A_158 : i32 to index
      %swap3A_160 = arith.index_cast %scan3A_139 : i32 to index
      %swap3A_161 = arith.constant 32 : index
      %swap3A_162 = tpu.vector_load %arg6[%swap3A_159, %swap3A_160, %swap3A_161] {strides = array<i32>} : memref<2x128x128xf32, #tpu.memory_space<vmem>>, vector<1x1x16xf32>,
      %swap3A_163 = vector.shape_cast %swap3A_162 : vector<1x1x16xf32> to vector<16xf32>
      %swap3A_164 = vector.shape_cast %broadcast_in_dim3A_157 : vector<16xf32> to vector<1x1x16xf32>
      tpu.vector_store %arg6[%swap3A_159, %swap3A_160, %swap3A_161], %swap3A_164 {strides = array<i32>} : memref<2x128x128xf32, #tpu.memory_space<vmem>>, vector<1x1x16xf32>,
      %broadcast_in_dim3A_165 = arith.constant 0.000000e+00 : f32
      %broadcast_in_dim3A_166 = vector.broadcast %broadcast_in_dim3A_165 : f32 to vector<16xf32>
      %swap3A_167 = arith.constant 0 : i32
      %swap3A_168 = arith.index_cast %swap3A_167 : i32 to index
      %swap3A_169 = arith.index_cast %scan3A_139 : i32 to index
      %swap3A_170 = arith.constant 48 : index
      %swap3A_171 = tpu.vector_load %arg6[%swap3A_168, %swap3A_169, %swap3A_170] {strides = array<i32>} : memref<2x128x128xf32, #tpu.memory_space<vmem>>, vector<1x1x16xf32>,
      %swap3A_172 = vector.shape_cast %swap3A_171 : vector<1x1x16xf32> to vector<16xf32>
      %swap3A_173 = vector.shape_cast %broadcast_in_dim3A_166 : vector<16xf32> to vector<1x1x16xf32>
      tpu.vector_store %arg6[%swap3A_168, %swap3A_169, %swap3A_170], %swap3A_173 {strides = array<i32>} : memref<2x128x128xf32, #tpu.memory_space<vmem>>, vector<1x1x16xf32>,
      %broadcast_in_dim3A_174 = arith.constant 0.000000e+00 : f32
      %broadcast_in_dim3A_175 = vector.broadcast %broadcast_in_dim3A_174 : f32 to vector<16xf32>
      %swap3A_176 = arith.constant 0 : i32
      %swap3A_177 = arith.index_cast %swap3A_176 : i32 to index
      %swap3A_178 = arith.index_cast %scan3A_139 : i32 to index
      %swap3A_179 = arith.constant 64 : index
      %swap3A_180 = tpu.vector_load %arg6[%swap3A_177, %swap3A_178, %swap3A_179] {strides = array<i32>} : memref<2x128x128xf32, #tpu.memory_space<vmem>>, vector<1x1x16xf32>,
      %swap3A_181 = vector.shape_cast %swap3A_180 : vector<1x1x16xf32> to vector<16xf32>
      %swap3A_182 = vector.shape_cast %broadcast_in_dim3A_175 : vector<16xf32> to vector<1x1x16xf32>
      tpu.vector_store %arg6[%swap3A_177, %swap3A_178, %swap3A_179], %swap3A_182 {strides = array<i32>} : memref<2x128x128xf32, #tpu.memory_space<vmem>>, vector<1x1x16xf32>,
      %broadcast_in_dim3A_183 = arith.constant 0.000000e+00 : f32
      %broadcast_in_dim3A_184 = vector.broadcast %broadcast_in_dim3A_183 : f32 to vector<16xf32>
      %swap3A_185 = arith.constant 0 : i32
      %swap3A_186 = arith.index_cast %swap3A_185 : i32 to index
      %swap3A_187 = arith.index_cast %scan3A_139 : i32 to index
      %swap3A_188 = arith.constant 80 : index
      %swap3A_189 = tpu.vector_load %arg6[%swap3A_186, %swap3A_187, %swap3A_188] {strides = array<i32>} : memref<2x128x128xf32, #tpu.memory_space<vmem>>, vector<1x1x16xf32>,
      %swap3A_190 = vector.shape_cast %swap3A_189 : vector<1x1x16xf32> to vector<16xf32>
      %swap3A_191 = vector.shape_cast %broadcast_in_dim3A_184 : vector<16xf32> to vector<1x1x16xf32>
      tpu.vector_store %arg6[%swap3A_186, %swap3A_187, %swap3A_188], %swap3A_191 {strides = array<i32>} : memref<2x128x128xf32, #tpu.memory_space<vmem>>, vector<1x1x16xf32>,
      %broadcast_in_dim3A_192 = arith.constant 0.000000e+00 : f32
      %broadcast_in_dim3A_193 = vector.broadcast %broadcast_in_dim3A_192 : f32 to vector<16xf32>
      %swap3A_194 = arith.constant 0 : i32
      %swap3A_195 = arith.index_cast %swap3A_194 : i32 to index
      %swap3A_196 = arith.index_cast %scan3A_139 : i32 to index
      %swap3A_197 = arith.constant 96 : index
      %swap3A_198 = tpu.vector_load %arg6[%swap3A_195, %swap3A_196, %swap3A_197] {strides = array<i32>} : memref<2x128x128xf32, #tpu.memory_space<vmem>>, vector<1x1x16xf32>,
      %swap3A_199 = vector.shape_cast %swap3A_198 : vector<1x1x16xf32> to vector<16xf32>
      %swap3A_200 = vector.shape_cast %broadcast_in_dim3A_193 : vector<16xf32> to vector<1x1x16xf32>
      tpu.vector_store %arg6[%swap3A_195, %swap3A_196, %swap3A_197], %swap3A_200 {strides = array<i32>} : memref<2x128x128xf32, #tpu.memory_space<vmem>>, vector<1x1x16xf32>,
      %broadcast_in_dim3A_201 = arith.constant 0.000000e+00 : f32
      %broadcast_in_dim3A_202 = vector.broadcast %broadcast_in_dim3A_201 : f32 to vector<16xf32>
      %swap3A_203 = arith.constant 0 : i32
      %swap3A_204 = arith.index_cast %swap3A_203 : i32 to index
      %swap3A_205 = arith.index_cast %scan3A_139 : i32 to index
      %swap3A_206 = arith.constant 112 : index
      %swap3A_207 = tpu.vector_load %arg6[%swap3A_204, %swap3A_205, %swap3A_206] {strides = array<i32>} : memref<2x128x128xf32, #tpu.memory_space<vmem>>, vector<1x1x16xf32>,
      %swap3A_208 = vector.shape_cast %swap3A_207 : vector<1x1x16xf32> to vector<16xf32>
      %swap3A_209 = vector.shape_cast %broadcast_in_dim3A_202 : vector<16xf32> to vector<1x1x16xf32>
      tpu.vector_store %arg6[%swap3A_204, %swap3A_205, %swap3A_206], %swap3A_209 {strides = array<i32>} : memref<2x128x128xf32, #tpu.memory_space<vmem>>, vector<1x1x16xf32>,
    }
    %scan3A_5 = arith.constant 128 : i32
    %mul3A_6 = arith.constant 5 : i32
    %mul3A_7 = arith.muli %arg1, %mul3A_6 : i32
    %add3A_8 = arith.constant 0 : i32
    %add3A_9 = arith.addi %mul3A_7, %add3A_8 : i32
    %mul3A_10 = arith.constant 128 : i32
    %mul3A_11 = arith.muli %add3A_9, %mul3A_10 : i32
    %run_scoped3A = arith.constant 0 : i32
    "tpu.region"() ({
      %run_scoped3A_139 = tpu.sem_alloc : memref<!tpu.dma_semaphore, #tpu.memory_space<semaphore_mem>>
      %dma_start3A_140 = arith.constant 0 : i32
      %dma_start3A_141 = arith.constant 0 : i32
      %dma_start3A_142 = tpu.memref_slice %arg6[%run_scoped3A, %dma_start3A_140, %dma_start3A_141] : memref<2x128x128xf32, #tpu.memory_space<vmem>> -> memref<1x128x128xf32, #tpu.memory_space<vmem>>
      %dma_start3A_143 = tpu.memref_squeeze %dma_start3A_142 : memref<1x128x128xf32, #tpu.memory_space<vmem>> -> memref<128x128xf32, #tpu.memory_space<vmem>>
      %dma_start3A_144 = arith.constant 0 : i32
      %dma_start3A_145 = tpu.memref_slice %arg7[%mul3A_11, %dma_start3A_144] : memref<10240x128xf32, #tpu.memory_space<vmem_shared>> -> memref<128x128xf32, #tpu.memory_space<vmem_shared>>
      %dma_start3A_146 = arith.constant 0 : i32
      %dma_start3A_147 = tpu.memref_slice %arg7[%mul3A_11, %dma_start3A_146] : memref<10240x128xf32, #tpu.memory_space<vmem_shared>> -> memref<128x128xf32, #tpu.memory_space<vmem_shared>>
      %dma_start3A_148 = arith.constant 0 : i32
      %dma_start3A_149 = arith.constant 0 : i32
      %dma_start3A_150 = tpu.memref_slice %arg6[%run_scoped3A, %dma_start3A_148, %dma_start3A_149] : memref<2x128x128xf32, #tpu.memory_space<vmem>> -> memref<1x128x128xf32, #tpu.memory_space<vmem>>
      %dma_start3A_151 = tpu.memref_squeeze %dma_start3A_150 : memref<1x128x128xf32, #tpu.memory_space<vmem>> -> memref<128x128xf32, #tpu.memory_space<vmem>>
      tpu.enqueue_dma source(%dma_start3A_151 : memref<128x128xf32, #tpu.memory_space<vmem>>) target(%dma_start3A_147 : memref<128x128xf32, #tpu.memory_space<vmem_shared>>) target_semaphore(%run_scoped3A_139 : memref<!tpu.dma_semaphore, #tpu.memory_space<semaphore_mem>>)
      %dma_wait3A = arith.constant 0 : i32
      %dma_wait3A_152 = arith.constant 0 : i32
      %dma_wait3A_153 = tpu.memref_slice %arg6[%run_scoped3A, %dma_wait3A, %dma_wait3A_152] : memref<2x128x128xf32, #tpu.memory_space<vmem>> -> memref<1x128x128xf32, #tpu.memory_space<vmem>>
      %dma_wait3A_154 = tpu.memref_squeeze %dma_wait3A_153 : memref<1x128x128xf32, #tpu.memory_space<vmem>> -> memref<128x128xf32, #tpu.memory_space<vmem>>
      %dma_wait3A_155 = arith.constant 0 : i32
      %dma_wait3A_156 = tpu.memref_slice %arg7[%mul3A_11, %dma_wait3A_155] : memref<10240x128xf32, #tpu.memory_space<vmem_shared>> -> memref<128x128xf32, #tpu.memory_space<vmem_shared>>
      %dma_wait3A_157 = arith.constant 0 : i32
      %dma_wait3A_158 = tpu.memref_slice %arg7[%mul3A_11, %dma_wait3A_157] : memref<10240x128xf32, #tpu.memory_space<vmem_shared>> -> memref<128x128xf32, #tpu.memory_space<vmem_shared>>
      %dma_wait3A_159 = arith.constant 0 : i32
      %dma_wait3A_160 = arith.constant 0 : i32
      %dma_wait3A_161 = tpu.memref_slice %arg6[%run_scoped3A, %dma_wait3A_159, %dma_wait3A_160] : memref<2x128x128xf32, #tpu.memory_space<vmem>> -> memref<1x128x128xf32, #tpu.memory_space<vmem>>
      %dma_wait3A_162 = tpu.memref_squeeze %dma_wait3A_161 : memref<1x128x128xf32, #tpu.memory_space<vmem>> -> memref<128x128xf32, #tpu.memory_space<vmem>>
      tpu.wait_dma2 semaphore(%run_scoped3A_139 : memref<!tpu.dma_semaphore, #tpu.memory_space<semaphore_mem>>) src(%dma_wait3A_162 : memref<128x128xf32, #tpu.memory_space<vmem>>) dst(%dma_wait3A_158 : memref<128x128xf32, #tpu.memory_space<vmem_shared>>)
      tpu.yield
    }) : () -> ()
    %mul3A_12 = arith.constant 5 : i32
    %mul3A_13 = arith.muli %arg1, %mul3A_12 : i32
    %add3A_14 = arith.constant 1 : i32
    %add3A_15 = arith.addi %mul3A_13, %add3A_14 : i32
    %mul3A_16 = arith.constant 128 : i32
    %mul3A_17 = arith.muli %add3A_15, %mul3A_16 : i32
    %run_scoped3A_18 = arith.constant 0 : i32
    "tpu.region"() ({
      %run_scoped3A_139 = tpu.sem_alloc : memref<!tpu.dma_semaphore, #tpu.memory_space<semaphore_mem>>
      %dma_start3A_140 = arith.constant 0 : i32
      %dma_start3A_141 = arith.constant 0 : i32
      %dma_start3A_142 = tpu.memref_slice %arg6[%run_scoped3A_18, %dma_start3A_140, %dma_start3A_141] : memref<2x128x128xf32, #tpu.memory_space<vmem>> -> memref<1x128x128xf32, #tpu.memory_space<vmem>>
      %dma_start3A_143 = tpu.memref_squeeze %dma_start3A_142 : memref<1x128x128xf32, #tpu.memory_space<vmem>> -> memref<128x128xf32, #tpu.memory_space<vmem>>
      %dma_start3A_144 = arith.constant 0 : i32
      %dma_start3A_145 = tpu.memref_slice %arg7[%mul3A_17, %dma_start3A_144] : memref<10240x128xf32, #tpu.memory_space<vmem_shared>> -> memref<128x128xf32, #tpu.memory_space<vmem_shared>>
      %dma_start3A_146 = arith.constant 0 : i32
      %dma_start3A_147 = tpu.memref_slice %arg7[%mul3A_17, %dma_start3A_146] : memref<10240x128xf32, #tpu.memory_space<vmem_shared>> -> memref<128x128xf32, #tpu.memory_space<vmem_shared>>
      %dma_start3A_148 = arith.constant 0 : i32
      %dma_start3A_149 = arith.constant 0 : i32
      %dma_start3A_150 = tpu.memref_slice %arg6[%run_scoped3A_18, %dma_start3A_148, %dma_start3A_149] : memref<2x128x128xf32, #tpu.memory_space<vmem>> -> memref<1x128x128xf32, #tpu.memory_space<vmem>>
      %dma_start3A_151 = tpu.memref_squeeze %dma_start3A_150 : memref<1x128x128xf32, #tpu.memory_space<vmem>> -> memref<128x128xf32, #tpu.memory_space<vmem>>
      tpu.enqueue_dma source(%dma_start3A_151 : memref<128x128xf32, #tpu.memory_space<vmem>>) target(%dma_start3A_147 : memref<128x128xf32, #tpu.memory_space<vmem_shared>>) target_semaphore(%run_scoped3A_139 : memref<!tpu.dma_semaphore, #tpu.memory_space<semaphore_mem>>)
      %dma_wait3A = arith.constant 0 : i32
      %dma_wait3A_152 = arith.constant 0 : i32
      %dma_wait3A_153 = tpu.memref_slice %arg6[%run_scoped3A_18, %dma_wait3A, %dma_wait3A_152] : memref<2x128x128xf32, #tpu.memory_space<vmem>> -> memref<1x128x128xf32, #tpu.memory_space<vmem>>
      %dma_wait3A_154 = tpu.memref_squeeze %dma_wait3A_153 : memref<1x128x128xf32, #tpu.memory_space<vmem>> -> memref<128x128xf32, #tpu.memory_space<vmem>>
      %dma_wait3A_155 = arith.constant 0 : i32
      %dma_wait3A_156 = tpu.memref_slice %arg7[%mul3A_17, %dma_wait3A_155] : memref<10240x128xf32, #tpu.memory_space<vmem_shared>> -> memref<128x128xf32, #tpu.memory_space<vmem_shared>>
      %dma_wait3A_157 = arith.constant 0 : i32
      %dma_wait3A_158 = tpu.memref_slice %arg7[%mul3A_17, %dma_wait3A_157] : memref<10240x128xf32, #tpu.memory_space<vmem_shared>> -> memref<128x128xf32, #tpu.memory_space<vmem_shared>>
      %dma_wait3A_159 = arith.constant 0 : i32
      %dma_wait3A_160 = arith.constant 0 : i32
      %dma_wait3A_161 = tpu.memref_slice %arg6[%run_scoped3A_18, %dma_wait3A_159, %dma_wait3A_160] : memref<2x128x128xf32, #tpu.memory_space<vmem>> -> memref<1x128x128xf32, #tpu.memory_space<vmem>>
      %dma_wait3A_162 = tpu.memref_squeeze %dma_wait3A_161 : memref<1x128x128xf32, #tpu.memory_space<vmem>> -> memref<128x128xf32, #tpu.memory_space<vmem>>
      tpu.wait_dma2 semaphore(%run_scoped3A_139 : memref<!tpu.dma_semaphore, #tpu.memory_space<semaphore_mem>>) src(%dma_wait3A_162 : memref<128x128xf32, #tpu.memory_space<vmem>>) dst(%dma_wait3A_158 : memref<128x128xf32, #tpu.memory_space<vmem_shared>>)
      tpu.yield
    }) : () -> ()
    %mul3A_19 = arith.constant 5 : i32
    %mul3A_20 = arith.muli %arg1, %mul3A_19 : i32
    %add3A_21 = arith.constant 2 : i32
    %add3A_22 = arith.addi %mul3A_20, %add3A_21 : i32
    %mul3A_23 = arith.constant 128 : i32
    %mul3A_24 = arith.muli %add3A_22, %mul3A_23 : i32
    %run_scoped3A_25 = arith.constant 0 : i32
    "tpu.region"() ({
      %run_scoped3A_139 = tpu.sem_alloc : memref<!tpu.dma_semaphore, #tpu.memory_space<semaphore_mem>>
      %dma_start3A_140 = arith.constant 0 : i32
      %dma_start3A_141 = arith.constant 0 : i32
      %dma_start3A_142 = tpu.memref_slice %arg6[%run_scoped3A_25, %dma_start3A_140, %dma_start3A_141] : memref<2x128x128xf32, #tpu.memory_space<vmem>> -> memref<1x128x128xf32, #tpu.memory_space<vmem>>
      %dma_start3A_143 = tpu.memref_squeeze %dma_start3A_142 : memref<1x128x128xf32, #tpu.memory_space<vmem>> -> memref<128x128xf32, #tpu.memory_space<vmem>>
      %dma_start3A_144 = arith.constant 0 : i32
      %dma_start3A_145 = tpu.memref_slice %arg7[%mul3A_24, %dma_start3A_144] : memref<10240x128xf32, #tpu.memory_space<vmem_shared>> -> memref<128x128xf32, #tpu.memory_space<vmem_shared>>
      %dma_start3A_146 = arith.constant 0 : i32
      %dma_start3A_147 = tpu.memref_slice %arg7[%mul3A_24, %dma_start3A_146] : memref<10240x128xf32, #tpu.memory_space<vmem_shared>> -> memref<128x128xf32, #tpu.memory_space<vmem_shared>>
      %dma_start3A_148 = arith.constant 0 : i32
      %dma_start3A_149 = arith.constant 0 : i32
      %dma_start3A_150 = tpu.memref_slice %arg6[%run_scoped3A_25, %dma_start3A_148, %dma_start3A_149] : memref<2x128x128xf32, #tpu.memory_space<vmem>> -> memref<1x128x128xf32, #tpu.memory_space<vmem>>
      %dma_start3A_151 = tpu.memref_squeeze %dma_start3A_150 : memref<1x128x128xf32, #tpu.memory_space<vmem>> -> memref<128x128xf32, #tpu.memory_space<vmem>>
      tpu.enqueue_dma source(%dma_start3A_151 : memref<128x128xf32, #tpu.memory_space<vmem>>) target(%dma_start3A_147 : memref<128x128xf32, #tpu.memory_space<vmem_shared>>) target_semaphore(%run_scoped3A_139 : memref<!tpu.dma_semaphore, #tpu.memory_space<semaphore_mem>>)
      %dma_wait3A = arith.constant 0 : i32
      %dma_wait3A_152 = arith.constant 0 : i32
      %dma_wait3A_153 = tpu.memref_slice %arg6[%run_scoped3A_25, %dma_wait3A, %dma_wait3A_152] : memref<2x128x128xf32, #tpu.memory_space<vmem>> -> memref<1x128x128xf32, #tpu.memory_space<vmem>>
      %dma_wait3A_154 = tpu.memref_squeeze %dma_wait3A_153 : memref<1x128x128xf32, #tpu.memory_space<vmem>> -> memref<128x128xf32, #tpu.memory_space<vmem>>
      %dma_wait3A_155 = arith.constant 0 : i32
      %dma_wait3A_156 = tpu.memref_slice %arg7[%mul3A_24, %dma_wait3A_155] : memref<10240x128xf32, #tpu.memory_space<vmem_shared>> -> memref<128x128xf32, #tpu.memory_space<vmem_shared>>
      %dma_wait3A_157 = arith.constant 0 : i32
      %dma_wait3A_158 = tpu.memref_slice %arg7[%mul3A_24, %dma_wait3A_157] : memref<10240x128xf32, #tpu.memory_space<vmem_shared>> -> memref<128x128xf32, #tpu.memory_space<vmem_shared>>
      %dma_wait3A_159 = arith.constant 0 : i32
      %dma_wait3A_160 = arith.constant 0 : i32
      %dma_wait3A_161 = tpu.memref_slice %arg6[%run_scoped3A_25, %dma_wait3A_159, %dma_wait3A_160] : memref<2x128x128xf32, #tpu.memory_space<vmem>> -> memref<1x128x128xf32, #tpu.memory_space<vmem>>
      %dma_wait3A_162 = tpu.memref_squeeze %dma_wait3A_161 : memref<1x128x128xf32, #tpu.memory_space<vmem>> -> memref<128x128xf32, #tpu.memory_space<vmem>>
      tpu.wait_dma2 semaphore(%run_scoped3A_139 : memref<!tpu.dma_semaphore, #tpu.memory_space<semaphore_mem>>) src(%dma_wait3A_162 : memref<128x128xf32, #tpu.memory_space<vmem>>) dst(%dma_wait3A_158 : memref<128x128xf32, #tpu.memory_space<vmem_shared>>)
      tpu.yield
    }) : () -> ()
    %mul3A_26 = arith.constant 5 : i32
    %mul3A_27 = arith.muli %arg1, %mul3A_26 : i32
    %add3A_28 = arith.constant 3 : i32
    %add3A_29 = arith.addi %mul3A_27, %add3A_28 : i32
    %mul3A_30 = arith.constant 128 : i32
    %mul3A_31 = arith.muli %add3A_29, %mul3A_30 : i32
    %run_scoped3A_32 = arith.constant 0 : i32
    "tpu.region"() ({
      %run_scoped3A_139 = tpu.sem_alloc : memref<!tpu.dma_semaphore, #tpu.memory_space<semaphore_mem>>
      %dma_start3A_140 = arith.constant 0 : i32
      %dma_start3A_141 = arith.constant 0 : i32
      %dma_start3A_142 = tpu.memref_slice %arg6[%run_scoped3A_32, %dma_start3A_140, %dma_start3A_141] : memref<2x128x128xf32, #tpu.memory_space<vmem>> -> memref<1x128x128xf32, #tpu.memory_space<vmem>>
      %dma_start3A_143 = tpu.memref_squeeze %dma_start3A_142 : memref<1x128x128xf32, #tpu.memory_space<vmem>> -> memref<128x128xf32, #tpu.memory_space<vmem>>
      %dma_start3A_144 = arith.constant 0 : i32
      %dma_start3A_145 = tpu.memref_slice %arg7[%mul3A_31, %dma_start3A_144] : memref<10240x128xf32, #tpu.memory_space<vmem_shared>> -> memref<128x128xf32, #tpu.memory_space<vmem_shared>>
      %dma_start3A_146 = arith.constant 0 : i32
      %dma_start3A_147 = tpu.memref_slice %arg7[%mul3A_31, %dma_start3A_146] : memref<10240x128xf32, #tpu.memory_space<vmem_shared>> -> memref<128x128xf32, #tpu.memory_space<vmem_shared>>
      %dma_start3A_148 = arith.constant 0 : i32
      %dma_start3A_149 = arith.constant 0 : i32
      %dma_start3A_150 = tpu.memref_slice %arg6[%run_scoped3A_32, %dma_start3A_148, %dma_start3A_149] : memref<2x128x128xf32, #tpu.memory_space<vmem>> -> memref<1x128x128xf32, #tpu.memory_space<vmem>>
      %dma_start3A_151 = tpu.memref_squeeze %dma_start3A_150 : memref<1x128x128xf32, #tpu.memory_space<vmem>> -> memref<128x128xf32, #tpu.memory_space<vmem>>
      tpu.enqueue_dma source(%dma_start3A_151 : memref<128x128xf32, #tpu.memory_space<vmem>>) target(%dma_start3A_147 : memref<128x128xf32, #tpu.memory_space<vmem_shared>>) target_semaphore(%run_scoped3A_139 : memref<!tpu.dma_semaphore, #tpu.memory_space<semaphore_mem>>)
      %dma_wait3A = arith.constant 0 : i32
      %dma_wait3A_152 = arith.constant 0 : i32
      %dma_wait3A_153 = tpu.memref_slice %arg6[%run_scoped3A_32, %dma_wait3A, %dma_wait3A_152] : memref<2x128x128xf32, #tpu.memory_space<vmem>> -> memref<1x128x128xf32, #tpu.memory_space<vmem>>
      %dma_wait3A_154 = tpu.memref_squeeze %dma_wait3A_153 : memref<1x128x128xf32, #tpu.memory_space<vmem>> -> memref<128x128xf32, #tpu.memory_space<vmem>>
      %dma_wait3A_155 = arith.constant 0 : i32
      %dma_wait3A_156 = tpu.memref_slice %arg7[%mul3A_31, %dma_wait3A_155] : memref<10240x128xf32, #tpu.memory_space<vmem_shared>> -> memref<128x128xf32, #tpu.memory_space<vmem_shared>>
      %dma_wait3A_157 = arith.constant 0 : i32
      %dma_wait3A_158 = tpu.memref_slice %arg7[%mul3A_31, %dma_wait3A_157] : memref<10240x128xf32, #tpu.memory_space<vmem_shared>> -> memref<128x128xf32, #tpu.memory_space<vmem_shared>>
      %dma_wait3A_159 = arith.constant 0 : i32
      %dma_wait3A_160 = arith.constant 0 : i32
      %dma_wait3A_161 = tpu.memref_slice %arg6[%run_scoped3A_32, %dma_wait3A_159, %dma_wait3A_160] : memref<2x128x128xf32, #tpu.memory_space<vmem>> -> memref<1x128x128xf32, #tpu.memory_space<vmem>>
      %dma_wait3A_162 = tpu.memref_squeeze %dma_wait3A_161 : memref<1x128x128xf32, #tpu.memory_space<vmem>> -> memref<128x128xf32, #tpu.memory_space<vmem>>
      tpu.wait_dma2 semaphore(%run_scoped3A_139 : memref<!tpu.dma_semaphore, #tpu.memory_space<semaphore_mem>>) src(%dma_wait3A_162 : memref<128x128xf32, #tpu.memory_space<vmem>>) dst(%dma_wait3A_158 : memref<128x128xf32, #tpu.memory_space<vmem_shared>>)
      tpu.yield
    }) : () -> ()
    %mul3A_33 = arith.constant 5 : i32
    %mul3A_34 = arith.muli %arg1, %mul3A_33 : i32
    %add3A_35 = arith.constant 4 : i32
    %add3A_36 = arith.addi %mul3A_34, %add3A_35 : i32
    %mul3A_37 = arith.constant 128 : i32
    %mul3A_38 = arith.muli %add3A_36, %mul3A_37 : i32
    %run_scoped3A_39 = arith.constant 0 : i32
    "tpu.region"() ({
      %run_scoped3A_139 = tpu.sem_alloc : memref<!tpu.dma_semaphore, #tpu.memory_space<semaphore_mem>>
      %dma_start3A_140 = arith.constant 0 : i32
      %dma_start3A_141 = arith.constant 0 : i32
      %dma_start3A_142 = tpu.memref_slice %arg6[%run_scoped3A_39, %dma_start3A_140, %dma_start3A_141] : memref<2x128x128xf32, #tpu.memory_space<vmem>> -> memref<1x128x128xf32, #tpu.memory_space<vmem>>
      %dma_start3A_143 = tpu.memref_squeeze %dma_start3A_142 : memref<1x128x128xf32, #tpu.memory_space<vmem>> -> memref<128x128xf32, #tpu.memory_space<vmem>>
      %dma_start3A_144 = arith.constant 0 : i32
      %dma_start3A_145 = tpu.memref_slice %arg7[%mul3A_38, %dma_start3A_144] : memref<10240x128xf32, #tpu.memory_space<vmem_shared>> -> memref<128x128xf32, #tpu.memory_space<vmem_shared>>
      %dma_start3A_146 = arith.constant 0 : i32
      %dma_start3A_147 = tpu.memref_slice %arg7[%mul3A_38, %dma_start3A_146] : memref<10240x128xf32, #tpu.memory_space<vmem_shared>> -> memref<128x128xf32, #tpu.memory_space<vmem_shared>>
      %dma_start3A_148 = arith.constant 0 : i32
      %dma_start3A_149 = arith.constant 0 : i32
      %dma_start3A_150 = tpu.memref_slice %arg6[%run_scoped3A_39, %dma_start3A_148, %dma_start3A_149] : memref<2x128x128xf32, #tpu.memory_space<vmem>> -> memref<1x128x128xf32, #tpu.memory_space<vmem>>
      %dma_start3A_151 = tpu.memref_squeeze %dma_start3A_150 : memref<1x128x128xf32, #tpu.memory_space<vmem>> -> memref<128x128xf32, #tpu.memory_space<vmem>>
      tpu.enqueue_dma source(%dma_start3A_151 : memref<128x128xf32, #tpu.memory_space<vmem>>) target(%dma_start3A_147 : memref<128x128xf32, #tpu.memory_space<vmem_shared>>) target_semaphore(%run_scoped3A_139 : memref<!tpu.dma_semaphore, #tpu.memory_space<semaphore_mem>>)
      %dma_wait3A = arith.constant 0 : i32
      %dma_wait3A_152 = arith.constant 0 : i32
      %dma_wait3A_153 = tpu.memref_slice %arg6[%run_scoped3A_39, %dma_wait3A, %dma_wait3A_152] : memref<2x128x128xf32, #tpu.memory_space<vmem>> -> memref<1x128x128xf32, #tpu.memory_space<vmem>>
      %dma_wait3A_154 = tpu.memref_squeeze %dma_wait3A_153 : memref<1x128x128xf32, #tpu.memory_space<vmem>> -> memref<128x128xf32, #tpu.memory_space<vmem>>
      %dma_wait3A_155 = arith.constant 0 : i32
      %dma_wait3A_156 = tpu.memref_slice %arg7[%mul3A_38, %dma_wait3A_155] : memref<10240x128xf32, #tpu.memory_space<vmem_shared>> -> memref<128x128xf32, #tpu.memory_space<vmem_shared>>
      %dma_wait3A_157 = arith.constant 0 : i32
      %dma_wait3A_158 = tpu.memref_slice %arg7[%mul3A_38, %dma_wait3A_157] : memref<10240x128xf32, #tpu.memory_space<vmem_shared>> -> memref<128x128xf32, #tpu.memory_space<vmem_shared>>
      %dma_wait3A_159 = arith.constant 0 : i32
      %dma_wait3A_160 = arith.constant 0 : i32
      %dma_wait3A_161 = tpu.memref_slice %arg6[%run_scoped3A_39, %dma_wait3A_159, %dma_wait3A_160] : memref<2x128x128xf32, #tpu.memory_space<vmem>> -> memref<1x128x128xf32, #tpu.memory_space<vmem>>
      %dma_wait3A_162 = tpu.memref_squeeze %dma_wait3A_161 : memref<1x128x128xf32, #tpu.memory_space<vmem>> -> memref<128x128xf32, #tpu.memory_space<vmem>>
      tpu.wait_dma2 semaphore(%run_scoped3A_139 : memref<!tpu.dma_semaphore, #tpu.memory_space<semaphore_mem>>) src(%dma_wait3A_162 : memref<128x128xf32, #tpu.memory_space<vmem>>) dst(%dma_wait3A_158 : memref<128x128xf32, #tpu.memory_space<vmem_shared>>)
      tpu.yield
    }) : () -> ()
    %barrier3A = arith.constant 0 : index
    tpu.barrier barrier_id(%barrier3A)
    %run_scoped3A_40 = arith.constant 0 : i32
    %run_scoped3A_41 = arith.constant 0 : i32
    "tpu.region"() ({
      %run_scoped3A_139 = tpu.sem_alloc : memref<!tpu.dma_semaphore, #tpu.memory_space<semaphore_mem>>
      %dma_start3A_140 = arith.constant 0 : i32
      %dma_start3A_141 = arith.constant 0 : i32
      %dma_start3A_142 = tpu.memref_slice %arg5[%run_scoped3A_41, %dma_start3A_140, %dma_start3A_141] : memref<4x2x128xi32, #tpu.memory_space<vmem>> -> memref<1x2x128xi32, #tpu.memory_space<vmem>>
      %dma_start3A_143 = tpu.memref_squeeze %dma_start3A_142 : memref<1x2x128xi32, #tpu.memory_space<vmem>> -> memref<2x128xi32, #tpu.memory_space<vmem>>
      %dma_start3A_144 = arith.constant 0 : i32
      %dma_start3A_145 = arith.constant 0 : i32
      %dma_start3A_146 = tpu.memref_slice %arg3[%add3A, %run_scoped3A_40, %dma_start3A_144, %dma_start3A_145] : memref<32x96x2x128xi32, #tpu.memory_space<hbm>> -> memref<1x1x2x128xi32, #tpu.memory_space<hbm>>
      %dma_start3A_147 = tpu.memref_squeeze %dma_start3A_146 : memref<1x1x2x128xi32, #tpu.memory_space<hbm>> -> memref<2x128xi32, #tpu.memory_space<hbm>>
      %dma_start3A_148 = arith.constant 0 : i32
      %dma_start3A_149 = arith.constant 0 : i32
      %dma_start3A_150 = tpu.memref_slice %arg5[%run_scoped3A_41, %dma_start3A_148, %dma_start3A_149] : memref<4x2x128xi32, #tpu.memory_space<vmem>> -> memref<1x2x128xi32, #tpu.memory_space<vmem>>
      %dma_start3A_151 = tpu.memref_squeeze %dma_start3A_150 : memref<1x2x128xi32, #tpu.memory_space<vmem>> -> memref<2x128xi32, #tpu.memory_space<vmem>>
      %dma_start3A_152 = arith.constant 0 : i32
      %dma_start3A_153 = arith.constant 0 : i32
      %dma_start3A_154 = tpu.memref_slice %arg3[%add3A, %run_scoped3A_40, %dma_start3A_152, %dma_start3A_153] : memref<32x96x2x128xi32, #tpu.memory_space<hbm>> -> memref<1x1x2x128xi32, #tpu.memory_space<hbm>>
      %dma_start3A_155 = tpu.memref_squeeze %dma_start3A_154 : memref<1x1x2x128xi32, #tpu.memory_space<hbm>> -> memref<2x128xi32, #tpu.memory_space<hbm>>
      tpu.enqueue_dma source(%dma_start3A_155 : memref<2x128xi32, #tpu.memory_space<hbm>>) target(%dma_start3A_151 : memref<2x128xi32, #tpu.memory_space<vmem>>) target_semaphore(%run_scoped3A_139 : memref<!tpu.dma_semaphore, #tpu.memory_space<semaphore_mem>>)
      %dma_wait3A = arith.constant 0 : i32
      %dma_wait3A_156 = arith.constant 0 : i32
      %dma_wait3A_157 = tpu.memref_slice %arg5[%run_scoped3A_41, %dma_wait3A, %dma_wait3A_156] : memref<4x2x128xi32, #tpu.memory_space<vmem>> -> memref<1x2x128xi32, #tpu.memory_space<vmem>>
      %dma_wait3A_158 = tpu.memref_squeeze %dma_wait3A_157 : memref<1x2x128xi32, #tpu.memory_space<vmem>> -> memref<2x128xi32, #tpu.memory_space<vmem>>
      %dma_wait3A_159 = arith.constant 0 : i32
      %dma_wait3A_160 = arith.constant 0 : i32
      %dma_wait3A_161 = tpu.memref_slice %arg3[%add3A, %run_scoped3A_40, %dma_wait3A_159, %dma_wait3A_160] : memref<32x96x2x128xi32, #tpu.memory_space<hbm>> -> memref<1x1x2x128xi32, #tpu.memory_space<hbm>>
      %dma_wait3A_162 = tpu.memref_squeeze %dma_wait3A_161 : memref<1x1x2x128xi32, #tpu.memory_space<hbm>> -> memref<2x128xi32, #tpu.memory_space<hbm>>
      %dma_wait3A_163 = arith.constant 0 : i32
      %dma_wait3A_164 = arith.constant 0 : i32
      %dma_wait3A_165 = tpu.memref_slice %arg5[%run_scoped3A_41, %dma_wait3A_163, %dma_wait3A_164] : memref<4x2x128xi32, #tpu.memory_space<vmem>> -> memref<1x2x128xi32, #tpu.memory_space<vmem>>
      %dma_wait3A_166 = tpu.memref_squeeze %dma_wait3A_165 : memref<1x2x128xi32, #tpu.memory_space<vmem>> -> memref<2x128xi32, #tpu.memory_space<vmem>>
      %dma_wait3A_167 = arith.constant 0 : i32
      %dma_wait3A_168 = arith.constant 0 : i32
      %dma_wait3A_169 = tpu.memref_slice %arg3[%add3A, %run_scoped3A_40, %dma_wait3A_167, %dma_wait3A_168] : memref<32x96x2x128xi32, #tpu.memory_space<hbm>> -> memref<1x1x2x128xi32, #tpu.memory_space<hbm>>
      %dma_wait3A_170 = tpu.memref_squeeze %dma_wait3A_169 : memref<1x1x2x128xi32, #tpu.memory_space<hbm>> -> memref<2x128xi32, #tpu.memory_space<hbm>>
      tpu.wait_dma2 semaphore(%run_scoped3A_139 : memref<!tpu.dma_semaphore, #tpu.memory_space<semaphore_mem>>) src(%dma_wait3A_170 : memref<2x128xi32, #tpu.memory_space<hbm>>) dst(%dma_wait3A_166 : memref<2x128xi32, #tpu.memory_space<vmem>>)
      tpu.yield
    }) : () -> ()
    %run_scoped3A_42 = arith.constant 1 : i32
    %run_scoped3A_43 = arith.constant 1 : i32
    "tpu.region"() ({
      %run_scoped3A_139 = tpu.sem_alloc : memref<!tpu.dma_semaphore, #tpu.memory_space<semaphore_mem>>
      %dma_start3A_140 = arith.constant 0 : i32
      %dma_start3A_141 = arith.constant 0 : i32
      %dma_start3A_142 = tpu.memref_slice %arg5[%run_scoped3A_43, %dma_start3A_140, %dma_start3A_141] : memref<4x2x128xi32, #tpu.memory_space<vmem>> -> memref<1x2x128xi32, #tpu.memory_space<vmem>>
      %dma_start3A_143 = tpu.memref_squeeze %dma_start3A_142 : memref<1x2x128xi32, #tpu.memory_space<vmem>> -> memref<2x128xi32, #tpu.memory_space<vmem>>
      %dma_start3A_144 = arith.constant 0 : i32
      %dma_start3A_145 = arith.constant 0 : i32
      %dma_start3A_146 = tpu.memref_slice %arg3[%add3A, %run_scoped3A_42, %dma_start3A_144, %dma_start3A_145] : memref<32x96x2x128xi32, #tpu.memory_space<hbm>> -> memref<1x1x2x128xi32, #tpu.memory_space<hbm>>
      %dma_start3A_147 = tpu.memref_squeeze %dma_start3A_146 : memref<1x1x2x128xi32, #tpu.memory_space<hbm>> -> memref<2x128xi32, #tpu.memory_space<hbm>>
      %dma_start3A_148 = arith.constant 0 : i32
      %dma_start3A_149 = arith.constant 0 : i32
      %dma_start3A_150 = tpu.memref_slice %arg5[%run_scoped3A_43, %dma_start3A_148, %dma_start3A_149] : memref<4x2x128xi32, #tpu.memory_space<vmem>> -> memref<1x2x128xi32, #tpu.memory_space<vmem>>
      %dma_start3A_151 = tpu.memref_squeeze %dma_start3A_150 : memref<1x2x128xi32, #tpu.memory_space<vmem>> -> memref<2x128xi32, #tpu.memory_space<vmem>>
      %dma_start3A_152 = arith.constant 0 : i32
      %dma_start3A_153 = arith.constant 0 : i32
      %dma_start3A_154 = tpu.memref_slice %arg3[%add3A, %run_scoped3A_42, %dma_start3A_152, %dma_start3A_153] : memref<32x96x2x128xi32, #tpu.memory_space<hbm>> -> memref<1x1x2x128xi32, #tpu.memory_space<hbm>>
      %dma_start3A_155 = tpu.memref_squeeze %dma_start3A_154 : memref<1x1x2x128xi32, #tpu.memory_space<hbm>> -> memref<2x128xi32, #tpu.memory_space<hbm>>
      tpu.enqueue_dma source(%dma_start3A_155 : memref<2x128xi32, #tpu.memory_space<hbm>>) target(%dma_start3A_151 : memref<2x128xi32, #tpu.memory_space<vmem>>) target_semaphore(%run_scoped3A_139 : memref<!tpu.dma_semaphore, #tpu.memory_space<semaphore_mem>>)
      %dma_wait3A = arith.constant 0 : i32
      %dma_wait3A_156 = arith.constant 0 : i32
      %dma_wait3A_157 = tpu.memref_slice %arg5[%run_scoped3A_43, %dma_wait3A, %dma_wait3A_156] : memref<4x2x128xi32, #tpu.memory_space<vmem>> -> memref<1x2x128xi32, #tpu.memory_space<vmem>>
      %dma_wait3A_158 = tpu.memref_squeeze %dma_wait3A_157 : memref<1x2x128xi32, #tpu.memory_space<vmem>> -> memref<2x128xi32, #tpu.memory_space<vmem>>
      %dma_wait3A_159 = arith.constant 0 : i32
      %dma_wait3A_160 = arith.constant 0 : i32
      %dma_wait3A_161 = tpu.memref_slice %arg3[%add3A, %run_scoped3A_42, %dma_wait3A_159, %dma_wait3A_160] : memref<32x96x2x128xi32, #tpu.memory_space<hbm>> -> memref<1x1x2x128xi32, #tpu.memory_space<hbm>>
      %dma_wait3A_162 = tpu.memref_squeeze %dma_wait3A_161 : memref<1x1x2x128xi32, #tpu.memory_space<hbm>> -> memref<2x128xi32, #tpu.memory_space<hbm>>
      %dma_wait3A_163 = arith.constant 0 : i32
      %dma_wait3A_164 = arith.constant 0 : i32
      %dma_wait3A_165 = tpu.memref_slice %arg5[%run_scoped3A_43, %dma_wait3A_163, %dma_wait3A_164] : memref<4x2x128xi32, #tpu.memory_space<vmem>> -> memref<1x2x128xi32, #tpu.memory_space<vmem>>
      %dma_wait3A_166 = tpu.memref_squeeze %dma_wait3A_165 : memref<1x2x128xi32, #tpu.memory_space<vmem>> -> memref<2x128xi32, #tpu.memory_space<vmem>>
      %dma_wait3A_167 = arith.constant 0 : i32
      %dma_wait3A_168 = arith.constant 0 : i32
      %dma_wait3A_169 = tpu.memref_slice %arg3[%add3A, %run_scoped3A_42, %dma_wait3A_167, %dma_wait3A_168] : memref<32x96x2x128xi32, #tpu.memory_space<hbm>> -> memref<1x1x2x128xi32, #tpu.memory_space<hbm>>
      %dma_wait3A_170 = tpu.memref_squeeze %dma_wait3A_169 : memref<1x1x2x128xi32, #tpu.memory_space<hbm>> -> memref<2x128xi32, #tpu.memory_space<hbm>>
      tpu.wait_dma2 semaphore(%run_scoped3A_139 : memref<!tpu.dma_semaphore, #tpu.memory_space<semaphore_mem>>) src(%dma_wait3A_170 : memref<2x128xi32, #tpu.memory_space<hbm>>) dst(%dma_wait3A_166 : memref<2x128xi32, #tpu.memory_space<vmem>>)
      tpu.yield
    }) : () -> ()
    %dma_start3A = arith.constant 0 : i32
    %dma_start3A_44 = arith.constant 0 : i32
    %dma_start3A_45 = arith.constant 0 : i32
    %dma_start3A_46 = arith.constant 0 : i32
    %dma_start3A_47 = arith.constant 0 : i32
    %dma_start3A_48 = tpu.memref_slice %arg6[%dma_start3A_45, %dma_start3A_46, %dma_start3A_47] : memref<2x128x128xf32, #tpu.memory_space<vmem>> -> memref<1x128x128xf32, #tpu.memory_space<vmem>>
    %dma_start3A_49 = tpu.memref_squeeze %dma_start3A_48 : memref<1x128x128xf32, #tpu.memory_space<vmem>> -> memref<128x128xf32, #tpu.memory_space<vmem>>
    %dma_start3A_50 = arith.constant 0 : i32
    %dma_start3A_51 = tpu.memref_slice %arg5[%dma_start3A, %dma_start3A_44, %dma_start3A_50] : memref<4x2x128xi32, #tpu.memory_space<vmem>> -> memref<1x1x128xi32, #tpu.memory_space<vmem>>
    %dma_start3A_52 = tpu.memref_squeeze %dma_start3A_51 : memref<1x1x128xi32, #tpu.memory_space<vmem>> -> memref<128xi32, #tpu.memory_space<vmem>>
    %dma_start3A_53 = arith.constant 0 : i32
    %dma_start3A_54 = arith.constant 0 : i32
    %dma_start3A_55 = tpu.memref_slice %arg2[%dma_start3A_53, %dma_start3A_54] : memref<10000x128xf32, #tpu.memory_space<hbm>> -> memref<10000x128xf32, #tpu.memory_space<hbm>>
    tpu.enqueue_indirect_dma source(%dma_start3A_55 : memref<10000x128xf32, #tpu.memory_space<hbm>>) target(%dma_start3A_49 : memref<128x128xf32, #tpu.memory_space<vmem>>) offsets(%dma_start3A_52 : memref<128xi32, #tpu.memory_space<vmem>>) semaphore(%arg8 : memref<!tpu.dma_semaphore, #tpu.memory_space<semaphore_mem>>)
    %dma_start3A_56 = arith.constant 1 : i32
    %dma_start3A_57 = arith.constant 0 : i32
    %dma_start3A_58 = arith.constant 1 : i32
    %dma_start3A_59 = arith.constant 0 : i32
    %dma_start3A_60 = arith.constant 0 : i32
    %dma_start3A_61 = tpu.memref_slice %arg6[%dma_start3A_58, %dma_start3A_59, %dma_start3A_60] : memref<2x128x128xf32, #tpu.memory_space<vmem>> -> memref<1x128x128xf32, #tpu.memory_space<vmem>>
    %dma_start3A_62 = tpu.memref_squeeze %dma_start3A_61 : memref<1x128x128xf32, #tpu.memory_space<vmem>> -> memref<128x128xf32, #tpu.memory_space<vmem>>
    %dma_start3A_63 = arith.constant 0 : i32
    %dma_start3A_64 = tpu.memref_slice %arg5[%dma_start3A_56, %dma_start3A_57, %dma_start3A_63] : memref<4x2x128xi32, #tpu.memory_space<vmem>> -> memref<1x1x128xi32, #tpu.memory_space<vmem>>
    %dma_start3A_65 = tpu.memref_squeeze %dma_start3A_64 : memref<1x1x128xi32, #tpu.memory_space<vmem>> -> memref<128xi32, #tpu.memory_space<vmem>>
    %dma_start3A_66 = arith.constant 0 : i32
    %dma_start3A_67 = arith.constant 0 : i32
    %dma_start3A_68 = tpu.memref_slice %arg2[%dma_start3A_66, %dma_start3A_67] : memref<10000x128xf32, #tpu.memory_space<hbm>> -> memref<10000x128xf32, #tpu.memory_space<hbm>>
    tpu.enqueue_indirect_dma source(%dma_start3A_68 : memref<10000x128xf32, #tpu.memory_space<hbm>>) target(%dma_start3A_62 : memref<128x128xf32, #tpu.memory_space<vmem>>) offsets(%dma_start3A_65 : memref<128xi32, #tpu.memory_space<vmem>>) semaphore(%arg9 : memref<!tpu.dma_semaphore, #tpu.memory_space<semaphore_mem>>)
    %dma_start3A_69 = arith.constant 2 : i32
    %dma_start3A_70 = arith.constant 2 : i32
    %dma_start3A_71 = arith.constant 0 : i32
    %dma_start3A_72 = arith.constant 0 : i32
    %dma_start3A_73 = tpu.memref_slice %arg5[%dma_start3A_70, %dma_start3A_71, %dma_start3A_72] : memref<4x2x128xi32, #tpu.memory_space<vmem>> -> memref<1x2x128xi32, #tpu.memory_space<vmem>>
    %dma_start3A_74 = tpu.memref_squeeze %dma_start3A_73 : memref<1x2x128xi32, #tpu.memory_space<vmem>> -> memref<2x128xi32, #tpu.memory_space<vmem>>
    %dma_start3A_75 = arith.constant 0 : i32
    %dma_start3A_76 = arith.constant 0 : i32
    %dma_start3A_77 = tpu.memref_slice %arg3[%add3A, %dma_start3A_69, %dma_start3A_75, %dma_start3A_76] : memref<32x96x2x128xi32, #tpu.memory_space<hbm>> -> memref<1x1x2x128xi32, #tpu.memory_space<hbm>>
    %dma_start3A_78 = tpu.memref_squeeze %dma_start3A_77 : memref<1x1x2x128xi32, #tpu.memory_space<hbm>> -> memref<2x128xi32, #tpu.memory_space<hbm>>
    %dma_start3A_79 = arith.constant 0 : i32
    %dma_start3A_80 = arith.constant 0 : i32
    %dma_start3A_81 = tpu.memref_slice %arg5[%dma_start3A_70, %dma_start3A_79, %dma_start3A_80] : memref<4x2x128xi32, #tpu.memory_space<vmem>> -> memref<1x2x128xi32, #tpu.memory_space<vmem>>
    %dma_start3A_82 = tpu.memref_squeeze %dma_start3A_81 : memref<1x2x128xi32, #tpu.memory_space<vmem>> -> memref<2x128xi32, #tpu.memory_space<vmem>>
    %dma_start3A_83 = arith.constant 0 : i32
    %dma_start3A_84 = arith.constant 0 : i32
    %dma_start3A_85 = tpu.memref_slice %arg3[%add3A, %dma_start3A_69, %dma_start3A_83, %dma_start3A_84] : memref<32x96x2x128xi32, #tpu.memory_space<hbm>> -> memref<1x1x2x128xi32, #tpu.memory_space<hbm>>
    %dma_start3A_86 = tpu.memref_squeeze %dma_start3A_85 : memref<1x1x2x128xi32, #tpu.memory_space<hbm>> -> memref<2x128xi32, #tpu.memory_space<hbm>>
    tpu.enqueue_dma source(%dma_start3A_86 : memref<2x128xi32, #tpu.memory_space<hbm>>) target(%dma_start3A_82 : memref<2x128xi32, #tpu.memory_space<vmem>>) target_semaphore(%arg10 : memref<!tpu.dma_semaphore, #tpu.memory_space<semaphore_mem>>)
    %dma_start3A_87 = arith.constant 3 : i32
    %dma_start3A_88 = arith.constant 3 : i32
    %dma_start3A_89 = arith.constant 0 : i32
    %dma_start3A_90 = arith.constant 0 : i32
    %dma_start3A_91 = tpu.memref_slice %arg5[%dma_start3A_88, %dma_start3A_89, %dma_start3A_90] : memref<4x2x128xi32, #tpu.memory_space<vmem>> -> memref<1x2x128xi32, #tpu.memory_space<vmem>>
    %dma_start3A_92 = tpu.memref_squeeze %dma_start3A_91 : memref<1x2x128xi32, #tpu.memory_space<vmem>> -> memref<2x128xi32, #tpu.memory_space<vmem>>
    %dma_start3A_93 = arith.constant 0 : i32
    %dma_start3A_94 = arith.constant 0 : i32
    %dma_start3A_95 = tpu.memref_slice %arg3[%add3A, %dma_start3A_87, %dma_start3A_93, %dma_start3A_94] : memref<32x96x2x128xi32, #tpu.memory_space<hbm>> -> memref<1x1x2x128xi32, #tpu.memory_space<hbm>>
    %dma_start3A_96 = tpu.memref_squeeze %dma_start3A_95 : memref<1x1x2x128xi32, #tpu.memory_space<hbm>> -> memref<2x128xi32, #tpu.memory_space<hbm>>
    %dma_start3A_97 = arith.constant 0 : i32
    %dma_start3A_98 = arith.constant 0 : i32
    %dma_start3A_99 = tpu.memref_slice %arg5[%dma_start3A_88, %dma_start3A_97, %dma_start3A_98] : memref<4x2x128xi32, #tpu.memory_space<vmem>> -> memref<1x2x128xi32, #tpu.memory_space<vmem>>
    %dma_start3A_100 = tpu.memref_squeeze %dma_start3A_99 : memref<1x2x128xi32, #tpu.memory_space<vmem>> -> memref<2x128xi32, #tpu.memory_space<vmem>>
    %dma_start3A_101 = arith.constant 0 : i32
    %dma_start3A_102 = arith.constant 0 : i32
    %dma_start3A_103 = tpu.memref_slice %arg3[%add3A, %dma_start3A_87, %dma_start3A_101, %dma_start3A_102] : memref<32x96x2x128xi32, #tpu.memory_space<hbm>> -> memref<1x1x2x128xi32, #tpu.memory_space<hbm>>
    %dma_start3A_104 = tpu.memref_squeeze %dma_start3A_103 : memref<1x1x2x128xi32, #tpu.memory_space<hbm>> -> memref<2x128xi32, #tpu.memory_space<hbm>>
    tpu.enqueue_dma source(%dma_start3A_104 : memref<2x128xi32, #tpu.memory_space<hbm>>) target(%dma_start3A_100 : memref<2x128xi32, #tpu.memory_space<vmem>>) target_semaphore(%arg11 : memref<!tpu.dma_semaphore, #tpu.memory_space<semaphore_mem>>)
    %eq3A = arith.constant 0 : i32
    %eq3A_105 = arith.cmpi eq, %arg0, %eq3A : i32
    %jit3A = arith.constant 96 : i32
    %jit3A_106 = arith.constant 62 : i32
    %select_n3A = arith.select %eq3A_105, %jit3A, %jit3A_106 : i32
    %jit3A_107 = arith.constant 2 : i32
    %div3A = arith.divsi %select_n3A, %jit3A_107 : i32
    %sign3A = arith.constant 0 : i32
    %sign3A_108 = arith.cmpi sgt, %select_n3A, %sign3A : i32
    %sign3A_109 = arith.extui %sign3A_108 : i1 to i32
    %sign3A_110 = arith.constant 0 : i32
    %sign3A_111 = arith.cmpi slt, %select_n3A, %sign3A_110 : i32
    %sign3A_112 = arith.extui %sign3A_111 : i1 to i32
    %sign3A_113 = arith.subi %sign3A_109, %sign3A_112 : i32
    %sign3A_114 = arith.constant 0 : i32
    %sign3A_115 = arith.cmpi sgt, %jit3A_107, %sign3A_114 : i32
    %sign3A_116 = arith.extui %sign3A_115 : i1 to i32
    %sign3A_117 = arith.constant 0 : i32
    %sign3A_118 = arith.cmpi slt, %jit3A_107, %sign3A_117 : i32
    %sign3A_119 = arith.extui %sign3A_118 : i1 to i32
    %sign3A_120 = arith.subi %sign3A_116, %sign3A_119 : i32
    %ne3A = arith.cmpi ne, %sign3A_113, %sign3A_120 : i32
    %rem3A = arith.remsi %select_n3A, %jit3A_107 : i32
    %ne3A_121 = arith.constant 0 : i32
    %ne3A_122 = arith.cmpi ne, %rem3A, %ne3A_121 : i32
    %and3A = arith.andi %ne3A, %ne3A_122 : i1
    %sub3A = arith.constant 1 : i32
    %sub3A_123 = arith.subi %div3A, %sub3A : i32
    %select_n3A_124 = arith.select %and3A, %sub3A_123, %div3A : i32
    %while3A = arith.constant 0 : i32
    %while3A_125 = arith.constant 0 : i32
    %while3A_126 = arith.subi %select_n3A_124, %while3A_125 : i32
    %while3A_127 = arith.addi %while3A_125, %while3A_126 : i32
    %while3A_128 = arith.constant 1 : i32
    %while3A_129 = arith.divsi %while3A_126, %while3A_128 : i32
    %while3A_130 = arith.muli %while3A_129, %while3A_128 : i32
    %while3A_131 = arith.addi %while3A_125, %while3A_130 : i32
    %while3A_132 = arith.constant 1 : i32
    scf.for %while3A_139 = %while3A_125 to %while3A_131 step %while3A_132  : i32 {
      %mul3A_140 = arith.constant 2 : i32
      %mul3A_141 = arith.muli %mul3A_140, %while3A_139 : i32
      %rem3A_142 = arith.constant 4 : i32
      %rem3A_143 = arith.remsi %mul3A_141, %rem3A_142 : i32
      %dma_wait3A = arith.constant 0 : i32
      %dma_wait3A_144 = arith.constant 0 : i32
      %dma_wait3A_145 = arith.constant 0 : i32
      %dma_wait3A_146 = arith.constant 0 : i32
      %dma_wait3A_147 = tpu.memref_slice %arg6[%dma_wait3A_144, %dma_wait3A_145, %dma_wait3A_146] : memref<2x128x128xf32, #tpu.memory_space<vmem>> -> memref<1x128x128xf32, #tpu.memory_space<vmem>>
      %dma_wait3A_148 = tpu.memref_squeeze %dma_wait3A_147 : memref<1x128x128xf32, #tpu.memory_space<vmem>> -> memref<128x128xf32, #tpu.memory_space<vmem>>
      %dma_wait3A_149 = arith.constant 0 : i32
      %dma_wait3A_150 = tpu.memref_slice %arg5[%rem3A_143, %dma_wait3A, %dma_wait3A_149] : memref<4x2x128xi32, #tpu.memory_space<vmem>> -> memref<1x1x128xi32, #tpu.memory_space<vmem>>
      %dma_wait3A_151 = tpu.memref_squeeze %dma_wait3A_150 : memref<1x1x128xi32, #tpu.memory_space<vmem>> -> memref<128xi32, #tpu.memory_space<vmem>>
      %dma_wait3A_152 = arith.constant 0 : i32
      %dma_wait3A_153 = arith.constant 0 : i32
      %dma_wait3A_154 = tpu.memref_slice %arg2[%dma_wait3A_152, %dma_wait3A_153] : memref<10000x128xf32, #tpu.memory_space<hbm>> -> memref<10000x128xf32, #tpu.memory_space<hbm>>
      tpu.wait_indirect_dma semaphore(%arg8 : memref<!tpu.dma_semaphore, #tpu.memory_space<semaphore_mem>>) src(%dma_wait3A_154 : memref<10000x128xf32, #tpu.memory_space<hbm>>) dst(%dma_wait3A_148 : memref<128x128xf32, #tpu.memory_space<vmem>>)
      %run_scoped3A_155 = arith.constant 0 : i32
      %run_scoped3A_156 = arith.constant 1 : i32
      "tpu.region"() ({
        %run_scoped3A_200 = tpu.sem_alloc : memref<!tpu.dma_semaphore, #tpu.memory_space<semaphore_mem>>
        %dma_start3A_201 = arith.constant 0 : i32
        %dma_start3A_202 = arith.constant 0 : i32
        %dma_start3A_203 = tpu.memref_slice %arg6[%run_scoped3A_155, %dma_start3A_201, %dma_start3A_202] : memref<2x128x128xf32, #tpu.memory_space<vmem>> -> memref<1x128x128xf32, #tpu.memory_space<vmem>>
        %dma_start3A_204 = tpu.memref_squeeze %dma_start3A_203 : memref<1x128x128xf32, #tpu.memory_space<vmem>> -> memref<128x128xf32, #tpu.memory_space<vmem>>
        %dma_start3A_205 = arith.constant 0 : i32
        %dma_start3A_206 = tpu.memref_slice %arg5[%rem3A_143, %run_scoped3A_156, %dma_start3A_205] : memref<4x2x128xi32, #tpu.memory_space<vmem>> -> memref<1x1x128xi32, #tpu.memory_space<vmem>>
        %dma_start3A_207 = tpu.memref_squeeze %dma_start3A_206 : memref<1x1x128xi32, #tpu.memory_space<vmem>> -> memref<128xi32, #tpu.memory_space<vmem>>
        %dma_start3A_208 = arith.constant 0 : i32
        %dma_start3A_209 = arith.constant 0 : i32
        %dma_start3A_210 = tpu.memref_slice %arg7[%dma_start3A_208, %dma_start3A_209] : memref<10240x128xf32, #tpu.memory_space<vmem_shared>> -> memref<10240x128xf32, #tpu.memory_space<vmem_shared>>
        tpu.enqueue_indirect_dma source(%dma_start3A_204 : memref<128x128xf32, #tpu.memory_space<vmem>>) target(%dma_start3A_210 : memref<10240x128xf32, #tpu.memory_space<vmem_shared>>) offsets(%dma_start3A_207 : memref<128xi32, #tpu.memory_space<vmem>>) semaphore(%run_scoped3A_200 : memref<!tpu.dma_semaphore, #tpu.memory_space<semaphore_mem>>) {add = true}
        %dma_wait3A_211 = arith.constant 0 : i32
        %dma_wait3A_212 = arith.constant 0 : i32
        %dma_wait3A_213 = tpu.memref_slice %arg6[%run_scoped3A_155, %dma_wait3A_211, %dma_wait3A_212] : memref<2x128x128xf32, #tpu.memory_space<vmem>> -> memref<1x128x128xf32, #tpu.memory_space<vmem>>
        %dma_wait3A_214 = tpu.memref_squeeze %dma_wait3A_213 : memref<1x128x128xf32, #tpu.memory_space<vmem>> -> memref<128x128xf32, #tpu.memory_space<vmem>>
        %dma_wait3A_215 = arith.constant 0 : i32
        %dma_wait3A_216 = tpu.memref_slice %arg5[%rem3A_143, %run_scoped3A_156, %dma_wait3A_215] : memref<4x2x128xi32, #tpu.memory_space<vmem>> -> memref<1x1x128xi32, #tpu.memory_space<vmem>>
        %dma_wait3A_217 = tpu.memref_squeeze %dma_wait3A_216 : memref<1x1x128xi32, #tpu.memory_space<vmem>> -> memref<128xi32, #tpu.memory_space<vmem>>
        %dma_wait3A_218 = arith.constant 0 : i32
        %dma_wait3A_219 = arith.constant 0 : i32
        %dma_wait3A_220 = tpu.memref_slice %arg7[%dma_wait3A_218, %dma_wait3A_219] : memref<10240x128xf32, #tpu.memory_space<vmem_shared>> -> memref<10240x128xf32, #tpu.memory_space<vmem_shared>>
        tpu.wait_indirect_dma semaphore(%run_scoped3A_200 : memref<!tpu.dma_semaphore, #tpu.memory_space<semaphore_mem>>) src(%dma_wait3A_214 : memref<128x128xf32, #tpu.memory_space<vmem>>) dst(%dma_wait3A_220 : memref<10240x128xf32, #tpu.memory_space<vmem_shared>>)
        tpu.yield
      }) : () -> ()
      %sub3A_157 = arith.constant 2 : i32
      %sub3A_158 = arith.subi %select_n3A, %sub3A_157 : i32
      %lt3A = arith.cmpi slt, %mul3A_141, %sub3A_158 : i32
      %convert_element_type3A = arith.extui %lt3A : i1 to i32
      %cond3A = arith.constant 0 : i32
      %cond3A_159 = arith.constant 0 : i32
      %cond3A_160 = arith.cmpi ne, %convert_element_type3A, %cond3A_159 : i32
      scf.if %cond3A_160 {
        %add3A_200 = arith.constant 2 : i32
        %add3A_201 = arith.addi %mul3A_141, %add3A_200 : i32
        %rem3A_202 = arith.constant 4 : i32
        %rem3A_203 = arith.remsi %add3A_201, %rem3A_202 : i32
        %dma_wait3A_204 = arith.constant 0 : i32
        %dma_wait3A_205 = arith.constant 0 : i32
        %dma_wait3A_206 = arith.constant 0 : i32
        %dma_wait3A_207 = tpu.memref_slice %arg5[%rem3A_203, %dma_wait3A_205, %dma_wait3A_206] : memref<4x2x128xi32, #tpu.memory_space<vmem>> -> memref<1x2x128xi32, #tpu.memory_space<vmem>>
        %dma_wait3A_208 = tpu.memref_squeeze %dma_wait3A_207 : memref<1x2x128xi32, #tpu.memory_space<vmem>> -> memref<2x128xi32, #tpu.memory_space<vmem>>
        %dma_wait3A_209 = arith.constant 0 : i32
        %dma_wait3A_210 = arith.constant 0 : i32
        %dma_wait3A_211 = tpu.memref_slice %arg3[%add3A, %dma_wait3A_204, %dma_wait3A_209, %dma_wait3A_210] : memref<32x96x2x128xi32, #tpu.memory_space<hbm>> -> memref<1x1x2x128xi32, #tpu.memory_space<hbm>>
        %dma_wait3A_212 = tpu.memref_squeeze %dma_wait3A_211 : memref<1x1x2x128xi32, #tpu.memory_space<hbm>> -> memref<2x128xi32, #tpu.memory_space<hbm>>
        %dma_wait3A_213 = arith.constant 0 : i32
        %dma_wait3A_214 = arith.constant 0 : i32
        %dma_wait3A_215 = tpu.memref_slice %arg5[%rem3A_203, %dma_wait3A_213, %dma_wait3A_214] : memref<4x2x128xi32, #tpu.memory_space<vmem>> -> memref<1x2x128xi32, #tpu.memory_space<vmem>>
        %dma_wait3A_216 = tpu.memref_squeeze %dma_wait3A_215 : memref<1x2x128xi32, #tpu.memory_space<vmem>> -> memref<2x128xi32, #tpu.memory_space<vmem>>
        %dma_wait3A_217 = arith.constant 0 : i32
        %dma_wait3A_218 = arith.constant 0 : i32
        %dma_wait3A_219 = tpu.memref_slice %arg3[%add3A, %dma_wait3A_204, %dma_wait3A_217, %dma_wait3A_218] : memref<32x96x2x128xi32, #tpu.memory_space<hbm>> -> memref<1x1x2x128xi32, #tpu.memory_space<hbm>>
        %dma_wait3A_220 = tpu.memref_squeeze %dma_wait3A_219 : memref<1x1x2x128xi32, #tpu.memory_space<hbm>> -> memref<2x128xi32, #tpu.memory_space<hbm>>
        tpu.wait_dma2 semaphore(%arg10 : memref<!tpu.dma_semaphore, #tpu.memory_space<semaphore_mem>>) src(%dma_wait3A_220 : memref<2x128xi32, #tpu.memory_space<hbm>>) dst(%dma_wait3A_216 : memref<2x128xi32, #tpu.memory_space<vmem>>)
        %dma_start3A_221 = arith.constant 0 : i32
        %dma_start3A_222 = arith.constant 0 : i32
        %dma_start3A_223 = arith.constant 0 : i32
        %dma_start3A_224 = tpu.memref_slice %arg6[%cond3A, %dma_start3A_222, %dma_start3A_223] : memref<2x128x128xf32, #tpu.memory_space<vmem>> -> memref<1x128x128xf32, #tpu.memory_space<vmem>>
        %dma_start3A_225 = tpu.memref_squeeze %dma_start3A_224 : memref<1x128x128xf32, #tpu.memory_space<vmem>> -> memref<128x128xf32, #tpu.memory_space<vmem>>
        %dma_start3A_226 = arith.constant 0 : i32
        %dma_start3A_227 = tpu.memref_slice %arg5[%rem3A_203, %dma_start3A_221, %dma_start3A_226] : memref<4x2x128xi32, #tpu.memory_space<vmem>> -> memref<1x1x128xi32, #tpu.memory_space<vmem>>
        %dma_start3A_228 = tpu.memref_squeeze %dma_start3A_227 : memref<1x1x128xi32, #tpu.memory_space<vmem>> -> memref<128xi32, #tpu.memory_space<vmem>>
        %dma_start3A_229 = arith.constant 0 : i32
        %dma_start3A_230 = arith.constant 0 : i32
        %dma_start3A_231 = tpu.memref_slice %arg2[%dma_start3A_229, %dma_start3A_230] : memref<10000x128xf32, #tpu.memory_space<hbm>> -> memref<10000x128xf32, #tpu.memory_space<hbm>>
        tpu.enqueue_indirect_dma source(%dma_start3A_231 : memref<10000x128xf32, #tpu.memory_space<hbm>>) target(%dma_start3A_225 : memref<128x128xf32, #tpu.memory_space<vmem>>) offsets(%dma_start3A_228 : memref<128xi32, #tpu.memory_space<vmem>>) semaphore(%arg8 : memref<!tpu.dma_semaphore, #tpu.memory_space<semaphore_mem>>)
      } else {
      }
      %sub3A_161 = arith.constant 4 : i32
      %sub3A_162 = arith.subi %select_n3A, %sub3A_161 : i32
      %lt3A_163 = arith.cmpi slt, %mul3A_141, %sub3A_162 : i32
      %convert_element_type3A_164 = arith.extui %lt3A_163 : i1 to i32
      %cond3A_165 = arith.constant 0 : i32
      %cond3A_166 = arith.cmpi ne, %convert_element_type3A_164, %cond3A_165 : i32
      scf.if %cond3A_166 {
        %add3A_200 = arith.constant 4 : i32
        %add3A_201 = arith.addi %mul3A_141, %add3A_200 : i32
        %dma_start3A_202 = arith.constant 0 : i32
        %dma_start3A_203 = arith.constant 0 : i32
        %dma_start3A_204 = tpu.memref_slice %arg5[%rem3A_143, %dma_start3A_202, %dma_start3A_203] : memref<4x2x128xi32, #tpu.memory_space<vmem>> -> memref<1x2x128xi32, #tpu.memory_space<vmem>>
        %dma_start3A_205 = tpu.memref_squeeze %dma_start3A_204 : memref<1x2x128xi32, #tpu.memory_space<vmem>> -> memref<2x128xi32, #tpu.memory_space<vmem>>
        %dma_start3A_206 = arith.constant 0 : i32
        %dma_start3A_207 = arith.constant 0 : i32
        %dma_start3A_208 = tpu.memref_slice %arg3[%add3A, %add3A_201, %dma_start3A_206, %dma_start3A_207] : memref<32x96x2x128xi32, #tpu.memory_space<hbm>> -> memref<1x1x2x128xi32, #tpu.memory_space<hbm>>
        %dma_start3A_209 = tpu.memref_squeeze %dma_start3A_208 : memref<1x1x2x128xi32, #tpu.memory_space<hbm>> -> memref<2x128xi32, #tpu.memory_space<hbm>>
        %dma_start3A_210 = arith.constant 0 : i32
        %dma_start3A_211 = arith.constant 0 : i32
        %dma_start3A_212 = tpu.memref_slice %arg5[%rem3A_143, %dma_start3A_210, %dma_start3A_211] : memref<4x2x128xi32, #tpu.memory_space<vmem>> -> memref<1x2x128xi32, #tpu.memory_space<vmem>>
        %dma_start3A_213 = tpu.memref_squeeze %dma_start3A_212 : memref<1x2x128xi32, #tpu.memory_space<vmem>> -> memref<2x128xi32, #tpu.memory_space<vmem>>
        %dma_start3A_214 = arith.constant 0 : i32
        %dma_start3A_215 = arith.constant 0 : i32
        %dma_start3A_216 = tpu.memref_slice %arg3[%add3A, %add3A_201, %dma_start3A_214, %dma_start3A_215] : memref<32x96x2x128xi32, #tpu.memory_space<hbm>> -> memref<1x1x2x128xi32, #tpu.memory_space<hbm>>
        %dma_start3A_217 = tpu.memref_squeeze %dma_start3A_216 : memref<1x1x2x128xi32, #tpu.memory_space<hbm>> -> memref<2x128xi32, #tpu.memory_space<hbm>>
        tpu.enqueue_dma source(%dma_start3A_217 : memref<2x128xi32, #tpu.memory_space<hbm>>) target(%dma_start3A_213 : memref<2x128xi32, #tpu.memory_space<vmem>>) target_semaphore(%arg10 : memref<!tpu.dma_semaphore, #tpu.memory_space<semaphore_mem>>)
      } else {
      }
      %mul3A_167 = arith.constant 2 : i32
      %mul3A_168 = arith.muli %mul3A_167, %while3A_139 : i32
      %add3A_169 = arith.constant 1 : i32
      %add3A_170 = arith.addi %mul3A_168, %add3A_169 : i32
      %rem3A_171 = arith.constant 4 : i32
      %rem3A_172 = arith.remsi %add3A_170, %rem3A_171 : i32
      %dma_wait3A_173 = arith.constant 0 : i32
      %dma_wait3A_174 = arith.constant 1 : i32
      %dma_wait3A_175 = arith.constant 0 : i32
      %dma_wait3A_176 = arith.constant 0 : i32
      %dma_wait3A_177 = tpu.memref_slice %arg6[%dma_wait3A_174, %dma_wait3A_175, %dma_wait3A_176] : memref<2x128x128xf32, #tpu.memory_space<vmem>> -> memref<1x128x128xf32, #tpu.memory_space<vmem>>
      %dma_wait3A_178 = tpu.memref_squeeze %dma_wait3A_177 : memref<1x128x128xf32, #tpu.memory_space<vmem>> -> memref<128x128xf32, #tpu.memory_space<vmem>>
      %dma_wait3A_179 = arith.constant 0 : i32
      %dma_wait3A_180 = tpu.memref_slice %arg5[%rem3A_172, %dma_wait3A_173, %dma_wait3A_179] : memref<4x2x128xi32, #tpu.memory_space<vmem>> -> memref<1x1x128xi32, #tpu.memory_space<vmem>>
      %dma_wait3A_181 = tpu.memref_squeeze %dma_wait3A_180 : memref<1x1x128xi32, #tpu.memory_space<vmem>> -> memref<128xi32, #tpu.memory_space<vmem>>
      %dma_wait3A_182 = arith.constant 0 : i32
      %dma_wait3A_183 = arith.constant 0 : i32
      %dma_wait3A_184 = tpu.memref_slice %arg2[%dma_wait3A_182, %dma_wait3A_183] : memref<10000x128xf32, #tpu.memory_space<hbm>> -> memref<10000x128xf32, #tpu.memory_space<hbm>>
      tpu.wait_indirect_dma semaphore(%arg9 : memref<!tpu.dma_semaphore, #tpu.memory_space<semaphore_mem>>) src(%dma_wait3A_184 : memref<10000x128xf32, #tpu.memory_space<hbm>>) dst(%dma_wait3A_178 : memref<128x128xf32, #tpu.memory_space<vmem>>)
      %run_scoped3A_185 = arith.constant 1 : i32
      %run_scoped3A_186 = arith.constant 1 : i32
      "tpu.region"() ({
        %run_scoped3A_200 = tpu.sem_alloc : memref<!tpu.dma_semaphore, #tpu.memory_space<semaphore_mem>>
        %dma_start3A_201 = arith.constant 0 : i32
        %dma_start3A_202 = arith.constant 0 : i32
        %dma_start3A_203 = tpu.memref_slice %arg6[%run_scoped3A_185, %dma_start3A_201, %dma_start3A_202] : memref<2x128x128xf32, #tpu.memory_space<vmem>> -> memref<1x128x128xf32, #tpu.memory_space<vmem>>
        %dma_start3A_204 = tpu.memref_squeeze %dma_start3A_203 : memref<1x128x128xf32, #tpu.memory_space<vmem>> -> memref<128x128xf32, #tpu.memory_space<vmem>>
        %dma_start3A_205 = arith.constant 0 : i32
        %dma_start3A_206 = tpu.memref_slice %arg5[%rem3A_172, %run_scoped3A_186, %dma_start3A_205] : memref<4x2x128xi32, #tpu.memory_space<vmem>> -> memref<1x1x128xi32, #tpu.memory_space<vmem>>
        %dma_start3A_207 = tpu.memref_squeeze %dma_start3A_206 : memref<1x1x128xi32, #tpu.memory_space<vmem>> -> memref<128xi32, #tpu.memory_space<vmem>>
        %dma_start3A_208 = arith.constant 0 : i32
        %dma_start3A_209 = arith.constant 0 : i32
        %dma_start3A_210 = tpu.memref_slice %arg7[%dma_start3A_208, %dma_start3A_209] : memref<10240x128xf32, #tpu.memory_space<vmem_shared>> -> memref<10240x128xf32, #tpu.memory_space<vmem_shared>>
        tpu.enqueue_indirect_dma source(%dma_start3A_204 : memref<128x128xf32, #tpu.memory_space<vmem>>) target(%dma_start3A_210 : memref<10240x128xf32, #tpu.memory_space<vmem_shared>>) offsets(%dma_start3A_207 : memref<128xi32, #tpu.memory_space<vmem>>) semaphore(%run_scoped3A_200 : memref<!tpu.dma_semaphore, #tpu.memory_space<semaphore_mem>>) {add = true}
        %dma_wait3A_211 = arith.constant 0 : i32
        %dma_wait3A_212 = arith.constant 0 : i32
        %dma_wait3A_213 = tpu.memref_slice %arg6[%run_scoped3A_185, %dma_wait3A_211, %dma_wait3A_212] : memref<2x128x128xf32, #tpu.memory_space<vmem>> -> memref<1x128x128xf32, #tpu.memory_space<vmem>>
        %dma_wait3A_214 = tpu.memref_squeeze %dma_wait3A_213 : memref<1x128x128xf32, #tpu.memory_space<vmem>> -> memref<128x128xf32, #tpu.memory_space<vmem>>
        %dma_wait3A_215 = arith.constant 0 : i32
        %dma_wait3A_216 = tpu.memref_slice %arg5[%rem3A_172, %run_scoped3A_186, %dma_wait3A_215] : memref<4x2x128xi32, #tpu.memory_space<vmem>> -> memref<1x1x128xi32, #tpu.memory_space<vmem>>
        %dma_wait3A_217 = tpu.memref_squeeze %dma_wait3A_216 : memref<1x1x128xi32, #tpu.memory_space<vmem>> -> memref<128xi32, #tpu.memory_space<vmem>>
        %dma_wait3A_218 = arith.constant 0 : i32
        %dma_wait3A_219 = arith.constant 0 : i32
        %dma_wait3A_220 = tpu.memref_slice %arg7[%dma_wait3A_218, %dma_wait3A_219] : memref<10240x128xf32, #tpu.memory_space<vmem_shared>> -> memref<10240x128xf32, #tpu.memory_space<vmem_shared>>
        tpu.wait_indirect_dma semaphore(%run_scoped3A_200 : memref<!tpu.dma_semaphore, #tpu.memory_space<semaphore_mem>>) src(%dma_wait3A_214 : memref<128x128xf32, #tpu.memory_space<vmem>>) dst(%dma_wait3A_220 : memref<10240x128xf32, #tpu.memory_space<vmem_shared>>)
        tpu.yield
      }) : () -> ()
      %sub3A_187 = arith.constant 2 : i32
      %sub3A_188 = arith.subi %select_n3A, %sub3A_187 : i32
      %lt3A_189 = arith.cmpi slt, %add3A_170, %sub3A_188 : i32
      %convert_element_type3A_190 = arith.extui %lt3A_189 : i1 to i32
      %cond3A_191 = arith.constant 1 : i32
      %cond3A_192 = arith.constant 0 : i32
      %cond3A_193 = arith.cmpi ne, %convert_element_type3A_190, %cond3A_192 : i32
      scf.if %cond3A_193 {
        %add3A_200 = arith.constant 2 : i32
        %add3A_201 = arith.addi %add3A_170, %add3A_200 : i32
        %rem3A_202 = arith.constant 4 : i32
        %rem3A_203 = arith.remsi %add3A_201, %rem3A_202 : i32
        %dma_wait3A_204 = arith.constant 0 : i32
        %dma_wait3A_205 = arith.constant 0 : i32
        %dma_wait3A_206 = arith.constant 0 : i32
        %dma_wait3A_207 = tpu.memref_slice %arg5[%rem3A_203, %dma_wait3A_205, %dma_wait3A_206] : memref<4x2x128xi32, #tpu.memory_space<vmem>> -> memref<1x2x128xi32, #tpu.memory_space<vmem>>
        %dma_wait3A_208 = tpu.memref_squeeze %dma_wait3A_207 : memref<1x2x128xi32, #tpu.memory_space<vmem>> -> memref<2x128xi32, #tpu.memory_space<vmem>>
        %dma_wait3A_209 = arith.constant 0 : i32
        %dma_wait3A_210 = arith.constant 0 : i32
        %dma_wait3A_211 = tpu.memref_slice %arg3[%add3A, %dma_wait3A_204, %dma_wait3A_209, %dma_wait3A_210] : memref<32x96x2x128xi32, #tpu.memory_space<hbm>> -> memref<1x1x2x128xi32, #tpu.memory_space<hbm>>
        %dma_wait3A_212 = tpu.memref_squeeze %dma_wait3A_211 : memref<1x1x2x128xi32, #tpu.memory_space<hbm>> -> memref<2x128xi32, #tpu.memory_space<hbm>>
        %dma_wait3A_213 = arith.constant 0 : i32
        %dma_wait3A_214 = arith.constant 0 : i32
        %dma_wait3A_215 = tpu.memref_slice %arg5[%rem3A_203, %dma_wait3A_213, %dma_wait3A_214] : memref<4x2x128xi32, #tpu.memory_space<vmem>> -> memref<1x2x128xi32, #tpu.memory_space<vmem>>
        %dma_wait3A_216 = tpu.memref_squeeze %dma_wait3A_215 : memref<1x2x128xi32, #tpu.memory_space<vmem>> -> memref<2x128xi32, #tpu.memory_space<vmem>>
        %dma_wait3A_217 = arith.constant 0 : i32
        %dma_wait3A_218 = arith.constant 0 : i32
        %dma_wait3A_219 = tpu.memref_slice %arg3[%add3A, %dma_wait3A_204, %dma_wait3A_217, %dma_wait3A_218] : memref<32x96x2x128xi32, #tpu.memory_space<hbm>> -> memref<1x1x2x128xi32, #tpu.memory_space<hbm>>
        %dma_wait3A_220 = tpu.memref_squeeze %dma_wait3A_219 : memref<1x1x2x128xi32, #tpu.memory_space<hbm>> -> memref<2x128xi32, #tpu.memory_space<hbm>>
        tpu.wait_dma2 semaphore(%arg11 : memref<!tpu.dma_semaphore, #tpu.memory_space<semaphore_mem>>) src(%dma_wait3A_220 : memref<2x128xi32, #tpu.memory_space<hbm>>) dst(%dma_wait3A_216 : memref<2x128xi32, #tpu.memory_space<vmem>>)
        %dma_start3A_221 = arith.constant 0 : i32
        %dma_start3A_222 = arith.constant 0 : i32
        %dma_start3A_223 = arith.constant 0 : i32
        %dma_start3A_224 = tpu.memref_slice %arg6[%cond3A_191, %dma_start3A_222, %dma_start3A_223] : memref<2x128x128xf32, #tpu.memory_space<vmem>> -> memref<1x128x128xf32, #tpu.memory_space<vmem>>
        %dma_start3A_225 = tpu.memref_squeeze %dma_start3A_224 : memref<1x128x128xf32, #tpu.memory_space<vmem>> -> memref<128x128xf32, #tpu.memory_space<vmem>>
        %dma_start3A_226 = arith.constant 0 : i32
        %dma_start3A_227 = tpu.memref_slice %arg5[%rem3A_203, %dma_start3A_221, %dma_start3A_226] : memref<4x2x128xi32, #tpu.memory_space<vmem>> -> memref<1x1x128xi32, #tpu.memory_space<vmem>>
        %dma_start3A_228 = tpu.memref_squeeze %dma_start3A_227 : memref<1x1x128xi32, #tpu.memory_space<vmem>> -> memref<128xi32, #tpu.memory_space<vmem>>
        %dma_start3A_229 = arith.constant 0 : i32
        %dma_start3A_230 = arith.constant 0 : i32
        %dma_start3A_231 = tpu.memref_slice %arg2[%dma_start3A_229, %dma_start3A_230] : memref<10000x128xf32, #tpu.memory_space<hbm>> -> memref<10000x128xf32, #tpu.memory_space<hbm>>
        tpu.enqueue_indirect_dma source(%dma_start3A_231 : memref<10000x128xf32, #tpu.memory_space<hbm>>) target(%dma_start3A_225 : memref<128x128xf32, #tpu.memory_space<vmem>>) offsets(%dma_start3A_228 : memref<128xi32, #tpu.memory_space<vmem>>) semaphore(%arg9 : memref<!tpu.dma_semaphore, #tpu.memory_space<semaphore_mem>>)
      } else {
      }
      %sub3A_194 = arith.constant 4 : i32
      %sub3A_195 = arith.subi %select_n3A, %sub3A_194 : i32
      %lt3A_196 = arith.cmpi slt, %add3A_170, %sub3A_195 : i32
      %convert_element_type3A_197 = arith.extui %lt3A_196 : i1 to i32
      %cond3A_198 = arith.constant 0 : i32
      %cond3A_199 = arith.cmpi ne, %convert_element_type3A_197, %cond3A_198 : i32
      scf.if %cond3A_199 {
        %add3A_200 = arith.constant 4 : i32
        %add3A_201 = arith.addi %add3A_170, %add3A_200 : i32
        %dma_start3A_202 = arith.constant 0 : i32
        %dma_start3A_203 = arith.constant 0 : i32
        %dma_start3A_204 = tpu.memref_slice %arg5[%rem3A_172, %dma_start3A_202, %dma_start3A_203] : memref<4x2x128xi32, #tpu.memory_space<vmem>> -> memref<1x2x128xi32, #tpu.memory_space<vmem>>
        %dma_start3A_205 = tpu.memref_squeeze %dma_start3A_204 : memref<1x2x128xi32, #tpu.memory_space<vmem>> -> memref<2x128xi32, #tpu.memory_space<vmem>>
        %dma_start3A_206 = arith.constant 0 : i32
        %dma_start3A_207 = arith.constant 0 : i32
        %dma_start3A_208 = tpu.memref_slice %arg3[%add3A, %add3A_201, %dma_start3A_206, %dma_start3A_207] : memref<32x96x2x128xi32, #tpu.memory_space<hbm>> -> memref<1x1x2x128xi32, #tpu.memory_space<hbm>>
        %dma_start3A_209 = tpu.memref_squeeze %dma_start3A_208 : memref<1x1x2x128xi32, #tpu.memory_space<hbm>> -> memref<2x128xi32, #tpu.memory_space<hbm>>
        %dma_start3A_210 = arith.constant 0 : i32
        %dma_start3A_211 = arith.constant 0 : i32
        %dma_start3A_212 = tpu.memref_slice %arg5[%rem3A_172, %dma_start3A_210, %dma_start3A_211] : memref<4x2x128xi32, #tpu.memory_space<vmem>> -> memref<1x2x128xi32, #tpu.memory_space<vmem>>
        %dma_start3A_213 = tpu.memref_squeeze %dma_start3A_212 : memref<1x2x128xi32, #tpu.memory_space<vmem>> -> memref<2x128xi32, #tpu.memory_space<vmem>>
        %dma_start3A_214 = arith.constant 0 : i32
        %dma_start3A_215 = arith.constant 0 : i32
        %dma_start3A_216 = tpu.memref_slice %arg3[%add3A, %add3A_201, %dma_start3A_214, %dma_start3A_215] : memref<32x96x2x128xi32, #tpu.memory_space<hbm>> -> memref<1x1x2x128xi32, #tpu.memory_space<hbm>>
        %dma_start3A_217 = tpu.memref_squeeze %dma_start3A_216 : memref<1x1x2x128xi32, #tpu.memory_space<hbm>> -> memref<2x128xi32, #tpu.memory_space<hbm>>
        tpu.enqueue_dma source(%dma_start3A_217 : memref<2x128xi32, #tpu.memory_space<hbm>>) target(%dma_start3A_213 : memref<2x128xi32, #tpu.memory_space<vmem>>) target_semaphore(%arg11 : memref<!tpu.dma_semaphore, #tpu.memory_space<semaphore_mem>>)
      } else {
      }
    }
    %while3A_133 = arith.constant 1 : i32
    scf.for %while3A_139 = %while3A_131 to %while3A_127 step %while3A_133  : i32 {
      %mul3A_140 = arith.constant 2 : i32
      %mul3A_141 = arith.muli %mul3A_140, %while3A_139 : i32
      %rem3A_142 = arith.constant 4 : i32
      %rem3A_143 = arith.remsi %mul3A_141, %rem3A_142 : i32
      %dma_wait3A = arith.constant 0 : i32
      %dma_wait3A_144 = arith.constant 0 : i32
      %dma_wait3A_145 = arith.constant 0 : i32
      %dma_wait3A_146 = arith.constant 0 : i32
      %dma_wait3A_147 = tpu.memref_slice %arg6[%dma_wait3A_144, %dma_wait3A_145, %dma_wait3A_146] : memref<2x128x128xf32, #tpu.memory_space<vmem>> -> memref<1x128x128xf32, #tpu.memory_space<vmem>>
      %dma_wait3A_148 = tpu.memref_squeeze %dma_wait3A_147 : memref<1x128x128xf32, #tpu.memory_space<vmem>> -> memref<128x128xf32, #tpu.memory_space<vmem>>
      %dma_wait3A_149 = arith.constant 0 : i32
      %dma_wait3A_150 = tpu.memref_slice %arg5[%rem3A_143, %dma_wait3A, %dma_wait3A_149] : memref<4x2x128xi32, #tpu.memory_space<vmem>> -> memref<1x1x128xi32, #tpu.memory_space<vmem>>
      %dma_wait3A_151 = tpu.memref_squeeze %dma_wait3A_150 : memref<1x1x128xi32, #tpu.memory_space<vmem>> -> memref<128xi32, #tpu.memory_space<vmem>>
      %dma_wait3A_152 = arith.constant 0 : i32
      %dma_wait3A_153 = arith.constant 0 : i32
      %dma_wait3A_154 = tpu.memref_slice %arg2[%dma_wait3A_152, %dma_wait3A_153] : memref<10000x128xf32, #tpu.memory_space<hbm>> -> memref<10000x128xf32, #tpu.memory_space<hbm>>
      tpu.wait_indirect_dma semaphore(%arg8 : memref<!tpu.dma_semaphore, #tpu.memory_space<semaphore_mem>>) src(%dma_wait3A_154 : memref<10000x128xf32, #tpu.memory_space<hbm>>) dst(%dma_wait3A_148 : memref<128x128xf32, #tpu.memory_space<vmem>>)
      %run_scoped3A_155 = arith.constant 0 : i32
      %run_scoped3A_156 = arith.constant 1 : i32
      "tpu.region"() ({
        %run_scoped3A_200 = tpu.sem_alloc : memref<!tpu.dma_semaphore, #tpu.memory_space<semaphore_mem>>
        %dma_start3A_201 = arith.constant 0 : i32
        %dma_start3A_202 = arith.constant 0 : i32
        %dma_start3A_203 = tpu.memref_slice %arg6[%run_scoped3A_155, %dma_start3A_201, %dma_start3A_202] : memref<2x128x128xf32, #tpu.memory_space<vmem>> -> memref<1x128x128xf32, #tpu.memory_space<vmem>>
        %dma_start3A_204 = tpu.memref_squeeze %dma_start3A_203 : memref<1x128x128xf32, #tpu.memory_space<vmem>> -> memref<128x128xf32, #tpu.memory_space<vmem>>
        %dma_start3A_205 = arith.constant 0 : i32
        %dma_start3A_206 = tpu.memref_slice %arg5[%rem3A_143, %run_scoped3A_156, %dma_start3A_205] : memref<4x2x128xi32, #tpu.memory_space<vmem>> -> memref<1x1x128xi32, #tpu.memory_space<vmem>>
        %dma_start3A_207 = tpu.memref_squeeze %dma_start3A_206 : memref<1x1x128xi32, #tpu.memory_space<vmem>> -> memref<128xi32, #tpu.memory_space<vmem>>
        %dma_start3A_208 = arith.constant 0 : i32
        %dma_start3A_209 = arith.constant 0 : i32
        %dma_start3A_210 = tpu.memref_slice %arg7[%dma_start3A_208, %dma_start3A_209] : memref<10240x128xf32, #tpu.memory_space<vmem_shared>> -> memref<10240x128xf32, #tpu.memory_space<vmem_shared>>
        tpu.enqueue_indirect_dma source(%dma_start3A_204 : memref<128x128xf32, #tpu.memory_space<vmem>>) target(%dma_start3A_210 : memref<10240x128xf32, #tpu.memory_space<vmem_shared>>) offsets(%dma_start3A_207 : memref<128xi32, #tpu.memory_space<vmem>>) semaphore(%run_scoped3A_200 : memref<!tpu.dma_semaphore, #tpu.memory_space<semaphore_mem>>) {add = true}
        %dma_wait3A_211 = arith.constant 0 : i32
        %dma_wait3A_212 = arith.constant 0 : i32
        %dma_wait3A_213 = tpu.memref_slice %arg6[%run_scoped3A_155, %dma_wait3A_211, %dma_wait3A_212] : memref<2x128x128xf32, #tpu.memory_space<vmem>> -> memref<1x128x128xf32, #tpu.memory_space<vmem>>
        %dma_wait3A_214 = tpu.memref_squeeze %dma_wait3A_213 : memref<1x128x128xf32, #tpu.memory_space<vmem>> -> memref<128x128xf32, #tpu.memory_space<vmem>>
        %dma_wait3A_215 = arith.constant 0 : i32
        %dma_wait3A_216 = tpu.memref_slice %arg5[%rem3A_143, %run_scoped3A_156, %dma_wait3A_215] : memref<4x2x128xi32, #tpu.memory_space<vmem>> -> memref<1x1x128xi32, #tpu.memory_space<vmem>>
        %dma_wait3A_217 = tpu.memref_squeeze %dma_wait3A_216 : memref<1x1x128xi32, #tpu.memory_space<vmem>> -> memref<128xi32, #tpu.memory_space<vmem>>
        %dma_wait3A_218 = arith.constant 0 : i32
        %dma_wait3A_219 = arith.constant 0 : i32
        %dma_wait3A_220 = tpu.memref_slice %arg7[%dma_wait3A_218, %dma_wait3A_219] : memref<10240x128xf32, #tpu.memory_space<vmem_shared>> -> memref<10240x128xf32, #tpu.memory_space<vmem_shared>>
        tpu.wait_indirect_dma semaphore(%run_scoped3A_200 : memref<!tpu.dma_semaphore, #tpu.memory_space<semaphore_mem>>) src(%dma_wait3A_214 : memref<128x128xf32, #tpu.memory_space<vmem>>) dst(%dma_wait3A_220 : memref<10240x128xf32, #tpu.memory_space<vmem_shared>>)
        tpu.yield
      }) : () -> ()
      %sub3A_157 = arith.constant 2 : i32
      %sub3A_158 = arith.subi %select_n3A, %sub3A_157 : i32
      %lt3A = arith.cmpi slt, %mul3A_141, %sub3A_158 : i32
      %convert_element_type3A = arith.extui %lt3A : i1 to i32
      %cond3A = arith.constant 0 : i32
      %cond3A_159 = arith.constant 0 : i32
      %cond3A_160 = arith.cmpi ne, %convert_element_type3A, %cond3A_159 : i32
      scf.if %cond3A_160 {
        %add3A_200 = arith.constant 2 : i32
        %add3A_201 = arith.addi %mul3A_141, %add3A_200 : i32
        %rem3A_202 = arith.constant 4 : i32
        %rem3A_203 = arith.remsi %add3A_201, %rem3A_202 : i32
        %dma_wait3A_204 = arith.constant 0 : i32
        %dma_wait3A_205 = arith.constant 0 : i32
        %dma_wait3A_206 = arith.constant 0 : i32
        %dma_wait3A_207 = tpu.memref_slice %arg5[%rem3A_203, %dma_wait3A_205, %dma_wait3A_206] : memref<4x2x128xi32, #tpu.memory_space<vmem>> -> memref<1x2x128xi32, #tpu.memory_space<vmem>>
        %dma_wait3A_208 = tpu.memref_squeeze %dma_wait3A_207 : memref<1x2x128xi32, #tpu.memory_space<vmem>> -> memref<2x128xi32, #tpu.memory_space<vmem>>
        %dma_wait3A_209 = arith.constant 0 : i32
        %dma_wait3A_210 = arith.constant 0 : i32
        %dma_wait3A_211 = tpu.memref_slice %arg3[%add3A, %dma_wait3A_204, %dma_wait3A_209, %dma_wait3A_210] : memref<32x96x2x128xi32, #tpu.memory_space<hbm>> -> memref<1x1x2x128xi32, #tpu.memory_space<hbm>>
        %dma_wait3A_212 = tpu.memref_squeeze %dma_wait3A_211 : memref<1x1x2x128xi32, #tpu.memory_space<hbm>> -> memref<2x128xi32, #tpu.memory_space<hbm>>
        %dma_wait3A_213 = arith.constant 0 : i32
        %dma_wait3A_214 = arith.constant 0 : i32
        %dma_wait3A_215 = tpu.memref_slice %arg5[%rem3A_203, %dma_wait3A_213, %dma_wait3A_214] : memref<4x2x128xi32, #tpu.memory_space<vmem>> -> memref<1x2x128xi32, #tpu.memory_space<vmem>>
        %dma_wait3A_216 = tpu.memref_squeeze %dma_wait3A_215 : memref<1x2x128xi32, #tpu.memory_space<vmem>> -> memref<2x128xi32, #tpu.memory_space<vmem>>
        %dma_wait3A_217 = arith.constant 0 : i32
        %dma_wait3A_218 = arith.constant 0 : i32
        %dma_wait3A_219 = tpu.memref_slice %arg3[%add3A, %dma_wait3A_204, %dma_wait3A_217, %dma_wait3A_218] : memref<32x96x2x128xi32, #tpu.memory_space<hbm>> -> memref<1x1x2x128xi32, #tpu.memory_space<hbm>>
        %dma_wait3A_220 = tpu.memref_squeeze %dma_wait3A_219 : memref<1x1x2x128xi32, #tpu.memory_space<hbm>> -> memref<2x128xi32, #tpu.memory_space<hbm>>
        tpu.wait_dma2 semaphore(%arg10 : memref<!tpu.dma_semaphore, #tpu.memory_space<semaphore_mem>>) src(%dma_wait3A_220 : memref<2x128xi32, #tpu.memory_space<hbm>>) dst(%dma_wait3A_216 : memref<2x128xi32, #tpu.memory_space<vmem>>)
        %dma_start3A_221 = arith.constant 0 : i32
        %dma_start3A_222 = arith.constant 0 : i32
        %dma_start3A_223 = arith.constant 0 : i32
        %dma_start3A_224 = tpu.memref_slice %arg6[%cond3A, %dma_start3A_222, %dma_start3A_223] : memref<2x128x128xf32, #tpu.memory_space<vmem>> -> memref<1x128x128xf32, #tpu.memory_space<vmem>>
        %dma_start3A_225 = tpu.memref_squeeze %dma_start3A_224 : memref<1x128x128xf32, #tpu.memory_space<vmem>> -> memref<128x128xf32, #tpu.memory_space<vmem>>
        %dma_start3A_226 = arith.constant 0 : i32
        %dma_start3A_227 = tpu.memref_slice %arg5[%rem3A_203, %dma_start3A_221, %dma_start3A_226] : memref<4x2x128xi32, #tpu.memory_space<vmem>> -> memref<1x1x128xi32, #tpu.memory_space<vmem>>
        %dma_start3A_228 = tpu.memref_squeeze %dma_start3A_227 : memref<1x1x128xi32, #tpu.memory_space<vmem>> -> memref<128xi32, #tpu.memory_space<vmem>>
        %dma_start3A_229 = arith.constant 0 : i32
        %dma_start3A_230 = arith.constant 0 : i32
        %dma_start3A_231 = tpu.memref_slice %arg2[%dma_start3A_229, %dma_start3A_230] : memref<10000x128xf32, #tpu.memory_space<hbm>> -> memref<10000x128xf32, #tpu.memory_space<hbm>>
        tpu.enqueue_indirect_dma source(%dma_start3A_231 : memref<10000x128xf32, #tpu.memory_space<hbm>>) target(%dma_start3A_225 : memref<128x128xf32, #tpu.memory_space<vmem>>) offsets(%dma_start3A_228 : memref<128xi32, #tpu.memory_space<vmem>>) semaphore(%arg8 : memref<!tpu.dma_semaphore, #tpu.memory_space<semaphore_mem>>)
      } else {
      }
      %sub3A_161 = arith.constant 4 : i32
      %sub3A_162 = arith.subi %select_n3A, %sub3A_161 : i32
      %lt3A_163 = arith.cmpi slt, %mul3A_141, %sub3A_162 : i32
      %convert_element_type3A_164 = arith.extui %lt3A_163 : i1 to i32
      %cond3A_165 = arith.constant 0 : i32
      %cond3A_166 = arith.cmpi ne, %convert_element_type3A_164, %cond3A_165 : i32
      scf.if %cond3A_166 {
        %add3A_200 = arith.constant 4 : i32
        %add3A_201 = arith.addi %mul3A_141, %add3A_200 : i32
        %dma_start3A_202 = arith.constant 0 : i32
        %dma_start3A_203 = arith.constant 0 : i32
        %dma_start3A_204 = tpu.memref_slice %arg5[%rem3A_143, %dma_start3A_202, %dma_start3A_203] : memref<4x2x128xi32, #tpu.memory_space<vmem>> -> memref<1x2x128xi32, #tpu.memory_space<vmem>>
        %dma_start3A_205 = tpu.memref_squeeze %dma_start3A_204 : memref<1x2x128xi32, #tpu.memory_space<vmem>> -> memref<2x128xi32, #tpu.memory_space<vmem>>
        %dma_start3A_206 = arith.constant 0 : i32
        %dma_start3A_207 = arith.constant 0 : i32
        %dma_start3A_208 = tpu.memref_slice %arg3[%add3A, %add3A_201, %dma_start3A_206, %dma_start3A_207] : memref<32x96x2x128xi32, #tpu.memory_space<hbm>> -> memref<1x1x2x128xi32, #tpu.memory_space<hbm>>
        %dma_start3A_209 = tpu.memref_squeeze %dma_start3A_208 : memref<1x1x2x128xi32, #tpu.memory_space<hbm>> -> memref<2x128xi32, #tpu.memory_space<hbm>>
        %dma_start3A_210 = arith.constant 0 : i32
        %dma_start3A_211 = arith.constant 0 : i32
        %dma_start3A_212 = tpu.memref_slice %arg5[%rem3A_143, %dma_start3A_210, %dma_start3A_211] : memref<4x2x128xi32, #tpu.memory_space<vmem>> -> memref<1x2x128xi32, #tpu.memory_space<vmem>>
        %dma_start3A_213 = tpu.memref_squeeze %dma_start3A_212 : memref<1x2x128xi32, #tpu.memory_space<vmem>> -> memref<2x128xi32, #tpu.memory_space<vmem>>
        %dma_start3A_214 = arith.constant 0 : i32
        %dma_start3A_215 = arith.constant 0 : i32
        %dma_start3A_216 = tpu.memref_slice %arg3[%add3A, %add3A_201, %dma_start3A_214, %dma_start3A_215] : memref<32x96x2x128xi32, #tpu.memory_space<hbm>> -> memref<1x1x2x128xi32, #tpu.memory_space<hbm>>
        %dma_start3A_217 = tpu.memref_squeeze %dma_start3A_216 : memref<1x1x2x128xi32, #tpu.memory_space<hbm>> -> memref<2x128xi32, #tpu.memory_space<hbm>>
        tpu.enqueue_dma source(%dma_start3A_217 : memref<2x128xi32, #tpu.memory_space<hbm>>) target(%dma_start3A_213 : memref<2x128xi32, #tpu.memory_space<vmem>>) target_semaphore(%arg10 : memref<!tpu.dma_semaphore, #tpu.memory_space<semaphore_mem>>)
      } else {
      }
      %mul3A_167 = arith.constant 2 : i32
      %mul3A_168 = arith.muli %mul3A_167, %while3A_139 : i32
      %add3A_169 = arith.constant 1 : i32
      %add3A_170 = arith.addi %mul3A_168, %add3A_169 : i32
      %rem3A_171 = arith.constant 4 : i32
      %rem3A_172 = arith.remsi %add3A_170, %rem3A_171 : i32
      %dma_wait3A_173 = arith.constant 0 : i32
      %dma_wait3A_174 = arith.constant 1 : i32
      %dma_wait3A_175 = arith.constant 0 : i32
      %dma_wait3A_176 = arith.constant 0 : i32
      %dma_wait3A_177 = tpu.memref_slice %arg6[%dma_wait3A_174, %dma_wait3A_175, %dma_wait3A_176] : memref<2x128x128xf32, #tpu.memory_space<vmem>> -> memref<1x128x128xf32, #tpu.memory_space<vmem>>
      %dma_wait3A_178 = tpu.memref_squeeze %dma_wait3A_177 : memref<1x128x128xf32, #tpu.memory_space<vmem>> -> memref<128x128xf32, #tpu.memory_space<vmem>>
      %dma_wait3A_179 = arith.constant 0 : i32
      %dma_wait3A_180 = tpu.memref_slice %arg5[%rem3A_172, %dma_wait3A_173, %dma_wait3A_179] : memref<4x2x128xi32, #tpu.memory_space<vmem>> -> memref<1x1x128xi32, #tpu.memory_space<vmem>>
      %dma_wait3A_181 = tpu.memref_squeeze %dma_wait3A_180 : memref<1x1x128xi32, #tpu.memory_space<vmem>> -> memref<128xi32, #tpu.memory_space<vmem>>
      %dma_wait3A_182 = arith.constant 0 : i32
      %dma_wait3A_183 = arith.constant 0 : i32
      %dma_wait3A_184 = tpu.memref_slice %arg2[%dma_wait3A_182, %dma_wait3A_183] : memref<10000x128xf32, #tpu.memory_space<hbm>> -> memref<10000x128xf32, #tpu.memory_space<hbm>>
      tpu.wait_indirect_dma semaphore(%arg9 : memref<!tpu.dma_semaphore, #tpu.memory_space<semaphore_mem>>) src(%dma_wait3A_184 : memref<10000x128xf32, #tpu.memory_space<hbm>>) dst(%dma_wait3A_178 : memref<128x128xf32, #tpu.memory_space<vmem>>)
      %run_scoped3A_185 = arith.constant 1 : i32
      %run_scoped3A_186 = arith.constant 1 : i32
      "tpu.region"() ({
        %run_scoped3A_200 = tpu.sem_alloc : memref<!tpu.dma_semaphore, #tpu.memory_space<semaphore_mem>>
        %dma_start3A_201 = arith.constant 0 : i32
        %dma_start3A_202 = arith.constant 0 : i32
        %dma_start3A_203 = tpu.memref_slice %arg6[%run_scoped3A_185, %dma_start3A_201, %dma_start3A_202] : memref<2x128x128xf32, #tpu.memory_space<vmem>> -> memref<1x128x128xf32, #tpu.memory_space<vmem>>
        %dma_start3A_204 = tpu.memref_squeeze %dma_start3A_203 : memref<1x128x128xf32, #tpu.memory_space<vmem>> -> memref<128x128xf32, #tpu.memory_space<vmem>>
        %dma_start3A_205 = arith.constant 0 : i32
        %dma_start3A_206 = tpu.memref_slice %arg5[%rem3A_172, %run_scoped3A_186, %dma_start3A_205] : memref<4x2x128xi32, #tpu.memory_space<vmem>> -> memref<1x1x128xi32, #tpu.memory_space<vmem>>
        %dma_start3A_207 = tpu.memref_squeeze %dma_start3A_206 : memref<1x1x128xi32, #tpu.memory_space<vmem>> -> memref<128xi32, #tpu.memory_space<vmem>>
        %dma_start3A_208 = arith.constant 0 : i32
        %dma_start3A_209 = arith.constant 0 : i32
        %dma_start3A_210 = tpu.memref_slice %arg7[%dma_start3A_208, %dma_start3A_209] : memref<10240x128xf32, #tpu.memory_space<vmem_shared>> -> memref<10240x128xf32, #tpu.memory_space<vmem_shared>>
        tpu.enqueue_indirect_dma source(%dma_start3A_204 : memref<128x128xf32, #tpu.memory_space<vmem>>) target(%dma_start3A_210 : memref<10240x128xf32, #tpu.memory_space<vmem_shared>>) offsets(%dma_start3A_207 : memref<128xi32, #tpu.memory_space<vmem>>) semaphore(%run_scoped3A_200 : memref<!tpu.dma_semaphore, #tpu.memory_space<semaphore_mem>>) {add = true}
        %dma_wait3A_211 = arith.constant 0 : i32
        %dma_wait3A_212 = arith.constant 0 : i32
        %dma_wait3A_213 = tpu.memref_slice %arg6[%run_scoped3A_185, %dma_wait3A_211, %dma_wait3A_212] : memref<2x128x128xf32, #tpu.memory_space<vmem>> -> memref<1x128x128xf32, #tpu.memory_space<vmem>>
        %dma_wait3A_214 = tpu.memref_squeeze %dma_wait3A_213 : memref<1x128x128xf32, #tpu.memory_space<vmem>> -> memref<128x128xf32, #tpu.memory_space<vmem>>
        %dma_wait3A_215 = arith.constant 0 : i32
        %dma_wait3A_216 = tpu.memref_slice %arg5[%rem3A_172, %run_scoped3A_186, %dma_wait3A_215] : memref<4x2x128xi32, #tpu.memory_space<vmem>> -> memref<1x1x128xi32, #tpu.memory_space<vmem>>
        %dma_wait3A_217 = tpu.memref_squeeze %dma_wait3A_216 : memref<1x1x128xi32, #tpu.memory_space<vmem>> -> memref<128xi32, #tpu.memory_space<vmem>>
        %dma_wait3A_218 = arith.constant 0 : i32
        %dma_wait3A_219 = arith.constant 0 : i32
        %dma_wait3A_220 = tpu.memref_slice %arg7[%dma_wait3A_218, %dma_wait3A_219] : memref<10240x128xf32, #tpu.memory_space<vmem_shared>> -> memref<10240x128xf32, #tpu.memory_space<vmem_shared>>
        tpu.wait_indirect_dma semaphore(%run_scoped3A_200 : memref<!tpu.dma_semaphore, #tpu.memory_space<semaphore_mem>>) src(%dma_wait3A_214 : memref<128x128xf32, #tpu.memory_space<vmem>>) dst(%dma_wait3A_220 : memref<10240x128xf32, #tpu.memory_space<vmem_shared>>)
        tpu.yield
      }) : () -> ()
      %sub3A_187 = arith.constant 2 : i32
      %sub3A_188 = arith.subi %select_n3A, %sub3A_187 : i32
      %lt3A_189 = arith.cmpi slt, %add3A_170, %sub3A_188 : i32
      %convert_element_type3A_190 = arith.extui %lt3A_189 : i1 to i32
      %cond3A_191 = arith.constant 1 : i32
      %cond3A_192 = arith.constant 0 : i32
      %cond3A_193 = arith.cmpi ne, %convert_element_type3A_190, %cond3A_192 : i32
      scf.if %cond3A_193 {
        %add3A_200 = arith.constant 2 : i32
        %add3A_201 = arith.addi %add3A_170, %add3A_200 : i32
        %rem3A_202 = arith.constant 4 : i32
        %rem3A_203 = arith.remsi %add3A_201, %rem3A_202 : i32
        %dma_wait3A_204 = arith.constant 0 : i32
        %dma_wait3A_205 = arith.constant 0 : i32
        %dma_wait3A_206 = arith.constant 0 : i32
        %dma_wait3A_207 = tpu.memref_slice %arg5[%rem3A_203, %dma_wait3A_205, %dma_wait3A_206] : memref<4x2x128xi32, #tpu.memory_space<vmem>> -> memref<1x2x128xi32, #tpu.memory_space<vmem>>
        %dma_wait3A_208 = tpu.memref_squeeze %dma_wait3A_207 : memref<1x2x128xi32, #tpu.memory_space<vmem>> -> memref<2x128xi32, #tpu.memory_space<vmem>>
        %dma_wait3A_209 = arith.constant 0 : i32
        %dma_wait3A_210 = arith.constant 0 : i32
        %dma_wait3A_211 = tpu.memref_slice %arg3[%add3A, %dma_wait3A_204, %dma_wait3A_209, %dma_wait3A_210] : memref<32x96x2x128xi32, #tpu.memory_space<hbm>> -> memref<1x1x2x128xi32, #tpu.memory_space<hbm>>
        %dma_wait3A_212 = tpu.memref_squeeze %dma_wait3A_211 : memref<1x1x2x128xi32, #tpu.memory_space<hbm>> -> memref<2x128xi32, #tpu.memory_space<hbm>>
        %dma_wait3A_213 = arith.constant 0 : i32
        %dma_wait3A_214 = arith.constant 0 : i32
        %dma_wait3A_215 = tpu.memref_slice %arg5[%rem3A_203, %dma_wait3A_213, %dma_wait3A_214] : memref<4x2x128xi32, #tpu.memory_space<vmem>> -> memref<1x2x128xi32, #tpu.memory_space<vmem>>
        %dma_wait3A_216 = tpu.memref_squeeze %dma_wait3A_215 : memref<1x2x128xi32, #tpu.memory_space<vmem>> -> memref<2x128xi32, #tpu.memory_space<vmem>>
        %dma_wait3A_217 = arith.constant 0 : i32
        %dma_wait3A_218 = arith.constant 0 : i32
        %dma_wait3A_219 = tpu.memref_slice %arg3[%add3A, %dma_wait3A_204, %dma_wait3A_217, %dma_wait3A_218] : memref<32x96x2x128xi32, #tpu.memory_space<hbm>> -> memref<1x1x2x128xi32, #tpu.memory_space<hbm>>
        %dma_wait3A_220 = tpu.memref_squeeze %dma_wait3A_219 : memref<1x1x2x128xi32, #tpu.memory_space<hbm>> -> memref<2x128xi32, #tpu.memory_space<hbm>>
        tpu.wait_dma2 semaphore(%arg11 : memref<!tpu.dma_semaphore, #tpu.memory_space<semaphore_mem>>) src(%dma_wait3A_220 : memref<2x128xi32, #tpu.memory_space<hbm>>) dst(%dma_wait3A_216 : memref<2x128xi32, #tpu.memory_space<vmem>>)
        %dma_start3A_221 = arith.constant 0 : i32
        %dma_start3A_222 = arith.constant 0 : i32
        %dma_start3A_223 = arith.constant 0 : i32
        %dma_start3A_224 = tpu.memref_slice %arg6[%cond3A_191, %dma_start3A_222, %dma_start3A_223] : memref<2x128x128xf32, #tpu.memory_space<vmem>> -> memref<1x128x128xf32, #tpu.memory_space<vmem>>
        %dma_start3A_225 = tpu.memref_squeeze %dma_start3A_224 : memref<1x128x128xf32, #tpu.memory_space<vmem>> -> memref<128x128xf32, #tpu.memory_space<vmem>>
        %dma_start3A_226 = arith.constant 0 : i32
        %dma_start3A_227 = tpu.memref_slice %arg5[%rem3A_203, %dma_start3A_221, %dma_start3A_226] : memref<4x2x128xi32, #tpu.memory_space<vmem>> -> memref<1x1x128xi32, #tpu.memory_space<vmem>>
        %dma_start3A_228 = tpu.memref_squeeze %dma_start3A_227 : memref<1x1x128xi32, #tpu.memory_space<vmem>> -> memref<128xi32, #tpu.memory_space<vmem>>
        %dma_start3A_229 = arith.constant 0 : i32
        %dma_start3A_230 = arith.constant 0 : i32
        %dma_start3A_231 = tpu.memref_slice %arg2[%dma_start3A_229, %dma_start3A_230] : memref<10000x128xf32, #tpu.memory_space<hbm>> -> memref<10000x128xf32, #tpu.memory_space<hbm>>
        tpu.enqueue_indirect_dma source(%dma_start3A_231 : memref<10000x128xf32, #tpu.memory_space<hbm>>) target(%dma_start3A_225 : memref<128x128xf32, #tpu.memory_space<vmem>>) offsets(%dma_start3A_228 : memref<128xi32, #tpu.memory_space<vmem>>) semaphore(%arg9 : memref<!tpu.dma_semaphore, #tpu.memory_space<semaphore_mem>>)
      } else {
      }
      %sub3A_194 = arith.constant 4 : i32
      %sub3A_195 = arith.subi %select_n3A, %sub3A_194 : i32
      %lt3A_196 = arith.cmpi slt, %add3A_170, %sub3A_195 : i32
      %convert_element_type3A_197 = arith.extui %lt3A_196 : i1 to i32
      %cond3A_198 = arith.constant 0 : i32
      %cond3A_199 = arith.cmpi ne, %convert_element_type3A_197, %cond3A_198 : i32
      scf.if %cond3A_199 {
        %add3A_200 = arith.constant 4 : i32
        %add3A_201 = arith.addi %add3A_170, %add3A_200 : i32
        %dma_start3A_202 = arith.constant 0 : i32
        %dma_start3A_203 = arith.constant 0 : i32
        %dma_start3A_204 = tpu.memref_slice %arg5[%rem3A_172, %dma_start3A_202, %dma_start3A_203] : memref<4x2x128xi32, #tpu.memory_space<vmem>> -> memref<1x2x128xi32, #tpu.memory_space<vmem>>
        %dma_start3A_205 = tpu.memref_squeeze %dma_start3A_204 : memref<1x2x128xi32, #tpu.memory_space<vmem>> -> memref<2x128xi32, #tpu.memory_space<vmem>>
        %dma_start3A_206 = arith.constant 0 : i32
        %dma_start3A_207 = arith.constant 0 : i32
        %dma_start3A_208 = tpu.memref_slice %arg3[%add3A, %add3A_201, %dma_start3A_206, %dma_start3A_207] : memref<32x96x2x128xi32, #tpu.memory_space<hbm>> -> memref<1x1x2x128xi32, #tpu.memory_space<hbm>>
        %dma_start3A_209 = tpu.memref_squeeze %dma_start3A_208 : memref<1x1x2x128xi32, #tpu.memory_space<hbm>> -> memref<2x128xi32, #tpu.memory_space<hbm>>
        %dma_start3A_210 = arith.constant 0 : i32
        %dma_start3A_211 = arith.constant 0 : i32
        %dma_start3A_212 = tpu.memref_slice %arg5[%rem3A_172, %dma_start3A_210, %dma_start3A_211] : memref<4x2x128xi32, #tpu.memory_space<vmem>> -> memref<1x2x128xi32, #tpu.memory_space<vmem>>
        %dma_start3A_213 = tpu.memref_squeeze %dma_start3A_212 : memref<1x2x128xi32, #tpu.memory_space<vmem>> -> memref<2x128xi32, #tpu.memory_space<vmem>>
        %dma_start3A_214 = arith.constant 0 : i32
        %dma_start3A_215 = arith.constant 0 : i32
        %dma_start3A_216 = tpu.memref_slice %arg3[%add3A, %add3A_201, %dma_start3A_214, %dma_start3A_215] : memref<32x96x2x128xi32, #tpu.memory_space<hbm>> -> memref<1x1x2x128xi32, #tpu.memory_space<hbm>>
        %dma_start3A_217 = tpu.memref_squeeze %dma_start3A_216 : memref<1x1x2x128xi32, #tpu.memory_space<hbm>> -> memref<2x128xi32, #tpu.memory_space<hbm>>
        tpu.enqueue_dma source(%dma_start3A_217 : memref<2x128xi32, #tpu.memory_space<hbm>>) target(%dma_start3A_213 : memref<2x128xi32, #tpu.memory_space<vmem>>) target_semaphore(%arg11 : memref<!tpu.dma_semaphore, #tpu.memory_space<semaphore_mem>>)
      } else {
      }
    }
    %barrier3A_134 = arith.constant 0 : index
    tpu.barrier barrier_id(%barrier3A_134)
    %mul3A_135 = arith.constant 640 : i32
    %mul3A_136 = arith.muli %arg1, %mul3A_135 : i32
    %mul3A_137 = arith.constant 640 : i32
    %mul3A_138 = arith.muli %arg1, %mul3A_137 : i32
    "tpu.region"() ({
      %run_scoped3A_139 = tpu.sem_alloc : memref<!tpu.dma_semaphore, #tpu.memory_space<semaphore_mem>>
      %dma_start3A_140 = arith.constant 0 : i32
      %dma_start3A_141 = tpu.memref_slice %arg4[%arg0, %mul3A_138, %dma_start3A_140] : memref<2x10240x128xf32, #tpu.memory_space<hbm>> -> memref<1x640x128xf32, #tpu.memory_space<hbm>>
      %dma_start3A_142 = tpu.memref_squeeze %dma_start3A_141 : memref<1x640x128xf32, #tpu.memory_space<hbm>> -> memref<640x128xf32, #tpu.memory_space<hbm>>
      %dma_start3A_143 = arith.constant 0 : i32
      %dma_start3A_144 = tpu.memref_slice %arg7[%mul3A_136, %dma_start3A_143] : memref<10240x128xf32, #tpu.memory_space<vmem_shared>> -> memref<640x128xf32, #tpu.memory_space<vmem_shared>>
      tpu.enqueue_dma source(%dma_start3A_144 : memref<640x128xf32, #tpu.memory_space<vmem_shared>>) target(%dma_start3A_142 : memref<640x128xf32, #tpu.memory_space<hbm>>) target_semaphore(%run_scoped3A_139 : memref<!tpu.dma_semaphore, #tpu.memory_space<semaphore_mem>>)
      %dma_wait3A = arith.constant 0 : i32
      %dma_wait3A_145 = tpu.memref_slice %arg4[%arg0, %mul3A_138, %dma_wait3A] : memref<2x10240x128xf32, #tpu.memory_space<hbm>> -> memref<1x640x128xf32, #tpu.memory_space<hbm>>
      %dma_wait3A_146 = tpu.memref_squeeze %dma_wait3A_145 : memref<1x640x128xf32, #tpu.memory_space<hbm>> -> memref<640x128xf32, #tpu.memory_space<hbm>>
      %dma_wait3A_147 = arith.constant 0 : i32
      %dma_wait3A_148 = tpu.memref_slice %arg7[%mul3A_136, %dma_wait3A_147] : memref<10240x128xf32, #tpu.memory_space<vmem_shared>> -> memref<640x128xf32, #tpu.memory_space<vmem_shared>>
      tpu.wait_dma2 semaphore(%run_scoped3A_139 : memref<!tpu.dma_semaphore, #tpu.memory_space<semaphore_mem>>) src(%dma_wait3A_148 : memref<640x128xf32, #tpu.memory_space<vmem_shared>>) dst(%dma_wait3A_146 : memref<640x128xf32, #tpu.memory_space<hbm>>)
      tpu.yield
    }) : () -> ()
    return
  }
}

#map = affine_map<(d0, d1) -> (0, 0, 0, 0)>
#map1 = affine_map<(d0, d1) -> (0, 0, 0)>
module attributes {stable_mosaic.version = 14 : i64} {
  func.func @_sc_degree_body(%arg0: i32, %arg1: i32, %arg2: memref<32x96x2x128xi32, #tpu.memory_space<hbm>>, %arg3: memref<2x10240x128xf32, #tpu.memory_space<hbm>>, %arg4: memref<96x2x128xi32, #tpu.memory_space<vmem>>, %arg5: memref<128x128xf32, #tpu.memory_space<vmem>>, %arg6: memref<10240x128xf32, #tpu.memory_space<vmem_shared>>, %arg7: memref<!tpu.dma_semaphore, #tpu.memory_space<semaphore_mem>>, %arg8: memref<!tpu.dma_semaphore, #tpu.memory_space<semaphore_mem>>) attributes {dimension_semantics = [#tpu.dimension_semantics<core_parallel>, #tpu.dimension_semantics<subcore_parallel>], iteration_bounds = array<i64: 2, 16>, scalar_prefetch = 0 : i64, scratch_operands = 5 : i64, tpu.core_type = #tpu.core_type<sc_vector_subcore>, window_params = [{transform_indices = #map}, {transform_indices = #map1}]} {
    %mul3A = arith.constant 2 : i32
    %mul3A_0 = arith.muli %arg1, %mul3A : i32
    %add3A = arith.addi %mul3A_0, %arg0 : i32
    %dma_start3A = arith.constant 0 : i32
    %dma_start3A_1 = arith.constant 0 : i32
    %dma_start3A_2 = arith.constant 0 : i32
    %dma_start3A_3 = tpu.memref_slice %arg2[%add3A, %dma_start3A, %dma_start3A_1, %dma_start3A_2] : memref<32x96x2x128xi32, #tpu.memory_space<hbm>> -> memref<1x96x2x128xi32, #tpu.memory_space<hbm>>
    %dma_start3A_4 = tpu.memref_squeeze %dma_start3A_3 : memref<1x96x2x128xi32, #tpu.memory_space<hbm>> -> memref<96x2x128xi32, #tpu.memory_space<hbm>>
    %dma_start3A_5 = arith.constant 0 : i32
    %dma_start3A_6 = arith.constant 0 : i32
    %dma_start3A_7 = arith.constant 0 : i32
    %dma_start3A_8 = tpu.memref_slice %arg2[%add3A, %dma_start3A_5, %dma_start3A_6, %dma_start3A_7] : memref<32x96x2x128xi32, #tpu.memory_space<hbm>> -> memref<1x96x2x128xi32, #tpu.memory_space<hbm>>
    %dma_start3A_9 = tpu.memref_squeeze %dma_start3A_8 : memref<1x96x2x128xi32, #tpu.memory_space<hbm>> -> memref<96x2x128xi32, #tpu.memory_space<hbm>>
    tpu.enqueue_dma source(%dma_start3A_9 : memref<96x2x128xi32, #tpu.memory_space<hbm>>) target(%arg4 : memref<96x2x128xi32, #tpu.memory_space<vmem>>) target_semaphore(%arg8 : memref<!tpu.dma_semaphore, #tpu.memory_space<semaphore_mem>>)
    %eq3A = arith.constant 0 : i32
    %eq3A_10 = arith.cmpi eq, %arg0, %eq3A : i32
    %jit3A = arith.constant 96 : i32
    %jit3A_11 = arith.constant 62 : i32
    %select_n3A = arith.select %eq3A_10, %jit3A, %jit3A_11 : i32
    %scan3A = arith.constant 0 : i32
    %scan3A_12 = arith.constant 0 : i32
    %scan3A_13 = arith.constant 128 : i32
    %scan3A_14 = arith.addi %scan3A_12, %scan3A_13 : i32
    %scan3A_15 = arith.constant 1 : i32
    scf.for %scan3A_84 = %scan3A_12 to %scan3A_14 step %scan3A_15  : i32 {
      %broadcast_in_dim3A = arith.constant 0.000000e+00 : f32
      %broadcast_in_dim3A_85 = vector.broadcast %broadcast_in_dim3A : f32 to vector<16xf32>
      %swap3A = arith.index_cast %scan3A_84 : i32 to index
      %swap3A_86 = arith.constant 0 : index
      %swap3A_87 = tpu.vector_load %arg5[%swap3A, %swap3A_86] {strides = array<i32>} : memref<128x128xf32, #tpu.memory_space<vmem>>, vector<1x16xf32>,
      %swap3A_88 = vector.shape_cast %swap3A_87 : vector<1x16xf32> to vector<16xf32>
      %swap3A_89 = vector.shape_cast %broadcast_in_dim3A_85 : vector<16xf32> to vector<1x16xf32>
      tpu.vector_store %arg5[%swap3A, %swap3A_86], %swap3A_89 {strides = array<i32>} : memref<128x128xf32, #tpu.memory_space<vmem>>, vector<1x16xf32>,
      %broadcast_in_dim3A_90 = arith.constant 0.000000e+00 : f32
      %broadcast_in_dim3A_91 = vector.broadcast %broadcast_in_dim3A_90 : f32 to vector<16xf32>
      %swap3A_92 = arith.index_cast %scan3A_84 : i32 to index
      %swap3A_93 = arith.constant 16 : index
      %swap3A_94 = tpu.vector_load %arg5[%swap3A_92, %swap3A_93] {strides = array<i32>} : memref<128x128xf32, #tpu.memory_space<vmem>>, vector<1x16xf32>,
      %swap3A_95 = vector.shape_cast %swap3A_94 : vector<1x16xf32> to vector<16xf32>
      %swap3A_96 = vector.shape_cast %broadcast_in_dim3A_91 : vector<16xf32> to vector<1x16xf32>
      tpu.vector_store %arg5[%swap3A_92, %swap3A_93], %swap3A_96 {strides = array<i32>} : memref<128x128xf32, #tpu.memory_space<vmem>>, vector<1x16xf32>,
      %broadcast_in_dim3A_97 = arith.constant 0.000000e+00 : f32
      %broadcast_in_dim3A_98 = vector.broadcast %broadcast_in_dim3A_97 : f32 to vector<16xf32>
      %swap3A_99 = arith.index_cast %scan3A_84 : i32 to index
      %swap3A_100 = arith.constant 32 : index
      %swap3A_101 = tpu.vector_load %arg5[%swap3A_99, %swap3A_100] {strides = array<i32>} : memref<128x128xf32, #tpu.memory_space<vmem>>, vector<1x16xf32>,
      %swap3A_102 = vector.shape_cast %swap3A_101 : vector<1x16xf32> to vector<16xf32>
      %swap3A_103 = vector.shape_cast %broadcast_in_dim3A_98 : vector<16xf32> to vector<1x16xf32>
      tpu.vector_store %arg5[%swap3A_99, %swap3A_100], %swap3A_103 {strides = array<i32>} : memref<128x128xf32, #tpu.memory_space<vmem>>, vector<1x16xf32>,
      %broadcast_in_dim3A_104 = arith.constant 0.000000e+00 : f32
      %broadcast_in_dim3A_105 = vector.broadcast %broadcast_in_dim3A_104 : f32 to vector<16xf32>
      %swap3A_106 = arith.index_cast %scan3A_84 : i32 to index
      %swap3A_107 = arith.constant 48 : index
      %swap3A_108 = tpu.vector_load %arg5[%swap3A_106, %swap3A_107] {strides = array<i32>} : memref<128x128xf32, #tpu.memory_space<vmem>>, vector<1x16xf32>,
      %swap3A_109 = vector.shape_cast %swap3A_108 : vector<1x16xf32> to vector<16xf32>
      %swap3A_110 = vector.shape_cast %broadcast_in_dim3A_105 : vector<16xf32> to vector<1x16xf32>
      tpu.vector_store %arg5[%swap3A_106, %swap3A_107], %swap3A_110 {strides = array<i32>} : memref<128x128xf32, #tpu.memory_space<vmem>>, vector<1x16xf32>,
      %broadcast_in_dim3A_111 = arith.constant 0.000000e+00 : f32
      %broadcast_in_dim3A_112 = vector.broadcast %broadcast_in_dim3A_111 : f32 to vector<16xf32>
      %swap3A_113 = arith.index_cast %scan3A_84 : i32 to index
      %swap3A_114 = arith.constant 64 : index
      %swap3A_115 = tpu.vector_load %arg5[%swap3A_113, %swap3A_114] {strides = array<i32>} : memref<128x128xf32, #tpu.memory_space<vmem>>, vector<1x16xf32>,
      %swap3A_116 = vector.shape_cast %swap3A_115 : vector<1x16xf32> to vector<16xf32>
      %swap3A_117 = vector.shape_cast %broadcast_in_dim3A_112 : vector<16xf32> to vector<1x16xf32>
      tpu.vector_store %arg5[%swap3A_113, %swap3A_114], %swap3A_117 {strides = array<i32>} : memref<128x128xf32, #tpu.memory_space<vmem>>, vector<1x16xf32>,
      %broadcast_in_dim3A_118 = arith.constant 0.000000e+00 : f32
      %broadcast_in_dim3A_119 = vector.broadcast %broadcast_in_dim3A_118 : f32 to vector<16xf32>
      %swap3A_120 = arith.index_cast %scan3A_84 : i32 to index
      %swap3A_121 = arith.constant 80 : index
      %swap3A_122 = tpu.vector_load %arg5[%swap3A_120, %swap3A_121] {strides = array<i32>} : memref<128x128xf32, #tpu.memory_space<vmem>>, vector<1x16xf32>,
      %swap3A_123 = vector.shape_cast %swap3A_122 : vector<1x16xf32> to vector<16xf32>
      %swap3A_124 = vector.shape_cast %broadcast_in_dim3A_119 : vector<16xf32> to vector<1x16xf32>
      tpu.vector_store %arg5[%swap3A_120, %swap3A_121], %swap3A_124 {strides = array<i32>} : memref<128x128xf32, #tpu.memory_space<vmem>>, vector<1x16xf32>,
      %broadcast_in_dim3A_125 = arith.constant 0.000000e+00 : f32
      %broadcast_in_dim3A_126 = vector.broadcast %broadcast_in_dim3A_125 : f32 to vector<16xf32>
      %swap3A_127 = arith.index_cast %scan3A_84 : i32 to index
      %swap3A_128 = arith.constant 96 : index
      %swap3A_129 = tpu.vector_load %arg5[%swap3A_127, %swap3A_128] {strides = array<i32>} : memref<128x128xf32, #tpu.memory_space<vmem>>, vector<1x16xf32>,
      %swap3A_130 = vector.shape_cast %swap3A_129 : vector<1x16xf32> to vector<16xf32>
      %swap3A_131 = vector.shape_cast %broadcast_in_dim3A_126 : vector<16xf32> to vector<1x16xf32>
      tpu.vector_store %arg5[%swap3A_127, %swap3A_128], %swap3A_131 {strides = array<i32>} : memref<128x128xf32, #tpu.memory_space<vmem>>, vector<1x16xf32>,
      %broadcast_in_dim3A_132 = arith.constant 0.000000e+00 : f32
      %broadcast_in_dim3A_133 = vector.broadcast %broadcast_in_dim3A_132 : f32 to vector<16xf32>
      %swap3A_134 = arith.index_cast %scan3A_84 : i32 to index
      %swap3A_135 = arith.constant 112 : index
      %swap3A_136 = tpu.vector_load %arg5[%swap3A_134, %swap3A_135] {strides = array<i32>} : memref<128x128xf32, #tpu.memory_space<vmem>>, vector<1x16xf32>,
      %swap3A_137 = vector.shape_cast %swap3A_136 : vector<1x16xf32> to vector<16xf32>
      %swap3A_138 = vector.shape_cast %broadcast_in_dim3A_133 : vector<16xf32> to vector<1x16xf32>
      tpu.vector_store %arg5[%swap3A_134, %swap3A_135], %swap3A_138 {strides = array<i32>} : memref<128x128xf32, #tpu.memory_space<vmem>>, vector<1x16xf32>,
    }
    %scan3A_16 = arith.constant 128 : i32
    %mul3A_17 = arith.constant 5 : i32
    %mul3A_18 = arith.muli %arg1, %mul3A_17 : i32
    %add3A_19 = arith.constant 0 : i32
    %add3A_20 = arith.addi %mul3A_18, %add3A_19 : i32
    %mul3A_21 = arith.constant 128 : i32
    %mul3A_22 = arith.muli %add3A_20, %mul3A_21 : i32
    "tpu.region"() ({
      %run_scoped3A = tpu.sem_alloc : memref<!tpu.dma_semaphore, #tpu.memory_space<semaphore_mem>>
      %dma_start3A_84 = arith.constant 0 : i32
      %dma_start3A_85 = tpu.memref_slice %arg6[%mul3A_22, %dma_start3A_84] : memref<10240x128xf32, #tpu.memory_space<vmem_shared>> -> memref<128x128xf32, #tpu.memory_space<vmem_shared>>
      %dma_start3A_86 = arith.constant 0 : i32
      %dma_start3A_87 = tpu.memref_slice %arg6[%mul3A_22, %dma_start3A_86] : memref<10240x128xf32, #tpu.memory_space<vmem_shared>> -> memref<128x128xf32, #tpu.memory_space<vmem_shared>>
      tpu.enqueue_dma source(%arg5 : memref<128x128xf32, #tpu.memory_space<vmem>>) target(%dma_start3A_87 : memref<128x128xf32, #tpu.memory_space<vmem_shared>>) target_semaphore(%run_scoped3A : memref<!tpu.dma_semaphore, #tpu.memory_space<semaphore_mem>>)
      %dma_wait3A_88 = arith.constant 0 : i32
      %dma_wait3A_89 = tpu.memref_slice %arg6[%mul3A_22, %dma_wait3A_88] : memref<10240x128xf32, #tpu.memory_space<vmem_shared>> -> memref<128x128xf32, #tpu.memory_space<vmem_shared>>
      %dma_wait3A_90 = arith.constant 0 : i32
      %dma_wait3A_91 = tpu.memref_slice %arg6[%mul3A_22, %dma_wait3A_90] : memref<10240x128xf32, #tpu.memory_space<vmem_shared>> -> memref<128x128xf32, #tpu.memory_space<vmem_shared>>
      tpu.wait_dma2 semaphore(%run_scoped3A : memref<!tpu.dma_semaphore, #tpu.memory_space<semaphore_mem>>) src(%arg5 : memref<128x128xf32, #tpu.memory_space<vmem>>) dst(%dma_wait3A_91 : memref<128x128xf32, #tpu.memory_space<vmem_shared>>)
      tpu.yield
    }) : () -> ()
    %mul3A_23 = arith.constant 5 : i32
    %mul3A_24 = arith.muli %arg1, %mul3A_23 : i32
    %add3A_25 = arith.constant 1 : i32
    %add3A_26 = arith.addi %mul3A_24, %add3A_25 : i32
    %mul3A_27 = arith.constant 128 : i32
    %mul3A_28 = arith.muli %add3A_26, %mul3A_27 : i32
    "tpu.region"() ({
      %run_scoped3A = tpu.sem_alloc : memref<!tpu.dma_semaphore, #tpu.memory_space<semaphore_mem>>
      %dma_start3A_84 = arith.constant 0 : i32
      %dma_start3A_85 = tpu.memref_slice %arg6[%mul3A_28, %dma_start3A_84] : memref<10240x128xf32, #tpu.memory_space<vmem_shared>> -> memref<128x128xf32, #tpu.memory_space<vmem_shared>>
      %dma_start3A_86 = arith.constant 0 : i32
      %dma_start3A_87 = tpu.memref_slice %arg6[%mul3A_28, %dma_start3A_86] : memref<10240x128xf32, #tpu.memory_space<vmem_shared>> -> memref<128x128xf32, #tpu.memory_space<vmem_shared>>
      tpu.enqueue_dma source(%arg5 : memref<128x128xf32, #tpu.memory_space<vmem>>) target(%dma_start3A_87 : memref<128x128xf32, #tpu.memory_space<vmem_shared>>) target_semaphore(%run_scoped3A : memref<!tpu.dma_semaphore, #tpu.memory_space<semaphore_mem>>)
      %dma_wait3A_88 = arith.constant 0 : i32
      %dma_wait3A_89 = tpu.memref_slice %arg6[%mul3A_28, %dma_wait3A_88] : memref<10240x128xf32, #tpu.memory_space<vmem_shared>> -> memref<128x128xf32, #tpu.memory_space<vmem_shared>>
      %dma_wait3A_90 = arith.constant 0 : i32
      %dma_wait3A_91 = tpu.memref_slice %arg6[%mul3A_28, %dma_wait3A_90] : memref<10240x128xf32, #tpu.memory_space<vmem_shared>> -> memref<128x128xf32, #tpu.memory_space<vmem_shared>>
      tpu.wait_dma2 semaphore(%run_scoped3A : memref<!tpu.dma_semaphore, #tpu.memory_space<semaphore_mem>>) src(%arg5 : memref<128x128xf32, #tpu.memory_space<vmem>>) dst(%dma_wait3A_91 : memref<128x128xf32, #tpu.memory_space<vmem_shared>>)
      tpu.yield
    }) : () -> ()
    %mul3A_29 = arith.constant 5 : i32
    %mul3A_30 = arith.muli %arg1, %mul3A_29 : i32
    %add3A_31 = arith.constant 2 : i32
    %add3A_32 = arith.addi %mul3A_30, %add3A_31 : i32
    %mul3A_33 = arith.constant 128 : i32
    %mul3A_34 = arith.muli %add3A_32, %mul3A_33 : i32
    "tpu.region"() ({
      %run_scoped3A = tpu.sem_alloc : memref<!tpu.dma_semaphore, #tpu.memory_space<semaphore_mem>>
      %dma_start3A_84 = arith.constant 0 : i32
      %dma_start3A_85 = tpu.memref_slice %arg6[%mul3A_34, %dma_start3A_84] : memref<10240x128xf32, #tpu.memory_space<vmem_shared>> -> memref<128x128xf32, #tpu.memory_space<vmem_shared>>
      %dma_start3A_86 = arith.constant 0 : i32
      %dma_start3A_87 = tpu.memref_slice %arg6[%mul3A_34, %dma_start3A_86] : memref<10240x128xf32, #tpu.memory_space<vmem_shared>> -> memref<128x128xf32, #tpu.memory_space<vmem_shared>>
      tpu.enqueue_dma source(%arg5 : memref<128x128xf32, #tpu.memory_space<vmem>>) target(%dma_start3A_87 : memref<128x128xf32, #tpu.memory_space<vmem_shared>>) target_semaphore(%run_scoped3A : memref<!tpu.dma_semaphore, #tpu.memory_space<semaphore_mem>>)
      %dma_wait3A_88 = arith.constant 0 : i32
      %dma_wait3A_89 = tpu.memref_slice %arg6[%mul3A_34, %dma_wait3A_88] : memref<10240x128xf32, #tpu.memory_space<vmem_shared>> -> memref<128x128xf32, #tpu.memory_space<vmem_shared>>
      %dma_wait3A_90 = arith.constant 0 : i32
      %dma_wait3A_91 = tpu.memref_slice %arg6[%mul3A_34, %dma_wait3A_90] : memref<10240x128xf32, #tpu.memory_space<vmem_shared>> -> memref<128x128xf32, #tpu.memory_space<vmem_shared>>
      tpu.wait_dma2 semaphore(%run_scoped3A : memref<!tpu.dma_semaphore, #tpu.memory_space<semaphore_mem>>) src(%arg5 : memref<128x128xf32, #tpu.memory_space<vmem>>) dst(%dma_wait3A_91 : memref<128x128xf32, #tpu.memory_space<vmem_shared>>)
      tpu.yield
    }) : () -> ()
    %mul3A_35 = arith.constant 5 : i32
    %mul3A_36 = arith.muli %arg1, %mul3A_35 : i32
    %add3A_37 = arith.constant 3 : i32
    %add3A_38 = arith.addi %mul3A_36, %add3A_37 : i32
    %mul3A_39 = arith.constant 128 : i32
    %mul3A_40 = arith.muli %add3A_38, %mul3A_39 : i32
    "tpu.region"() ({
      %run_scoped3A = tpu.sem_alloc : memref<!tpu.dma_semaphore, #tpu.memory_space<semaphore_mem>>
      %dma_start3A_84 = arith.constant 0 : i32
      %dma_start3A_85 = tpu.memref_slice %arg6[%mul3A_40, %dma_start3A_84] : memref<10240x128xf32, #tpu.memory_space<vmem_shared>> -> memref<128x128xf32, #tpu.memory_space<vmem_shared>>
      %dma_start3A_86 = arith.constant 0 : i32
      %dma_start3A_87 = tpu.memref_slice %arg6[%mul3A_40, %dma_start3A_86] : memref<10240x128xf32, #tpu.memory_space<vmem_shared>> -> memref<128x128xf32, #tpu.memory_space<vmem_shared>>
      tpu.enqueue_dma source(%arg5 : memref<128x128xf32, #tpu.memory_space<vmem>>) target(%dma_start3A_87 : memref<128x128xf32, #tpu.memory_space<vmem_shared>>) target_semaphore(%run_scoped3A : memref<!tpu.dma_semaphore, #tpu.memory_space<semaphore_mem>>)
      %dma_wait3A_88 = arith.constant 0 : i32
      %dma_wait3A_89 = tpu.memref_slice %arg6[%mul3A_40, %dma_wait3A_88] : memref<10240x128xf32, #tpu.memory_space<vmem_shared>> -> memref<128x128xf32, #tpu.memory_space<vmem_shared>>
      %dma_wait3A_90 = arith.constant 0 : i32
      %dma_wait3A_91 = tpu.memref_slice %arg6[%mul3A_40, %dma_wait3A_90] : memref<10240x128xf32, #tpu.memory_space<vmem_shared>> -> memref<128x128xf32, #tpu.memory_space<vmem_shared>>
      tpu.wait_dma2 semaphore(%run_scoped3A : memref<!tpu.dma_semaphore, #tpu.memory_space<semaphore_mem>>) src(%arg5 : memref<128x128xf32, #tpu.memory_space<vmem>>) dst(%dma_wait3A_91 : memref<128x128xf32, #tpu.memory_space<vmem_shared>>)
      tpu.yield
    }) : () -> ()
    %mul3A_41 = arith.constant 5 : i32
    %mul3A_42 = arith.muli %arg1, %mul3A_41 : i32
    %add3A_43 = arith.constant 4 : i32
    %add3A_44 = arith.addi %mul3A_42, %add3A_43 : i32
    %mul3A_45 = arith.constant 128 : i32
    %mul3A_46 = arith.muli %add3A_44, %mul3A_45 : i32
    "tpu.region"() ({
      %run_scoped3A = tpu.sem_alloc : memref<!tpu.dma_semaphore, #tpu.memory_space<semaphore_mem>>
      %dma_start3A_84 = arith.constant 0 : i32
      %dma_start3A_85 = tpu.memref_slice %arg6[%mul3A_46, %dma_start3A_84] : memref<10240x128xf32, #tpu.memory_space<vmem_shared>> -> memref<128x128xf32, #tpu.memory_space<vmem_shared>>
      %dma_start3A_86 = arith.constant 0 : i32
      %dma_start3A_87 = tpu.memref_slice %arg6[%mul3A_46, %dma_start3A_86] : memref<10240x128xf32, #tpu.memory_space<vmem_shared>> -> memref<128x128xf32, #tpu.memory_space<vmem_shared>>
      tpu.enqueue_dma source(%arg5 : memref<128x128xf32, #tpu.memory_space<vmem>>) target(%dma_start3A_87 : memref<128x128xf32, #tpu.memory_space<vmem_shared>>) target_semaphore(%run_scoped3A : memref<!tpu.dma_semaphore, #tpu.memory_space<semaphore_mem>>)
      %dma_wait3A_88 = arith.constant 0 : i32
      %dma_wait3A_89 = tpu.memref_slice %arg6[%mul3A_46, %dma_wait3A_88] : memref<10240x128xf32, #tpu.memory_space<vmem_shared>> -> memref<128x128xf32, #tpu.memory_space<vmem_shared>>
      %dma_wait3A_90 = arith.constant 0 : i32
      %dma_wait3A_91 = tpu.memref_slice %arg6[%mul3A_46, %dma_wait3A_90] : memref<10240x128xf32, #tpu.memory_space<vmem_shared>> -> memref<128x128xf32, #tpu.memory_space<vmem_shared>>
      tpu.wait_dma2 semaphore(%run_scoped3A : memref<!tpu.dma_semaphore, #tpu.memory_space<semaphore_mem>>) src(%arg5 : memref<128x128xf32, #tpu.memory_space<vmem>>) dst(%dma_wait3A_91 : memref<128x128xf32, #tpu.memory_space<vmem_shared>>)
      tpu.yield
    }) : () -> ()
    %scan3A_47 = arith.constant 0 : i32
    %scan3A_48 = arith.constant 0 : i32
    %scan3A_49 = arith.constant 128 : i32
    %scan3A_50 = arith.addi %scan3A_48, %scan3A_49 : i32
    %scan3A_51 = arith.constant 1 : i32
    scf.for %scan3A_84 = %scan3A_48 to %scan3A_50 step %scan3A_51  : i32 {
      %broadcast_in_dim3A = arith.constant 1.000000e+00 : f32
      %broadcast_in_dim3A_85 = vector.broadcast %broadcast_in_dim3A : f32 to vector<16xf32>
      %swap3A = arith.index_cast %scan3A_84 : i32 to index
      %swap3A_86 = arith.constant 0 : index
      %swap3A_87 = tpu.vector_load %arg5[%swap3A, %swap3A_86] {strides = array<i32>} : memref<128x128xf32, #tpu.memory_space<vmem>>, vector<1x16xf32>,
      %swap3A_88 = vector.shape_cast %swap3A_87 : vector<1x16xf32> to vector<16xf32>
      %swap3A_89 = vector.shape_cast %broadcast_in_dim3A_85 : vector<16xf32> to vector<1x16xf32>
      tpu.vector_store %arg5[%swap3A, %swap3A_86], %swap3A_89 {strides = array<i32>} : memref<128x128xf32, #tpu.memory_space<vmem>>, vector<1x16xf32>,
      %broadcast_in_dim3A_90 = arith.constant 1.000000e+00 : f32
      %broadcast_in_dim3A_91 = vector.broadcast %broadcast_in_dim3A_90 : f32 to vector<16xf32>
      %swap3A_92 = arith.index_cast %scan3A_84 : i32 to index
      %swap3A_93 = arith.constant 16 : index
      %swap3A_94 = tpu.vector_load %arg5[%swap3A_92, %swap3A_93] {strides = array<i32>} : memref<128x128xf32, #tpu.memory_space<vmem>>, vector<1x16xf32>,
      %swap3A_95 = vector.shape_cast %swap3A_94 : vector<1x16xf32> to vector<16xf32>
      %swap3A_96 = vector.shape_cast %broadcast_in_dim3A_91 : vector<16xf32> to vector<1x16xf32>
      tpu.vector_store %arg5[%swap3A_92, %swap3A_93], %swap3A_96 {strides = array<i32>} : memref<128x128xf32, #tpu.memory_space<vmem>>, vector<1x16xf32>,
      %broadcast_in_dim3A_97 = arith.constant 1.000000e+00 : f32
      %broadcast_in_dim3A_98 = vector.broadcast %broadcast_in_dim3A_97 : f32 to vector<16xf32>
      %swap3A_99 = arith.index_cast %scan3A_84 : i32 to index
      %swap3A_100 = arith.constant 32 : index
      %swap3A_101 = tpu.vector_load %arg5[%swap3A_99, %swap3A_100] {strides = array<i32>} : memref<128x128xf32, #tpu.memory_space<vmem>>, vector<1x16xf32>,
      %swap3A_102 = vector.shape_cast %swap3A_101 : vector<1x16xf32> to vector<16xf32>
      %swap3A_103 = vector.shape_cast %broadcast_in_dim3A_98 : vector<16xf32> to vector<1x16xf32>
      tpu.vector_store %arg5[%swap3A_99, %swap3A_100], %swap3A_103 {strides = array<i32>} : memref<128x128xf32, #tpu.memory_space<vmem>>, vector<1x16xf32>,
      %broadcast_in_dim3A_104 = arith.constant 1.000000e+00 : f32
      %broadcast_in_dim3A_105 = vector.broadcast %broadcast_in_dim3A_104 : f32 to vector<16xf32>
      %swap3A_106 = arith.index_cast %scan3A_84 : i32 to index
      %swap3A_107 = arith.constant 48 : index
      %swap3A_108 = tpu.vector_load %arg5[%swap3A_106, %swap3A_107] {strides = array<i32>} : memref<128x128xf32, #tpu.memory_space<vmem>>, vector<1x16xf32>,
      %swap3A_109 = vector.shape_cast %swap3A_108 : vector<1x16xf32> to vector<16xf32>
      %swap3A_110 = vector.shape_cast %broadcast_in_dim3A_105 : vector<16xf32> to vector<1x16xf32>
      tpu.vector_store %arg5[%swap3A_106, %swap3A_107], %swap3A_110 {strides = array<i32>} : memref<128x128xf32, #tpu.memory_space<vmem>>, vector<1x16xf32>,
      %broadcast_in_dim3A_111 = arith.constant 1.000000e+00 : f32
      %broadcast_in_dim3A_112 = vector.broadcast %broadcast_in_dim3A_111 : f32 to vector<16xf32>
      %swap3A_113 = arith.index_cast %scan3A_84 : i32 to index
      %swap3A_114 = arith.constant 64 : index
      %swap3A_115 = tpu.vector_load %arg5[%swap3A_113, %swap3A_114] {strides = array<i32>} : memref<128x128xf32, #tpu.memory_space<vmem>>, vector<1x16xf32>,
      %swap3A_116 = vector.shape_cast %swap3A_115 : vector<1x16xf32> to vector<16xf32>
      %swap3A_117 = vector.shape_cast %broadcast_in_dim3A_112 : vector<16xf32> to vector<1x16xf32>
      tpu.vector_store %arg5[%swap3A_113, %swap3A_114], %swap3A_117 {strides = array<i32>} : memref<128x128xf32, #tpu.memory_space<vmem>>, vector<1x16xf32>,
      %broadcast_in_dim3A_118 = arith.constant 1.000000e+00 : f32
      %broadcast_in_dim3A_119 = vector.broadcast %broadcast_in_dim3A_118 : f32 to vector<16xf32>
      %swap3A_120 = arith.index_cast %scan3A_84 : i32 to index
      %swap3A_121 = arith.constant 80 : index
      %swap3A_122 = tpu.vector_load %arg5[%swap3A_120, %swap3A_121] {strides = array<i32>} : memref<128x128xf32, #tpu.memory_space<vmem>>, vector<1x16xf32>,
      %swap3A_123 = vector.shape_cast %swap3A_122 : vector<1x16xf32> to vector<16xf32>
      %swap3A_124 = vector.shape_cast %broadcast_in_dim3A_119 : vector<16xf32> to vector<1x16xf32>
      tpu.vector_store %arg5[%swap3A_120, %swap3A_121], %swap3A_124 {strides = array<i32>} : memref<128x128xf32, #tpu.memory_space<vmem>>, vector<1x16xf32>,
      %broadcast_in_dim3A_125 = arith.constant 1.000000e+00 : f32
      %broadcast_in_dim3A_126 = vector.broadcast %broadcast_in_dim3A_125 : f32 to vector<16xf32>
      %swap3A_127 = arith.index_cast %scan3A_84 : i32 to index
      %swap3A_128 = arith.constant 96 : index
      %swap3A_129 = tpu.vector_load %arg5[%swap3A_127, %swap3A_128] {strides = array<i32>} : memref<128x128xf32, #tpu.memory_space<vmem>>, vector<1x16xf32>,
      %swap3A_130 = vector.shape_cast %swap3A_129 : vector<1x16xf32> to vector<16xf32>
      %swap3A_131 = vector.shape_cast %broadcast_in_dim3A_126 : vector<16xf32> to vector<1x16xf32>
      tpu.vector_store %arg5[%swap3A_127, %swap3A_128], %swap3A_131 {strides = array<i32>} : memref<128x128xf32, #tpu.memory_space<vmem>>, vector<1x16xf32>,
      %broadcast_in_dim3A_132 = arith.constant 1.000000e+00 : f32
      %broadcast_in_dim3A_133 = vector.broadcast %broadcast_in_dim3A_132 : f32 to vector<16xf32>
      %swap3A_134 = arith.index_cast %scan3A_84 : i32 to index
      %swap3A_135 = arith.constant 112 : index
      %swap3A_136 = tpu.vector_load %arg5[%swap3A_134, %swap3A_135] {strides = array<i32>} : memref<128x128xf32, #tpu.memory_space<vmem>>, vector<1x16xf32>,
      %swap3A_137 = vector.shape_cast %swap3A_136 : vector<1x16xf32> to vector<16xf32>
      %swap3A_138 = vector.shape_cast %broadcast_in_dim3A_133 : vector<16xf32> to vector<1x16xf32>
      tpu.vector_store %arg5[%swap3A_134, %swap3A_135], %swap3A_138 {strides = array<i32>} : memref<128x128xf32, #tpu.memory_space<vmem>>, vector<1x16xf32>,
    }
    %scan3A_52 = arith.constant 128 : i32
    %dma_wait3A = arith.constant 0 : i32
    %dma_wait3A_53 = arith.constant 0 : i32
    %dma_wait3A_54 = arith.constant 0 : i32
    %dma_wait3A_55 = tpu.memref_slice %arg2[%add3A, %dma_wait3A, %dma_wait3A_53, %dma_wait3A_54] : memref<32x96x2x128xi32, #tpu.memory_space<hbm>> -> memref<1x96x2x128xi32, #tpu.memory_space<hbm>>
    %dma_wait3A_56 = tpu.memref_squeeze %dma_wait3A_55 : memref<1x96x2x128xi32, #tpu.memory_space<hbm>> -> memref<96x2x128xi32, #tpu.memory_space<hbm>>
    %dma_wait3A_57 = arith.constant 0 : i32
    %dma_wait3A_58 = arith.constant 0 : i32
    %dma_wait3A_59 = arith.constant 0 : i32
    %dma_wait3A_60 = tpu.memref_slice %arg2[%add3A, %dma_wait3A_57, %dma_wait3A_58, %dma_wait3A_59] : memref<32x96x2x128xi32, #tpu.memory_space<hbm>> -> memref<1x96x2x128xi32, #tpu.memory_space<hbm>>
    %dma_wait3A_61 = tpu.memref_squeeze %dma_wait3A_60 : memref<1x96x2x128xi32, #tpu.memory_space<hbm>> -> memref<96x2x128xi32, #tpu.memory_space<hbm>>
    tpu.wait_dma2 semaphore(%arg8 : memref<!tpu.dma_semaphore, #tpu.memory_space<semaphore_mem>>) src(%dma_wait3A_61 : memref<96x2x128xi32, #tpu.memory_space<hbm>>) dst(%arg4 : memref<96x2x128xi32, #tpu.memory_space<vmem>>)
    %barrier3A = arith.constant 0 : index
    tpu.barrier barrier_id(%barrier3A)
    %dma_start3A_62 = arith.constant 0 : i32
    %dma_start3A_63 = arith.constant 1 : i32
    %dma_start3A_64 = arith.constant 0 : i32
    %dma_start3A_65 = tpu.memref_slice %arg4[%dma_start3A_62, %dma_start3A_63, %dma_start3A_64] : memref<96x2x128xi32, #tpu.memory_space<vmem>> -> memref<1x1x128xi32, #tpu.memory_space<vmem>>
    %dma_start3A_66 = tpu.memref_squeeze %dma_start3A_65 : memref<1x1x128xi32, #tpu.memory_space<vmem>> -> memref<128xi32, #tpu.memory_space<vmem>>
    %dma_start3A_67 = arith.constant 0 : i32
    %dma_start3A_68 = arith.constant 0 : i32
    %dma_start3A_69 = tpu.memref_slice %arg6[%dma_start3A_67, %dma_start3A_68] : memref<10240x128xf32, #tpu.memory_space<vmem_shared>> -> memref<10240x128xf32, #tpu.memory_space<vmem_shared>>
    tpu.enqueue_indirect_dma source(%arg5 : memref<128x128xf32, #tpu.memory_space<vmem>>) target(%dma_start3A_69 : memref<10240x128xf32, #tpu.memory_space<vmem_shared>>) offsets(%dma_start3A_66 : memref<128xi32, #tpu.memory_space<vmem>>) semaphore(%arg7 : memref<!tpu.dma_semaphore, #tpu.memory_space<semaphore_mem>>) {add = true}
    %while3A = arith.constant 0 : i32
    %while3A_70 = arith.constant 0 : i32
    %while3A_71 = arith.subi %select_n3A, %while3A_70 : i32
    %while3A_72 = arith.addi %while3A_70, %while3A_71 : i32
    %while3A_73 = arith.constant 1 : i32
    %while3A_74 = arith.divsi %while3A_71, %while3A_73 : i32
    %while3A_75 = arith.muli %while3A_74, %while3A_73 : i32
    %while3A_76 = arith.addi %while3A_70, %while3A_75 : i32
    %while3A_77 = arith.constant 1 : i32
    scf.for %while3A_84 = %while3A_70 to %while3A_76 step %while3A_77  : i32 {
      %sub3A = arith.constant 1 : i32
      %sub3A_85 = arith.subi %select_n3A, %sub3A : i32
      %lt3A = arith.cmpi slt, %while3A_84, %sub3A_85 : i32
      %convert_element_type3A = arith.extui %lt3A : i1 to i32
      %cond3A = arith.constant 0 : i32
      %cond3A_86 = arith.cmpi ne, %convert_element_type3A, %cond3A : i32
      scf.if %cond3A_86 {
        %add3A_94 = arith.constant 1 : i32
        %add3A_95 = arith.addi %while3A_84, %add3A_94 : i32
        %dma_start3A_96 = arith.constant 1 : i32
        %dma_start3A_97 = arith.constant 0 : i32
        %dma_start3A_98 = tpu.memref_slice %arg4[%add3A_95, %dma_start3A_96, %dma_start3A_97] : memref<96x2x128xi32, #tpu.memory_space<vmem>> -> memref<1x1x128xi32, #tpu.memory_space<vmem>>
        %dma_start3A_99 = tpu.memref_squeeze %dma_start3A_98 : memref<1x1x128xi32, #tpu.memory_space<vmem>> -> memref<128xi32, #tpu.memory_space<vmem>>
        %dma_start3A_100 = arith.constant 0 : i32
        %dma_start3A_101 = arith.constant 0 : i32
        %dma_start3A_102 = tpu.memref_slice %arg6[%dma_start3A_100, %dma_start3A_101] : memref<10240x128xf32, #tpu.memory_space<vmem_shared>> -> memref<10240x128xf32, #tpu.memory_space<vmem_shared>>
        tpu.enqueue_indirect_dma source(%arg5 : memref<128x128xf32, #tpu.memory_space<vmem>>) target(%dma_start3A_102 : memref<10240x128xf32, #tpu.memory_space<vmem_shared>>) offsets(%dma_start3A_99 : memref<128xi32, #tpu.memory_space<vmem>>) semaphore(%arg7 : memref<!tpu.dma_semaphore, #tpu.memory_space<semaphore_mem>>) {add = true}
      } else {
      }
      %dma_wait3A_87 = arith.constant 1 : i32
      %dma_wait3A_88 = arith.constant 0 : i32
      %dma_wait3A_89 = tpu.memref_slice %arg4[%while3A_84, %dma_wait3A_87, %dma_wait3A_88] : memref<96x2x128xi32, #tpu.memory_space<vmem>> -> memref<1x1x128xi32, #tpu.memory_space<vmem>>
      %dma_wait3A_90 = tpu.memref_squeeze %dma_wait3A_89 : memref<1x1x128xi32, #tpu.memory_space<vmem>> -> memref<128xi32, #tpu.memory_space<vmem>>
      %dma_wait3A_91 = arith.constant 0 : i32
      %dma_wait3A_92 = arith.constant 0 : i32
      %dma_wait3A_93 = tpu.memref_slice %arg6[%dma_wait3A_91, %dma_wait3A_92] : memref<10240x128xf32, #tpu.memory_space<vmem_shared>> -> memref<10240x128xf32, #tpu.memory_space<vmem_shared>>
      tpu.wait_indirect_dma semaphore(%arg7 : memref<!tpu.dma_semaphore, #tpu.memory_space<semaphore_mem>>) src(%arg5 : memref<128x128xf32, #tpu.memory_space<vmem>>) dst(%dma_wait3A_93 : memref<10240x128xf32, #tpu.memory_space<vmem_shared>>)
    }
    %while3A_78 = arith.constant 1 : i32
    scf.for %while3A_84 = %while3A_76 to %while3A_72 step %while3A_78  : i32 {
      %sub3A = arith.constant 1 : i32
      %sub3A_85 = arith.subi %select_n3A, %sub3A : i32
      %lt3A = arith.cmpi slt, %while3A_84, %sub3A_85 : i32
      %convert_element_type3A = arith.extui %lt3A : i1 to i32
      %cond3A = arith.constant 0 : i32
      %cond3A_86 = arith.cmpi ne, %convert_element_type3A, %cond3A : i32
      scf.if %cond3A_86 {
        %add3A_94 = arith.constant 1 : i32
        %add3A_95 = arith.addi %while3A_84, %add3A_94 : i32
        %dma_start3A_96 = arith.constant 1 : i32
        %dma_start3A_97 = arith.constant 0 : i32
        %dma_start3A_98 = tpu.memref_slice %arg4[%add3A_95, %dma_start3A_96, %dma_start3A_97] : memref<96x2x128xi32, #tpu.memory_space<vmem>> -> memref<1x1x128xi32, #tpu.memory_space<vmem>>
        %dma_start3A_99 = tpu.memref_squeeze %dma_start3A_98 : memref<1x1x128xi32, #tpu.memory_space<vmem>> -> memref<128xi32, #tpu.memory_space<vmem>>
        %dma_start3A_100 = arith.constant 0 : i32
        %dma_start3A_101 = arith.constant 0 : i32
        %dma_start3A_102 = tpu.memref_slice %arg6[%dma_start3A_100, %dma_start3A_101] : memref<10240x128xf32, #tpu.memory_space<vmem_shared>> -> memref<10240x128xf32, #tpu.memory_space<vmem_shared>>
        tpu.enqueue_indirect_dma source(%arg5 : memref<128x128xf32, #tpu.memory_space<vmem>>) target(%dma_start3A_102 : memref<10240x128xf32, #tpu.memory_space<vmem_shared>>) offsets(%dma_start3A_99 : memref<128xi32, #tpu.memory_space<vmem>>) semaphore(%arg7 : memref<!tpu.dma_semaphore, #tpu.memory_space<semaphore_mem>>) {add = true}
      } else {
      }
      %dma_wait3A_87 = arith.constant 1 : i32
      %dma_wait3A_88 = arith.constant 0 : i32
      %dma_wait3A_89 = tpu.memref_slice %arg4[%while3A_84, %dma_wait3A_87, %dma_wait3A_88] : memref<96x2x128xi32, #tpu.memory_space<vmem>> -> memref<1x1x128xi32, #tpu.memory_space<vmem>>
      %dma_wait3A_90 = tpu.memref_squeeze %dma_wait3A_89 : memref<1x1x128xi32, #tpu.memory_space<vmem>> -> memref<128xi32, #tpu.memory_space<vmem>>
      %dma_wait3A_91 = arith.constant 0 : i32
      %dma_wait3A_92 = arith.constant 0 : i32
      %dma_wait3A_93 = tpu.memref_slice %arg6[%dma_wait3A_91, %dma_wait3A_92] : memref<10240x128xf32, #tpu.memory_space<vmem_shared>> -> memref<10240x128xf32, #tpu.memory_space<vmem_shared>>
      tpu.wait_indirect_dma semaphore(%arg7 : memref<!tpu.dma_semaphore, #tpu.memory_space<semaphore_mem>>) src(%arg5 : memref<128x128xf32, #tpu.memory_space<vmem>>) dst(%dma_wait3A_93 : memref<10240x128xf32, #tpu.memory_space<vmem_shared>>)
    }
    %barrier3A_79 = arith.constant 0 : index
    tpu.barrier barrier_id(%barrier3A_79)
    %mul3A_80 = arith.constant 640 : i32
    %mul3A_81 = arith.muli %arg1, %mul3A_80 : i32
    %mul3A_82 = arith.constant 640 : i32
    %mul3A_83 = arith.muli %arg1, %mul3A_82 : i32
    "tpu.region"() ({
      %run_scoped3A = tpu.sem_alloc : memref<!tpu.dma_semaphore, #tpu.memory_space<semaphore_mem>>
      %dma_start3A_84 = arith.constant 0 : i32
      %dma_start3A_85 = tpu.memref_slice %arg3[%arg0, %mul3A_83, %dma_start3A_84] : memref<2x10240x128xf32, #tpu.memory_space<hbm>> -> memref<1x640x128xf32, #tpu.memory_space<hbm>>
      %dma_start3A_86 = tpu.memref_squeeze %dma_start3A_85 : memref<1x640x128xf32, #tpu.memory_space<hbm>> -> memref<640x128xf32, #tpu.memory_space<hbm>>
      %dma_start3A_87 = arith.constant 0 : i32
      %dma_start3A_88 = tpu.memref_slice %arg6[%mul3A_81, %dma_start3A_87] : memref<10240x128xf32, #tpu.memory_space<vmem_shared>> -> memref<640x128xf32, #tpu.memory_space<vmem_shared>>
      tpu.enqueue_dma source(%dma_start3A_88 : memref<640x128xf32, #tpu.memory_space<vmem_shared>>) target(%dma_start3A_86 : memref<640x128xf32, #tpu.memory_space<hbm>>) target_semaphore(%run_scoped3A : memref<!tpu.dma_semaphore, #tpu.memory_space<semaphore_mem>>)
      %dma_wait3A_89 = arith.constant 0 : i32
      %dma_wait3A_90 = tpu.memref_slice %arg3[%arg0, %mul3A_83, %dma_wait3A_89] : memref<2x10240x128xf32, #tpu.memory_space<hbm>> -> memref<1x640x128xf32, #tpu.memory_space<hbm>>
      %dma_wait3A_91 = tpu.memref_squeeze %dma_wait3A_90 : memref<1x640x128xf32, #tpu.memory_space<hbm>> -> memref<640x128xf32, #tpu.memory_space<hbm>>
      %dma_wait3A_92 = arith.constant 0 : i32
      %dma_wait3A_93 = tpu.memref_slice %arg6[%mul3A_81, %dma_wait3A_92] : memref<10240x128xf32, #tpu.memory_space<vmem_shared>> -> memref<640x128xf32, #tpu.memory_space<vmem_shared>>
      tpu.wait_dma2 semaphore(%run_scoped3A : memref<!tpu.dma_semaphore, #tpu.memory_space<semaphore_mem>>) src(%dma_wait3A_93 : memref<640x128xf32, #tpu.memory_space<vmem_shared>>) dst(%dma_wait3A_91 : memref<640x128xf32, #tpu.memory_space<hbm>>)
      tpu.yield
    }) : () -> ()
    return
  }
}

#map = affine_map<(d0, d1) -> (0, 0)>
#map1 = affine_map<(d0, d1) -> (0, 0, 0, 0)>
#map2 = affine_map<(d0, d1) -> (0, 0, 0)>
module attributes {stable_mosaic.version = 14 : i64} {
  func.func @_sc_scatter_body(%arg0: i32, %arg1: i32, %arg2: memref<10000x128xf32, #tpu.memory_space<hbm>>, %arg3: memref<32x96x2x128xi32, #tpu.memory_space<hbm>>, %arg4: memref<2x10240x128xf32, #tpu.memory_space<hbm>>, %arg5: memref<4x2x128xi32, #tpu.memory_space<vmem>>, %arg6: memref<2x128x128xf32, #tpu.memory_space<vmem>>, %arg7: memref<10240x128xf32, #tpu.memory_space<vmem_shared>>, %arg8: memref<!tpu.dma_semaphore, #tpu.memory_space<semaphore_mem>>, %arg9: memref<!tpu.dma_semaphore, #tpu.memory_space<semaphore_mem>>, %arg10: memref<!tpu.dma_semaphore, #tpu.memory_space<semaphore_mem>>, %arg11: memref<!tpu.dma_semaphore, #tpu.memory_space<semaphore_mem>>) attributes {dimension_semantics = [#tpu.dimension_semantics<core_parallel>, #tpu.dimension_semantics<subcore_parallel>], iteration_bounds = array<i64: 2, 16>, scalar_prefetch = 0 : i64, scratch_operands = 7 : i64, tpu.core_type = #tpu.core_type<sc_vector_subcore>, window_params = [{transform_indices = #map}, {transform_indices = #map1}, {transform_indices = #map2}]} {
    %mul3A = arith.constant 2 : i32
    %mul3A_0 = arith.muli %arg1, %mul3A : i32
    %add3A = arith.addi %mul3A_0, %arg0 : i32
    %scan3A = arith.constant 0 : i32
    %scan3A_1 = arith.constant 0 : i32
    %scan3A_2 = arith.constant 128 : i32
    %scan3A_3 = arith.addi %scan3A_1, %scan3A_2 : i32
    %scan3A_4 = arith.constant 1 : i32
    scf.for %scan3A_139 = %scan3A_1 to %scan3A_3 step %scan3A_4  : i32 {
      %broadcast_in_dim3A = arith.constant 0.000000e+00 : f32
      %broadcast_in_dim3A_140 = vector.broadcast %broadcast_in_dim3A : f32 to vector<16xf32>
      %swap3A = arith.constant 0 : i32
      %swap3A_141 = arith.index_cast %swap3A : i32 to index
      %swap3A_142 = arith.index_cast %scan3A_139 : i32 to index
      %swap3A_143 = arith.constant 0 : index
      %swap3A_144 = tpu.vector_load %arg6[%swap3A_141, %swap3A_142, %swap3A_143] {strides = array<i32>} : memref<2x128x128xf32, #tpu.memory_space<vmem>>, vector<1x1x16xf32>,
      %swap3A_145 = vector.shape_cast %swap3A_144 : vector<1x1x16xf32> to vector<16xf32>
      %swap3A_146 = vector.shape_cast %broadcast_in_dim3A_140 : vector<16xf32> to vector<1x1x16xf32>
      tpu.vector_store %arg6[%swap3A_141, %swap3A_142, %swap3A_143], %swap3A_146 {strides = array<i32>} : memref<2x128x128xf32, #tpu.memory_space<vmem>>, vector<1x1x16xf32>,
      %broadcast_in_dim3A_147 = arith.constant 0.000000e+00 : f32
      %broadcast_in_dim3A_148 = vector.broadcast %broadcast_in_dim3A_147 : f32 to vector<16xf32>
      %swap3A_149 = arith.constant 0 : i32
      %swap3A_150 = arith.index_cast %swap3A_149 : i32 to index
      %swap3A_151 = arith.index_cast %scan3A_139 : i32 to index
      %swap3A_152 = arith.constant 16 : index
      %swap3A_153 = tpu.vector_load %arg6[%swap3A_150, %swap3A_151, %swap3A_152] {strides = array<i32>} : memref<2x128x128xf32, #tpu.memory_space<vmem>>, vector<1x1x16xf32>,
      %swap3A_154 = vector.shape_cast %swap3A_153 : vector<1x1x16xf32> to vector<16xf32>
      %swap3A_155 = vector.shape_cast %broadcast_in_dim3A_148 : vector<16xf32> to vector<1x1x16xf32>
      tpu.vector_store %arg6[%swap3A_150, %swap3A_151, %swap3A_152], %swap3A_155 {strides = array<i32>} : memref<2x128x128xf32, #tpu.memory_space<vmem>>, vector<1x1x16xf32>,
      %broadcast_in_dim3A_156 = arith.constant 0.000000e+00 : f32
      %broadcast_in_dim3A_157 = vector.broadcast %broadcast_in_dim3A_156 : f32 to vector<16xf32>
      %swap3A_158 = arith.constant 0 : i32
      %swap3A_159 = arith.index_cast %swap3A_158 : i32 to index
      %swap3A_160 = arith.index_cast %scan3A_139 : i32 to index
      %swap3A_161 = arith.constant 32 : index
      %swap3A_162 = tpu.vector_load %arg6[%swap3A_159, %swap3A_160, %swap3A_161] {strides = array<i32>} : memref<2x128x128xf32, #tpu.memory_space<vmem>>, vector<1x1x16xf32>,
      %swap3A_163 = vector.shape_cast %swap3A_162 : vector<1x1x16xf32> to vector<16xf32>
      %swap3A_164 = vector.shape_cast %broadcast_in_dim3A_157 : vector<16xf32> to vector<1x1x16xf32>
      tpu.vector_store %arg6[%swap3A_159, %swap3A_160, %swap3A_161], %swap3A_164 {strides = array<i32>} : memref<2x128x128xf32, #tpu.memory_space<vmem>>, vector<1x1x16xf32>,
      %broadcast_in_dim3A_165 = arith.constant 0.000000e+00 : f32
      %broadcast_in_dim3A_166 = vector.broadcast %broadcast_in_dim3A_165 : f32 to vector<16xf32>
      %swap3A_167 = arith.constant 0 : i32
      %swap3A_168 = arith.index_cast %swap3A_167 : i32 to index
      %swap3A_169 = arith.index_cast %scan3A_139 : i32 to index
      %swap3A_170 = arith.constant 48 : index
      %swap3A_171 = tpu.vector_load %arg6[%swap3A_168, %swap3A_169, %swap3A_170] {strides = array<i32>} : memref<2x128x128xf32, #tpu.memory_space<vmem>>, vector<1x1x16xf32>,
      %swap3A_172 = vector.shape_cast %swap3A_171 : vector<1x1x16xf32> to vector<16xf32>
      %swap3A_173 = vector.shape_cast %broadcast_in_dim3A_166 : vector<16xf32> to vector<1x1x16xf32>
      tpu.vector_store %arg6[%swap3A_168, %swap3A_169, %swap3A_170], %swap3A_173 {strides = array<i32>} : memref<2x128x128xf32, #tpu.memory_space<vmem>>, vector<1x1x16xf32>,
      %broadcast_in_dim3A_174 = arith.constant 0.000000e+00 : f32
      %broadcast_in_dim3A_175 = vector.broadcast %broadcast_in_dim3A_174 : f32 to vector<16xf32>
      %swap3A_176 = arith.constant 0 : i32
      %swap3A_177 = arith.index_cast %swap3A_176 : i32 to index
      %swap3A_178 = arith.index_cast %scan3A_139 : i32 to index
      %swap3A_179 = arith.constant 64 : index
      %swap3A_180 = tpu.vector_load %arg6[%swap3A_177, %swap3A_178, %swap3A_179] {strides = array<i32>} : memref<2x128x128xf32, #tpu.memory_space<vmem>>, vector<1x1x16xf32>,
      %swap3A_181 = vector.shape_cast %swap3A_180 : vector<1x1x16xf32> to vector<16xf32>
      %swap3A_182 = vector.shape_cast %broadcast_in_dim3A_175 : vector<16xf32> to vector<1x1x16xf32>
      tpu.vector_store %arg6[%swap3A_177, %swap3A_178, %swap3A_179], %swap3A_182 {strides = array<i32>} : memref<2x128x128xf32, #tpu.memory_space<vmem>>, vector<1x1x16xf32>,
      %broadcast_in_dim3A_183 = arith.constant 0.000000e+00 : f32
      %broadcast_in_dim3A_184 = vector.broadcast %broadcast_in_dim3A_183 : f32 to vector<16xf32>
      %swap3A_185 = arith.constant 0 : i32
      %swap3A_186 = arith.index_cast %swap3A_185 : i32 to index
      %swap3A_187 = arith.index_cast %scan3A_139 : i32 to index
      %swap3A_188 = arith.constant 80 : index
      %swap3A_189 = tpu.vector_load %arg6[%swap3A_186, %swap3A_187, %swap3A_188] {strides = array<i32>} : memref<2x128x128xf32, #tpu.memory_space<vmem>>, vector<1x1x16xf32>,
      %swap3A_190 = vector.shape_cast %swap3A_189 : vector<1x1x16xf32> to vector<16xf32>
      %swap3A_191 = vector.shape_cast %broadcast_in_dim3A_184 : vector<16xf32> to vector<1x1x16xf32>
      tpu.vector_store %arg6[%swap3A_186, %swap3A_187, %swap3A_188], %swap3A_191 {strides = array<i32>} : memref<2x128x128xf32, #tpu.memory_space<vmem>>, vector<1x1x16xf32>,
      %broadcast_in_dim3A_192 = arith.constant 0.000000e+00 : f32
      %broadcast_in_dim3A_193 = vector.broadcast %broadcast_in_dim3A_192 : f32 to vector<16xf32>
      %swap3A_194 = arith.constant 0 : i32
      %swap3A_195 = arith.index_cast %swap3A_194 : i32 to index
      %swap3A_196 = arith.index_cast %scan3A_139 : i32 to index
      %swap3A_197 = arith.constant 96 : index
      %swap3A_198 = tpu.vector_load %arg6[%swap3A_195, %swap3A_196, %swap3A_197] {strides = array<i32>} : memref<2x128x128xf32, #tpu.memory_space<vmem>>, vector<1x1x16xf32>,
      %swap3A_199 = vector.shape_cast %swap3A_198 : vector<1x1x16xf32> to vector<16xf32>
      %swap3A_200 = vector.shape_cast %broadcast_in_dim3A_193 : vector<16xf32> to vector<1x1x16xf32>
      tpu.vector_store %arg6[%swap3A_195, %swap3A_196, %swap3A_197], %swap3A_200 {strides = array<i32>} : memref<2x128x128xf32, #tpu.memory_space<vmem>>, vector<1x1x16xf32>,
      %broadcast_in_dim3A_201 = arith.constant 0.000000e+00 : f32
      %broadcast_in_dim3A_202 = vector.broadcast %broadcast_in_dim3A_201 : f32 to vector<16xf32>
      %swap3A_203 = arith.constant 0 : i32
      %swap3A_204 = arith.index_cast %swap3A_203 : i32 to index
      %swap3A_205 = arith.index_cast %scan3A_139 : i32 to index
      %swap3A_206 = arith.constant 112 : index
      %swap3A_207 = tpu.vector_load %arg6[%swap3A_204, %swap3A_205, %swap3A_206] {strides = array<i32>} : memref<2x128x128xf32, #tpu.memory_space<vmem>>, vector<1x1x16xf32>,
      %swap3A_208 = vector.shape_cast %swap3A_207 : vector<1x1x16xf32> to vector<16xf32>
      %swap3A_209 = vector.shape_cast %broadcast_in_dim3A_202 : vector<16xf32> to vector<1x1x16xf32>
      tpu.vector_store %arg6[%swap3A_204, %swap3A_205, %swap3A_206], %swap3A_209 {strides = array<i32>} : memref<2x128x128xf32, #tpu.memory_space<vmem>>, vector<1x1x16xf32>,
    }
    %scan3A_5 = arith.constant 128 : i32
    %mul3A_6 = arith.constant 5 : i32
    %mul3A_7 = arith.muli %arg1, %mul3A_6 : i32
    %add3A_8 = arith.constant 0 : i32
    %add3A_9 = arith.addi %mul3A_7, %add3A_8 : i32
    %mul3A_10 = arith.constant 128 : i32
    %mul3A_11 = arith.muli %add3A_9, %mul3A_10 : i32
    %run_scoped3A = arith.constant 0 : i32
    "tpu.region"() ({
      %run_scoped3A_139 = tpu.sem_alloc : memref<!tpu.dma_semaphore, #tpu.memory_space<semaphore_mem>>
      %dma_start3A_140 = arith.constant 0 : i32
      %dma_start3A_141 = arith.constant 0 : i32
      %dma_start3A_142 = tpu.memref_slice %arg6[%run_scoped3A, %dma_start3A_140, %dma_start3A_141] : memref<2x128x128xf32, #tpu.memory_space<vmem>> -> memref<1x128x128xf32, #tpu.memory_space<vmem>>
      %dma_start3A_143 = tpu.memref_squeeze %dma_start3A_142 : memref<1x128x128xf32, #tpu.memory_space<vmem>> -> memref<128x128xf32, #tpu.memory_space<vmem>>
      %dma_start3A_144 = arith.constant 0 : i32
      %dma_start3A_145 = tpu.memref_slice %arg7[%mul3A_11, %dma_start3A_144] : memref<10240x128xf32, #tpu.memory_space<vmem_shared>> -> memref<128x128xf32, #tpu.memory_space<vmem_shared>>
      %dma_start3A_146 = arith.constant 0 : i32
      %dma_start3A_147 = tpu.memref_slice %arg7[%mul3A_11, %dma_start3A_146] : memref<10240x128xf32, #tpu.memory_space<vmem_shared>> -> memref<128x128xf32, #tpu.memory_space<vmem_shared>>
      %dma_start3A_148 = arith.constant 0 : i32
      %dma_start3A_149 = arith.constant 0 : i32
      %dma_start3A_150 = tpu.memref_slice %arg6[%run_scoped3A, %dma_start3A_148, %dma_start3A_149] : memref<2x128x128xf32, #tpu.memory_space<vmem>> -> memref<1x128x128xf32, #tpu.memory_space<vmem>>
      %dma_start3A_151 = tpu.memref_squeeze %dma_start3A_150 : memref<1x128x128xf32, #tpu.memory_space<vmem>> -> memref<128x128xf32, #tpu.memory_space<vmem>>
      tpu.enqueue_dma source(%dma_start3A_151 : memref<128x128xf32, #tpu.memory_space<vmem>>) target(%dma_start3A_147 : memref<128x128xf32, #tpu.memory_space<vmem_shared>>) target_semaphore(%run_scoped3A_139 : memref<!tpu.dma_semaphore, #tpu.memory_space<semaphore_mem>>)
      %dma_wait3A = arith.constant 0 : i32
      %dma_wait3A_152 = arith.constant 0 : i32
      %dma_wait3A_153 = tpu.memref_slice %arg6[%run_scoped3A, %dma_wait3A, %dma_wait3A_152] : memref<2x128x128xf32, #tpu.memory_space<vmem>> -> memref<1x128x128xf32, #tpu.memory_space<vmem>>
      %dma_wait3A_154 = tpu.memref_squeeze %dma_wait3A_153 : memref<1x128x128xf32, #tpu.memory_space<vmem>> -> memref<128x128xf32, #tpu.memory_space<vmem>>
      %dma_wait3A_155 = arith.constant 0 : i32
      %dma_wait3A_156 = tpu.memref_slice %arg7[%mul3A_11, %dma_wait3A_155] : memref<10240x128xf32, #tpu.memory_space<vmem_shared>> -> memref<128x128xf32, #tpu.memory_space<vmem_shared>>
      %dma_wait3A_157 = arith.constant 0 : i32
      %dma_wait3A_158 = tpu.memref_slice %arg7[%mul3A_11, %dma_wait3A_157] : memref<10240x128xf32, #tpu.memory_space<vmem_shared>> -> memref<128x128xf32, #tpu.memory_space<vmem_shared>>
      %dma_wait3A_159 = arith.constant 0 : i32
      %dma_wait3A_160 = arith.constant 0 : i32
      %dma_wait3A_161 = tpu.memref_slice %arg6[%run_scoped3A, %dma_wait3A_159, %dma_wait3A_160] : memref<2x128x128xf32, #tpu.memory_space<vmem>> -> memref<1x128x128xf32, #tpu.memory_space<vmem>>
      %dma_wait3A_162 = tpu.memref_squeeze %dma_wait3A_161 : memref<1x128x128xf32, #tpu.memory_space<vmem>> -> memref<128x128xf32, #tpu.memory_space<vmem>>
      tpu.wait_dma2 semaphore(%run_scoped3A_139 : memref<!tpu.dma_semaphore, #tpu.memory_space<semaphore_mem>>) src(%dma_wait3A_162 : memref<128x128xf32, #tpu.memory_space<vmem>>) dst(%dma_wait3A_158 : memref<128x128xf32, #tpu.memory_space<vmem_shared>>)
      tpu.yield
    }) : () -> ()
    %mul3A_12 = arith.constant 5 : i32
    %mul3A_13 = arith.muli %arg1, %mul3A_12 : i32
    %add3A_14 = arith.constant 1 : i32
    %add3A_15 = arith.addi %mul3A_13, %add3A_14 : i32
    %mul3A_16 = arith.constant 128 : i32
    %mul3A_17 = arith.muli %add3A_15, %mul3A_16 : i32
    %run_scoped3A_18 = arith.constant 0 : i32
    "tpu.region"() ({
      %run_scoped3A_139 = tpu.sem_alloc : memref<!tpu.dma_semaphore, #tpu.memory_space<semaphore_mem>>
      %dma_start3A_140 = arith.constant 0 : i32
      %dma_start3A_141 = arith.constant 0 : i32
      %dma_start3A_142 = tpu.memref_slice %arg6[%run_scoped3A_18, %dma_start3A_140, %dma_start3A_141] : memref<2x128x128xf32, #tpu.memory_space<vmem>> -> memref<1x128x128xf32, #tpu.memory_space<vmem>>
      %dma_start3A_143 = tpu.memref_squeeze %dma_start3A_142 : memref<1x128x128xf32, #tpu.memory_space<vmem>> -> memref<128x128xf32, #tpu.memory_space<vmem>>
      %dma_start3A_144 = arith.constant 0 : i32
      %dma_start3A_145 = tpu.memref_slice %arg7[%mul3A_17, %dma_start3A_144] : memref<10240x128xf32, #tpu.memory_space<vmem_shared>> -> memref<128x128xf32, #tpu.memory_space<vmem_shared>>
      %dma_start3A_146 = arith.constant 0 : i32
      %dma_start3A_147 = tpu.memref_slice %arg7[%mul3A_17, %dma_start3A_146] : memref<10240x128xf32, #tpu.memory_space<vmem_shared>> -> memref<128x128xf32, #tpu.memory_space<vmem_shared>>
      %dma_start3A_148 = arith.constant 0 : i32
      %dma_start3A_149 = arith.constant 0 : i32
      %dma_start3A_150 = tpu.memref_slice %arg6[%run_scoped3A_18, %dma_start3A_148, %dma_start3A_149] : memref<2x128x128xf32, #tpu.memory_space<vmem>> -> memref<1x128x128xf32, #tpu.memory_space<vmem>>
      %dma_start3A_151 = tpu.memref_squeeze %dma_start3A_150 : memref<1x128x128xf32, #tpu.memory_space<vmem>> -> memref<128x128xf32, #tpu.memory_space<vmem>>
      tpu.enqueue_dma source(%dma_start3A_151 : memref<128x128xf32, #tpu.memory_space<vmem>>) target(%dma_start3A_147 : memref<128x128xf32, #tpu.memory_space<vmem_shared>>) target_semaphore(%run_scoped3A_139 : memref<!tpu.dma_semaphore, #tpu.memory_space<semaphore_mem>>)
      %dma_wait3A = arith.constant 0 : i32
      %dma_wait3A_152 = arith.constant 0 : i32
      %dma_wait3A_153 = tpu.memref_slice %arg6[%run_scoped3A_18, %dma_wait3A, %dma_wait3A_152] : memref<2x128x128xf32, #tpu.memory_space<vmem>> -> memref<1x128x128xf32, #tpu.memory_space<vmem>>
      %dma_wait3A_154 = tpu.memref_squeeze %dma_wait3A_153 : memref<1x128x128xf32, #tpu.memory_space<vmem>> -> memref<128x128xf32, #tpu.memory_space<vmem>>
      %dma_wait3A_155 = arith.constant 0 : i32
      %dma_wait3A_156 = tpu.memref_slice %arg7[%mul3A_17, %dma_wait3A_155] : memref<10240x128xf32, #tpu.memory_space<vmem_shared>> -> memref<128x128xf32, #tpu.memory_space<vmem_shared>>
      %dma_wait3A_157 = arith.constant 0 : i32
      %dma_wait3A_158 = tpu.memref_slice %arg7[%mul3A_17, %dma_wait3A_157] : memref<10240x128xf32, #tpu.memory_space<vmem_shared>> -> memref<128x128xf32, #tpu.memory_space<vmem_shared>>
      %dma_wait3A_159 = arith.constant 0 : i32
      %dma_wait3A_160 = arith.constant 0 : i32
      %dma_wait3A_161 = tpu.memref_slice %arg6[%run_scoped3A_18, %dma_wait3A_159, %dma_wait3A_160] : memref<2x128x128xf32, #tpu.memory_space<vmem>> -> memref<1x128x128xf32, #tpu.memory_space<vmem>>
      %dma_wait3A_162 = tpu.memref_squeeze %dma_wait3A_161 : memref<1x128x128xf32, #tpu.memory_space<vmem>> -> memref<128x128xf32, #tpu.memory_space<vmem>>
      tpu.wait_dma2 semaphore(%run_scoped3A_139 : memref<!tpu.dma_semaphore, #tpu.memory_space<semaphore_mem>>) src(%dma_wait3A_162 : memref<128x128xf32, #tpu.memory_space<vmem>>) dst(%dma_wait3A_158 : memref<128x128xf32, #tpu.memory_space<vmem_shared>>)
      tpu.yield
    }) : () -> ()
    %mul3A_19 = arith.constant 5 : i32
    %mul3A_20 = arith.muli %arg1, %mul3A_19 : i32
    %add3A_21 = arith.constant 2 : i32
    %add3A_22 = arith.addi %mul3A_20, %add3A_21 : i32
    %mul3A_23 = arith.constant 128 : i32
    %mul3A_24 = arith.muli %add3A_22, %mul3A_23 : i32
    %run_scoped3A_25 = arith.constant 0 : i32
    "tpu.region"() ({
      %run_scoped3A_139 = tpu.sem_alloc : memref<!tpu.dma_semaphore, #tpu.memory_space<semaphore_mem>>
      %dma_start3A_140 = arith.constant 0 : i32
      %dma_start3A_141 = arith.constant 0 : i32
      %dma_start3A_142 = tpu.memref_slice %arg6[%run_scoped3A_25, %dma_start3A_140, %dma_start3A_141] : memref<2x128x128xf32, #tpu.memory_space<vmem>> -> memref<1x128x128xf32, #tpu.memory_space<vmem>>
      %dma_start3A_143 = tpu.memref_squeeze %dma_start3A_142 : memref<1x128x128xf32, #tpu.memory_space<vmem>> -> memref<128x128xf32, #tpu.memory_space<vmem>>
      %dma_start3A_144 = arith.constant 0 : i32
      %dma_start3A_145 = tpu.memref_slice %arg7[%mul3A_24, %dma_start3A_144] : memref<10240x128xf32, #tpu.memory_space<vmem_shared>> -> memref<128x128xf32, #tpu.memory_space<vmem_shared>>
      %dma_start3A_146 = arith.constant 0 : i32
      %dma_start3A_147 = tpu.memref_slice %arg7[%mul3A_24, %dma_start3A_146] : memref<10240x128xf32, #tpu.memory_space<vmem_shared>> -> memref<128x128xf32, #tpu.memory_space<vmem_shared>>
      %dma_start3A_148 = arith.constant 0 : i32
      %dma_start3A_149 = arith.constant 0 : i32
      %dma_start3A_150 = tpu.memref_slice %arg6[%run_scoped3A_25, %dma_start3A_148, %dma_start3A_149] : memref<2x128x128xf32, #tpu.memory_space<vmem>> -> memref<1x128x128xf32, #tpu.memory_space<vmem>>
      %dma_start3A_151 = tpu.memref_squeeze %dma_start3A_150 : memref<1x128x128xf32, #tpu.memory_space<vmem>> -> memref<128x128xf32, #tpu.memory_space<vmem>>
      tpu.enqueue_dma source(%dma_start3A_151 : memref<128x128xf32, #tpu.memory_space<vmem>>) target(%dma_start3A_147 : memref<128x128xf32, #tpu.memory_space<vmem_shared>>) target_semaphore(%run_scoped3A_139 : memref<!tpu.dma_semaphore, #tpu.memory_space<semaphore_mem>>)
      %dma_wait3A = arith.constant 0 : i32
      %dma_wait3A_152 = arith.constant 0 : i32
      %dma_wait3A_153 = tpu.memref_slice %arg6[%run_scoped3A_25, %dma_wait3A, %dma_wait3A_152] : memref<2x128x128xf32, #tpu.memory_space<vmem>> -> memref<1x128x128xf32, #tpu.memory_space<vmem>>
      %dma_wait3A_154 = tpu.memref_squeeze %dma_wait3A_153 : memref<1x128x128xf32, #tpu.memory_space<vmem>> -> memref<128x128xf32, #tpu.memory_space<vmem>>
      %dma_wait3A_155 = arith.constant 0 : i32
      %dma_wait3A_156 = tpu.memref_slice %arg7[%mul3A_24, %dma_wait3A_155] : memref<10240x128xf32, #tpu.memory_space<vmem_shared>> -> memref<128x128xf32, #tpu.memory_space<vmem_shared>>
      %dma_wait3A_157 = arith.constant 0 : i32
      %dma_wait3A_158 = tpu.memref_slice %arg7[%mul3A_24, %dma_wait3A_157] : memref<10240x128xf32, #tpu.memory_space<vmem_shared>> -> memref<128x128xf32, #tpu.memory_space<vmem_shared>>
      %dma_wait3A_159 = arith.constant 0 : i32
      %dma_wait3A_160 = arith.constant 0 : i32
      %dma_wait3A_161 = tpu.memref_slice %arg6[%run_scoped3A_25, %dma_wait3A_159, %dma_wait3A_160] : memref<2x128x128xf32, #tpu.memory_space<vmem>> -> memref<1x128x128xf32, #tpu.memory_space<vmem>>
      %dma_wait3A_162 = tpu.memref_squeeze %dma_wait3A_161 : memref<1x128x128xf32, #tpu.memory_space<vmem>> -> memref<128x128xf32, #tpu.memory_space<vmem>>
      tpu.wait_dma2 semaphore(%run_scoped3A_139 : memref<!tpu.dma_semaphore, #tpu.memory_space<semaphore_mem>>) src(%dma_wait3A_162 : memref<128x128xf32, #tpu.memory_space<vmem>>) dst(%dma_wait3A_158 : memref<128x128xf32, #tpu.memory_space<vmem_shared>>)
      tpu.yield
    }) : () -> ()
    %mul3A_26 = arith.constant 5 : i32
    %mul3A_27 = arith.muli %arg1, %mul3A_26 : i32
    %add3A_28 = arith.constant 3 : i32
    %add3A_29 = arith.addi %mul3A_27, %add3A_28 : i32
    %mul3A_30 = arith.constant 128 : i32
    %mul3A_31 = arith.muli %add3A_29, %mul3A_30 : i32
    %run_scoped3A_32 = arith.constant 0 : i32
    "tpu.region"() ({
      %run_scoped3A_139 = tpu.sem_alloc : memref<!tpu.dma_semaphore, #tpu.memory_space<semaphore_mem>>
      %dma_start3A_140 = arith.constant 0 : i32
      %dma_start3A_141 = arith.constant 0 : i32
      %dma_start3A_142 = tpu.memref_slice %arg6[%run_scoped3A_32, %dma_start3A_140, %dma_start3A_141] : memref<2x128x128xf32, #tpu.memory_space<vmem>> -> memref<1x128x128xf32, #tpu.memory_space<vmem>>
      %dma_start3A_143 = tpu.memref_squeeze %dma_start3A_142 : memref<1x128x128xf32, #tpu.memory_space<vmem>> -> memref<128x128xf32, #tpu.memory_space<vmem>>
      %dma_start3A_144 = arith.constant 0 : i32
      %dma_start3A_145 = tpu.memref_slice %arg7[%mul3A_31, %dma_start3A_144] : memref<10240x128xf32, #tpu.memory_space<vmem_shared>> -> memref<128x128xf32, #tpu.memory_space<vmem_shared>>
      %dma_start3A_146 = arith.constant 0 : i32
      %dma_start3A_147 = tpu.memref_slice %arg7[%mul3A_31, %dma_start3A_146] : memref<10240x128xf32, #tpu.memory_space<vmem_shared>> -> memref<128x128xf32, #tpu.memory_space<vmem_shared>>
      %dma_start3A_148 = arith.constant 0 : i32
      %dma_start3A_149 = arith.constant 0 : i32
      %dma_start3A_150 = tpu.memref_slice %arg6[%run_scoped3A_32, %dma_start3A_148, %dma_start3A_149] : memref<2x128x128xf32, #tpu.memory_space<vmem>> -> memref<1x128x128xf32, #tpu.memory_space<vmem>>
      %dma_start3A_151 = tpu.memref_squeeze %dma_start3A_150 : memref<1x128x128xf32, #tpu.memory_space<vmem>> -> memref<128x128xf32, #tpu.memory_space<vmem>>
      tpu.enqueue_dma source(%dma_start3A_151 : memref<128x128xf32, #tpu.memory_space<vmem>>) target(%dma_start3A_147 : memref<128x128xf32, #tpu.memory_space<vmem_shared>>) target_semaphore(%run_scoped3A_139 : memref<!tpu.dma_semaphore, #tpu.memory_space<semaphore_mem>>)
      %dma_wait3A = arith.constant 0 : i32
      %dma_wait3A_152 = arith.constant 0 : i32
      %dma_wait3A_153 = tpu.memref_slice %arg6[%run_scoped3A_32, %dma_wait3A, %dma_wait3A_152] : memref<2x128x128xf32, #tpu.memory_space<vmem>> -> memref<1x128x128xf32, #tpu.memory_space<vmem>>
      %dma_wait3A_154 = tpu.memref_squeeze %dma_wait3A_153 : memref<1x128x128xf32, #tpu.memory_space<vmem>> -> memref<128x128xf32, #tpu.memory_space<vmem>>
      %dma_wait3A_155 = arith.constant 0 : i32
      %dma_wait3A_156 = tpu.memref_slice %arg7[%mul3A_31, %dma_wait3A_155] : memref<10240x128xf32, #tpu.memory_space<vmem_shared>> -> memref<128x128xf32, #tpu.memory_space<vmem_shared>>
      %dma_wait3A_157 = arith.constant 0 : i32
      %dma_wait3A_158 = tpu.memref_slice %arg7[%mul3A_31, %dma_wait3A_157] : memref<10240x128xf32, #tpu.memory_space<vmem_shared>> -> memref<128x128xf32, #tpu.memory_space<vmem_shared>>
      %dma_wait3A_159 = arith.constant 0 : i32
      %dma_wait3A_160 = arith.constant 0 : i32
      %dma_wait3A_161 = tpu.memref_slice %arg6[%run_scoped3A_32, %dma_wait3A_159, %dma_wait3A_160] : memref<2x128x128xf32, #tpu.memory_space<vmem>> -> memref<1x128x128xf32, #tpu.memory_space<vmem>>
      %dma_wait3A_162 = tpu.memref_squeeze %dma_wait3A_161 : memref<1x128x128xf32, #tpu.memory_space<vmem>> -> memref<128x128xf32, #tpu.memory_space<vmem>>
      tpu.wait_dma2 semaphore(%run_scoped3A_139 : memref<!tpu.dma_semaphore, #tpu.memory_space<semaphore_mem>>) src(%dma_wait3A_162 : memref<128x128xf32, #tpu.memory_space<vmem>>) dst(%dma_wait3A_158 : memref<128x128xf32, #tpu.memory_space<vmem_shared>>)
      tpu.yield
    }) : () -> ()
    %mul3A_33 = arith.constant 5 : i32
    %mul3A_34 = arith.muli %arg1, %mul3A_33 : i32
    %add3A_35 = arith.constant 4 : i32
    %add3A_36 = arith.addi %mul3A_34, %add3A_35 : i32
    %mul3A_37 = arith.constant 128 : i32
    %mul3A_38 = arith.muli %add3A_36, %mul3A_37 : i32
    %run_scoped3A_39 = arith.constant 0 : i32
    "tpu.region"() ({
      %run_scoped3A_139 = tpu.sem_alloc : memref<!tpu.dma_semaphore, #tpu.memory_space<semaphore_mem>>
      %dma_start3A_140 = arith.constant 0 : i32
      %dma_start3A_141 = arith.constant 0 : i32
      %dma_start3A_142 = tpu.memref_slice %arg6[%run_scoped3A_39, %dma_start3A_140, %dma_start3A_141] : memref<2x128x128xf32, #tpu.memory_space<vmem>> -> memref<1x128x128xf32, #tpu.memory_space<vmem>>
      %dma_start3A_143 = tpu.memref_squeeze %dma_start3A_142 : memref<1x128x128xf32, #tpu.memory_space<vmem>> -> memref<128x128xf32, #tpu.memory_space<vmem>>
      %dma_start3A_144 = arith.constant 0 : i32
      %dma_start3A_145 = tpu.memref_slice %arg7[%mul3A_38, %dma_start3A_144] : memref<10240x128xf32, #tpu.memory_space<vmem_shared>> -> memref<128x128xf32, #tpu.memory_space<vmem_shared>>
      %dma_start3A_146 = arith.constant 0 : i32
      %dma_start3A_147 = tpu.memref_slice %arg7[%mul3A_38, %dma_start3A_146] : memref<10240x128xf32, #tpu.memory_space<vmem_shared>> -> memref<128x128xf32, #tpu.memory_space<vmem_shared>>
      %dma_start3A_148 = arith.constant 0 : i32
      %dma_start3A_149 = arith.constant 0 : i32
      %dma_start3A_150 = tpu.memref_slice %arg6[%run_scoped3A_39, %dma_start3A_148, %dma_start3A_149] : memref<2x128x128xf32, #tpu.memory_space<vmem>> -> memref<1x128x128xf32, #tpu.memory_space<vmem>>
      %dma_start3A_151 = tpu.memref_squeeze %dma_start3A_150 : memref<1x128x128xf32, #tpu.memory_space<vmem>> -> memref<128x128xf32, #tpu.memory_space<vmem>>
      tpu.enqueue_dma source(%dma_start3A_151 : memref<128x128xf32, #tpu.memory_space<vmem>>) target(%dma_start3A_147 : memref<128x128xf32, #tpu.memory_space<vmem_shared>>) target_semaphore(%run_scoped3A_139 : memref<!tpu.dma_semaphore, #tpu.memory_space<semaphore_mem>>)
      %dma_wait3A = arith.constant 0 : i32
      %dma_wait3A_152 = arith.constant 0 : i32
      %dma_wait3A_153 = tpu.memref_slice %arg6[%run_scoped3A_39, %dma_wait3A, %dma_wait3A_152] : memref<2x128x128xf32, #tpu.memory_space<vmem>> -> memref<1x128x128xf32, #tpu.memory_space<vmem>>
      %dma_wait3A_154 = tpu.memref_squeeze %dma_wait3A_153 : memref<1x128x128xf32, #tpu.memory_space<vmem>> -> memref<128x128xf32, #tpu.memory_space<vmem>>
      %dma_wait3A_155 = arith.constant 0 : i32
      %dma_wait3A_156 = tpu.memref_slice %arg7[%mul3A_38, %dma_wait3A_155] : memref<10240x128xf32, #tpu.memory_space<vmem_shared>> -> memref<128x128xf32, #tpu.memory_space<vmem_shared>>
      %dma_wait3A_157 = arith.constant 0 : i32
      %dma_wait3A_158 = tpu.memref_slice %arg7[%mul3A_38, %dma_wait3A_157] : memref<10240x128xf32, #tpu.memory_space<vmem_shared>> -> memref<128x128xf32, #tpu.memory_space<vmem_shared>>
      %dma_wait3A_159 = arith.constant 0 : i32
      %dma_wait3A_160 = arith.constant 0 : i32
      %dma_wait3A_161 = tpu.memref_slice %arg6[%run_scoped3A_39, %dma_wait3A_159, %dma_wait3A_160] : memref<2x128x128xf32, #tpu.memory_space<vmem>> -> memref<1x128x128xf32, #tpu.memory_space<vmem>>
      %dma_wait3A_162 = tpu.memref_squeeze %dma_wait3A_161 : memref<1x128x128xf32, #tpu.memory_space<vmem>> -> memref<128x128xf32, #tpu.memory_space<vmem>>
      tpu.wait_dma2 semaphore(%run_scoped3A_139 : memref<!tpu.dma_semaphore, #tpu.memory_space<semaphore_mem>>) src(%dma_wait3A_162 : memref<128x128xf32, #tpu.memory_space<vmem>>) dst(%dma_wait3A_158 : memref<128x128xf32, #tpu.memory_space<vmem_shared>>)
      tpu.yield
    }) : () -> ()
    %barrier3A = arith.constant 0 : index
    tpu.barrier barrier_id(%barrier3A)
    %run_scoped3A_40 = arith.constant 0 : i32
    %run_scoped3A_41 = arith.constant 0 : i32
    "tpu.region"() ({
      %run_scoped3A_139 = tpu.sem_alloc : memref<!tpu.dma_semaphore, #tpu.memory_space<semaphore_mem>>
      %dma_start3A_140 = arith.constant 0 : i32
      %dma_start3A_141 = arith.constant 0 : i32
      %dma_start3A_142 = tpu.memref_slice %arg5[%run_scoped3A_41, %dma_start3A_140, %dma_start3A_141] : memref<4x2x128xi32, #tpu.memory_space<vmem>> -> memref<1x2x128xi32, #tpu.memory_space<vmem>>
      %dma_start3A_143 = tpu.memref_squeeze %dma_start3A_142 : memref<1x2x128xi32, #tpu.memory_space<vmem>> -> memref<2x128xi32, #tpu.memory_space<vmem>>
      %dma_start3A_144 = arith.constant 0 : i32
      %dma_start3A_145 = arith.constant 0 : i32
      %dma_start3A_146 = tpu.memref_slice %arg3[%add3A, %run_scoped3A_40, %dma_start3A_144, %dma_start3A_145] : memref<32x96x2x128xi32, #tpu.memory_space<hbm>> -> memref<1x1x2x128xi32, #tpu.memory_space<hbm>>
      %dma_start3A_147 = tpu.memref_squeeze %dma_start3A_146 : memref<1x1x2x128xi32, #tpu.memory_space<hbm>> -> memref<2x128xi32, #tpu.memory_space<hbm>>
      %dma_start3A_148 = arith.constant 0 : i32
      %dma_start3A_149 = arith.constant 0 : i32
      %dma_start3A_150 = tpu.memref_slice %arg5[%run_scoped3A_41, %dma_start3A_148, %dma_start3A_149] : memref<4x2x128xi32, #tpu.memory_space<vmem>> -> memref<1x2x128xi32, #tpu.memory_space<vmem>>
      %dma_start3A_151 = tpu.memref_squeeze %dma_start3A_150 : memref<1x2x128xi32, #tpu.memory_space<vmem>> -> memref<2x128xi32, #tpu.memory_space<vmem>>
      %dma_start3A_152 = arith.constant 0 : i32
      %dma_start3A_153 = arith.constant 0 : i32
      %dma_start3A_154 = tpu.memref_slice %arg3[%add3A, %run_scoped3A_40, %dma_start3A_152, %dma_start3A_153] : memref<32x96x2x128xi32, #tpu.memory_space<hbm>> -> memref<1x1x2x128xi32, #tpu.memory_space<hbm>>
      %dma_start3A_155 = tpu.memref_squeeze %dma_start3A_154 : memref<1x1x2x128xi32, #tpu.memory_space<hbm>> -> memref<2x128xi32, #tpu.memory_space<hbm>>
      tpu.enqueue_dma source(%dma_start3A_155 : memref<2x128xi32, #tpu.memory_space<hbm>>) target(%dma_start3A_151 : memref<2x128xi32, #tpu.memory_space<vmem>>) target_semaphore(%run_scoped3A_139 : memref<!tpu.dma_semaphore, #tpu.memory_space<semaphore_mem>>)
      %dma_wait3A = arith.constant 0 : i32
      %dma_wait3A_156 = arith.constant 0 : i32
      %dma_wait3A_157 = tpu.memref_slice %arg5[%run_scoped3A_41, %dma_wait3A, %dma_wait3A_156] : memref<4x2x128xi32, #tpu.memory_space<vmem>> -> memref<1x2x128xi32, #tpu.memory_space<vmem>>
      %dma_wait3A_158 = tpu.memref_squeeze %dma_wait3A_157 : memref<1x2x128xi32, #tpu.memory_space<vmem>> -> memref<2x128xi32, #tpu.memory_space<vmem>>
      %dma_wait3A_159 = arith.constant 0 : i32
      %dma_wait3A_160 = arith.constant 0 : i32
      %dma_wait3A_161 = tpu.memref_slice %arg3[%add3A, %run_scoped3A_40, %dma_wait3A_159, %dma_wait3A_160] : memref<32x96x2x128xi32, #tpu.memory_space<hbm>> -> memref<1x1x2x128xi32, #tpu.memory_space<hbm>>
      %dma_wait3A_162 = tpu.memref_squeeze %dma_wait3A_161 : memref<1x1x2x128xi32, #tpu.memory_space<hbm>> -> memref<2x128xi32, #tpu.memory_space<hbm>>
      %dma_wait3A_163 = arith.constant 0 : i32
      %dma_wait3A_164 = arith.constant 0 : i32
      %dma_wait3A_165 = tpu.memref_slice %arg5[%run_scoped3A_41, %dma_wait3A_163, %dma_wait3A_164] : memref<4x2x128xi32, #tpu.memory_space<vmem>> -> memref<1x2x128xi32, #tpu.memory_space<vmem>>
      %dma_wait3A_166 = tpu.memref_squeeze %dma_wait3A_165 : memref<1x2x128xi32, #tpu.memory_space<vmem>> -> memref<2x128xi32, #tpu.memory_space<vmem>>
      %dma_wait3A_167 = arith.constant 0 : i32
      %dma_wait3A_168 = arith.constant 0 : i32
      %dma_wait3A_169 = tpu.memref_slice %arg3[%add3A, %run_scoped3A_40, %dma_wait3A_167, %dma_wait3A_168] : memref<32x96x2x128xi32, #tpu.memory_space<hbm>> -> memref<1x1x2x128xi32, #tpu.memory_space<hbm>>
      %dma_wait3A_170 = tpu.memref_squeeze %dma_wait3A_169 : memref<1x1x2x128xi32, #tpu.memory_space<hbm>> -> memref<2x128xi32, #tpu.memory_space<hbm>>
      tpu.wait_dma2 semaphore(%run_scoped3A_139 : memref<!tpu.dma_semaphore, #tpu.memory_space<semaphore_mem>>) src(%dma_wait3A_170 : memref<2x128xi32, #tpu.memory_space<hbm>>) dst(%dma_wait3A_166 : memref<2x128xi32, #tpu.memory_space<vmem>>)
      tpu.yield
    }) : () -> ()
    %run_scoped3A_42 = arith.constant 1 : i32
    %run_scoped3A_43 = arith.constant 1 : i32
    "tpu.region"() ({
      %run_scoped3A_139 = tpu.sem_alloc : memref<!tpu.dma_semaphore, #tpu.memory_space<semaphore_mem>>
      %dma_start3A_140 = arith.constant 0 : i32
      %dma_start3A_141 = arith.constant 0 : i32
      %dma_start3A_142 = tpu.memref_slice %arg5[%run_scoped3A_43, %dma_start3A_140, %dma_start3A_141] : memref<4x2x128xi32, #tpu.memory_space<vmem>> -> memref<1x2x128xi32, #tpu.memory_space<vmem>>
      %dma_start3A_143 = tpu.memref_squeeze %dma_start3A_142 : memref<1x2x128xi32, #tpu.memory_space<vmem>> -> memref<2x128xi32, #tpu.memory_space<vmem>>
      %dma_start3A_144 = arith.constant 0 : i32
      %dma_start3A_145 = arith.constant 0 : i32
      %dma_start3A_146 = tpu.memref_slice %arg3[%add3A, %run_scoped3A_42, %dma_start3A_144, %dma_start3A_145] : memref<32x96x2x128xi32, #tpu.memory_space<hbm>> -> memref<1x1x2x128xi32, #tpu.memory_space<hbm>>
      %dma_start3A_147 = tpu.memref_squeeze %dma_start3A_146 : memref<1x1x2x128xi32, #tpu.memory_space<hbm>> -> memref<2x128xi32, #tpu.memory_space<hbm>>
      %dma_start3A_148 = arith.constant 0 : i32
      %dma_start3A_149 = arith.constant 0 : i32
      %dma_start3A_150 = tpu.memref_slice %arg5[%run_scoped3A_43, %dma_start3A_148, %dma_start3A_149] : memref<4x2x128xi32, #tpu.memory_space<vmem>> -> memref<1x2x128xi32, #tpu.memory_space<vmem>>
      %dma_start3A_151 = tpu.memref_squeeze %dma_start3A_150 : memref<1x2x128xi32, #tpu.memory_space<vmem>> -> memref<2x128xi32, #tpu.memory_space<vmem>>
      %dma_start3A_152 = arith.constant 0 : i32
      %dma_start3A_153 = arith.constant 0 : i32
      %dma_start3A_154 = tpu.memref_slice %arg3[%add3A, %run_scoped3A_42, %dma_start3A_152, %dma_start3A_153] : memref<32x96x2x128xi32, #tpu.memory_space<hbm>> -> memref<1x1x2x128xi32, #tpu.memory_space<hbm>>
      %dma_start3A_155 = tpu.memref_squeeze %dma_start3A_154 : memref<1x1x2x128xi32, #tpu.memory_space<hbm>> -> memref<2x128xi32, #tpu.memory_space<hbm>>
      tpu.enqueue_dma source(%dma_start3A_155 : memref<2x128xi32, #tpu.memory_space<hbm>>) target(%dma_start3A_151 : memref<2x128xi32, #tpu.memory_space<vmem>>) target_semaphore(%run_scoped3A_139 : memref<!tpu.dma_semaphore, #tpu.memory_space<semaphore_mem>>)
      %dma_wait3A = arith.constant 0 : i32
      %dma_wait3A_156 = arith.constant 0 : i32
      %dma_wait3A_157 = tpu.memref_slice %arg5[%run_scoped3A_43, %dma_wait3A, %dma_wait3A_156] : memref<4x2x128xi32, #tpu.memory_space<vmem>> -> memref<1x2x128xi32, #tpu.memory_space<vmem>>
      %dma_wait3A_158 = tpu.memref_squeeze %dma_wait3A_157 : memref<1x2x128xi32, #tpu.memory_space<vmem>> -> memref<2x128xi32, #tpu.memory_space<vmem>>
      %dma_wait3A_159 = arith.constant 0 : i32
      %dma_wait3A_160 = arith.constant 0 : i32
      %dma_wait3A_161 = tpu.memref_slice %arg3[%add3A, %run_scoped3A_42, %dma_wait3A_159, %dma_wait3A_160] : memref<32x96x2x128xi32, #tpu.memory_space<hbm>> -> memref<1x1x2x128xi32, #tpu.memory_space<hbm>>
      %dma_wait3A_162 = tpu.memref_squeeze %dma_wait3A_161 : memref<1x1x2x128xi32, #tpu.memory_space<hbm>> -> memref<2x128xi32, #tpu.memory_space<hbm>>
      %dma_wait3A_163 = arith.constant 0 : i32
      %dma_wait3A_164 = arith.constant 0 : i32
      %dma_wait3A_165 = tpu.memref_slice %arg5[%run_scoped3A_43, %dma_wait3A_163, %dma_wait3A_164] : memref<4x2x128xi32, #tpu.memory_space<vmem>> -> memref<1x2x128xi32, #tpu.memory_space<vmem>>
      %dma_wait3A_166 = tpu.memref_squeeze %dma_wait3A_165 : memref<1x2x128xi32, #tpu.memory_space<vmem>> -> memref<2x128xi32, #tpu.memory_space<vmem>>
      %dma_wait3A_167 = arith.constant 0 : i32
      %dma_wait3A_168 = arith.constant 0 : i32
      %dma_wait3A_169 = tpu.memref_slice %arg3[%add3A, %run_scoped3A_42, %dma_wait3A_167, %dma_wait3A_168] : memref<32x96x2x128xi32, #tpu.memory_space<hbm>> -> memref<1x1x2x128xi32, #tpu.memory_space<hbm>>
      %dma_wait3A_170 = tpu.memref_squeeze %dma_wait3A_169 : memref<1x1x2x128xi32, #tpu.memory_space<hbm>> -> memref<2x128xi32, #tpu.memory_space<hbm>>
      tpu.wait_dma2 semaphore(%run_scoped3A_139 : memref<!tpu.dma_semaphore, #tpu.memory_space<semaphore_mem>>) src(%dma_wait3A_170 : memref<2x128xi32, #tpu.memory_space<hbm>>) dst(%dma_wait3A_166 : memref<2x128xi32, #tpu.memory_space<vmem>>)
      tpu.yield
    }) : () -> ()
    %dma_start3A = arith.constant 0 : i32
    %dma_start3A_44 = arith.constant 0 : i32
    %dma_start3A_45 = arith.constant 0 : i32
    %dma_start3A_46 = arith.constant 0 : i32
    %dma_start3A_47 = arith.constant 0 : i32
    %dma_start3A_48 = tpu.memref_slice %arg6[%dma_start3A_45, %dma_start3A_46, %dma_start3A_47] : memref<2x128x128xf32, #tpu.memory_space<vmem>> -> memref<1x128x128xf32, #tpu.memory_space<vmem>>
    %dma_start3A_49 = tpu.memref_squeeze %dma_start3A_48 : memref<1x128x128xf32, #tpu.memory_space<vmem>> -> memref<128x128xf32, #tpu.memory_space<vmem>>
    %dma_start3A_50 = arith.constant 0 : i32
    %dma_start3A_51 = tpu.memref_slice %arg5[%dma_start3A, %dma_start3A_44, %dma_start3A_50] : memref<4x2x128xi32, #tpu.memory_space<vmem>> -> memref<1x1x128xi32, #tpu.memory_space<vmem>>
    %dma_start3A_52 = tpu.memref_squeeze %dma_start3A_51 : memref<1x1x128xi32, #tpu.memory_space<vmem>> -> memref<128xi32, #tpu.memory_space<vmem>>
    %dma_start3A_53 = arith.constant 0 : i32
    %dma_start3A_54 = arith.constant 0 : i32
    %dma_start3A_55 = tpu.memref_slice %arg2[%dma_start3A_53, %dma_start3A_54] : memref<10000x128xf32, #tpu.memory_space<hbm>> -> memref<10000x128xf32, #tpu.memory_space<hbm>>
    tpu.enqueue_indirect_dma source(%dma_start3A_55 : memref<10000x128xf32, #tpu.memory_space<hbm>>) target(%dma_start3A_49 : memref<128x128xf32, #tpu.memory_space<vmem>>) offsets(%dma_start3A_52 : memref<128xi32, #tpu.memory_space<vmem>>) semaphore(%arg8 : memref<!tpu.dma_semaphore, #tpu.memory_space<semaphore_mem>>)
    %dma_start3A_56 = arith.constant 1 : i32
    %dma_start3A_57 = arith.constant 0 : i32
    %dma_start3A_58 = arith.constant 1 : i32
    %dma_start3A_59 = arith.constant 0 : i32
    %dma_start3A_60 = arith.constant 0 : i32
    %dma_start3A_61 = tpu.memref_slice %arg6[%dma_start3A_58, %dma_start3A_59, %dma_start3A_60] : memref<2x128x128xf32, #tpu.memory_space<vmem>> -> memref<1x128x128xf32, #tpu.memory_space<vmem>>
    %dma_start3A_62 = tpu.memref_squeeze %dma_start3A_61 : memref<1x128x128xf32, #tpu.memory_space<vmem>> -> memref<128x128xf32, #tpu.memory_space<vmem>>
    %dma_start3A_63 = arith.constant 0 : i32
    %dma_start3A_64 = tpu.memref_slice %arg5[%dma_start3A_56, %dma_start3A_57, %dma_start3A_63] : memref<4x2x128xi32, #tpu.memory_space<vmem>> -> memref<1x1x128xi32, #tpu.memory_space<vmem>>
    %dma_start3A_65 = tpu.memref_squeeze %dma_start3A_64 : memref<1x1x128xi32, #tpu.memory_space<vmem>> -> memref<128xi32, #tpu.memory_space<vmem>>
    %dma_start3A_66 = arith.constant 0 : i32
    %dma_start3A_67 = arith.constant 0 : i32
    %dma_start3A_68 = tpu.memref_slice %arg2[%dma_start3A_66, %dma_start3A_67] : memref<10000x128xf32, #tpu.memory_space<hbm>> -> memref<10000x128xf32, #tpu.memory_space<hbm>>
    tpu.enqueue_indirect_dma source(%dma_start3A_68 : memref<10000x128xf32, #tpu.memory_space<hbm>>) target(%dma_start3A_62 : memref<128x128xf32, #tpu.memory_space<vmem>>) offsets(%dma_start3A_65 : memref<128xi32, #tpu.memory_space<vmem>>) semaphore(%arg9 : memref<!tpu.dma_semaphore, #tpu.memory_space<semaphore_mem>>)
    %dma_start3A_69 = arith.constant 2 : i32
    %dma_start3A_70 = arith.constant 2 : i32
    %dma_start3A_71 = arith.constant 0 : i32
    %dma_start3A_72 = arith.constant 0 : i32
    %dma_start3A_73 = tpu.memref_slice %arg5[%dma_start3A_70, %dma_start3A_71, %dma_start3A_72] : memref<4x2x128xi32, #tpu.memory_space<vmem>> -> memref<1x2x128xi32, #tpu.memory_space<vmem>>
    %dma_start3A_74 = tpu.memref_squeeze %dma_start3A_73 : memref<1x2x128xi32, #tpu.memory_space<vmem>> -> memref<2x128xi32, #tpu.memory_space<vmem>>
    %dma_start3A_75 = arith.constant 0 : i32
    %dma_start3A_76 = arith.constant 0 : i32
    %dma_start3A_77 = tpu.memref_slice %arg3[%add3A, %dma_start3A_69, %dma_start3A_75, %dma_start3A_76] : memref<32x96x2x128xi32, #tpu.memory_space<hbm>> -> memref<1x1x2x128xi32, #tpu.memory_space<hbm>>
    %dma_start3A_78 = tpu.memref_squeeze %dma_start3A_77 : memref<1x1x2x128xi32, #tpu.memory_space<hbm>> -> memref<2x128xi32, #tpu.memory_space<hbm>>
    %dma_start3A_79 = arith.constant 0 : i32
    %dma_start3A_80 = arith.constant 0 : i32
    %dma_start3A_81 = tpu.memref_slice %arg5[%dma_start3A_70, %dma_start3A_79, %dma_start3A_80] : memref<4x2x128xi32, #tpu.memory_space<vmem>> -> memref<1x2x128xi32, #tpu.memory_space<vmem>>
    %dma_start3A_82 = tpu.memref_squeeze %dma_start3A_81 : memref<1x2x128xi32, #tpu.memory_space<vmem>> -> memref<2x128xi32, #tpu.memory_space<vmem>>
    %dma_start3A_83 = arith.constant 0 : i32
    %dma_start3A_84 = arith.constant 0 : i32
    %dma_start3A_85 = tpu.memref_slice %arg3[%add3A, %dma_start3A_69, %dma_start3A_83, %dma_start3A_84] : memref<32x96x2x128xi32, #tpu.memory_space<hbm>> -> memref<1x1x2x128xi32, #tpu.memory_space<hbm>>
    %dma_start3A_86 = tpu.memref_squeeze %dma_start3A_85 : memref<1x1x2x128xi32, #tpu.memory_space<hbm>> -> memref<2x128xi32, #tpu.memory_space<hbm>>
    tpu.enqueue_dma source(%dma_start3A_86 : memref<2x128xi32, #tpu.memory_space<hbm>>) target(%dma_start3A_82 : memref<2x128xi32, #tpu.memory_space<vmem>>) target_semaphore(%arg10 : memref<!tpu.dma_semaphore, #tpu.memory_space<semaphore_mem>>)
    %dma_start3A_87 = arith.constant 3 : i32
    %dma_start3A_88 = arith.constant 3 : i32
    %dma_start3A_89 = arith.constant 0 : i32
    %dma_start3A_90 = arith.constant 0 : i32
    %dma_start3A_91 = tpu.memref_slice %arg5[%dma_start3A_88, %dma_start3A_89, %dma_start3A_90] : memref<4x2x128xi32, #tpu.memory_space<vmem>> -> memref<1x2x128xi32, #tpu.memory_space<vmem>>
    %dma_start3A_92 = tpu.memref_squeeze %dma_start3A_91 : memref<1x2x128xi32, #tpu.memory_space<vmem>> -> memref<2x128xi32, #tpu.memory_space<vmem>>
    %dma_start3A_93 = arith.constant 0 : i32
    %dma_start3A_94 = arith.constant 0 : i32
    %dma_start3A_95 = tpu.memref_slice %arg3[%add3A, %dma_start3A_87, %dma_start3A_93, %dma_start3A_94] : memref<32x96x2x128xi32, #tpu.memory_space<hbm>> -> memref<1x1x2x128xi32, #tpu.memory_space<hbm>>
    %dma_start3A_96 = tpu.memref_squeeze %dma_start3A_95 : memref<1x1x2x128xi32, #tpu.memory_space<hbm>> -> memref<2x128xi32, #tpu.memory_space<hbm>>
    %dma_start3A_97 = arith.constant 0 : i32
    %dma_start3A_98 = arith.constant 0 : i32
    %dma_start3A_99 = tpu.memref_slice %arg5[%dma_start3A_88, %dma_start3A_97, %dma_start3A_98] : memref<4x2x128xi32, #tpu.memory_space<vmem>> -> memref<1x2x128xi32, #tpu.memory_space<vmem>>
    %dma_start3A_100 = tpu.memref_squeeze %dma_start3A_99 : memref<1x2x128xi32, #tpu.memory_space<vmem>> -> memref<2x128xi32, #tpu.memory_space<vmem>>
    %dma_start3A_101 = arith.constant 0 : i32
    %dma_start3A_102 = arith.constant 0 : i32
    %dma_start3A_103 = tpu.memref_slice %arg3[%add3A, %dma_start3A_87, %dma_start3A_101, %dma_start3A_102] : memref<32x96x2x128xi32, #tpu.memory_space<hbm>> -> memref<1x1x2x128xi32, #tpu.memory_space<hbm>>
    %dma_start3A_104 = tpu.memref_squeeze %dma_start3A_103 : memref<1x1x2x128xi32, #tpu.memory_space<hbm>> -> memref<2x128xi32, #tpu.memory_space<hbm>>
    tpu.enqueue_dma source(%dma_start3A_104 : memref<2x128xi32, #tpu.memory_space<hbm>>) target(%dma_start3A_100 : memref<2x128xi32, #tpu.memory_space<vmem>>) target_semaphore(%arg11 : memref<!tpu.dma_semaphore, #tpu.memory_space<semaphore_mem>>)
    %eq3A = arith.constant 0 : i32
    %eq3A_105 = arith.cmpi eq, %arg0, %eq3A : i32
    %jit3A = arith.constant 96 : i32
    %jit3A_106 = arith.constant 62 : i32
    %select_n3A = arith.select %eq3A_105, %jit3A, %jit3A_106 : i32
    %jit3A_107 = arith.constant 2 : i32
    %div3A = arith.divsi %select_n3A, %jit3A_107 : i32
    %sign3A = arith.constant 0 : i32
    %sign3A_108 = arith.cmpi sgt, %select_n3A, %sign3A : i32
    %sign3A_109 = arith.extui %sign3A_108 : i1 to i32
    %sign3A_110 = arith.constant 0 : i32
    %sign3A_111 = arith.cmpi slt, %select_n3A, %sign3A_110 : i32
    %sign3A_112 = arith.extui %sign3A_111 : i1 to i32
    %sign3A_113 = arith.subi %sign3A_109, %sign3A_112 : i32
    %sign3A_114 = arith.constant 0 : i32
    %sign3A_115 = arith.cmpi sgt, %jit3A_107, %sign3A_114 : i32
    %sign3A_116 = arith.extui %sign3A_115 : i1 to i32
    %sign3A_117 = arith.constant 0 : i32
    %sign3A_118 = arith.cmpi slt, %jit3A_107, %sign3A_117 : i32
    %sign3A_119 = arith.extui %sign3A_118 : i1 to i32
    %sign3A_120 = arith.subi %sign3A_116, %sign3A_119 : i32
    %ne3A = arith.cmpi ne, %sign3A_113, %sign3A_120 : i32
    %rem3A = arith.remsi %select_n3A, %jit3A_107 : i32
    %ne3A_121 = arith.constant 0 : i32
    %ne3A_122 = arith.cmpi ne, %rem3A, %ne3A_121 : i32
    %and3A = arith.andi %ne3A, %ne3A_122 : i1
    %sub3A = arith.constant 1 : i32
    %sub3A_123 = arith.subi %div3A, %sub3A : i32
    %select_n3A_124 = arith.select %and3A, %sub3A_123, %div3A : i32
    %while3A = arith.constant 0 : i32
    %while3A_125 = arith.constant 0 : i32
    %while3A_126 = arith.subi %select_n3A_124, %while3A_125 : i32
    %while3A_127 = arith.addi %while3A_125, %while3A_126 : i32
    %while3A_128 = arith.constant 1 : i32
    %while3A_129 = arith.divsi %while3A_126, %while3A_128 : i32
    %while3A_130 = arith.muli %while3A_129, %while3A_128 : i32
    %while3A_131 = arith.addi %while3A_125, %while3A_130 : i32
    %while3A_132 = arith.constant 1 : i32
    scf.for %while3A_139 = %while3A_125 to %while3A_131 step %while3A_132  : i32 {
      %mul3A_140 = arith.constant 2 : i32
      %mul3A_141 = arith.muli %mul3A_140, %while3A_139 : i32
      %rem3A_142 = arith.constant 4 : i32
      %rem3A_143 = arith.remsi %mul3A_141, %rem3A_142 : i32
      %dma_wait3A = arith.constant 0 : i32
      %dma_wait3A_144 = arith.constant 0 : i32
      %dma_wait3A_145 = arith.constant 0 : i32
      %dma_wait3A_146 = arith.constant 0 : i32
      %dma_wait3A_147 = tpu.memref_slice %arg6[%dma_wait3A_144, %dma_wait3A_145, %dma_wait3A_146] : memref<2x128x128xf32, #tpu.memory_space<vmem>> -> memref<1x128x128xf32, #tpu.memory_space<vmem>>
      %dma_wait3A_148 = tpu.memref_squeeze %dma_wait3A_147 : memref<1x128x128xf32, #tpu.memory_space<vmem>> -> memref<128x128xf32, #tpu.memory_space<vmem>>
      %dma_wait3A_149 = arith.constant 0 : i32
      %dma_wait3A_150 = tpu.memref_slice %arg5[%rem3A_143, %dma_wait3A, %dma_wait3A_149] : memref<4x2x128xi32, #tpu.memory_space<vmem>> -> memref<1x1x128xi32, #tpu.memory_space<vmem>>
      %dma_wait3A_151 = tpu.memref_squeeze %dma_wait3A_150 : memref<1x1x128xi32, #tpu.memory_space<vmem>> -> memref<128xi32, #tpu.memory_space<vmem>>
      %dma_wait3A_152 = arith.constant 0 : i32
      %dma_wait3A_153 = arith.constant 0 : i32
      %dma_wait3A_154 = tpu.memref_slice %arg2[%dma_wait3A_152, %dma_wait3A_153] : memref<10000x128xf32, #tpu.memory_space<hbm>> -> memref<10000x128xf32, #tpu.memory_space<hbm>>
      tpu.wait_indirect_dma semaphore(%arg8 : memref<!tpu.dma_semaphore, #tpu.memory_space<semaphore_mem>>) src(%dma_wait3A_154 : memref<10000x128xf32, #tpu.memory_space<hbm>>) dst(%dma_wait3A_148 : memref<128x128xf32, #tpu.memory_space<vmem>>)
      %run_scoped3A_155 = arith.constant 0 : i32
      %run_scoped3A_156 = arith.constant 1 : i32
      "tpu.region"() ({
        %run_scoped3A_200 = tpu.sem_alloc : memref<!tpu.dma_semaphore, #tpu.memory_space<semaphore_mem>>
        %dma_start3A_201 = arith.constant 0 : i32
        %dma_start3A_202 = arith.constant 0 : i32
        %dma_start3A_203 = tpu.memref_slice %arg6[%run_scoped3A_155, %dma_start3A_201, %dma_start3A_202] : memref<2x128x128xf32, #tpu.memory_space<vmem>> -> memref<1x128x128xf32, #tpu.memory_space<vmem>>
        %dma_start3A_204 = tpu.memref_squeeze %dma_start3A_203 : memref<1x128x128xf32, #tpu.memory_space<vmem>> -> memref<128x128xf32, #tpu.memory_space<vmem>>
        %dma_start3A_205 = arith.constant 0 : i32
        %dma_start3A_206 = tpu.memref_slice %arg5[%rem3A_143, %run_scoped3A_156, %dma_start3A_205] : memref<4x2x128xi32, #tpu.memory_space<vmem>> -> memref<1x1x128xi32, #tpu.memory_space<vmem>>
        %dma_start3A_207 = tpu.memref_squeeze %dma_start3A_206 : memref<1x1x128xi32, #tpu.memory_space<vmem>> -> memref<128xi32, #tpu.memory_space<vmem>>
        %dma_start3A_208 = arith.constant 0 : i32
        %dma_start3A_209 = arith.constant 0 : i32
        %dma_start3A_210 = tpu.memref_slice %arg7[%dma_start3A_208, %dma_start3A_209] : memref<10240x128xf32, #tpu.memory_space<vmem_shared>> -> memref<10240x128xf32, #tpu.memory_space<vmem_shared>>
        tpu.enqueue_indirect_dma source(%dma_start3A_204 : memref<128x128xf32, #tpu.memory_space<vmem>>) target(%dma_start3A_210 : memref<10240x128xf32, #tpu.memory_space<vmem_shared>>) offsets(%dma_start3A_207 : memref<128xi32, #tpu.memory_space<vmem>>) semaphore(%run_scoped3A_200 : memref<!tpu.dma_semaphore, #tpu.memory_space<semaphore_mem>>) {add = true}
        %dma_wait3A_211 = arith.constant 0 : i32
        %dma_wait3A_212 = arith.constant 0 : i32
        %dma_wait3A_213 = tpu.memref_slice %arg6[%run_scoped3A_155, %dma_wait3A_211, %dma_wait3A_212] : memref<2x128x128xf32, #tpu.memory_space<vmem>> -> memref<1x128x128xf32, #tpu.memory_space<vmem>>
        %dma_wait3A_214 = tpu.memref_squeeze %dma_wait3A_213 : memref<1x128x128xf32, #tpu.memory_space<vmem>> -> memref<128x128xf32, #tpu.memory_space<vmem>>
        %dma_wait3A_215 = arith.constant 0 : i32
        %dma_wait3A_216 = tpu.memref_slice %arg5[%rem3A_143, %run_scoped3A_156, %dma_wait3A_215] : memref<4x2x128xi32, #tpu.memory_space<vmem>> -> memref<1x1x128xi32, #tpu.memory_space<vmem>>
        %dma_wait3A_217 = tpu.memref_squeeze %dma_wait3A_216 : memref<1x1x128xi32, #tpu.memory_space<vmem>> -> memref<128xi32, #tpu.memory_space<vmem>>
        %dma_wait3A_218 = arith.constant 0 : i32
        %dma_wait3A_219 = arith.constant 0 : i32
        %dma_wait3A_220 = tpu.memref_slice %arg7[%dma_wait3A_218, %dma_wait3A_219] : memref<10240x128xf32, #tpu.memory_space<vmem_shared>> -> memref<10240x128xf32, #tpu.memory_space<vmem_shared>>
        tpu.wait_indirect_dma semaphore(%run_scoped3A_200 : memref<!tpu.dma_semaphore, #tpu.memory_space<semaphore_mem>>) src(%dma_wait3A_214 : memref<128x128xf32, #tpu.memory_space<vmem>>) dst(%dma_wait3A_220 : memref<10240x128xf32, #tpu.memory_space<vmem_shared>>)
        tpu.yield
      }) : () -> ()
      %sub3A_157 = arith.constant 2 : i32
      %sub3A_158 = arith.subi %select_n3A, %sub3A_157 : i32
      %lt3A = arith.cmpi slt, %mul3A_141, %sub3A_158 : i32
      %convert_element_type3A = arith.extui %lt3A : i1 to i32
      %cond3A = arith.constant 0 : i32
      %cond3A_159 = arith.constant 0 : i32
      %cond3A_160 = arith.cmpi ne, %convert_element_type3A, %cond3A_159 : i32
      scf.if %cond3A_160 {
        %add3A_200 = arith.constant 2 : i32
        %add3A_201 = arith.addi %mul3A_141, %add3A_200 : i32
        %rem3A_202 = arith.constant 4 : i32
        %rem3A_203 = arith.remsi %add3A_201, %rem3A_202 : i32
        %dma_wait3A_204 = arith.constant 0 : i32
        %dma_wait3A_205 = arith.constant 0 : i32
        %dma_wait3A_206 = arith.constant 0 : i32
        %dma_wait3A_207 = tpu.memref_slice %arg5[%rem3A_203, %dma_wait3A_205, %dma_wait3A_206] : memref<4x2x128xi32, #tpu.memory_space<vmem>> -> memref<1x2x128xi32, #tpu.memory_space<vmem>>
        %dma_wait3A_208 = tpu.memref_squeeze %dma_wait3A_207 : memref<1x2x128xi32, #tpu.memory_space<vmem>> -> memref<2x128xi32, #tpu.memory_space<vmem>>
        %dma_wait3A_209 = arith.constant 0 : i32
        %dma_wait3A_210 = arith.constant 0 : i32
        %dma_wait3A_211 = tpu.memref_slice %arg3[%add3A, %dma_wait3A_204, %dma_wait3A_209, %dma_wait3A_210] : memref<32x96x2x128xi32, #tpu.memory_space<hbm>> -> memref<1x1x2x128xi32, #tpu.memory_space<hbm>>
        %dma_wait3A_212 = tpu.memref_squeeze %dma_wait3A_211 : memref<1x1x2x128xi32, #tpu.memory_space<hbm>> -> memref<2x128xi32, #tpu.memory_space<hbm>>
        %dma_wait3A_213 = arith.constant 0 : i32
        %dma_wait3A_214 = arith.constant 0 : i32
        %dma_wait3A_215 = tpu.memref_slice %arg5[%rem3A_203, %dma_wait3A_213, %dma_wait3A_214] : memref<4x2x128xi32, #tpu.memory_space<vmem>> -> memref<1x2x128xi32, #tpu.memory_space<vmem>>
        %dma_wait3A_216 = tpu.memref_squeeze %dma_wait3A_215 : memref<1x2x128xi32, #tpu.memory_space<vmem>> -> memref<2x128xi32, #tpu.memory_space<vmem>>
        %dma_wait3A_217 = arith.constant 0 : i32
        %dma_wait3A_218 = arith.constant 0 : i32
        %dma_wait3A_219 = tpu.memref_slice %arg3[%add3A, %dma_wait3A_204, %dma_wait3A_217, %dma_wait3A_218] : memref<32x96x2x128xi32, #tpu.memory_space<hbm>> -> memref<1x1x2x128xi32, #tpu.memory_space<hbm>>
        %dma_wait3A_220 = tpu.memref_squeeze %dma_wait3A_219 : memref<1x1x2x128xi32, #tpu.memory_space<hbm>> -> memref<2x128xi32, #tpu.memory_space<hbm>>
        tpu.wait_dma2 semaphore(%arg10 : memref<!tpu.dma_semaphore, #tpu.memory_space<semaphore_mem>>) src(%dma_wait3A_220 : memref<2x128xi32, #tpu.memory_space<hbm>>) dst(%dma_wait3A_216 : memref<2x128xi32, #tpu.memory_space<vmem>>)
        %dma_start3A_221 = arith.constant 0 : i32
        %dma_start3A_222 = arith.constant 0 : i32
        %dma_start3A_223 = arith.constant 0 : i32
        %dma_start3A_224 = tpu.memref_slice %arg6[%cond3A, %dma_start3A_222, %dma_start3A_223] : memref<2x128x128xf32, #tpu.memory_space<vmem>> -> memref<1x128x128xf32, #tpu.memory_space<vmem>>
        %dma_start3A_225 = tpu.memref_squeeze %dma_start3A_224 : memref<1x128x128xf32, #tpu.memory_space<vmem>> -> memref<128x128xf32, #tpu.memory_space<vmem>>
        %dma_start3A_226 = arith.constant 0 : i32
        %dma_start3A_227 = tpu.memref_slice %arg5[%rem3A_203, %dma_start3A_221, %dma_start3A_226] : memref<4x2x128xi32, #tpu.memory_space<vmem>> -> memref<1x1x128xi32, #tpu.memory_space<vmem>>
        %dma_start3A_228 = tpu.memref_squeeze %dma_start3A_227 : memref<1x1x128xi32, #tpu.memory_space<vmem>> -> memref<128xi32, #tpu.memory_space<vmem>>
        %dma_start3A_229 = arith.constant 0 : i32
        %dma_start3A_230 = arith.constant 0 : i32
        %dma_start3A_231 = tpu.memref_slice %arg2[%dma_start3A_229, %dma_start3A_230] : memref<10000x128xf32, #tpu.memory_space<hbm>> -> memref<10000x128xf32, #tpu.memory_space<hbm>>
        tpu.enqueue_indirect_dma source(%dma_start3A_231 : memref<10000x128xf32, #tpu.memory_space<hbm>>) target(%dma_start3A_225 : memref<128x128xf32, #tpu.memory_space<vmem>>) offsets(%dma_start3A_228 : memref<128xi32, #tpu.memory_space<vmem>>) semaphore(%arg8 : memref<!tpu.dma_semaphore, #tpu.memory_space<semaphore_mem>>)
      } else {
      }
      %sub3A_161 = arith.constant 4 : i32
      %sub3A_162 = arith.subi %select_n3A, %sub3A_161 : i32
      %lt3A_163 = arith.cmpi slt, %mul3A_141, %sub3A_162 : i32
      %convert_element_type3A_164 = arith.extui %lt3A_163 : i1 to i32
      %cond3A_165 = arith.constant 0 : i32
      %cond3A_166 = arith.cmpi ne, %convert_element_type3A_164, %cond3A_165 : i32
      scf.if %cond3A_166 {
        %add3A_200 = arith.constant 4 : i32
        %add3A_201 = arith.addi %mul3A_141, %add3A_200 : i32
        %dma_start3A_202 = arith.constant 0 : i32
        %dma_start3A_203 = arith.constant 0 : i32
        %dma_start3A_204 = tpu.memref_slice %arg5[%rem3A_143, %dma_start3A_202, %dma_start3A_203] : memref<4x2x128xi32, #tpu.memory_space<vmem>> -> memref<1x2x128xi32, #tpu.memory_space<vmem>>
        %dma_start3A_205 = tpu.memref_squeeze %dma_start3A_204 : memref<1x2x128xi32, #tpu.memory_space<vmem>> -> memref<2x128xi32, #tpu.memory_space<vmem>>
        %dma_start3A_206 = arith.constant 0 : i32
        %dma_start3A_207 = arith.constant 0 : i32
        %dma_start3A_208 = tpu.memref_slice %arg3[%add3A, %add3A_201, %dma_start3A_206, %dma_start3A_207] : memref<32x96x2x128xi32, #tpu.memory_space<hbm>> -> memref<1x1x2x128xi32, #tpu.memory_space<hbm>>
        %dma_start3A_209 = tpu.memref_squeeze %dma_start3A_208 : memref<1x1x2x128xi32, #tpu.memory_space<hbm>> -> memref<2x128xi32, #tpu.memory_space<hbm>>
        %dma_start3A_210 = arith.constant 0 : i32
        %dma_start3A_211 = arith.constant 0 : i32
        %dma_start3A_212 = tpu.memref_slice %arg5[%rem3A_143, %dma_start3A_210, %dma_start3A_211] : memref<4x2x128xi32, #tpu.memory_space<vmem>> -> memref<1x2x128xi32, #tpu.memory_space<vmem>>
        %dma_start3A_213 = tpu.memref_squeeze %dma_start3A_212 : memref<1x2x128xi32, #tpu.memory_space<vmem>> -> memref<2x128xi32, #tpu.memory_space<vmem>>
        %dma_start3A_214 = arith.constant 0 : i32
        %dma_start3A_215 = arith.constant 0 : i32
        %dma_start3A_216 = tpu.memref_slice %arg3[%add3A, %add3A_201, %dma_start3A_214, %dma_start3A_215] : memref<32x96x2x128xi32, #tpu.memory_space<hbm>> -> memref<1x1x2x128xi32, #tpu.memory_space<hbm>>
        %dma_start3A_217 = tpu.memref_squeeze %dma_start3A_216 : memref<1x1x2x128xi32, #tpu.memory_space<hbm>> -> memref<2x128xi32, #tpu.memory_space<hbm>>
        tpu.enqueue_dma source(%dma_start3A_217 : memref<2x128xi32, #tpu.memory_space<hbm>>) target(%dma_start3A_213 : memref<2x128xi32, #tpu.memory_space<vmem>>) target_semaphore(%arg10 : memref<!tpu.dma_semaphore, #tpu.memory_space<semaphore_mem>>)
      } else {
      }
      %mul3A_167 = arith.constant 2 : i32
      %mul3A_168 = arith.muli %mul3A_167, %while3A_139 : i32
      %add3A_169 = arith.constant 1 : i32
      %add3A_170 = arith.addi %mul3A_168, %add3A_169 : i32
      %rem3A_171 = arith.constant 4 : i32
      %rem3A_172 = arith.remsi %add3A_170, %rem3A_171 : i32
      %dma_wait3A_173 = arith.constant 0 : i32
      %dma_wait3A_174 = arith.constant 1 : i32
      %dma_wait3A_175 = arith.constant 0 : i32
      %dma_wait3A_176 = arith.constant 0 : i32
      %dma_wait3A_177 = tpu.memref_slice %arg6[%dma_wait3A_174, %dma_wait3A_175, %dma_wait3A_176] : memref<2x128x128xf32, #tpu.memory_space<vmem>> -> memref<1x128x128xf32, #tpu.memory_space<vmem>>
      %dma_wait3A_178 = tpu.memref_squeeze %dma_wait3A_177 : memref<1x128x128xf32, #tpu.memory_space<vmem>> -> memref<128x128xf32, #tpu.memory_space<vmem>>
      %dma_wait3A_179 = arith.constant 0 : i32
      %dma_wait3A_180 = tpu.memref_slice %arg5[%rem3A_172, %dma_wait3A_173, %dma_wait3A_179] : memref<4x2x128xi32, #tpu.memory_space<vmem>> -> memref<1x1x128xi32, #tpu.memory_space<vmem>>
      %dma_wait3A_181 = tpu.memref_squeeze %dma_wait3A_180 : memref<1x1x128xi32, #tpu.memory_space<vmem>> -> memref<128xi32, #tpu.memory_space<vmem>>
      %dma_wait3A_182 = arith.constant 0 : i32
      %dma_wait3A_183 = arith.constant 0 : i32
      %dma_wait3A_184 = tpu.memref_slice %arg2[%dma_wait3A_182, %dma_wait3A_183] : memref<10000x128xf32, #tpu.memory_space<hbm>> -> memref<10000x128xf32, #tpu.memory_space<hbm>>
      tpu.wait_indirect_dma semaphore(%arg9 : memref<!tpu.dma_semaphore, #tpu.memory_space<semaphore_mem>>) src(%dma_wait3A_184 : memref<10000x128xf32, #tpu.memory_space<hbm>>) dst(%dma_wait3A_178 : memref<128x128xf32, #tpu.memory_space<vmem>>)
      %run_scoped3A_185 = arith.constant 1 : i32
      %run_scoped3A_186 = arith.constant 1 : i32
      "tpu.region"() ({
        %run_scoped3A_200 = tpu.sem_alloc : memref<!tpu.dma_semaphore, #tpu.memory_space<semaphore_mem>>
        %dma_start3A_201 = arith.constant 0 : i32
        %dma_start3A_202 = arith.constant 0 : i32
        %dma_start3A_203 = tpu.memref_slice %arg6[%run_scoped3A_185, %dma_start3A_201, %dma_start3A_202] : memref<2x128x128xf32, #tpu.memory_space<vmem>> -> memref<1x128x128xf32, #tpu.memory_space<vmem>>
        %dma_start3A_204 = tpu.memref_squeeze %dma_start3A_203 : memref<1x128x128xf32, #tpu.memory_space<vmem>> -> memref<128x128xf32, #tpu.memory_space<vmem>>
        %dma_start3A_205 = arith.constant 0 : i32
        %dma_start3A_206 = tpu.memref_slice %arg5[%rem3A_172, %run_scoped3A_186, %dma_start3A_205] : memref<4x2x128xi32, #tpu.memory_space<vmem>> -> memref<1x1x128xi32, #tpu.memory_space<vmem>>
        %dma_start3A_207 = tpu.memref_squeeze %dma_start3A_206 : memref<1x1x128xi32, #tpu.memory_space<vmem>> -> memref<128xi32, #tpu.memory_space<vmem>>
        %dma_start3A_208 = arith.constant 0 : i32
        %dma_start3A_209 = arith.constant 0 : i32
        %dma_start3A_210 = tpu.memref_slice %arg7[%dma_start3A_208, %dma_start3A_209] : memref<10240x128xf32, #tpu.memory_space<vmem_shared>> -> memref<10240x128xf32, #tpu.memory_space<vmem_shared>>
        tpu.enqueue_indirect_dma source(%dma_start3A_204 : memref<128x128xf32, #tpu.memory_space<vmem>>) target(%dma_start3A_210 : memref<10240x128xf32, #tpu.memory_space<vmem_shared>>) offsets(%dma_start3A_207 : memref<128xi32, #tpu.memory_space<vmem>>) semaphore(%run_scoped3A_200 : memref<!tpu.dma_semaphore, #tpu.memory_space<semaphore_mem>>) {add = true}
        %dma_wait3A_211 = arith.constant 0 : i32
        %dma_wait3A_212 = arith.constant 0 : i32
        %dma_wait3A_213 = tpu.memref_slice %arg6[%run_scoped3A_185, %dma_wait3A_211, %dma_wait3A_212] : memref<2x128x128xf32, #tpu.memory_space<vmem>> -> memref<1x128x128xf32, #tpu.memory_space<vmem>>
        %dma_wait3A_214 = tpu.memref_squeeze %dma_wait3A_213 : memref<1x128x128xf32, #tpu.memory_space<vmem>> -> memref<128x128xf32, #tpu.memory_space<vmem>>
        %dma_wait3A_215 = arith.constant 0 : i32
        %dma_wait3A_216 = tpu.memref_slice %arg5[%rem3A_172, %run_scoped3A_186, %dma_wait3A_215] : memref<4x2x128xi32, #tpu.memory_space<vmem>> -> memref<1x1x128xi32, #tpu.memory_space<vmem>>
        %dma_wait3A_217 = tpu.memref_squeeze %dma_wait3A_216 : memref<1x1x128xi32, #tpu.memory_space<vmem>> -> memref<128xi32, #tpu.memory_space<vmem>>
        %dma_wait3A_218 = arith.constant 0 : i32
        %dma_wait3A_219 = arith.constant 0 : i32
        %dma_wait3A_220 = tpu.memref_slice %arg7[%dma_wait3A_218, %dma_wait3A_219] : memref<10240x128xf32, #tpu.memory_space<vmem_shared>> -> memref<10240x128xf32, #tpu.memory_space<vmem_shared>>
        tpu.wait_indirect_dma semaphore(%run_scoped3A_200 : memref<!tpu.dma_semaphore, #tpu.memory_space<semaphore_mem>>) src(%dma_wait3A_214 : memref<128x128xf32, #tpu.memory_space<vmem>>) dst(%dma_wait3A_220 : memref<10240x128xf32, #tpu.memory_space<vmem_shared>>)
        tpu.yield
      }) : () -> ()
      %sub3A_187 = arith.constant 2 : i32
      %sub3A_188 = arith.subi %select_n3A, %sub3A_187 : i32
      %lt3A_189 = arith.cmpi slt, %add3A_170, %sub3A_188 : i32
      %convert_element_type3A_190 = arith.extui %lt3A_189 : i1 to i32
      %cond3A_191 = arith.constant 1 : i32
      %cond3A_192 = arith.constant 0 : i32
      %cond3A_193 = arith.cmpi ne, %convert_element_type3A_190, %cond3A_192 : i32
      scf.if %cond3A_193 {
        %add3A_200 = arith.constant 2 : i32
        %add3A_201 = arith.addi %add3A_170, %add3A_200 : i32
        %rem3A_202 = arith.constant 4 : i32
        %rem3A_203 = arith.remsi %add3A_201, %rem3A_202 : i32
        %dma_wait3A_204 = arith.constant 0 : i32
        %dma_wait3A_205 = arith.constant 0 : i32
        %dma_wait3A_206 = arith.constant 0 : i32
        %dma_wait3A_207 = tpu.memref_slice %arg5[%rem3A_203, %dma_wait3A_205, %dma_wait3A_206] : memref<4x2x128xi32, #tpu.memory_space<vmem>> -> memref<1x2x128xi32, #tpu.memory_space<vmem>>
        %dma_wait3A_208 = tpu.memref_squeeze %dma_wait3A_207 : memref<1x2x128xi32, #tpu.memory_space<vmem>> -> memref<2x128xi32, #tpu.memory_space<vmem>>
        %dma_wait3A_209 = arith.constant 0 : i32
        %dma_wait3A_210 = arith.constant 0 : i32
        %dma_wait3A_211 = tpu.memref_slice %arg3[%add3A, %dma_wait3A_204, %dma_wait3A_209, %dma_wait3A_210] : memref<32x96x2x128xi32, #tpu.memory_space<hbm>> -> memref<1x1x2x128xi32, #tpu.memory_space<hbm>>
        %dma_wait3A_212 = tpu.memref_squeeze %dma_wait3A_211 : memref<1x1x2x128xi32, #tpu.memory_space<hbm>> -> memref<2x128xi32, #tpu.memory_space<hbm>>
        %dma_wait3A_213 = arith.constant 0 : i32
        %dma_wait3A_214 = arith.constant 0 : i32
        %dma_wait3A_215 = tpu.memref_slice %arg5[%rem3A_203, %dma_wait3A_213, %dma_wait3A_214] : memref<4x2x128xi32, #tpu.memory_space<vmem>> -> memref<1x2x128xi32, #tpu.memory_space<vmem>>
        %dma_wait3A_216 = tpu.memref_squeeze %dma_wait3A_215 : memref<1x2x128xi32, #tpu.memory_space<vmem>> -> memref<2x128xi32, #tpu.memory_space<vmem>>
        %dma_wait3A_217 = arith.constant 0 : i32
        %dma_wait3A_218 = arith.constant 0 : i32
        %dma_wait3A_219 = tpu.memref_slice %arg3[%add3A, %dma_wait3A_204, %dma_wait3A_217, %dma_wait3A_218] : memref<32x96x2x128xi32, #tpu.memory_space<hbm>> -> memref<1x1x2x128xi32, #tpu.memory_space<hbm>>
        %dma_wait3A_220 = tpu.memref_squeeze %dma_wait3A_219 : memref<1x1x2x128xi32, #tpu.memory_space<hbm>> -> memref<2x128xi32, #tpu.memory_space<hbm>>
        tpu.wait_dma2 semaphore(%arg11 : memref<!tpu.dma_semaphore, #tpu.memory_space<semaphore_mem>>) src(%dma_wait3A_220 : memref<2x128xi32, #tpu.memory_space<hbm>>) dst(%dma_wait3A_216 : memref<2x128xi32, #tpu.memory_space<vmem>>)
        %dma_start3A_221 = arith.constant 0 : i32
        %dma_start3A_222 = arith.constant 0 : i32
        %dma_start3A_223 = arith.constant 0 : i32
        %dma_start3A_224 = tpu.memref_slice %arg6[%cond3A_191, %dma_start3A_222, %dma_start3A_223] : memref<2x128x128xf32, #tpu.memory_space<vmem>> -> memref<1x128x128xf32, #tpu.memory_space<vmem>>
        %dma_start3A_225 = tpu.memref_squeeze %dma_start3A_224 : memref<1x128x128xf32, #tpu.memory_space<vmem>> -> memref<128x128xf32, #tpu.memory_space<vmem>>
        %dma_start3A_226 = arith.constant 0 : i32
        %dma_start3A_227 = tpu.memref_slice %arg5[%rem3A_203, %dma_start3A_221, %dma_start3A_226] : memref<4x2x128xi32, #tpu.memory_space<vmem>> -> memref<1x1x128xi32, #tpu.memory_space<vmem>>
        %dma_start3A_228 = tpu.memref_squeeze %dma_start3A_227 : memref<1x1x128xi32, #tpu.memory_space<vmem>> -> memref<128xi32, #tpu.memory_space<vmem>>
        %dma_start3A_229 = arith.constant 0 : i32
        %dma_start3A_230 = arith.constant 0 : i32
        %dma_start3A_231 = tpu.memref_slice %arg2[%dma_start3A_229, %dma_start3A_230] : memref<10000x128xf32, #tpu.memory_space<hbm>> -> memref<10000x128xf32, #tpu.memory_space<hbm>>
        tpu.enqueue_indirect_dma source(%dma_start3A_231 : memref<10000x128xf32, #tpu.memory_space<hbm>>) target(%dma_start3A_225 : memref<128x128xf32, #tpu.memory_space<vmem>>) offsets(%dma_start3A_228 : memref<128xi32, #tpu.memory_space<vmem>>) semaphore(%arg9 : memref<!tpu.dma_semaphore, #tpu.memory_space<semaphore_mem>>)
      } else {
      }
      %sub3A_194 = arith.constant 4 : i32
      %sub3A_195 = arith.subi %select_n3A, %sub3A_194 : i32
      %lt3A_196 = arith.cmpi slt, %add3A_170, %sub3A_195 : i32
      %convert_element_type3A_197 = arith.extui %lt3A_196 : i1 to i32
      %cond3A_198 = arith.constant 0 : i32
      %cond3A_199 = arith.cmpi ne, %convert_element_type3A_197, %cond3A_198 : i32
      scf.if %cond3A_199 {
        %add3A_200 = arith.constant 4 : i32
        %add3A_201 = arith.addi %add3A_170, %add3A_200 : i32
        %dma_start3A_202 = arith.constant 0 : i32
        %dma_start3A_203 = arith.constant 0 : i32
        %dma_start3A_204 = tpu.memref_slice %arg5[%rem3A_172, %dma_start3A_202, %dma_start3A_203] : memref<4x2x128xi32, #tpu.memory_space<vmem>> -> memref<1x2x128xi32, #tpu.memory_space<vmem>>
        %dma_start3A_205 = tpu.memref_squeeze %dma_start3A_204 : memref<1x2x128xi32, #tpu.memory_space<vmem>> -> memref<2x128xi32, #tpu.memory_space<vmem>>
        %dma_start3A_206 = arith.constant 0 : i32
        %dma_start3A_207 = arith.constant 0 : i32
        %dma_start3A_208 = tpu.memref_slice %arg3[%add3A, %add3A_201, %dma_start3A_206, %dma_start3A_207] : memref<32x96x2x128xi32, #tpu.memory_space<hbm>> -> memref<1x1x2x128xi32, #tpu.memory_space<hbm>>
        %dma_start3A_209 = tpu.memref_squeeze %dma_start3A_208 : memref<1x1x2x128xi32, #tpu.memory_space<hbm>> -> memref<2x128xi32, #tpu.memory_space<hbm>>
        %dma_start3A_210 = arith.constant 0 : i32
        %dma_start3A_211 = arith.constant 0 : i32
        %dma_start3A_212 = tpu.memref_slice %arg5[%rem3A_172, %dma_start3A_210, %dma_start3A_211] : memref<4x2x128xi32, #tpu.memory_space<vmem>> -> memref<1x2x128xi32, #tpu.memory_space<vmem>>
        %dma_start3A_213 = tpu.memref_squeeze %dma_start3A_212 : memref<1x2x128xi32, #tpu.memory_space<vmem>> -> memref<2x128xi32, #tpu.memory_space<vmem>>
        %dma_start3A_214 = arith.constant 0 : i32
        %dma_start3A_215 = arith.constant 0 : i32
        %dma_start3A_216 = tpu.memref_slice %arg3[%add3A, %add3A_201, %dma_start3A_214, %dma_start3A_215] : memref<32x96x2x128xi32, #tpu.memory_space<hbm>> -> memref<1x1x2x128xi32, #tpu.memory_space<hbm>>
        %dma_start3A_217 = tpu.memref_squeeze %dma_start3A_216 : memref<1x1x2x128xi32, #tpu.memory_space<hbm>> -> memref<2x128xi32, #tpu.memory_space<hbm>>
        tpu.enqueue_dma source(%dma_start3A_217 : memref<2x128xi32, #tpu.memory_space<hbm>>) target(%dma_start3A_213 : memref<2x128xi32, #tpu.memory_space<vmem>>) target_semaphore(%arg11 : memref<!tpu.dma_semaphore, #tpu.memory_space<semaphore_mem>>)
      } else {
      }
    }
    %while3A_133 = arith.constant 1 : i32
    scf.for %while3A_139 = %while3A_131 to %while3A_127 step %while3A_133  : i32 {
      %mul3A_140 = arith.constant 2 : i32
      %mul3A_141 = arith.muli %mul3A_140, %while3A_139 : i32
      %rem3A_142 = arith.constant 4 : i32
      %rem3A_143 = arith.remsi %mul3A_141, %rem3A_142 : i32
      %dma_wait3A = arith.constant 0 : i32
      %dma_wait3A_144 = arith.constant 0 : i32
      %dma_wait3A_145 = arith.constant 0 : i32
      %dma_wait3A_146 = arith.constant 0 : i32
      %dma_wait3A_147 = tpu.memref_slice %arg6[%dma_wait3A_144, %dma_wait3A_145, %dma_wait3A_146] : memref<2x128x128xf32, #tpu.memory_space<vmem>> -> memref<1x128x128xf32, #tpu.memory_space<vmem>>
      %dma_wait3A_148 = tpu.memref_squeeze %dma_wait3A_147 : memref<1x128x128xf32, #tpu.memory_space<vmem>> -> memref<128x128xf32, #tpu.memory_space<vmem>>
      %dma_wait3A_149 = arith.constant 0 : i32
      %dma_wait3A_150 = tpu.memref_slice %arg5[%rem3A_143, %dma_wait3A, %dma_wait3A_149] : memref<4x2x128xi32, #tpu.memory_space<vmem>> -> memref<1x1x128xi32, #tpu.memory_space<vmem>>
      %dma_wait3A_151 = tpu.memref_squeeze %dma_wait3A_150 : memref<1x1x128xi32, #tpu.memory_space<vmem>> -> memref<128xi32, #tpu.memory_space<vmem>>
      %dma_wait3A_152 = arith.constant 0 : i32
      %dma_wait3A_153 = arith.constant 0 : i32
      %dma_wait3A_154 = tpu.memref_slice %arg2[%dma_wait3A_152, %dma_wait3A_153] : memref<10000x128xf32, #tpu.memory_space<hbm>> -> memref<10000x128xf32, #tpu.memory_space<hbm>>
      tpu.wait_indirect_dma semaphore(%arg8 : memref<!tpu.dma_semaphore, #tpu.memory_space<semaphore_mem>>) src(%dma_wait3A_154 : memref<10000x128xf32, #tpu.memory_space<hbm>>) dst(%dma_wait3A_148 : memref<128x128xf32, #tpu.memory_space<vmem>>)
      %run_scoped3A_155 = arith.constant 0 : i32
      %run_scoped3A_156 = arith.constant 1 : i32
      "tpu.region"() ({
        %run_scoped3A_200 = tpu.sem_alloc : memref<!tpu.dma_semaphore, #tpu.memory_space<semaphore_mem>>
        %dma_start3A_201 = arith.constant 0 : i32
        %dma_start3A_202 = arith.constant 0 : i32
        %dma_start3A_203 = tpu.memref_slice %arg6[%run_scoped3A_155, %dma_start3A_201, %dma_start3A_202] : memref<2x128x128xf32, #tpu.memory_space<vmem>> -> memref<1x128x128xf32, #tpu.memory_space<vmem>>
        %dma_start3A_204 = tpu.memref_squeeze %dma_start3A_203 : memref<1x128x128xf32, #tpu.memory_space<vmem>> -> memref<128x128xf32, #tpu.memory_space<vmem>>
        %dma_start3A_205 = arith.constant 0 : i32
        %dma_start3A_206 = tpu.memref_slice %arg5[%rem3A_143, %run_scoped3A_156, %dma_start3A_205] : memref<4x2x128xi32, #tpu.memory_space<vmem>> -> memref<1x1x128xi32, #tpu.memory_space<vmem>>
        %dma_start3A_207 = tpu.memref_squeeze %dma_start3A_206 : memref<1x1x128xi32, #tpu.memory_space<vmem>> -> memref<128xi32, #tpu.memory_space<vmem>>
        %dma_start3A_208 = arith.constant 0 : i32
        %dma_start3A_209 = arith.constant 0 : i32
        %dma_start3A_210 = tpu.memref_slice %arg7[%dma_start3A_208, %dma_start3A_209] : memref<10240x128xf32, #tpu.memory_space<vmem_shared>> -> memref<10240x128xf32, #tpu.memory_space<vmem_shared>>
        tpu.enqueue_indirect_dma source(%dma_start3A_204 : memref<128x128xf32, #tpu.memory_space<vmem>>) target(%dma_start3A_210 : memref<10240x128xf32, #tpu.memory_space<vmem_shared>>) offsets(%dma_start3A_207 : memref<128xi32, #tpu.memory_space<vmem>>) semaphore(%run_scoped3A_200 : memref<!tpu.dma_semaphore, #tpu.memory_space<semaphore_mem>>) {add = true}
        %dma_wait3A_211 = arith.constant 0 : i32
        %dma_wait3A_212 = arith.constant 0 : i32
        %dma_wait3A_213 = tpu.memref_slice %arg6[%run_scoped3A_155, %dma_wait3A_211, %dma_wait3A_212] : memref<2x128x128xf32, #tpu.memory_space<vmem>> -> memref<1x128x128xf32, #tpu.memory_space<vmem>>
        %dma_wait3A_214 = tpu.memref_squeeze %dma_wait3A_213 : memref<1x128x128xf32, #tpu.memory_space<vmem>> -> memref<128x128xf32, #tpu.memory_space<vmem>>
        %dma_wait3A_215 = arith.constant 0 : i32
        %dma_wait3A_216 = tpu.memref_slice %arg5[%rem3A_143, %run_scoped3A_156, %dma_wait3A_215] : memref<4x2x128xi32, #tpu.memory_space<vmem>> -> memref<1x1x128xi32, #tpu.memory_space<vmem>>
        %dma_wait3A_217 = tpu.memref_squeeze %dma_wait3A_216 : memref<1x1x128xi32, #tpu.memory_space<vmem>> -> memref<128xi32, #tpu.memory_space<vmem>>
        %dma_wait3A_218 = arith.constant 0 : i32
        %dma_wait3A_219 = arith.constant 0 : i32
        %dma_wait3A_220 = tpu.memref_slice %arg7[%dma_wait3A_218, %dma_wait3A_219] : memref<10240x128xf32, #tpu.memory_space<vmem_shared>> -> memref<10240x128xf32, #tpu.memory_space<vmem_shared>>
        tpu.wait_indirect_dma semaphore(%run_scoped3A_200 : memref<!tpu.dma_semaphore, #tpu.memory_space<semaphore_mem>>) src(%dma_wait3A_214 : memref<128x128xf32, #tpu.memory_space<vmem>>) dst(%dma_wait3A_220 : memref<10240x128xf32, #tpu.memory_space<vmem_shared>>)
        tpu.yield
      }) : () -> ()
      %sub3A_157 = arith.constant 2 : i32
      %sub3A_158 = arith.subi %select_n3A, %sub3A_157 : i32
      %lt3A = arith.cmpi slt, %mul3A_141, %sub3A_158 : i32
      %convert_element_type3A = arith.extui %lt3A : i1 to i32
      %cond3A = arith.constant 0 : i32
      %cond3A_159 = arith.constant 0 : i32
      %cond3A_160 = arith.cmpi ne, %convert_element_type3A, %cond3A_159 : i32
      scf.if %cond3A_160 {
        %add3A_200 = arith.constant 2 : i32
        %add3A_201 = arith.addi %mul3A_141, %add3A_200 : i32
        %rem3A_202 = arith.constant 4 : i32
        %rem3A_203 = arith.remsi %add3A_201, %rem3A_202 : i32
        %dma_wait3A_204 = arith.constant 0 : i32
        %dma_wait3A_205 = arith.constant 0 : i32
        %dma_wait3A_206 = arith.constant 0 : i32
        %dma_wait3A_207 = tpu.memref_slice %arg5[%rem3A_203, %dma_wait3A_205, %dma_wait3A_206] : memref<4x2x128xi32, #tpu.memory_space<vmem>> -> memref<1x2x128xi32, #tpu.memory_space<vmem>>
        %dma_wait3A_208 = tpu.memref_squeeze %dma_wait3A_207 : memref<1x2x128xi32, #tpu.memory_space<vmem>> -> memref<2x128xi32, #tpu.memory_space<vmem>>
        %dma_wait3A_209 = arith.constant 0 : i32
        %dma_wait3A_210 = arith.constant 0 : i32
        %dma_wait3A_211 = tpu.memref_slice %arg3[%add3A, %dma_wait3A_204, %dma_wait3A_209, %dma_wait3A_210] : memref<32x96x2x128xi32, #tpu.memory_space<hbm>> -> memref<1x1x2x128xi32, #tpu.memory_space<hbm>>
        %dma_wait3A_212 = tpu.memref_squeeze %dma_wait3A_211 : memref<1x1x2x128xi32, #tpu.memory_space<hbm>> -> memref<2x128xi32, #tpu.memory_space<hbm>>
        %dma_wait3A_213 = arith.constant 0 : i32
        %dma_wait3A_214 = arith.constant 0 : i32
        %dma_wait3A_215 = tpu.memref_slice %arg5[%rem3A_203, %dma_wait3A_213, %dma_wait3A_214] : memref<4x2x128xi32, #tpu.memory_space<vmem>> -> memref<1x2x128xi32, #tpu.memory_space<vmem>>
        %dma_wait3A_216 = tpu.memref_squeeze %dma_wait3A_215 : memref<1x2x128xi32, #tpu.memory_space<vmem>> -> memref<2x128xi32, #tpu.memory_space<vmem>>
        %dma_wait3A_217 = arith.constant 0 : i32
        %dma_wait3A_218 = arith.constant 0 : i32
        %dma_wait3A_219 = tpu.memref_slice %arg3[%add3A, %dma_wait3A_204, %dma_wait3A_217, %dma_wait3A_218] : memref<32x96x2x128xi32, #tpu.memory_space<hbm>> -> memref<1x1x2x128xi32, #tpu.memory_space<hbm>>
        %dma_wait3A_220 = tpu.memref_squeeze %dma_wait3A_219 : memref<1x1x2x128xi32, #tpu.memory_space<hbm>> -> memref<2x128xi32, #tpu.memory_space<hbm>>
        tpu.wait_dma2 semaphore(%arg10 : memref<!tpu.dma_semaphore, #tpu.memory_space<semaphore_mem>>) src(%dma_wait3A_220 : memref<2x128xi32, #tpu.memory_space<hbm>>) dst(%dma_wait3A_216 : memref<2x128xi32, #tpu.memory_space<vmem>>)
        %dma_start3A_221 = arith.constant 0 : i32
        %dma_start3A_222 = arith.constant 0 : i32
        %dma_start3A_223 = arith.constant 0 : i32
        %dma_start3A_224 = tpu.memref_slice %arg6[%cond3A, %dma_start3A_222, %dma_start3A_223] : memref<2x128x128xf32, #tpu.memory_space<vmem>> -> memref<1x128x128xf32, #tpu.memory_space<vmem>>
        %dma_start3A_225 = tpu.memref_squeeze %dma_start3A_224 : memref<1x128x128xf32, #tpu.memory_space<vmem>> -> memref<128x128xf32, #tpu.memory_space<vmem>>
        %dma_start3A_226 = arith.constant 0 : i32
        %dma_start3A_227 = tpu.memref_slice %arg5[%rem3A_203, %dma_start3A_221, %dma_start3A_226] : memref<4x2x128xi32, #tpu.memory_space<vmem>> -> memref<1x1x128xi32, #tpu.memory_space<vmem>>
        %dma_start3A_228 = tpu.memref_squeeze %dma_start3A_227 : memref<1x1x128xi32, #tpu.memory_space<vmem>> -> memref<128xi32, #tpu.memory_space<vmem>>
        %dma_start3A_229 = arith.constant 0 : i32
        %dma_start3A_230 = arith.constant 0 : i32
        %dma_start3A_231 = tpu.memref_slice %arg2[%dma_start3A_229, %dma_start3A_230] : memref<10000x128xf32, #tpu.memory_space<hbm>> -> memref<10000x128xf32, #tpu.memory_space<hbm>>
        tpu.enqueue_indirect_dma source(%dma_start3A_231 : memref<10000x128xf32, #tpu.memory_space<hbm>>) target(%dma_start3A_225 : memref<128x128xf32, #tpu.memory_space<vmem>>) offsets(%dma_start3A_228 : memref<128xi32, #tpu.memory_space<vmem>>) semaphore(%arg8 : memref<!tpu.dma_semaphore, #tpu.memory_space<semaphore_mem>>)
      } else {
      }
      %sub3A_161 = arith.constant 4 : i32
      %sub3A_162 = arith.subi %select_n3A, %sub3A_161 : i32
      %lt3A_163 = arith.cmpi slt, %mul3A_141, %sub3A_162 : i32
      %convert_element_type3A_164 = arith.extui %lt3A_163 : i1 to i32
      %cond3A_165 = arith.constant 0 : i32
      %cond3A_166 = arith.cmpi ne, %convert_element_type3A_164, %cond3A_165 : i32
      scf.if %cond3A_166 {
        %add3A_200 = arith.constant 4 : i32
        %add3A_201 = arith.addi %mul3A_141, %add3A_200 : i32
        %dma_start3A_202 = arith.constant 0 : i32
        %dma_start3A_203 = arith.constant 0 : i32
        %dma_start3A_204 = tpu.memref_slice %arg5[%rem3A_143, %dma_start3A_202, %dma_start3A_203] : memref<4x2x128xi32, #tpu.memory_space<vmem>> -> memref<1x2x128xi32, #tpu.memory_space<vmem>>
        %dma_start3A_205 = tpu.memref_squeeze %dma_start3A_204 : memref<1x2x128xi32, #tpu.memory_space<vmem>> -> memref<2x128xi32, #tpu.memory_space<vmem>>
        %dma_start3A_206 = arith.constant 0 : i32
        %dma_start3A_207 = arith.constant 0 : i32
        %dma_start3A_208 = tpu.memref_slice %arg3[%add3A, %add3A_201, %dma_start3A_206, %dma_start3A_207] : memref<32x96x2x128xi32, #tpu.memory_space<hbm>> -> memref<1x1x2x128xi32, #tpu.memory_space<hbm>>
        %dma_start3A_209 = tpu.memref_squeeze %dma_start3A_208 : memref<1x1x2x128xi32, #tpu.memory_space<hbm>> -> memref<2x128xi32, #tpu.memory_space<hbm>>
        %dma_start3A_210 = arith.constant 0 : i32
        %dma_start3A_211 = arith.constant 0 : i32
        %dma_start3A_212 = tpu.memref_slice %arg5[%rem3A_143, %dma_start3A_210, %dma_start3A_211] : memref<4x2x128xi32, #tpu.memory_space<vmem>> -> memref<1x2x128xi32, #tpu.memory_space<vmem>>
        %dma_start3A_213 = tpu.memref_squeeze %dma_start3A_212 : memref<1x2x128xi32, #tpu.memory_space<vmem>> -> memref<2x128xi32, #tpu.memory_space<vmem>>
        %dma_start3A_214 = arith.constant 0 : i32
        %dma_start3A_215 = arith.constant 0 : i32
        %dma_start3A_216 = tpu.memref_slice %arg3[%add3A, %add3A_201, %dma_start3A_214, %dma_start3A_215] : memref<32x96x2x128xi32, #tpu.memory_space<hbm>> -> memref<1x1x2x128xi32, #tpu.memory_space<hbm>>
        %dma_start3A_217 = tpu.memref_squeeze %dma_start3A_216 : memref<1x1x2x128xi32, #tpu.memory_space<hbm>> -> memref<2x128xi32, #tpu.memory_space<hbm>>
        tpu.enqueue_dma source(%dma_start3A_217 : memref<2x128xi32, #tpu.memory_space<hbm>>) target(%dma_start3A_213 : memref<2x128xi32, #tpu.memory_space<vmem>>) target_semaphore(%arg10 : memref<!tpu.dma_semaphore, #tpu.memory_space<semaphore_mem>>)
      } else {
      }
      %mul3A_167 = arith.constant 2 : i32
      %mul3A_168 = arith.muli %mul3A_167, %while3A_139 : i32
      %add3A_169 = arith.constant 1 : i32
      %add3A_170 = arith.addi %mul3A_168, %add3A_169 : i32
      %rem3A_171 = arith.constant 4 : i32
      %rem3A_172 = arith.remsi %add3A_170, %rem3A_171 : i32
      %dma_wait3A_173 = arith.constant 0 : i32
      %dma_wait3A_174 = arith.constant 1 : i32
      %dma_wait3A_175 = arith.constant 0 : i32
      %dma_wait3A_176 = arith.constant 0 : i32
      %dma_wait3A_177 = tpu.memref_slice %arg6[%dma_wait3A_174, %dma_wait3A_175, %dma_wait3A_176] : memref<2x128x128xf32, #tpu.memory_space<vmem>> -> memref<1x128x128xf32, #tpu.memory_space<vmem>>
      %dma_wait3A_178 = tpu.memref_squeeze %dma_wait3A_177 : memref<1x128x128xf32, #tpu.memory_space<vmem>> -> memref<128x128xf32, #tpu.memory_space<vmem>>
      %dma_wait3A_179 = arith.constant 0 : i32
      %dma_wait3A_180 = tpu.memref_slice %arg5[%rem3A_172, %dma_wait3A_173, %dma_wait3A_179] : memref<4x2x128xi32, #tpu.memory_space<vmem>> -> memref<1x1x128xi32, #tpu.memory_space<vmem>>
      %dma_wait3A_181 = tpu.memref_squeeze %dma_wait3A_180 : memref<1x1x128xi32, #tpu.memory_space<vmem>> -> memref<128xi32, #tpu.memory_space<vmem>>
      %dma_wait3A_182 = arith.constant 0 : i32
      %dma_wait3A_183 = arith.constant 0 : i32
      %dma_wait3A_184 = tpu.memref_slice %arg2[%dma_wait3A_182, %dma_wait3A_183] : memref<10000x128xf32, #tpu.memory_space<hbm>> -> memref<10000x128xf32, #tpu.memory_space<hbm>>
      tpu.wait_indirect_dma semaphore(%arg9 : memref<!tpu.dma_semaphore, #tpu.memory_space<semaphore_mem>>) src(%dma_wait3A_184 : memref<10000x128xf32, #tpu.memory_space<hbm>>) dst(%dma_wait3A_178 : memref<128x128xf32, #tpu.memory_space<vmem>>)
      %run_scoped3A_185 = arith.constant 1 : i32
      %run_scoped3A_186 = arith.constant 1 : i32
      "tpu.region"() ({
        %run_scoped3A_200 = tpu.sem_alloc : memref<!tpu.dma_semaphore, #tpu.memory_space<semaphore_mem>>
        %dma_start3A_201 = arith.constant 0 : i32
        %dma_start3A_202 = arith.constant 0 : i32
        %dma_start3A_203 = tpu.memref_slice %arg6[%run_scoped3A_185, %dma_start3A_201, %dma_start3A_202] : memref<2x128x128xf32, #tpu.memory_space<vmem>> -> memref<1x128x128xf32, #tpu.memory_space<vmem>>
        %dma_start3A_204 = tpu.memref_squeeze %dma_start3A_203 : memref<1x128x128xf32, #tpu.memory_space<vmem>> -> memref<128x128xf32, #tpu.memory_space<vmem>>
        %dma_start3A_205 = arith.constant 0 : i32
        %dma_start3A_206 = tpu.memref_slice %arg5[%rem3A_172, %run_scoped3A_186, %dma_start3A_205] : memref<4x2x128xi32, #tpu.memory_space<vmem>> -> memref<1x1x128xi32, #tpu.memory_space<vmem>>
        %dma_start3A_207 = tpu.memref_squeeze %dma_start3A_206 : memref<1x1x128xi32, #tpu.memory_space<vmem>> -> memref<128xi32, #tpu.memory_space<vmem>>
        %dma_start3A_208 = arith.constant 0 : i32
        %dma_start3A_209 = arith.constant 0 : i32
        %dma_start3A_210 = tpu.memref_slice %arg7[%dma_start3A_208, %dma_start3A_209] : memref<10240x128xf32, #tpu.memory_space<vmem_shared>> -> memref<10240x128xf32, #tpu.memory_space<vmem_shared>>
        tpu.enqueue_indirect_dma source(%dma_start3A_204 : memref<128x128xf32, #tpu.memory_space<vmem>>) target(%dma_start3A_210 : memref<10240x128xf32, #tpu.memory_space<vmem_shared>>) offsets(%dma_start3A_207 : memref<128xi32, #tpu.memory_space<vmem>>) semaphore(%run_scoped3A_200 : memref<!tpu.dma_semaphore, #tpu.memory_space<semaphore_mem>>) {add = true}
        %dma_wait3A_211 = arith.constant 0 : i32
        %dma_wait3A_212 = arith.constant 0 : i32
        %dma_wait3A_213 = tpu.memref_slice %arg6[%run_scoped3A_185, %dma_wait3A_211, %dma_wait3A_212] : memref<2x128x128xf32, #tpu.memory_space<vmem>> -> memref<1x128x128xf32, #tpu.memory_space<vmem>>
        %dma_wait3A_214 = tpu.memref_squeeze %dma_wait3A_213 : memref<1x128x128xf32, #tpu.memory_space<vmem>> -> memref<128x128xf32, #tpu.memory_space<vmem>>
        %dma_wait3A_215 = arith.constant 0 : i32
        %dma_wait3A_216 = tpu.memref_slice %arg5[%rem3A_172, %run_scoped3A_186, %dma_wait3A_215] : memref<4x2x128xi32, #tpu.memory_space<vmem>> -> memref<1x1x128xi32, #tpu.memory_space<vmem>>
        %dma_wait3A_217 = tpu.memref_squeeze %dma_wait3A_216 : memref<1x1x128xi32, #tpu.memory_space<vmem>> -> memref<128xi32, #tpu.memory_space<vmem>>
        %dma_wait3A_218 = arith.constant 0 : i32
        %dma_wait3A_219 = arith.constant 0 : i32
        %dma_wait3A_220 = tpu.memref_slice %arg7[%dma_wait3A_218, %dma_wait3A_219] : memref<10240x128xf32, #tpu.memory_space<vmem_shared>> -> memref<10240x128xf32, #tpu.memory_space<vmem_shared>>
        tpu.wait_indirect_dma semaphore(%run_scoped3A_200 : memref<!tpu.dma_semaphore, #tpu.memory_space<semaphore_mem>>) src(%dma_wait3A_214 : memref<128x128xf32, #tpu.memory_space<vmem>>) dst(%dma_wait3A_220 : memref<10240x128xf32, #tpu.memory_space<vmem_shared>>)
        tpu.yield
      }) : () -> ()
      %sub3A_187 = arith.constant 2 : i32
      %sub3A_188 = arith.subi %select_n3A, %sub3A_187 : i32
      %lt3A_189 = arith.cmpi slt, %add3A_170, %sub3A_188 : i32
      %convert_element_type3A_190 = arith.extui %lt3A_189 : i1 to i32
      %cond3A_191 = arith.constant 1 : i32
      %cond3A_192 = arith.constant 0 : i32
      %cond3A_193 = arith.cmpi ne, %convert_element_type3A_190, %cond3A_192 : i32
      scf.if %cond3A_193 {
        %add3A_200 = arith.constant 2 : i32
        %add3A_201 = arith.addi %add3A_170, %add3A_200 : i32
        %rem3A_202 = arith.constant 4 : i32
        %rem3A_203 = arith.remsi %add3A_201, %rem3A_202 : i32
        %dma_wait3A_204 = arith.constant 0 : i32
        %dma_wait3A_205 = arith.constant 0 : i32
        %dma_wait3A_206 = arith.constant 0 : i32
        %dma_wait3A_207 = tpu.memref_slice %arg5[%rem3A_203, %dma_wait3A_205, %dma_wait3A_206] : memref<4x2x128xi32, #tpu.memory_space<vmem>> -> memref<1x2x128xi32, #tpu.memory_space<vmem>>
        %dma_wait3A_208 = tpu.memref_squeeze %dma_wait3A_207 : memref<1x2x128xi32, #tpu.memory_space<vmem>> -> memref<2x128xi32, #tpu.memory_space<vmem>>
        %dma_wait3A_209 = arith.constant 0 : i32
        %dma_wait3A_210 = arith.constant 0 : i32
        %dma_wait3A_211 = tpu.memref_slice %arg3[%add3A, %dma_wait3A_204, %dma_wait3A_209, %dma_wait3A_210] : memref<32x96x2x128xi32, #tpu.memory_space<hbm>> -> memref<1x1x2x128xi32, #tpu.memory_space<hbm>>
        %dma_wait3A_212 = tpu.memref_squeeze %dma_wait3A_211 : memref<1x1x2x128xi32, #tpu.memory_space<hbm>> -> memref<2x128xi32, #tpu.memory_space<hbm>>
        %dma_wait3A_213 = arith.constant 0 : i32
        %dma_wait3A_214 = arith.constant 0 : i32
        %dma_wait3A_215 = tpu.memref_slice %arg5[%rem3A_203, %dma_wait3A_213, %dma_wait3A_214] : memref<4x2x128xi32, #tpu.memory_space<vmem>> -> memref<1x2x128xi32, #tpu.memory_space<vmem>>
        %dma_wait3A_216 = tpu.memref_squeeze %dma_wait3A_215 : memref<1x2x128xi32, #tpu.memory_space<vmem>> -> memref<2x128xi32, #tpu.memory_space<vmem>>
        %dma_wait3A_217 = arith.constant 0 : i32
        %dma_wait3A_218 = arith.constant 0 : i32
        %dma_wait3A_219 = tpu.memref_slice %arg3[%add3A, %dma_wait3A_204, %dma_wait3A_217, %dma_wait3A_218] : memref<32x96x2x128xi32, #tpu.memory_space<hbm>> -> memref<1x1x2x128xi32, #tpu.memory_space<hbm>>
        %dma_wait3A_220 = tpu.memref_squeeze %dma_wait3A_219 : memref<1x1x2x128xi32, #tpu.memory_space<hbm>> -> memref<2x128xi32, #tpu.memory_space<hbm>>
        tpu.wait_dma2 semaphore(%arg11 : memref<!tpu.dma_semaphore, #tpu.memory_space<semaphore_mem>>) src(%dma_wait3A_220 : memref<2x128xi32, #tpu.memory_space<hbm>>) dst(%dma_wait3A_216 : memref<2x128xi32, #tpu.memory_space<vmem>>)
        %dma_start3A_221 = arith.constant 0 : i32
        %dma_start3A_222 = arith.constant 0 : i32
        %dma_start3A_223 = arith.constant 0 : i32
        %dma_start3A_224 = tpu.memref_slice %arg6[%cond3A_191, %dma_start3A_222, %dma_start3A_223] : memref<2x128x128xf32, #tpu.memory_space<vmem>> -> memref<1x128x128xf32, #tpu.memory_space<vmem>>
        %dma_start3A_225 = tpu.memref_squeeze %dma_start3A_224 : memref<1x128x128xf32, #tpu.memory_space<vmem>> -> memref<128x128xf32, #tpu.memory_space<vmem>>
        %dma_start3A_226 = arith.constant 0 : i32
        %dma_start3A_227 = tpu.memref_slice %arg5[%rem3A_203, %dma_start3A_221, %dma_start3A_226] : memref<4x2x128xi32, #tpu.memory_space<vmem>> -> memref<1x1x128xi32, #tpu.memory_space<vmem>>
        %dma_start3A_228 = tpu.memref_squeeze %dma_start3A_227 : memref<1x1x128xi32, #tpu.memory_space<vmem>> -> memref<128xi32, #tpu.memory_space<vmem>>
        %dma_start3A_229 = arith.constant 0 : i32
        %dma_start3A_230 = arith.constant 0 : i32
        %dma_start3A_231 = tpu.memref_slice %arg2[%dma_start3A_229, %dma_start3A_230] : memref<10000x128xf32, #tpu.memory_space<hbm>> -> memref<10000x128xf32, #tpu.memory_space<hbm>>
        tpu.enqueue_indirect_dma source(%dma_start3A_231 : memref<10000x128xf32, #tpu.memory_space<hbm>>) target(%dma_start3A_225 : memref<128x128xf32, #tpu.memory_space<vmem>>) offsets(%dma_start3A_228 : memref<128xi32, #tpu.memory_space<vmem>>) semaphore(%arg9 : memref<!tpu.dma_semaphore, #tpu.memory_space<semaphore_mem>>)
      } else {
      }
      %sub3A_194 = arith.constant 4 : i32
      %sub3A_195 = arith.subi %select_n3A, %sub3A_194 : i32
      %lt3A_196 = arith.cmpi slt, %add3A_170, %sub3A_195 : i32
      %convert_element_type3A_197 = arith.extui %lt3A_196 : i1 to i32
      %cond3A_198 = arith.constant 0 : i32
      %cond3A_199 = arith.cmpi ne, %convert_element_type3A_197, %cond3A_198 : i32
      scf.if %cond3A_199 {
        %add3A_200 = arith.constant 4 : i32
        %add3A_201 = arith.addi %add3A_170, %add3A_200 : i32
        %dma_start3A_202 = arith.constant 0 : i32
        %dma_start3A_203 = arith.constant 0 : i32
        %dma_start3A_204 = tpu.memref_slice %arg5[%rem3A_172, %dma_start3A_202, %dma_start3A_203] : memref<4x2x128xi32, #tpu.memory_space<vmem>> -> memref<1x2x128xi32, #tpu.memory_space<vmem>>
        %dma_start3A_205 = tpu.memref_squeeze %dma_start3A_204 : memref<1x2x128xi32, #tpu.memory_space<vmem>> -> memref<2x128xi32, #tpu.memory_space<vmem>>
        %dma_start3A_206 = arith.constant 0 : i32
        %dma_start3A_207 = arith.constant 0 : i32
        %dma_start3A_208 = tpu.memref_slice %arg3[%add3A, %add3A_201, %dma_start3A_206, %dma_start3A_207] : memref<32x96x2x128xi32, #tpu.memory_space<hbm>> -> memref<1x1x2x128xi32, #tpu.memory_space<hbm>>
        %dma_start3A_209 = tpu.memref_squeeze %dma_start3A_208 : memref<1x1x2x128xi32, #tpu.memory_space<hbm>> -> memref<2x128xi32, #tpu.memory_space<hbm>>
        %dma_start3A_210 = arith.constant 0 : i32
        %dma_start3A_211 = arith.constant 0 : i32
        %dma_start3A_212 = tpu.memref_slice %arg5[%rem3A_172, %dma_start3A_210, %dma_start3A_211] : memref<4x2x128xi32, #tpu.memory_space<vmem>> -> memref<1x2x128xi32, #tpu.memory_space<vmem>>
        %dma_start3A_213 = tpu.memref_squeeze %dma_start3A_212 : memref<1x2x128xi32, #tpu.memory_space<vmem>> -> memref<2x128xi32, #tpu.memory_space<vmem>>
        %dma_start3A_214 = arith.constant 0 : i32
        %dma_start3A_215 = arith.constant 0 : i32
        %dma_start3A_216 = tpu.memref_slice %arg3[%add3A, %add3A_201, %dma_start3A_214, %dma_start3A_215] : memref<32x96x2x128xi32, #tpu.memory_space<hbm>> -> memref<1x1x2x128xi32, #tpu.memory_space<hbm>>
        %dma_start3A_217 = tpu.memref_squeeze %dma_start3A_216 : memref<1x1x2x128xi32, #tpu.memory_space<hbm>> -> memref<2x128xi32, #tpu.memory_space<hbm>>
        tpu.enqueue_dma source(%dma_start3A_217 : memref<2x128xi32, #tpu.memory_space<hbm>>) target(%dma_start3A_213 : memref<2x128xi32, #tpu.memory_space<vmem>>) target_semaphore(%arg11 : memref<!tpu.dma_semaphore, #tpu.memory_space<semaphore_mem>>)
      } else {
      }
    }
    %barrier3A_134 = arith.constant 0 : index
    tpu.barrier barrier_id(%barrier3A_134)
    %mul3A_135 = arith.constant 640 : i32
    %mul3A_136 = arith.muli %arg1, %mul3A_135 : i32
    %mul3A_137 = arith.constant 640 : i32
    %mul3A_138 = arith.muli %arg1, %mul3A_137 : i32
    "tpu.region"() ({
      %run_scoped3A_139 = tpu.sem_alloc : memref<!tpu.dma_semaphore, #tpu.memory_space<semaphore_mem>>
      %dma_start3A_140 = arith.constant 0 : i32
      %dma_start3A_141 = tpu.memref_slice %arg4[%arg0, %mul3A_138, %dma_start3A_140] : memref<2x10240x128xf32, #tpu.memory_space<hbm>> -> memref<1x640x128xf32, #tpu.memory_space<hbm>>
      %dma_start3A_142 = tpu.memref_squeeze %dma_start3A_141 : memref<1x640x128xf32, #tpu.memory_space<hbm>> -> memref<640x128xf32, #tpu.memory_space<hbm>>
      %dma_start3A_143 = arith.constant 0 : i32
      %dma_start3A_144 = tpu.memref_slice %arg7[%mul3A_136, %dma_start3A_143] : memref<10240x128xf32, #tpu.memory_space<vmem_shared>> -> memref<640x128xf32, #tpu.memory_space<vmem_shared>>
      tpu.enqueue_dma source(%dma_start3A_144 : memref<640x128xf32, #tpu.memory_space<vmem_shared>>) target(%dma_start3A_142 : memref<640x128xf32, #tpu.memory_space<hbm>>) target_semaphore(%run_scoped3A_139 : memref<!tpu.dma_semaphore, #tpu.memory_space<semaphore_mem>>)
      %dma_wait3A = arith.constant 0 : i32
      %dma_wait3A_145 = tpu.memref_slice %arg4[%arg0, %mul3A_138, %dma_wait3A] : memref<2x10240x128xf32, #tpu.memory_space<hbm>> -> memref<1x640x128xf32, #tpu.memory_space<hbm>>
      %dma_wait3A_146 = tpu.memref_squeeze %dma_wait3A_145 : memref<1x640x128xf32, #tpu.memory_space<hbm>> -> memref<640x128xf32, #tpu.memory_space<hbm>>
      %dma_wait3A_147 = arith.constant 0 : i32
      %dma_wait3A_148 = tpu.memref_slice %arg7[%mul3A_136, %dma_wait3A_147] : memref<10240x128xf32, #tpu.memory_space<vmem_shared>> -> memref<640x128xf32, #tpu.memory_space<vmem_shared>>
      tpu.wait_dma2 semaphore(%run_scoped3A_139 : memref<!tpu.dma_semaphore, #tpu.memory_space<semaphore_mem>>) src(%dma_wait3A_148 : memref<640x128xf32, #tpu.memory_space<vmem_shared>>) dst(%dma_wait3A_146 : memref<640x128xf32, #tpu.memory_space<hbm>>)
      tpu.yield
    }) : () -> ()
    return
  }
}

module attributes {stable_mosaic.version = 14 : i64} {
  func.func @_tc_gin_body(%arg0: i32, %arg1: memref<2x2000x128xf32, #tpu.memory_space<vmem>>, %arg2: memref<2000x128xf32, #tpu.memory_space<vmem>>, %arg3: memref<128x128xf32, #tpu.memory_space<vmem>>, %arg4: memref<2000x128xf32, #tpu.memory_space<vmem>>, %arg5: memref<2000x1xf32, #tpu.memory_space<vmem>>) attributes {dimension_semantics = [#tpu.dimension_semantics<arbitrary>], iteration_bounds = array<i64: 5>, scalar_prefetch = 0 : i64, scratch_operands = 0 : i64, tpu.core_type = #tpu.core_type<tc>, window_params = [{transform_indices = @transform_0, window_bounds = array<i64: 2, 2000, 128>}, {transform_indices = @transform_1, window_bounds = array<i64: 2000, 128>}, {pipeline_mode = #tpu.pipeline_mode<synchronous>, transform_indices = @transform_2, window_bounds = array<i64: 128, 128>}, {transform_indices = @transform_3, window_bounds = array<i64: 2000, 128>}, {transform_indices = @transform_4, window_bounds = array<i64: 2000, 1>}]} {
    %get3A = arith.constant 0 : index
    %get3A_0 = arith.constant 0 : index
    %get3A_1 = arith.constant 0 : index
    %get3A_2 = vector.load %arg1[%get3A, %get3A_0, %get3A_1] : memref<2x2000x128xf32, #tpu.memory_space<vmem>>, vector<1x2000x1xf32>
    %get3A_3 = vector.shape_cast %get3A_2 : vector<1x2000x1xf32> to vector<2000x1xf32>
    %add3A = arith.constant 1.000000e+00 : f32
    %add3A_4 = vector.broadcast %add3A : f32 to vector<2000x1xf32>
    %add3A_5 = arith.addf %add3A_4, %get3A_3 : vector<2000x1xf32>
    %get3A_6 = arith.constant 1 : index
    %get3A_7 = arith.constant 0 : index
    %get3A_8 = arith.constant 0 : index
    %get3A_9 = vector.load %arg1[%get3A_6, %get3A_7, %get3A_8] : memref<2x2000x128xf32, #tpu.memory_space<vmem>>, vector<1x2000x1xf32>
    %get3A_10 = vector.shape_cast %get3A_9 : vector<1x2000x1xf32> to vector<2000x1xf32>
    %add3A_11 = arith.addf %add3A_5, %get3A_10 : vector<2000x1xf32>
    %rsqrt3A = math.rsqrt %add3A_11 : vector<2000x1xf32>
    %swap3A = arith.constant 0 : index
    %swap3A_12 = arith.constant 0 : index
    %swap3A_13 = vector.load %arg5[%swap3A, %swap3A_12] : memref<2000x1xf32, #tpu.memory_space<vmem>>, vector<2000x1xf32>
    tpu.vector_store %arg5[%swap3A, %swap3A_12], %rsqrt3A {strides = array<i32>} : memref<2000x1xf32, #tpu.memory_space<vmem>>, vector<2000x1xf32>,
    %get3A_14 = arith.constant 0 : index
    %get3A_15 = arith.constant 0 : index
    %get3A_16 = vector.load %arg2[%get3A_14, %get3A_15] : memref<2000x128xf32, #tpu.memory_space<vmem>>, vector<2000x128xf32>
    %get3A_17 = arith.constant 0 : index
    %get3A_18 = arith.constant 0 : index
    %get3A_19 = vector.load %arg3[%get3A_17, %get3A_18] : memref<128x128xf32, #tpu.memory_space<vmem>>, vector<128x128xf32>
    %dot_general3A = arith.constant dense<0.000000e+00> : vector<2000x128xf32>
    %dot_general3A_20 = tpu.matmul %get3A_16, %get3A_19, %dot_general3A {dimension_numbers = #tpu.dot_dimension_numbers<[1], [0], [0], [1], [0, 0, 1, 1], [], []>, transpose_lhs_hint = false} : vector<2000x128xf32>, vector<128x128xf32>, vector<2000x128xf32> -> vector<2000x128xf32>
    %mul3A = vector.broadcast %rsqrt3A : vector<2000x1xf32> to vector<2000x128xf32>
    %mul3A_21 = arith.mulf %dot_general3A_20, %mul3A : vector<2000x128xf32>
    %swap3A_22 = arith.constant 0 : index
    %swap3A_23 = arith.constant 0 : index
    %swap3A_24 = vector.load %arg4[%swap3A_22, %swap3A_23] : memref<2000x128xf32, #tpu.memory_space<vmem>>, vector<2000x128xf32>
    tpu.vector_store %arg4[%swap3A_22, %swap3A_23], %mul3A_21 {strides = array<i32>} : memref<2000x128xf32, #tpu.memory_space<vmem>>, vector<2000x128xf32>,
    return
  }
  func.func @transform_0(%arg0: i32) -> (i32, i32, i32) {
    %c0_i32 = arith.constant 0 : i32
    %c0_i32_0 = arith.constant 0 : i32
    %c0_i32_1 = arith.constant 0 : i32
    return %c0_i32, %arg0, %c0_i32_0 : i32, i32, i32
  }
  func.func @transform_1(%arg0: i32) -> (i32, i32) {
    %c0_i32 = arith.constant 0 : i32
    %c0_i32_0 = arith.constant 0 : i32
    return %arg0, %c0_i32 : i32, i32
  }
  func.func @transform_2(%arg0: i32) -> (i32, i32) {
    %c0_i32 = arith.constant 0 : i32
    %c0_i32_0 = arith.constant 0 : i32
    %c0_i32_1 = arith.constant 0 : i32
    return %c0_i32, %c0_i32_0 : i32, i32
  }
  func.func @transform_3(%arg0: i32) -> (i32, i32) {
    %c0_i32 = arith.constant 0 : i32
    %c0_i32_0 = arith.constant 0 : i32
    return %arg0, %c0_i32 : i32, i32
  }
  func.func @transform_4(%arg0: i32) -> (i32, i32) {
    %c0_i32 = arith.constant 0 : i32
    %c0_i32_0 = arith.constant 0 : i32
    return %arg0, %c0_i32 : i32, i32
  }
}

module attributes {stable_mosaic.version = 14 : i64} {
  func.func @_tc_layer_body(%arg0: i32, %arg1: memref<2x2000x128xf32, #tpu.memory_space<vmem>>, %arg2: memref<2000x128xf32, #tpu.memory_space<vmem>>, %arg3: memref<2000x1xf32, #tpu.memory_space<vmem>>, %arg4: memref<1x128xf32, #tpu.memory_space<vmem>>, %arg5: memref<128x128xf32, #tpu.memory_space<vmem>>, %arg6: memref<2000x128xf32, #tpu.memory_space<vmem>>) attributes {dimension_semantics = [#tpu.dimension_semantics<arbitrary>], iteration_bounds = array<i64: 5>, scalar_prefetch = 0 : i64, scratch_operands = 0 : i64, tpu.core_type = #tpu.core_type<tc>, window_params = [{transform_indices = @transform_0, window_bounds = array<i64: 2, 2000, 128>}, {transform_indices = @transform_1, window_bounds = array<i64: 2000, 128>}, {transform_indices = @transform_2, window_bounds = array<i64: 2000, 1>}, {pipeline_mode = #tpu.pipeline_mode<synchronous>, transform_indices = @transform_3, window_bounds = array<i64: 1, 128>}, {pipeline_mode = #tpu.pipeline_mode<synchronous>, transform_indices = @transform_4, window_bounds = array<i64: 128, 128>}, {transform_indices = @transform_5, window_bounds = array<i64: 2000, 128>}]} {
    %get3A = arith.constant 0 : index
    %get3A_0 = arith.constant 0 : index
    %get3A_1 = vector.load %arg3[%get3A, %get3A_0] : memref<2000x1xf32, #tpu.memory_space<vmem>>, vector<2000x1xf32>
    %get3A_2 = arith.constant 0 : index
    %get3A_3 = arith.constant 0 : index
    %get3A_4 = arith.constant 0 : index
    %get3A_5 = vector.load %arg1[%get3A_2, %get3A_3, %get3A_4] : memref<2x2000x128xf32, #tpu.memory_space<vmem>>, vector<1x2000x128xf32>
    %get3A_6 = vector.shape_cast %get3A_5 : vector<1x2000x128xf32> to vector<2000x128xf32>
    %get3A_7 = arith.constant 1 : index
    %get3A_8 = arith.constant 0 : index
    %get3A_9 = arith.constant 0 : index
    %get3A_10 = vector.load %arg1[%get3A_7, %get3A_8, %get3A_9] : memref<2x2000x128xf32, #tpu.memory_space<vmem>>, vector<1x2000x128xf32>
    %get3A_11 = vector.shape_cast %get3A_10 : vector<1x2000x128xf32> to vector<2000x128xf32>
    %add3A = arith.addf %get3A_6, %get3A_11 : vector<2000x128xf32>
    %get3A_12 = arith.constant 0 : index
    %get3A_13 = arith.constant 0 : index
    %get3A_14 = vector.load %arg2[%get3A_12, %get3A_13] : memref<2000x128xf32, #tpu.memory_space<vmem>>, vector<2000x128xf32>
    %add3A_15 = arith.addf %add3A, %get3A_14 : vector<2000x128xf32>
    %mul3A = vector.broadcast %get3A_1 : vector<2000x1xf32> to vector<2000x128xf32>
    %mul3A_16 = arith.mulf %add3A_15, %mul3A : vector<2000x128xf32>
    %get3A_17 = arith.constant 0 : index
    %get3A_18 = arith.constant 0 : index
    %get3A_19 = vector.load %arg4[%get3A_17, %get3A_18] : memref<1x128xf32, #tpu.memory_space<vmem>>, vector<1x128xf32>
    %add3A_20 = vector.broadcast %get3A_19 : vector<1x128xf32> to vector<2000x128xf32>
    %add3A_21 = arith.addf %mul3A_16, %add3A_20 : vector<2000x128xf32>
    %gt3A = arith.constant 0.000000e+00 : f32
    %gt3A_22 = vector.broadcast %gt3A : f32 to vector<2000x128xf32>
    %gt3A_23 = arith.cmpf ogt, %add3A_21, %gt3A_22 : vector<2000x128xf32>
    %min3A = arith.constant 0.000000e+00 : f32
    %min3A_24 = vector.broadcast %min3A : f32 to vector<2000x128xf32>
    %min3A_25 = arith.minimumf %add3A_21, %min3A_24 : vector<2000x128xf32>
    %exp3A = math.exp %min3A_25 : vector<2000x128xf32>
    %sub3A = arith.constant 1.000000e+00 : f32
    %sub3A_26 = vector.broadcast %sub3A : f32 to vector<2000x128xf32>
    %sub3A_27 = arith.subf %exp3A, %sub3A_26 : vector<2000x128xf32>
    %select_n3A = arith.select %gt3A_23, %add3A_21, %sub3A_27 : vector<2000x128xi1>, vector<2000x128xf32>
    %get3A_28 = arith.constant 0 : index
    %get3A_29 = arith.constant 0 : index
    %get3A_30 = vector.load %arg5[%get3A_28, %get3A_29] : memref<128x128xf32, #tpu.memory_space<vmem>>, vector<128x128xf32>
    %dot_general3A = arith.constant dense<0.000000e+00> : vector<2000x128xf32>
    %dot_general3A_31 = tpu.matmul %select_n3A, %get3A_30, %dot_general3A {dimension_numbers = #tpu.dot_dimension_numbers<[1], [0], [0], [1], [0, 0, 1, 1], [], []>, transpose_lhs_hint = false} : vector<2000x128xf32>, vector<128x128xf32>, vector<2000x128xf32> -> vector<2000x128xf32>
    %mul3A_32 = vector.broadcast %get3A_1 : vector<2000x1xf32> to vector<2000x128xf32>
    %mul3A_33 = arith.mulf %dot_general3A_31, %mul3A_32 : vector<2000x128xf32>
    %swap3A = arith.constant 0 : index
    %swap3A_34 = arith.constant 0 : index
    %swap3A_35 = vector.load %arg6[%swap3A, %swap3A_34] : memref<2000x128xf32, #tpu.memory_space<vmem>>, vector<2000x128xf32>
    tpu.vector_store %arg6[%swap3A, %swap3A_34], %mul3A_33 {strides = array<i32>} : memref<2000x128xf32, #tpu.memory_space<vmem>>, vector<2000x128xf32>,
    return
  }
  func.func @transform_0(%arg0: i32) -> (i32, i32, i32) {
    %c0_i32 = arith.constant 0 : i32
    %c0_i32_0 = arith.constant 0 : i32
    %c0_i32_1 = arith.constant 0 : i32
    return %c0_i32, %arg0, %c0_i32_0 : i32, i32, i32
  }
  func.func @transform_1(%arg0: i32) -> (i32, i32) {
    %c0_i32 = arith.constant 0 : i32
    %c0_i32_0 = arith.constant 0 : i32
    return %arg0, %c0_i32 : i32, i32
  }
  func.func @transform_2(%arg0: i32) -> (i32, i32) {
    %c0_i32 = arith.constant 0 : i32
    %c0_i32_0 = arith.constant 0 : i32
    return %arg0, %c0_i32 : i32, i32
  }
  func.func @transform_3(%arg0: i32) -> (i32, i32) {
    %c0_i32 = arith.constant 0 : i32
    %c0_i32_0 = arith.constant 0 : i32
    %c0_i32_1 = arith.constant 0 : i32
    return %c0_i32, %c0_i32_0 : i32, i32
  }
  func.func @transform_4(%arg0: i32) -> (i32, i32) {
    %c0_i32 = arith.constant 0 : i32
    %c0_i32_0 = arith.constant 0 : i32
    %c0_i32_1 = arith.constant 0 : i32
    return %c0_i32, %c0_i32_0 : i32, i32
  }
  func.func @transform_5(%arg0: i32) -> (i32, i32) {
    %c0_i32 = arith.constant 0 : i32
    %c0_i32_0 = arith.constant 0 : i32
    return %arg0, %c0_i32 : i32, i32
  }
}

module attributes {stable_mosaic.version = 14 : i64} {
  func.func @_tc_final_body(%arg0: i32, %arg1: memref<2x2000x128xf32, #tpu.memory_space<vmem>>, %arg2: memref<2000x128xf32, #tpu.memory_space<vmem>>, %arg3: memref<2000x1xf32, #tpu.memory_space<vmem>>, %arg4: memref<1x128xf32, #tpu.memory_space<vmem>>, %arg5: memref<2000x128xf32, #tpu.memory_space<vmem>>) attributes {dimension_semantics = [#tpu.dimension_semantics<arbitrary>], iteration_bounds = array<i64: 5>, scalar_prefetch = 0 : i64, scratch_operands = 0 : i64, tpu.core_type = #tpu.core_type<tc>, window_params = [{transform_indices = @transform_0, window_bounds = array<i64: 2, 2000, 128>}, {transform_indices = @transform_1, window_bounds = array<i64: 2000, 128>}, {transform_indices = @transform_2, window_bounds = array<i64: 2000, 1>}, {pipeline_mode = #tpu.pipeline_mode<synchronous>, transform_indices = @transform_3, window_bounds = array<i64: 1, 128>}, {transform_indices = @transform_4, window_bounds = array<i64: 2000, 128>}]} {
    %get3A = arith.constant 0 : index
    %get3A_0 = arith.constant 0 : index
    %get3A_1 = arith.constant 0 : index
    %get3A_2 = vector.load %arg1[%get3A, %get3A_0, %get3A_1] : memref<2x2000x128xf32, #tpu.memory_space<vmem>>, vector<1x2000x128xf32>
    %get3A_3 = vector.shape_cast %get3A_2 : vector<1x2000x128xf32> to vector<2000x128xf32>
    %get3A_4 = arith.constant 1 : index
    %get3A_5 = arith.constant 0 : index
    %get3A_6 = arith.constant 0 : index
    %get3A_7 = vector.load %arg1[%get3A_4, %get3A_5, %get3A_6] : memref<2x2000x128xf32, #tpu.memory_space<vmem>>, vector<1x2000x128xf32>
    %get3A_8 = vector.shape_cast %get3A_7 : vector<1x2000x128xf32> to vector<2000x128xf32>
    %add3A = arith.addf %get3A_3, %get3A_8 : vector<2000x128xf32>
    %get3A_9 = arith.constant 0 : index
    %get3A_10 = arith.constant 0 : index
    %get3A_11 = vector.load %arg2[%get3A_9, %get3A_10] : memref<2000x128xf32, #tpu.memory_space<vmem>>, vector<2000x128xf32>
    %add3A_12 = arith.addf %add3A, %get3A_11 : vector<2000x128xf32>
    %get3A_13 = arith.constant 0 : index
    %get3A_14 = arith.constant 0 : index
    %get3A_15 = vector.load %arg3[%get3A_13, %get3A_14] : memref<2000x1xf32, #tpu.memory_space<vmem>>, vector<2000x1xf32>
    %mul3A = vector.broadcast %get3A_15 : vector<2000x1xf32> to vector<2000x128xf32>
    %mul3A_16 = arith.mulf %add3A_12, %mul3A : vector<2000x128xf32>
    %get3A_17 = arith.constant 0 : index
    %get3A_18 = arith.constant 0 : index
    %get3A_19 = vector.load %arg4[%get3A_17, %get3A_18] : memref<1x128xf32, #tpu.memory_space<vmem>>, vector<1x128xf32>
    %add3A_20 = vector.broadcast %get3A_19 : vector<1x128xf32> to vector<2000x128xf32>
    %add3A_21 = arith.addf %mul3A_16, %add3A_20 : vector<2000x128xf32>
    %swap3A = arith.constant 0 : index
    %swap3A_22 = arith.constant 0 : index
    %swap3A_23 = vector.load %arg5[%swap3A, %swap3A_22] : memref<2000x128xf32, #tpu.memory_space<vmem>>, vector<2000x128xf32>
    tpu.vector_store %arg5[%swap3A, %swap3A_22], %add3A_21 {strides = array<i32>} : memref<2000x128xf32, #tpu.memory_space<vmem>>, vector<2000x128xf32>,
    return
  }
  func.func @transform_0(%arg0: i32) -> (i32, i32, i32) {
    %c0_i32 = arith.constant 0 : i32
    %c0_i32_0 = arith.constant 0 : i32
    %c0_i32_1 = arith.constant 0 : i32
    return %c0_i32, %arg0, %c0_i32_0 : i32, i32, i32
  }
  func.func @transform_1(%arg0: i32) -> (i32, i32) {
    %c0_i32 = arith.constant 0 : i32
    %c0_i32_0 = arith.constant 0 : i32
    return %arg0, %c0_i32 : i32, i32
  }
  func.func @transform_2(%arg0: i32) -> (i32, i32) {
    %c0_i32 = arith.constant 0 : i32
    %c0_i32_0 = arith.constant 0 : i32
    return %arg0, %c0_i32 : i32, i32
  }
  func.func @transform_3(%arg0: i32) -> (i32, i32) {
    %c0_i32 = arith.constant 0 : i32
    %c0_i32_0 = arith.constant 0 : i32
    %c0_i32_1 = arith.constant 0 : i32
    return %c0_i32, %c0_i32_0 : i32, i32
  }
  func.func @transform_4(%arg0: i32) -> (i32, i32) {
    %c0_i32 = arith.constant 0 : i32
    %c0_i32_0 = arith.constant 0 : i32
    return %arg0, %c0_i32 : i32, i32
  }
}

</mosaic_0001>

<sc_bundles>
// kernel: kernel.10.cloned.1.call-start
scs
__scs_entry_jumppad:
0x0: {  	(pc) =	sbr.rel $0x88, $3  }
0x1: {  	(tag) =	ssettag $0x0;
	lr =	simm.s32 $0x1  }
0x2: {  	[smem:$0x3F99] =	sst lr;
	_ =	strace $0xD0000000  }
0x3: {  	_ = 	snop  }
0x4: {  	_ = 	snop  }
0x5: {  	_ = 	snop  }
0x6: {  	_ = 	snop  }
0x7: {  	_ = 	snop  }
__scs_overlays_trampoline_lowered:
0x8: {  	[smem:$0x3FA8] =	sst s0  }
0x9: {  	[smem:$0x3FA9] =	sst s1  }
0xa: {  	[smem:$0x3FAA] =	sst s2  }
0xb: {  	[smem:$0x3FAB] =	sst s3  }
0xc: {  	[smem:$0x3FAC] =	sst s4  }
0xd: {  	[smem:$0x3FAD] =	sst s5  }
0xe: {  	[smem:$0x3FAE] =	sst s6  }
0xf: {  	[smem:$0x3FAF] =	sst s7  }
0x10: {  	[smem:$0x3FB0] =	sst s8  }
0x11: {  	[smem:$0x3FB1] =	sst s9;
	s0 =	simm.s32 @!p0 $0x0  }
0x12: {  	s1 =	sld [smem:$0x3F97];
	s0 =	simm.s32 @p0 $0x1  }
0x13: {  	[smem:$0x3FB2] =	sst s0;
	s0 =	simm.s32 @!p1 $0x0  }
0x14: {  	s2 =	sld [smem:$0x3F96];
	s0 =	simm.s32 @p1 $0x1  }
0x15: {  	[smem:$0x3FB3] =	sst s0;
	s0 =	simm.s32 @!p2 $0x0  }
0x16: {  	s3 =	sld [smem:$0x3FDB];
	s0 =	simm.s32 @p2 $0x1  }
0x17: {  	s4 =	simm.s32 $0x1BF5;
	[smem:$0x3FB5] =	sst s0  }
0x18: {  	s0 =	sld [smem:$0x3F98];
	_ =	swait.ge [sflag:s4], $0x0  }
0x19: {  	s7 =	sld [smem:$0x3F99]  }
0x1a: {  	s8 =	sadd.s32 $0xFFFFE003, lr  }
0x1b: {  	s9 =	sadd.s32 $0xFFFFFEF7, lr;
	s5 =	simm.s32 $0xFFFFFFFF;
	p2 =	slt.u32 s8, $0xFFFFF086  }
0x1c: {  	p1 =	slt.u32 s9, $0xF7A;
	s5 =	simm.s32 @!p2 $0x0  }
0x1d: {  	s5 =	simm.s32 @p1 $0x1;
	p0 =	seq.s32 s7, s2  }
0x1e: {  	s7 =	smul.u32 @!p0 $0xF7A, s2;
	p2 =	seq.s32 @!p0 s5, $0x0  }
0x1f: {  	s9 =	smul.u32 $0xF7A, s1;
	s8 =	simm.s32 @!p0 $0x1BF5;
	p2 =	por !p2, p0  }
0x20: {  	[sflag:s8] =	ssyncset.s32 @!p0 $0xFFFFF086;
	s6 =	sadd.s32 @!p0 s3, s7;
	s7 =	simm.s32 @!p0 $0x108  }
0x21: {  	s3 =	sadd.s32 s3, s9;
	s6 =	sadd.s32 @!p0 $0x88, s6;
	s7 =	simm.s32 @p2 $0x1082  }
0x22: {  	[simem:s7], [sflag:s8] =	dma.local @!p0 [hbm:s6], $0xF7A  }
0x23: {  	s9 =	sor.u32 $0xD0000000, s2;
	s6 =	simm.s32 $0x108;
	_ =	swait.ge @!p0 [sflag:s8], $0x0  }
0x24: {  	s3 =	sadd.s32 $0x88, s3;
	s6 =	simm.s32 @!p1 $0x1082;
	[sflag:s4] =	ssyncset.s32 $0xFFFFF086  }
0x25: {  	[simem:s6], [sflag:s4] =	dma.local [hbm:s3], $0xF7A  }
0x26: {  	[smem:$0x3F99] =	sst s1;
	(tag) =	ssettag s2;
	_ =	strace s9  }
0x27: {  	s1 =	sld [smem:$0x3FA9]  }
0x28: {  	s2 =	sld [smem:$0x3FAA]  }
0x29: {  	s4 =	sld [smem:$0x3FAC]  }
0x2a: {  	p0 =	seq.s32 s5, $0x0;
	s5 =	sld [smem:$0x3FAD]  }
0x2b: {  	s6 =	sld [smem:$0x3FAE]  }
0x2c: {  	s7 =	sld [smem:$0x3FAF]  }
0x2d: {  	s3 =	simm.s32 $0x108;
	s8 =	sld [smem:$0x3FB0]  }
0x2e: {  	s3 =	simm.s32 @!p0 $0x1082;
	s9 =	sld [smem:$0x3FB1]  }
0x2f: {  	lr =	sadd.s32 s0, s3;
	s0 =	sld [smem:$0x3FA8]  }
0x30: {  	s3 =	sld [smem:$0x3FAB]  }
0x31: {  	[smem:$0x3FB4] =	sst s10  }
0x32: {  	s10 =	sld [smem:$0x3FB2];
	_ =	sdelay $0x3  }
0x33: {  	p0 =	seq.s32 s10, $0x1;
	s10 =	sld [smem:$0x3FB4];
	_ =	sdelay $0x3  }
0x34: {  	[smem:$0x3FB4] =	sst s10  }
0x35: {  	s10 =	sld [smem:$0x3FB3];
	_ =	sdelay $0x3  }
0x36: {  	p1 =	seq.s32 s10, $0x1;
	s10 =	sld [smem:$0x3FB4];
	_ =	sdelay $0x3  }
0x37: {  	[smem:$0x3FB4] =	sst s10  }
0x38: {  	s10 =	sld [smem:$0x3FB5]  }
0x39: {  	_ = 	snop;
	(pc) =	sbr.ind lr, $3  }
0x3a: {  	_ = 	snop  }
0x3b: {  	_ = 	snop  }
0x3c: {  	p2 =	seq.s32 s10, $0x1;
	s10 =	sld [smem:$0x3FB4]  }
0x3d: {  	_ =	shalt  }
0x3e: {  	_ =	shalt  }
0x3f: {  	_ =	shalt  }
0x40: {  	_ =	shalt  }
0x41: {  	_ =	shalt  }
0x42: {  	_ =	shalt  }
0x43: {  	_ =	shalt  }
0x44: {  	_ =	shalt  }
0x45: {  	_ =	shalt  }
0x46: {  	_ =	shalt  }
0x47: {  	_ =	shalt  }
0x48: {  	_ =	shalt  }
0x49: {  	_ =	shalt  }
0x4a: {  	_ =	shalt  }
0x4b: {  	_ =	shalt  }
0x4c: {  	_ =	shalt  }
0x4d: {  	_ =	shalt  }
0x4e: {  	_ =	shalt  }
0x4f: {  	_ =	shalt  }
0x50: {  	_ =	shalt  }
0x51: {  	_ =	shalt  }
0x52: {  	_ =	shalt  }
0x53: {  	_ =	shalt  }
0x54: {  	_ =	shalt  }
0x55: {  	_ =	shalt  }
0x56: {  	_ =	shalt  }
0x57: {  	_ =	shalt  }
0x58: {  	_ =	shalt  }
0x59: {  	_ =	shalt  }
0x5a: {  	_ =	shalt  }
0x5b: {  	_ =	shalt  }
0x5c: {  	_ =	shalt  }
0x5d: {  	_ =	shalt  }
0x5e: {  	_ =	shalt  }
0x5f: {  	_ =	shalt  }
0x60: {  	_ =	shalt  }
0x61: {  	_ =	shalt  }
0x62: {  	_ =	shalt  }
0x63: {  	_ =	shalt  }
0x64: {  	_ =	shalt  }
0x65: {  	_ =	shalt  }
0x66: {  	_ =	shalt  }
0x67: {  	_ =	shalt  }
0x68: {  	_ =	shalt  }
0x69: {  	_ =	shalt  }
0x6a: {  	_ =	shalt  }
0x6b: {  	_ =	shalt  }
0x6c: {  	_ =	shalt  }
0x6d: {  	_ =	shalt  }
0x6e: {  	_ =	shalt  }
0x6f: {  	_ =	shalt  }
0x70: {  	_ =	shalt  }
0x71: {  	_ =	shalt  }
0x72: {  	_ =	shalt  }
0x73: {  	_ =	shalt  }
0x74: {  	_ =	shalt  }
0x75: {  	_ =	shalt  }
0x76: {  	_ =	shalt  }
0x77: {  	_ =	shalt  }
0x78: {  	_ =	shalt  }
0x79: {  	_ =	shalt  }
0x7a: {  	_ =	shalt  }
0x7b: {  	_ =	shalt  }
0x7c: {  	_ =	shalt  }
0x7d: {  	_ =	shalt  }
0x7e: {  	_ =	shalt  }
0x7f: {  	_ =	shalt  }
0x80: {  	_ =	shalt  }
0x81: {  	_ =	shalt  }
0x82: {  	_ =	shalt  }
0x83: {  	_ =	shalt  }
0x84: {  	_ =	shalt  }
0x85: {  	_ =	shalt  }
0x86: {  	_ =	shalt  }
0x87: {  	_ =	shalt  }
.Lfunc_end0:
.L_simem_size_0:
called_computation_lowered:
.L_overlay_start_0:
0x88: {  	s2 =	sld [smem:$0x3FD9]  }
0x89: {  	s3 =	sld [smem:$0x3FFE];
	_ =	sdelay $0x1  }
0x8a: {  	s1 =	srdreg.scid  }
0x8b: {  	s0 =	sand.u32 $0x1, s1  }
0x8c: {  	s16 =	sshll.u32 s0, $0xA;
	s2 =	sadd.s32 s3, s2  }
0x8d: {  	s2 =	sadd.s32 s2, s16  }
0x8e: {  	[smem:$0x3FC0] =	sst s2  }
0x8f: {  	_ = 	snop  }
0x90: {  	(tm) =	ssettm $0x1  }
0x91: {  	s17 =	sld [smem:$0x3FFB];
	_ =	sdelay $0x3  }
0x92: {  	_ =	strace s17  }
0x93: {  	s2 =	sld [smem:$0x3FFC];
	_ =	sdelay $0x3  }
0x94: {  	_ =	strace s2  }
0x95: {  	s2 =	sld [smem:$0x3FFD];
	_ =	sdelay $0x3  }
0x96: {  	_ =	strace s2  }
0x97: {  	_ =	strace $0x8FFFFFFF  }
0x98: {  	s18 =	sld [smem:$0x3FDB];
	_ =	sdelay $0x1  }
0x99: {  	s19 =	simm.s32 $_scs_section_size  }
0x9a: {  	s4 =	simm.s32 $_size__tile_overlayer_lowered;
	s5 =	simm.s32 $_tile_overlayer_lowered  }
0x9b: {  	s22 =	simm.s32 $0x1BFF;
	s21 =	sshll.u32 s5, $0x1;
	s2 =	sadd.s32 s19, s18  }
0x9c: {  	s6 =	simm.s32 $0x0;
	s20 =	sshll.u32 s4, $0x1;
	s4 =	sadd.s32 s21, s2  }
0x9d: {  	[timem:s6], [sflag:s22] =	dma.local [hbm:s4], s20  }
0x9e: {  	_ =	swait.ge [sflag:s22], s20  }
0x9f: {  	s3 =	ssub.s32 $0x0, s20;
	[sflag:s22] =	ssyncset.done $0x0  }
0xa0: {  	[sflag:s22] =	ssyncadd.s32 s3;
	_ =	sdelay $0x1  }
0xa1: {  	s23 =	simm.s32 $0x1B8B  }
0xa2: {  	_ =	swait.ge [sflag:s23], $0x1  }
0xa3: {  	[sflag:s23] =	ssyncset.done $0x0  }
0xa4: {  	s25 =	simm.s32 $0x1B8E;
	s24 =	sld [smem:$0x3FFE];
	[sflag:s23] =	ssyncadd.s32 $0xFFFFFFFF  }
0xa5: {  	s26 =	simm.s32 $execute0_lowered;
	[smem:$0x3FD2] =	sst s25  }
0xa6: {  	s4 =	sshll.u32 s26, $0x1;
	_ =	strace $0x80000046;
	[dreg:$0x1] =	wrdreg $0xFFFFFFFF  }
0xa7: {  	s28 =	simm.s32 $_size_execute0_lowered;
	s2 =	sadd.s32 s2, s4;
	[dreg:$0x0] =	wrdreg $0x0  }
0xa8: {  	s4 =	sshll.u32 s28, $0x1;
	[dreg:$0x2] =	wrdreg s2  }
0xa9: {  	[dreg:$0x3] =	wrdreg s4  }
0xaa: {  	[dreg:$0x4] =	wrdreg $0xC0  }
0xab: {  	_ =	task [dreg:s6], $0x5FFFF  }
0xac: {  	[dreg:$0x1] =	wrdreg $0xFFFFFFFF  }
0xad: {  	[dreg:$0x0] =	wrdreg $0x60  }
0xae: {  	[dreg:$0x2] =	wrdreg s24  }
0xaf: {  	[dreg:$0x3] =	wrdreg $0xA0000  }
0xb0: {  	[dreg:$0x4] =	wrdreg $0x9  }
0xb1: {  	_ =	task.clear_ibuf [dreg:s6], $0x5FFFF;
	_ =	strace $0x90000046  }
0xb2: {  	s29 =	simm.s32 $0x9;
	_ =	strace $0x80000048  }
0xb3: {  	_ =	swait.ge [sflag:s29], $0x1  }
0xb4: {  	[sflag:s29] =	ssyncadd.s32 $0xFFFFFFFF  }
0xb5: {  	_ =	strace $0x90000048  }
0xb6: {  	_ =	sfence  }
0xb7: {  	s30 =	sld [smem:$0x0];
	_ =	sdelay $0x2  }
0xb8: {  	s31 =	sshll.u32 s1, $0xD;
	s1 =	sshrl.u32 s1, $0x2  }
0xb9: {  	s3 =	sand.u32 $0x4000, s31;
	s1 =	sadd.s32 s1, s30  }
0xba: {  	s0 =	sor.u32 s3, s0;
	s1 =	sshll.u32 s1, $0x11  }
0xbb: {  	s0 =	sor.u32 s1, s0  }
0xbc: {  	s0 =	sadd.s32 $0x8F2B, s0  }
0xbd: {  	[sflag:s0] =	ssyncadd.remote.s32 $0x1  }
0xbe: {  	_ =	sfence.sel $0xFFFF  }
0xbf: {  	[dreg:$0x0] =	wrdreg $0xFFFFFFFF;
	(pc) =	sbr.abs _section_cstart, $3  }
0xc0: {  	[dreg:$0x1] =	wrdreg $0xFFFFFFFF  }
0xc1: {  	_ =	task.clear_ibuf [dreg:s6], $0x2FFFF;
	_ =	strace $0x9FFFFFFF  }
0xc2: {  	(tm) =	ssettm $0x7FFFFFFF  }
0xc3: {  	_ =	shalt  }
tec
execute0_lowered:
.L_overlay_start_1:
0x0: {  	(tag) =	ssettag $0x1  }
0x1: {  	s4 =	rddreg [dreg:$0x0]  }
0x2: {  	s2 =	rddreg [dreg:$0x1];
	s1 =	srdreg.scid  }
0x3: {  	s0 =	rddreg [dreg:$0x2];
	s3 =	simm.s32 $0x0;
	s13 =	simm.s32 $0x6000  }
0x4: {  	s14 =	simm.s32 $0x3;
	s15 =	simm.s32 $0x2;
	s16 =	simm.s32 $0x80  }
0x5: {  	s17 =	simm.s32 $0x1;
	s5 =	sand.u32 $0x1, s1;
	s1 =	stileid.u32  }
0x6: {  	s19 =	simm.s32 $0x0;
	[smem:$0x7FF] =	sst s3;
	s6 =	smul.u32 $0x140000, s5  }
0x7: {  	s7 =	sshll.u32 s1, $0x1;
	s8 =	smul.u32 $0x14000, s1;
	_ =	strace $0x80000047  }
0x8: {  	s29 =	ssub.s32 $0x2, s5;
	s9 =	smul.u32 $0x50000, s1;
	p0 =	seq.s32 s5, $0x0  }
0x9: {  	s18 =	sshll.u32 s1, $0x6;
	s7 =	sor.u32 s5, s7;
	s30 =	sshrl.u32 s29, $0x1  }
0xa: {  	s5 =	simm.s32 $0x5F;
	s18 =	sor.u32 $0x1C03, s18;
	s7 =	smul.u32 $0xC00, s7  }
0xb: {  	s6 =	sadd.s32 s8, s6;
	s12 =	ssub.s32 s29, s30;
	s31 =	sshrl.u32 s9, $0x2  }
0xc: {  	s5 =	simm.s32 @!p0 $0x3D;
	s6 =	sshrl.u32 s6, $0x3;
	s12 =	smax.u32 s12, $0x1  }
0xd: {  	s7 =	sadd.s32 s7, s4;
	s11 =	sadd.s32 s6, s4;
	s6 =	sadd.s32 s31, s2  }
0xe: {  	s4 =	sadd.s32 $0x3800, s7;
	s7 =	sadd.s32 $0x4000, s6;
	s8 =	sadd.s32 $0x8000, s6  }
0xf: {  	v0 =	vimm.f32 $0.0e+00;
	v1 =	vimm.f32 $1.000000000e+00;
	s9 =	sadd.s32 $0xC000, s6;
	s10 =	sadd.s32 $0x10000, s6;
	s11 =	sadd.s32 $0x1B800, s11  }
.LBB2_1:
0x10: {  	[tilespmem:s3], [sflag:$0x2] =	stream.linear.gather [hbm4b:s4+s3], $0x6000, $0x38;
	[tilespmem:$0x1E000] =	vst v63  }
0x11: {  	s20 =	simm.s32 $0x0;
	s21 =	simm.s32 $0x200  }
.LBB2_2:
0x12: {  	p0 =	sne.s32 s21, $0xFE00;
	[tilespmem:s20+$0x6070] =	vst v0  }
0x13: {  	[tilespmem:s20+$0x6000] =	vst v0  }
0x14: {  	[tilespmem:s20+$0x6010] =	vst v0  }
.Ltmp0:
0x15: {  	[tilespmem:s20+$0x6020] =	vst v0;
	(pc) =	sbr.rel @p0 .LBB2_2-.Ltmp0, $4  }
0x16: {  	[tilespmem:s20+$0x6030] =	vst v0  }
0x17: {  	[tilespmem:s20+$0x6040] =	vst v0  }
0x18: {  	[tilespmem:s20+$0x6050] =	vst v0  }
0x19: {  	[tilespmem:s20+$0x6060] =	vst v0;
	s20 =	sshra.s32 s21, $0x2;
	s21 =	sadd.s32 $0x200, s21  }
0x1a: {  	[tilespmem:s20+$0x6070] =	vst v0  }
0x1b: {  	[tilespmem:s20+$0x6000] =	vst v0  }
0x1c: {  	[tilespmem:s20+$0x6010] =	vst v0  }
0x1d: {  	[tilespmem:s20+$0x6020] =	vst v0  }
0x1e: {  	[tilespmem:s20+$0x6030] =	vst v0  }
0x1f: {  	[tilespmem:s20+$0x6040] =	vst v0  }
0x20: {  	[tilespmem:s20+$0x6050] =	vst v0  }
0x21: {  	[tilespmem:s20+$0x6060] =	vst v0  }
0x22: {  	[spmem:s6] =	stream.linear.scatter [tilespmem:s13], [sflag:$0x3], $0x4000, $0x38;
	[tilespmem:$0x1E000] =	vst v63  }
0x23: {  	_ =	swait.ge [sflag:s14], $0x4000  }
0x24: {  	[sflag:s14] =	ssyncset.done $0x0  }
0x25: {  	[sflag:s14] =	ssyncadd.s32 $0xFFFFC000  }
0x26: {  	[spmem:s7] =	stream.linear.scatter [tilespmem:s13], [sflag:$0x3], $0x4000, $0x38;
	[tilespmem:$0x1E000] =	vst v63  }
0x27: {  	_ =	swait.ge [sflag:s14], $0x4000  }
0x28: {  	[sflag:s14] =	ssyncset.done $0x0  }
0x29: {  	[sflag:s14] =	ssyncadd.s32 $0xFFFFC000  }
0x2a: {  	[spmem:s8] =	stream.linear.scatter [tilespmem:s13], [sflag:$0x3], $0x4000, $0x38;
	[tilespmem:$0x1E000] =	vst v63  }
0x2b: {  	_ =	swait.ge [sflag:s14], $0x4000  }
0x2c: {  	[sflag:s14] =	ssyncset.done $0x0  }
0x2d: {  	[sflag:s14] =	ssyncadd.s32 $0xFFFFC000  }
0x2e: {  	[spmem:s9] =	stream.linear.scatter [tilespmem:s13], [sflag:$0x3], $0x4000, $0x38;
	[tilespmem:$0x1E000] =	vst v63  }
0x2f: {  	_ =	swait.ge [sflag:s14], $0x4000  }
0x30: {  	[sflag:s14] =	ssyncset.done $0x0  }
0x31: {  	[sflag:s14] =	ssyncadd.s32 $0xFFFFC000  }
0x32: {  	[spmem:s10] =	stream.linear.scatter [tilespmem:s13], [sflag:$0x3], $0x4000, $0x38;
	[tilespmem:$0x1E000] =	vst v63  }
0x33: {  	_ =	swait.ge [sflag:s14], $0x4000  }
0x34: {  	[sflag:s14] =	ssyncset.done $0x0  }
0x35: {  	s20 =	simm.s32 $0x0;
	s21 =	simm.s32 $0x200;
	[sflag:s14] =	ssyncadd.s32 $0xFFFFC000  }
.LBB2_4:
0x36: {  	p0 =	sne.s32 s21, $0xFE00;
	[tilespmem:s20+$0x6070] =	vst v1  }
0x37: {  	[tilespmem:s20+$0x6000] =	vst v1  }
0x38: {  	[tilespmem:s20+$0x6010] =	vst v1  }
.Ltmp1:
0x39: {  	[tilespmem:s20+$0x6020] =	vst v1;
	(pc) =	sbr.rel @p0 .LBB2_4-.Ltmp1, $4  }
0x3a: {  	[tilespmem:s20+$0x6030] =	vst v1  }
0x3b: {  	[tilespmem:s20+$0x6040] =	vst v1  }
0x3c: {  	[tilespmem:s20+$0x6050] =	vst v1  }
0x3d: {  	[tilespmem:s20+$0x6060] =	vst v1;
	s20 =	sshra.s32 s21, $0x2;
	s21 =	sadd.s32 $0x200, s21  }
0x3e: {  	[tilespmem:s20+$0x6070] =	vst v1  }
0x3f: {  	[tilespmem:s20+$0x6000] =	vst v1  }
0x40: {  	[tilespmem:s20+$0x6010] =	vst v1  }
0x41: {  	[tilespmem:s20+$0x6020] =	vst v1  }
0x42: {  	[tilespmem:s20+$0x6030] =	vst v1  }
0x43: {  	[tilespmem:s20+$0x6040] =	vst v1  }
0x44: {  	[tilespmem:s20+$0x6050] =	vst v1  }
0x45: {  	[tilespmem:s20+$0x6060] =	vst v1  }
0x46: {  	_ =	swait.ge [sflag:s15], $0x6000  }
0x47: {  	[sflag:s15] =	ssyncset.done $0x0  }
0x48: {  	[sflag:s15] =	ssyncadd.s32 $0xFFFFA000  }
0x49: {  	p0 =	sne.s32 s5, $0x1;
	[bflag:$0x0] =	sbarrier.arrive $0xFFFF  }
0x4a: {  	[spmem:s2] =	stream.indirect.scatter.add.f32 [tilespmem:s13], [sflag:$0x1], $0x80, s16, s16, $0xb8;
	[tilespmem:$0x1E000] =	vst v63  }
.Ltmp2:
0x4b: {  	_ = 	snop;
	(pc) =	sbr.rel @!p0 .LBB2_7-.Ltmp2, $4  }
0x4c: {  	s20 =	simm.s32 $0x180  }
0x4d: {  	[spmem:s2] =	stream.indirect.scatter.add.f32 [tilespmem:s13], [sflag:$0x1], $0x80, s20, s16, $0xb8;
	[tilespmem:$0x1E000] =	vst v63  }
0x4e: {  	_ =	swait.ge [sflag:s17], $0x4000  }
0x4f: {  	s21 =	simm.s32 $0x1;
	[sflag:s17] =	ssyncset.done $0x0  }
.LBB2_6:
0x50: {  	s21 =	sadd.s32 $0x1, s21  }
0x51: {  	[sflag:s17] =	ssyncadd.s32 $0xFFFFC000;
	s20 =	sadd.s32 $0x100, s20;
	p0 =	sne.s32 s5, s21  }
.Ltmp3:
0x52: {  	(pc) =	sbr.rel @p0 .LBB2_6-.Ltmp3, $4  }
0x53: {  	_ = 	snop  }
0x54: {  	[spmem:s2] =	stream.indirect.scatter.add.f32 [tilespmem:s13], [sflag:$0x1], $0x80, s20, s16, $0xb8;
	[tilespmem:$0x1E000] =	vst v63  }
0x55: {  	_ =	swait.ge [sflag:s17], $0x4000  }
0x56: {  	[sflag:s17] =	ssyncset.done $0x0  }
.LBB2_7:
0x57: {  	[sflag:s17] =	ssyncadd.s32 $0xFFFFC000;
	p0 =	sge.u32 s21, s5  }
0x58: {  	s20 =	sadd.s32 $0x100, s20;
	s21 =	simm.s32 @!p0 $0x80;
	s22 =	simm.s32 @!p0 $0x6000  }
0x59: {  	[spmem:s2] =	stream.indirect.scatter.add.f32 @!p0 [tilespmem:s22], [sflag:$0x1], $0x80, s20, s21, $0xb8;
	[tilespmem:$0x1E000] =	vst v63  }
0x5a: {  	_ =	swait.ge [sflag:s17], $0x4000  }
0x5b: {  	s19 =	sadd.s32 $0x1, s19;
	[sflag:s17] =	ssyncset.done $0x0  }
0x5c: {  	p0 =	sne.s32 s19, s12;
	[sflag:s17] =	ssyncadd.s32 $0xFFFFC000  }
.Ltmp4:
0x5d: {  	s31 =	sshrl.u32 s6, $0x3;
	[bflag:$0x0] =	sbarrier.arrive $0xFFFF;
	(pc) =	sbr.rel @p0 .LBB2_1-.Ltmp4, $4  }
0x5e: {  	[hbm:s11], [sflag:s18] =	dma.local [spmem:s31], $0x2800  }
0x5f: {  	_ =	swait.ge [sflag:s14], $0x2800  }
0x60: {  	[sflag:s14] =	ssyncset.done $0x0  }
0x61: {  	[sflag:s14] =	ssyncadd.s32 $0xFFFFD800  }
0x62: {  	_ =	sfence.sel $0x180000  }
0x63: {  	[bflag:$0x0] =	sbarrier.arrive $0xFFFF  }
0x64: {  	p0 =	sne.s32 s1, $0x0;
	_ =	strace $0x90000047  }
0x65: {  	s0 =	sadd.s32 @!p0 $0x100000, s0;
	[bflag:$0x2] =	sbarrier.arrive $0xFFFF  }
0x66: {  	[sflag:s0] =	ssyncadd.tile.s32 @!p0 $0x1;
	_ =	shalt  }
.Lfunc_end2:
_tile_overlayer_lowered:
.L_overlay_start_2:
0x67: {  	(tag) =	ssettag $0x2  }
0x68: {  	s0 =	rddreg [dreg:$0x0];
	s2 =	stileid.u32  }
0x69: {  	s1 =	rddreg [dreg:$0x1];
	p0 =	sne.s32 s2, $0x0  }
0x6a: {  	s3 =	rddreg [dreg:$0x2];
	[bflag:$0x3] =	sbarrier.arrive $0xFFFF;
	s2 =	simm.s32 @!p0 $0x1C03  }
0x6b: {  	[timem:s3], [sflag:s2] =	dma.local @!p0 [hbm:s0], s1  }
0x6c: {  	s0 =	simm.s32 @!p0 $0x3  }
0x6d: {  	_ =	swait.ge @!p0 [sflag:s0], s1  }
0x6e: {  	s1 =	ssub.s32 @!p0 $0x0, s1;
	[sflag:s0] =	ssyncset.done @!p0 $0x0  }
0x6f: {  	[sflag:s0] =	ssyncadd.s32 @!p0 s1  }
0x70: {  	[bflag:$0x3] =	sbarrier.arrive $0xFFFF  }
0x71: {  	_ =	shalt  }

// kernel: kernel.13.cloned.1.call-start
scs
__scs_entry_jumppad:
0x0: {  	(pc) =	sbr.rel $0x88, $3  }
0x1: {  	(tag) =	ssettag $0x0;
	lr =	simm.s32 $0x1  }
0x2: {  	[smem:$0x3F99] =	sst lr;
	_ =	strace $0xD0000000  }
0x3: {  	_ = 	snop  }
0x4: {  	_ = 	snop  }
0x5: {  	_ = 	snop  }
0x6: {  	_ = 	snop  }
0x7: {  	_ = 	snop  }
__scs_overlays_trampoline_lowered:
0x8: {  	[smem:$0x3FA8] =	sst s0  }
0x9: {  	[smem:$0x3FA9] =	sst s1  }
0xa: {  	[smem:$0x3FAA] =	sst s2  }
0xb: {  	[smem:$0x3FAB] =	sst s3  }
0xc: {  	[smem:$0x3FAC] =	sst s4  }
0xd: {  	[smem:$0x3FAD] =	sst s5  }
0xe: {  	[smem:$0x3FAE] =	sst s6  }
0xf: {  	[smem:$0x3FAF] =	sst s7  }
0x10: {  	[smem:$0x3FB0] =	sst s8  }
0x11: {  	[smem:$0x3FB1] =	sst s9;
	s0 =	simm.s32 @!p0 $0x0  }
0x12: {  	s1 =	sld [smem:$0x3F97];
	s0 =	simm.s32 @p0 $0x1  }
0x13: {  	[smem:$0x3FB2] =	sst s0;
	s0 =	simm.s32 @!p1 $0x0  }
0x14: {  	s2 =	sld [smem:$0x3F96];
	s0 =	simm.s32 @p1 $0x1  }
0x15: {  	[smem:$0x3FB3] =	sst s0;
	s0 =	simm.s32 @!p2 $0x0  }
0x16: {  	s3 =	sld [smem:$0x3FDB];
	s0 =	simm.s32 @p2 $0x1  }
0x17: {  	s4 =	simm.s32 $0x1BF5;
	[smem:$0x3FB5] =	sst s0  }
0x18: {  	s0 =	sld [smem:$0x3F98];
	_ =	swait.ge [sflag:s4], $0x0  }
0x19: {  	s7 =	sld [smem:$0x3F99]  }
0x1a: {  	s8 =	sadd.s32 $0xFFFFE003, lr  }
0x1b: {  	s9 =	sadd.s32 $0xFFFFFEF7, lr;
	s5 =	simm.s32 $0xFFFFFFFF;
	p2 =	slt.u32 s8, $0xFFFFF086  }
0x1c: {  	p1 =	slt.u32 s9, $0xF7A;
	s5 =	simm.s32 @!p2 $0x0  }
0x1d: {  	s5 =	simm.s32 @p1 $0x1;
	p0 =	seq.s32 s7, s2  }
0x1e: {  	s7 =	smul.u32 @!p0 $0xF7A, s2;
	p2 =	seq.s32 @!p0 s5, $0x0  }
0x1f: {  	s9 =	smul.u32 $0xF7A, s1;
	s8 =	simm.s32 @!p0 $0x1BF5;
	p2 =	por !p2, p0  }
0x20: {  	[sflag:s8] =	ssyncset.s32 @!p0 $0xFFFFF086;
	s6 =	sadd.s32 @!p0 s3, s7;
	s7 =	simm.s32 @!p0 $0x108  }
0x21: {  	s3 =	sadd.s32 s3, s9;
	s6 =	sadd.s32 @!p0 $0x88, s6;
	s7 =	simm.s32 @p2 $0x1082  }
0x22: {  	[simem:s7], [sflag:s8] =	dma.local @!p0 [hbm:s6], $0xF7A  }
0x23: {  	s9 =	sor.u32 $0xD0000000, s2;
	s6 =	simm.s32 $0x108;
	_ =	swait.ge @!p0 [sflag:s8], $0x0  }
0x24: {  	s3 =	sadd.s32 $0x88, s3;
	s6 =	simm.s32 @!p1 $0x1082;
	[sflag:s4] =	ssyncset.s32 $0xFFFFF086  }
0x25: {  	[simem:s6], [sflag:s4] =	dma.local [hbm:s3], $0xF7A  }
0x26: {  	[smem:$0x3F99] =	sst s1;
	(tag) =	ssettag s2;
	_ =	strace s9  }
0x27: {  	s1 =	sld [smem:$0x3FA9]  }
0x28: {  	s2 =	sld [smem:$0x3FAA]  }
0x29: {  	s4 =	sld [smem:$0x3FAC]  }
0x2a: {  	p0 =	seq.s32 s5, $0x0;
	s5 =	sld [smem:$0x3FAD]  }
0x2b: {  	s6 =	sld [smem:$0x3FAE]  }
0x2c: {  	s7 =	sld [smem:$0x3FAF]  }
0x2d: {  	s3 =	simm.s32 $0x108;
	s8 =	sld [smem:$0x3FB0]  }
0x2e: {  	s3 =	simm.s32 @!p0 $0x1082;
	s9 =	sld [smem:$0x3FB1]  }
0x2f: {  	lr =	sadd.s32 s0, s3;
	s0 =	sld [smem:$0x3FA8]  }
0x30: {  	s3 =	sld [smem:$0x3FAB]  }
0x31: {  	[smem:$0x3FB4] =	sst s10  }
0x32: {  	s10 =	sld [smem:$0x3FB2];
	_ =	sdelay $0x3  }
0x33: {  	p0 =	seq.s32 s10, $0x1;
	s10 =	sld [smem:$0x3FB4];
	_ =	sdelay $0x3  }
0x34: {  	[smem:$0x3FB4] =	sst s10  }
0x35: {  	s10 =	sld [smem:$0x3FB3];
	_ =	sdelay $0x3  }
0x36: {  	p1 =	seq.s32 s10, $0x1;
	s10 =	sld [smem:$0x3FB4];
	_ =	sdelay $0x3  }
0x37: {  	[smem:$0x3FB4] =	sst s10  }
0x38: {  	s10 =	sld [smem:$0x3FB5]  }
0x39: {  	_ = 	snop;
	(pc) =	sbr.ind lr, $3  }
0x3a: {  	_ = 	snop  }
0x3b: {  	_ = 	snop  }
0x3c: {  	p2 =	seq.s32 s10, $0x1;
	s10 =	sld [smem:$0x3FB4]  }
0x3d: {  	_ =	shalt  }
0x3e: {  	_ =	shalt  }
0x3f: {  	_ =	shalt  }
0x40: {  	_ =	shalt  }
0x41: {  	_ =	shalt  }
0x42: {  	_ =	shalt  }
0x43: {  	_ =	shalt  }
0x44: {  	_ =	shalt  }
0x45: {  	_ =	shalt  }
0x46: {  	_ =	shalt  }
0x47: {  	_ =	shalt  }
0x48: {  	_ =	shalt  }
0x49: {  	_ =	shalt  }
0x4a: {  	_ =	shalt  }
0x4b: {  	_ =	shalt  }
0x4c: {  	_ =	shalt  }
0x4d: {  	_ =	shalt  }
0x4e: {  	_ =	shalt  }
0x4f: {  	_ =	shalt  }
0x50: {  	_ =	shalt  }
0x51: {  	_ =	shalt  }
0x52: {  	_ =	shalt  }
0x53: {  	_ =	shalt  }
0x54: {  	_ =	shalt  }
0x55: {  	_ =	shalt  }
0x56: {  	_ =	shalt  }
0x57: {  	_ =	shalt  }
0x58: {  	_ =	shalt  }
0x59: {  	_ =	shalt  }
0x5a: {  	_ =	shalt  }
0x5b: {  	_ =	shalt  }
0x5c: {  	_ =	shalt  }
0x5d: {  	_ =	shalt  }
0x5e: {  	_ =	shalt  }
0x5f: {  	_ =	shalt  }
0x60: {  	_ =	shalt  }
0x61: {  	_ =	shalt  }
0x62: {  	_ =	shalt  }
0x63: {  	_ =	shalt  }
0x64: {  	_ =	shalt  }
0x65: {  	_ =	shalt  }
0x66: {  	_ =	shalt  }
0x67: {  	_ =	shalt  }
0x68: {  	_ =	shalt  }
0x69: {  	_ =	shalt  }
0x6a: {  	_ =	shalt  }
0x6b: {  	_ =	shalt  }
0x6c: {  	_ =	shalt  }
0x6d: {  	_ =	shalt  }
0x6e: {  	_ =	shalt  }
0x6f: {  	_ =	shalt  }
0x70: {  	_ =	shalt  }
0x71: {  	_ =	shalt  }
0x72: {  	_ =	shalt  }
0x73: {  	_ =	shalt  }
0x74: {  	_ =	shalt  }
0x75: {  	_ =	shalt  }
0x76: {  	_ =	shalt  }
0x77: {  	_ =	shalt  }
0x78: {  	_ =	shalt  }
0x79: {  	_ =	shalt  }
0x7a: {  	_ =	shalt  }
0x7b: {  	_ =	shalt  }
0x7c: {  	_ =	shalt  }
0x7d: {  	_ =	shalt  }
0x7e: {  	_ =	shalt  }
0x7f: {  	_ =	shalt  }
0x80: {  	_ =	shalt  }
0x81: {  	_ =	shalt  }
0x82: {  	_ =	shalt  }
0x83: {  	_ =	shalt  }
0x84: {  	_ =	shalt  }
0x85: {  	_ =	shalt  }
0x86: {  	_ =	shalt  }
0x87: {  	_ =	shalt  }
.Lfunc_end0:
.L_simem_size_0:
called_computation.1_lowered:
.L_overlay_start_0:
0x88: {  	s2 =	sld [smem:$0x3FD9]  }
0x89: {  	s3 =	sld [smem:$0x3FFE];
	_ =	sdelay $0x1  }
0x8a: {  	s1 =	srdreg.scid  }
0x8b: {  	s0 =	sand.u32 $0x1, s1  }
0x8c: {  	s17 =	sshll.u32 s0, $0xA;
	s2 =	sadd.s32 s3, s2  }
0x8d: {  	s2 =	sadd.s32 s2, s17  }
0x8e: {  	[smem:$0x3FC0] =	sst s2  }
0x8f: {  	_ = 	snop  }
0x90: {  	s2 =	sld [smem:$0x3FD0];
	(tm) =	ssettm $0x1  }
0x91: {  	s18 =	sld [smem:$0x3FFB];
	_ =	sdelay $0x3  }
0x92: {  	_ =	strace s18  }
0x93: {  	s3 =	sld [smem:$0x3FFC];
	_ =	sdelay $0x3  }
0x94: {  	_ =	strace s3  }
0x95: {  	s3 =	sld [smem:$0x3FFD];
	_ =	sdelay $0x3  }
0x96: {  	_ =	strace s3  }
0x97: {  	_ =	strace $0x8FFFFFFF  }
0x98: {  	s19 =	sld [smem:$0x3FDB];
	_ =	sdelay $0x1  }
0x99: {  	s4 =	simm.s32 $_scs_section_size  }
0x9a: {  	s5 =	simm.s32 $_size__tile_overlayer_lowered;
	s6 =	simm.s32 $_tile_overlayer_lowered  }
0x9b: {  	s22 =	simm.s32 $0x1BFF;
	s21 =	sshll.u32 s6, $0x1;
	s3 =	sadd.s32 s4, s19  }
0x9c: {  	s7 =	simm.s32 $0x0;
	s20 =	sshll.u32 s5, $0x1;
	s5 =	sadd.s32 s21, s3  }
0x9d: {  	[timem:s7], [sflag:s22] =	dma.local [hbm:s5], s20  }
0x9e: {  	_ =	swait.ge [sflag:s22], s20  }
0x9f: {  	s4 =	ssub.s32 $0x0, s20;
	[sflag:s22] =	ssyncset.done $0x0  }
0xa0: {  	[sflag:s22] =	ssyncadd.s32 s4;
	_ =	sdelay $0x1  }
0xa1: {  	s23 =	simm.s32 $0x1B8B  }
0xa2: {  	_ =	swait.ge [sflag:s23], $0x1  }
0xa3: {  	[sflag:s23] =	ssyncset.done $0x0  }
0xa4: {  	s25 =	simm.s32 $0x1B8E;
	s24 =	sld [smem:$0x3FFE];
	[sflag:s23] =	ssyncadd.s32 $0xFFFFFFFF  }
0xa5: {  	s26 =	simm.s32 $execute0_lowered;
	[smem:$0x3FD2] =	sst s25  }
0xa6: {  	s5 =	sshll.u32 s26, $0x1;
	_ =	strace $0x80000049;
	[dreg:$0x1] =	wrdreg $0xFFFFFFFF  }
0xa7: {  	s28 =	simm.s32 $_size_execute0_lowered;
	s3 =	sadd.s32 s3, s5;
	[dreg:$0x0] =	wrdreg $0x0  }
0xa8: {  	s5 =	sshll.u32 s28, $0x1;
	[dreg:$0x2] =	wrdreg s3  }
0xa9: {  	[dreg:$0x3] =	wrdreg s5  }
0xaa: {  	[dreg:$0x4] =	wrdreg $0xC0  }
0xab: {  	_ =	task [dreg:s7], $0x5FFFF  }
0xac: {  	[dreg:$0x1] =	wrdreg $0xFFFFFFFF  }
0xad: {  	[dreg:$0x0] =	wrdreg $0x60  }
0xae: {  	[dreg:$0x2] =	wrdreg s2  }
0xaf: {  	[dreg:$0x3] =	wrdreg s24  }
0xb0: {  	[dreg:$0x4] =	wrdreg $0x84000  }
0xb1: {  	[dreg:$0x5] =	wrdreg $0x9  }
0xb2: {  	_ =	task.clear_ibuf [dreg:s7], $0x6FFFF;
	_ =	strace $0x90000049  }
0xb3: {  	s29 =	simm.s32 $0x9;
	_ =	strace $0x8000004B  }
0xb4: {  	_ =	swait.ge [sflag:s29], $0x1  }
0xb5: {  	[sflag:s29] =	ssyncadd.s32 $0xFFFFFFFF  }
0xb6: {  	_ =	strace $0x9000004B  }
0xb7: {  	_ =	sfence  }
0xb8: {  	s30 =	sld [smem:$0x0];
	_ =	sdelay $0x2  }
0xb9: {  	s31 =	sshll.u32 s1, $0xD;
	s1 =	sshrl.u32 s1, $0x2  }
0xba: {  	s3 =	sand.u32 $0x4000, s31;
	s1 =	sadd.s32 s1, s30  }
0xbb: {  	s0 =	sor.u32 s3, s0;
	s1 =	sshll.u32 s1, $0x11  }
0xbc: {  	s0 =	sor.u32 s1, s0  }
0xbd: {  	s0 =	sadd.s32 $0x8F2B, s0  }
0xbe: {  	[sflag:s0] =	ssyncadd.remote.s32 $0x1  }
0xbf: {  	_ =	sfence.sel $0xFFFF  }
0xc0: {  	[dreg:$0x0] =	wrdreg $0xFFFFFFFF;
	(pc) =	sbr.abs _section_cstart, $3  }
0xc1: {  	[dreg:$0x1] =	wrdreg $0xFFFFFFFF  }
0xc2: {  	_ =	task.clear_ibuf [dreg:s7], $0x2FFFF;
	_ =	strace $0x9FFFFFFF  }
0xc3: {  	(tm) =	ssettm $0x7FFFFFFF  }
tec
execute0_lowered:
.L_overlay_start_1:
0x0: {  	(tag) =	ssettag $0x1  }
0x1: {  	s1 =	rddreg [dreg:$0x0]  }
0x2: {  	s0 =	srdreg.scid;
	s2 =	rddreg [dreg:$0x1]  }
0x3: {  	s11 =	stileid.u32;
	s3 =	rddreg [dreg:$0x2];
	s4 =	simm.s32 $0x0  }
0x4: {  	s28 =	simm.s32 $0x1;
	s29 =	simm.s32 $0x2;
	s6 =	smul.u32 $0x14000, s11  }
0x5: {  	s0 =	sand.u32 $0x1, s0;
	[smem:$0x7FF] =	sst s4;
	s19 =	smul.u32 $0x50000, s11  }
0x6: {  	s18 =	sadd.s32 $0x3800, s2;
	s20 =	sshll.u32 s11, $0x1;
	s13 =	smul.u32 $0xC000, s11  }
0x7: {  	s5 =	smul.u32 $0x140000, s0;
	_ =	strace $0x8000004A;
	s7 =	ssub.s32 $0x2, s0  }
0x8: {  	s8 =	sor.u32 s0, s20;
	s14 =	smul.u32 $0x6000, s0;
	p0 =	seq.s32 s0, $0x0  }
0x9: {  	s0 =	simm.s32 $0x60;
	s21 =	sshrl.u32 s19, $0x2;
	s22 =	sshrl.u32 s7, $0x1  }
0xa: {  	s9 =	smul.u32 $0x6000, s8;
	s0 =	simm.s32 @!p0 $0x3E;
	s5 =	sadd.s32 s6, s5  }
0xb: {  	s17 =	ssub.s32 s7, s22;
	s19 =	sadd.s32 s14, s13;
	s15 =	sshll.u32 s0, $0x5  }
0xc: {  	s14 =	sadd.s32 $0xFFFFFFFE, s0;
	s22 =	simm.s32 $0x100;
	s5 =	sshrl.u32 s5, $0x3  }
0xd: {  	s10 =	sshrl.u32 s9, $0x3;
	s16 =	sor.u32 $0x500, s19;
	s20 =	sadd.s32 $0xFFFFFFC0, s15  }
0xe: {  	s15 =	sadd.s32 $0xFFFFFFFC, s0;
	s17 =	smax.u32 s17, $0x1;
	s30 =	sor.u32 $0x400, s19  }
0xf: {  	s31 =	sor.u32 $0x600, s19;
	s19 =	sor.u32 $0x700, s19;
	s2 =	sadd.s32 s5, s2  }
0x10: {  	s5 =	sadd.s32 s21, s3;
	s10 =	sadd.s32 s18, s10;
	s16 =	sshrl.u32 s16, $0x3  }
0x11: {  	[dreg:$0x6] =	wrdreg s20;
	s0 =	sshrl.u32 s30, $0x3;
	s19 =	sshrl.u32 s19, $0x3  }
0x12: {  	s20 =	simm.s32 $0x400;
	s21 =	simm.s32 $0x5;
	s23 =	sadd.s32 $0x4000, s5  }
0x13: {  	s24 =	sadd.s32 $0x8000, s5;
	s25 =	sadd.s32 $0xC000, s5;
	s9 =	sadd.s32 $0x10000, s5  }
0x14: {  	s11 =	sadd.s32 $0x20, s10;
	s12 =	sadd.s32 $0x40, s10;
	[dreg:$0x7] =	wrdreg s23  }
0x15: {  	s13 =	sadd.s32 $0x60, s10;
	s26 =	sadd.s32 s16, s18;
	[dreg:$0x8] =	wrdreg s24  }
0x16: {  	s16 =	sadd.s32 $0x1B800, s2;
	s2 =	sshrl.u32 s31, $0x3;
	[dreg:$0x9] =	wrdreg s25  }
0x17: {  	s0 =	sadd.s32 s0, s18;
	s19 =	sadd.s32 s19, s18;
	[dreg:$0x5] =	wrdreg s26  }
0x18: {  	s2 =	sadd.s32 s2, s18;
	[dreg:$0x4] =	wrdreg s0;
	s19 =	sadd.s32 $0xFFFFFFC0, s19  }
0x19: {  	v0 =	vimm.f32 $0.0e+00;
	s23 =	simm.s32 $0x80;
	s24 =	simm.s32 $0x4400;
	s18 =	sadd.s32 $0xFFFFFFC0, s2  }
.LBB2_1:
0x1a: {  	s0 =	simm.s32 $0x0;
	s2 =	simm.s32 $0x200  }
.LBB2_2:
0x1b: {  	p0 =	sne.s32 s2, $0xFE00;
	[tilespmem:s0+$0x470] =	vst v0  }
0x1c: {  	[tilespmem:s0+$0x400] =	vst v0  }
0x1d: {  	[tilespmem:s0+$0x410] =	vst v0  }
.Ltmp0:
0x1e: {  	[tilespmem:s0+$0x420] =	vst v0;
	(pc) =	sbr.rel @p0 .LBB2_2-.Ltmp0, $4  }
0x1f: {  	[tilespmem:s0+$0x430] =	vst v0  }
0x20: {  	[tilespmem:s0+$0x440] =	vst v0  }
0x21: {  	[tilespmem:s0+$0x450] =	vst v0  }
0x22: {  	[tilespmem:s0+$0x460] =	vst v0;
	s0 =	sshra.s32 s2, $0x2;
	s2 =	sadd.s32 $0x200, s2  }
0x23: {  	[tilespmem:s0+$0x470] =	vst v0  }
0x24: {  	[tilespmem:s0+$0x400] =	vst v0  }
0x25: {  	[tilespmem:s0+$0x410] =	vst v0  }
0x26: {  	[tilespmem:s0+$0x420] =	vst v0  }
0x27: {  	[tilespmem:s0+$0x430] =	vst v0  }
0x28: {  	[tilespmem:s0+$0x440] =	vst v0  }
0x29: {  	[tilespmem:s0+$0x450] =	vst v0  }
0x2a: {  	[tilespmem:s0+$0x460] =	vst v0  }
0x2b: {  	[spmem:s5] =	stream.linear.scatter [tilespmem:s20], [sflag:$0x5], $0x4000, $0x38;
	[tilespmem:$0x1C400] =	vst v63  }
0x2c: {  	_ =	swait.ge [sflag:s21], $0x4000  }
0x2d: {  	[sflag:s21] =	ssyncset.done $0x0  }
0x2e: {  	s6 =	rddreg [dreg:$0x7];
	[sflag:s21] =	ssyncadd.s32 $0xFFFFC000  }
0x2f: {  	[spmem:s6] =	stream.linear.scatter [tilespmem:s20], [sflag:$0x5], $0x4000, $0x38;
	[tilespmem:$0x1C400] =	vst v63  }
0x30: {  	_ =	swait.ge [sflag:s21], $0x4000  }
0x31: {  	[sflag:s21] =	ssyncset.done $0x0  }
0x32: {  	s7 =	rddreg [dreg:$0x8];
	[sflag:s21] =	ssyncadd.s32 $0xFFFFC000  }
0x33: {  	[spmem:s7] =	stream.linear.scatter [tilespmem:s20], [sflag:$0x5], $0x4000, $0x38;
	[tilespmem:$0x1C400] =	vst v63  }
0x34: {  	_ =	swait.ge [sflag:s21], $0x4000  }
0x35: {  	[sflag:s21] =	ssyncset.done $0x0  }
0x36: {  	s8 =	rddreg [dreg:$0x9];
	[sflag:s21] =	ssyncadd.s32 $0xFFFFC000  }
0x37: {  	[spmem:s8] =	stream.linear.scatter [tilespmem:s20], [sflag:$0x5], $0x4000, $0x38;
	[tilespmem:$0x1C400] =	vst v63  }
0x38: {  	_ =	swait.ge [sflag:s21], $0x4000  }
0x39: {  	[sflag:s21] =	ssyncset.done $0x0  }
0x3a: {  	[sflag:s21] =	ssyncadd.s32 $0xFFFFC000  }
0x3b: {  	[spmem:s9] =	stream.linear.scatter [tilespmem:s20], [sflag:$0x5], $0x4000, $0x38;
	[tilespmem:$0x1C400] =	vst v63  }
0x3c: {  	_ =	swait.ge [sflag:s21], $0x4000  }
0x3d: {  	[sflag:s21] =	ssyncset.done $0x0  }
0x3e: {  	[sflag:s21] =	ssyncadd.s32 $0xFFFFC000  }
0x3f: {  	s30 =	simm.s32 $0x0;
	[bflag:$0x0] =	sbarrier.arrive $0xFFFF  }
0x40: {  	[tilespmem:s30], [sflag:$0x5] =	stream.linear.gather [hbm4b:s10+s30], $0x100, $0x38;
	[tilespmem:$0x1C400] =	vst v63  }
0x41: {  	_ =	swait.ge [sflag:s21], $0x100  }
0x42: {  	[sflag:s21] =	ssyncset.done $0x0  }
0x43: {  	[sflag:s21] =	ssyncadd.s32 $0xFFFFFF00  }
0x44: {  	[tilespmem:s22], [sflag:$0x5] =	stream.linear.gather [hbm4b:s11+s30], $0x100, $0x38;
	[tilespmem:$0x1C400] =	vst v63  }
0x45: {  	_ =	swait.ge [sflag:s21], $0x100  }
0x46: {  	[sflag:s21] =	ssyncset.done $0x0  }
0x47: {  	[sflag:s21] =	ssyncadd.s32 $0xFFFFFF00  }
0x48: {  	[tilespmem:s20], [sflag:$0x1] =	stream.indirect.gather [hbm4b:s1+s23], $0x80, s30, s23, $0xb8;
	[tilespmem:$0x1C400] =	vst v63  }
0x49: {  	_ = 	snop  }
0x4a: {  	[tilespmem:s24], [sflag:$0x2] =	stream.indirect.gather [hbm4b:s1+s23], $0x80, s22, s23, $0xb8;
	[tilespmem:$0x1C400] =	vst v63  }
0x4b: {  	s25 =	simm.s32 $0x200  }
0x4c: {  	[tilespmem:s25], [sflag:$0x3] =	stream.linear.gather [hbm4b:s12+s30], $0x100, $0x38;
	[tilespmem:$0x1C400] =	vst v63  }
0x4d: {  	s26 =	simm.s32 $0x300;
	s0 =	simm.s32 $0xC00;
	s31 =	simm.s32 $0x1  }
0x4e: {  	[tilespmem:s26], [sflag:$0x4] =	stream.linear.gather [hbm4b:s13+s30], $0x100, $0x38;
	[tilespmem:$0x1C400] =	vst v63  }
.LBB2_4:
0x4f: {  	s7 =	sadd.s32 $0xFFFFF400, s0  }
0x50: {  	s2 =	smov.u32 s0;
	_ =	swait.ge [sflag:s28], $0x4000;
	s0 =	sand.u32 $0x800, s7  }
0x51: {  	[sflag:s28] =	ssyncset.done $0x0;
	s25 =	sshrl.u32 s0, $0x2  }
0x52: {  	[sflag:s28] =	ssyncadd.s32 $0xFFFFC000;
	s26 =	sor.u32 $0x80, s25  }
0x53: {  	[spmem:s3] =	stream.indirect.scatter.add.f32 [tilespmem:s20], [sflag:$0x5], $0x80, s26, s23, $0xb8;
	[tilespmem:$0x1C400] =	vst v63  }
0x54: {  	s26 =	sadd.s32 $0xFFFFFFFF, s31;
	_ =	swait.ge [sflag:s21], $0x4000  }
0x55: {  	p0 =	sge.u32 s26, s14;
	[sflag:s21] =	ssyncset.done $0x0  }
0x56: {  	s6 =	simm.s32 @!p0 $0x3;
	[sflag:s21] =	ssyncadd.s32 $0xFFFFC000  }
0x57: {  	_ =	swait.ge @!p0 [sflag:s6], $0x100  }
0x58: {  	s0 =	sxor.u32 @!p0 $0x800, s0;
	s7 =	simm.s32 @!p0 $0x400;
	[sflag:s6] =	ssyncset.done @!p0 $0x0  }
0x59: {  	s0 =	sshrl.u32 @!p0 s0, $0x2;
	[sflag:s6] =	ssyncadd.s32 @!p0 $0xFFFFFF00;
	s6 =	simm.s32 @!p0 $0x80  }
0x5a: {  	[tilespmem:s7], [sflag:$0x1] =	stream.indirect.gather @!p0 [hbm4b:s1+s6], $0x80, s0, s6, $0xb8;
	[tilespmem:$0x1C400] =	vst v63  }
0x5b: {  	s8 =	rddreg [dreg:$0x4];
	p0 =	sge.u32 s26, s15  }
0x5c: {  	s0 =	sadd.s32 @!p0 s30, s8;
	s6 =	simm.s32 @!p0 $0x0;
	s8 =	sadd.s32 $0xFFFFF800, s2  }
0x5d: {  	[tilespmem:s25], [sflag:$0x3] =	stream.linear.gather @!p0 [hbm4b:s0+s6], $0x100, $0x38;
	[tilespmem:$0x1C400] =	vst v63  }
0x5e: {  	s0 =	sand.u32 $0xC00, s8;
	_ =	swait.ge [sflag:s29], $0x4000  }
0x5f: {  	s0 =	sshrl.u32 s0, $0x2;
	[sflag:s29] =	ssyncset.done $0x0  }
0x60: {  	s25 =	sor.u32 $0x80, s0;
	[sflag:s29] =	ssyncadd.s32 $0xFFFFC000  }
0x61: {  	[spmem:s3] =	stream.indirect.scatter.add.f32 [tilespmem:s24], [sflag:$0x5], $0x80, s25, s23, $0xb8;
	[tilespmem:$0x1C400] =	vst v63  }
0x62: {  	_ =	swait.ge [sflag:s21], $0x4000  }
0x63: {  	p0 =	sge.u32 s31, s14;
	[sflag:s21] =	ssyncset.done $0x0  }
0x64: {  	s6 =	simm.s32 @!p0 $0x4;
	[sflag:s21] =	ssyncadd.s32 $0xFFFFC000  }
0x65: {  	s7 =	sand.u32 @!p0 $0xC00, s2;
	_ =	swait.ge @!p0 [sflag:s6], $0x100  }
0x66: {  	s8 =	simm.s32 @!p0 $0x4400;
	[sflag:s6] =	ssyncset.done @!p0 $0x0;
	s25 =	rddreg [dreg:$0x5]  }
0x67: {  	[sflag:s6] =	ssyncadd.s32 @!p0 $0xFFFFFF00;
	s6 =	sshrl.u32 @!p0 s7, $0x2;
	s7 =	simm.s32 @!p0 $0x80  }
0x68: {  	[tilespmem:s8], [sflag:$0x2] =	stream.indirect.gather @!p0 [hbm4b:s1+s7], $0x80, s6, s7, $0xb8;
	[tilespmem:$0x1C400] =	vst v63  }
0x69: {  	s26 =	rddreg [dreg:$0x6];
	p0 =	sge.u32 s31, s15  }
0x6a: {  	s6 =	sadd.s32 @!p0 s30, s25;
	s7 =	simm.s32 @!p0 $0x0;
	s30 =	sadd.s32 $0x40, s30  }
0x6b: {  	[tilespmem:s0], [sflag:$0x4] =	stream.linear.gather @!p0 [hbm4b:s6+s7], $0x100, $0x38;
	[tilespmem:$0x1C400] =	vst v63  }
0x6c: {  	p0 =	sne.s32 s26, s30  }
.Ltmp1:
0x6d: {  	_ = 	snop;
	(pc) =	sbr.rel @p0 .LBB2_4-.Ltmp1, $2  }
0x6e: {  	_ =	sdelay $0x2  }
0x6f: {  	s31 =	sadd.s32 $0x2, s31;
	s0 =	sadd.s32 $0x800, s2  }
0x70: {  	s6 =	sadd.s32 $0xFFFFF400, s0  }
0x71: {  	_ =	swait.ge [sflag:s28], $0x4000;
	s6 =	sand.u32 $0x800, s6  }
0x72: {  	[sflag:s28] =	ssyncset.done $0x0;
	s7 =	sshrl.u32 s6, $0x2  }
0x73: {  	[sflag:s28] =	ssyncadd.s32 $0xFFFFC000;
	s8 =	sor.u32 $0x80, s7  }
0x74: {  	[spmem:s3] =	stream.indirect.scatter.add.f32 [tilespmem:s20], [sflag:$0x5], $0x80, s8, s23, $0xb8;
	[tilespmem:$0x1C400] =	vst v63  }
0x75: {  	s8 =	sadd.s32 $0xFFFFFFFF, s31;
	_ =	swait.ge [sflag:s21], $0x4000  }
0x76: {  	p0 =	sge.u32 s8, s14;
	[sflag:s21] =	ssyncset.done $0x0  }
0x77: {  	s25 =	simm.s32 @!p0 $0x3;
	[sflag:s21] =	ssyncadd.s32 $0xFFFFC000  }
0x78: {  	_ =	swait.ge @!p0 [sflag:s25], $0x100  }
0x79: {  	s6 =	sxor.u32 @!p0 $0x800, s6;
	s26 =	simm.s32 @!p0 $0x400;
	[sflag:s25] =	ssyncset.done @!p0 $0x0  }
0x7a: {  	s6 =	sshrl.u32 @!p0 s6, $0x2;
	[sflag:s25] =	ssyncadd.s32 @!p0 $0xFFFFFF00;
	s25 =	simm.s32 @!p0 $0x80  }
0x7b: {  	[tilespmem:s26], [sflag:$0x1] =	stream.indirect.gather @!p0 [hbm4b:s1+s25], $0x80, s6, s25, $0xb8;
	[tilespmem:$0x1C400] =	vst v63  }
0x7c: {  	p0 =	sge.u32 s8, s15  }
0x7d: {  	s6 =	sadd.s32 @!p0 s30, s18;
	s8 =	simm.s32 @!p0 $0x0  }
0x7e: {  	[tilespmem:s7], [sflag:$0x3] =	stream.linear.gather @!p0 [hbm4b:s6+s8], $0x100, $0x38;
	[tilespmem:$0x1C400] =	vst v63  }
0x7f: {  	s2 =	sshrl.u32 s2, $0x2;
	_ =	swait.ge [sflag:s29], $0x4000  }
0x80: {  	s2 =	sand.u32 $0x300, s2;
	[sflag:s29] =	ssyncset.done $0x0  }
0x81: {  	s26 =	sor.u32 $0x80, s2;
	[sflag:s29] =	ssyncadd.s32 $0xFFFFC000  }
0x82: {  	[spmem:s3] =	stream.indirect.scatter.add.f32 [tilespmem:s24], [sflag:$0x5], $0x80, s26, s23, $0xb8;
	[tilespmem:$0x1C400] =	vst v63  }
0x83: {  	_ =	swait.ge [sflag:s21], $0x4000  }
0x84: {  	p0 =	sge.u32 s31, s14;
	[sflag:s21] =	ssyncset.done $0x0  }
0x85: {  	s6 =	simm.s32 @!p0 $0x4;
	[sflag:s21] =	ssyncadd.s32 $0xFFFFC000  }
0x86: {  	_ =	swait.ge @!p0 [sflag:s6], $0x100  }
0x87: {  	s0 =	sand.u32 @!p0 $0xC00, s0;
	s7 =	simm.s32 @!p0 $0x4400;
	[sflag:s6] =	ssyncset.done @!p0 $0x0  }
0x88: {  	s0 =	sshrl.u32 @!p0 s0, $0x2;
	[sflag:s6] =	ssyncadd.s32 @!p0 $0xFFFFFF00;
	s6 =	simm.s32 @!p0 $0x80  }
0x89: {  	[tilespmem:s7], [sflag:$0x2] =	stream.indirect.gather @!p0 [hbm4b:s1+s6], $0x80, s0, s6, $0xb8;
	[tilespmem:$0x1C400] =	vst v63  }
0x8a: {  	s4 =	sadd.s32 $0x1, s4;
	p0 =	sge.u32 s31, s15  }
0x8b: {  	s0 =	sadd.s32 @!p0 s30, s19;
	s6 =	simm.s32 @!p0 $0x0;
	s30 =	stileid.u32  }
0x8c: {  	[tilespmem:s2], [sflag:$0x4] =	stream.linear.gather @!p0 [hbm4b:s0+s6], $0x100, $0x38;
	[tilespmem:$0x1C400] =	vst v63  }
0x8d: {  	s31 =	sshrl.u32 s5, $0x3;
	s0 =	sshll.u32 s30, $0x6;
	p0 =	sne.s32 s4, s17  }
.Ltmp2:
0x8e: {  	[bflag:$0x0] =	sbarrier.arrive $0xFFFF;
	s0 =	sor.u32 $0x1C05, s0;
	(pc) =	sbr.rel @p0 .LBB2_1-.Ltmp2, $4  }
0x8f: {  	[hbm:s16], [sflag:s0] =	dma.local [spmem:s31], $0x2800  }
0x90: {  	_ =	swait.ge [sflag:s21], $0x2800  }
0x91: {  	[sflag:s21] =	ssyncset.done $0x0  }
0x92: {  	[sflag:s21] =	ssyncadd.s32 $0xFFFFD800  }
0x93: {  	_ =	sfence.sel $0x180000  }
0x94: {  	[bflag:$0x0] =	sbarrier.arrive $0xFFFF  }
0x95: {  	_ =	strace $0x9000004A  }
0x96: {  	s0 =	stileid.u32;
	[bflag:$0x2] =	sbarrier.arrive $0xFFFF  }
0x97: {  	p0 =	sne.s32 s0, $0x0;
	s0 =	rddreg [dreg:$0x3]  }
0x98: {  	s0 =	sadd.s32 @!p0 $0x100000, s0  }
0x99: {  	[sflag:s0] =	ssyncadd.tile.s32 @!p0 $0x1;
	_ =	shalt  }
.Lfunc_end2:
_tile_overlayer_lowered:
.L_overlay_start_2:
0x9a: {  	(tag) =	ssettag $0x2  }
0x9b: {  	s0 =	rddreg [dreg:$0x0];
	s2 =	stileid.u32  }
0x9c: {  	s1 =	rddreg [dreg:$0x1];
	p0 =	sne.s32 s2, $0x0  }
0x9d: {  	s3 =	rddreg [dreg:$0x2];
	[bflag:$0x3] =	sbarrier.arrive $0xFFFF;
	s2 =	simm.s32 @!p0 $0x1C05  }
0x9e: {  	[timem:s3], [sflag:s2] =	dma.local @!p0 [hbm:s0], s1  }
0x9f: {  	s0 =	simm.s32 @!p0 $0x5  }
0xa0: {  	_ =	swait.ge @!p0 [sflag:s0], s1  }
0xa1: {  	s1 =	ssub.s32 @!p0 $0x0, s1;
	[sflag:s0] =	ssyncset.done @!p0 $0x0  }
0xa2: {  	[sflag:s0] =	ssyncadd.s32 @!p0 s1  }
0xa3: {  	[bflag:$0x3] =	sbarrier.arrive $0xFFFF  }
0xa4: {  	_ =	shalt  }

// kernel: kernel.16.cloned.1.call-start
scs
__scs_entry_jumppad:
0x0: {  	(pc) =	sbr.rel $0x88, $3  }
0x1: {  	(tag) =	ssettag $0x0;
	lr =	simm.s32 $0x1  }
0x2: {  	[smem:$0x3F99] =	sst lr;
	_ =	strace $0xD0000000  }
0x3: {  	_ = 	snop  }
0x4: {  	_ = 	snop  }
0x5: {  	_ = 	snop  }
0x6: {  	_ = 	snop  }
0x7: {  	_ = 	snop  }
__scs_overlays_trampoline_lowered:
0x8: {  	[smem:$0x3FA8] =	sst s0  }
0x9: {  	[smem:$0x3FA9] =	sst s1  }
0xa: {  	[smem:$0x3FAA] =	sst s2  }
0xb: {  	[smem:$0x3FAB] =	sst s3  }
0xc: {  	[smem:$0x3FAC] =	sst s4  }
0xd: {  	[smem:$0x3FAD] =	sst s5  }
0xe: {  	[smem:$0x3FAE] =	sst s6  }
0xf: {  	[smem:$0x3FAF] =	sst s7  }
0x10: {  	[smem:$0x3FB0] =	sst s8  }
0x11: {  	[smem:$0x3FB1] =	sst s9;
	s0 =	simm.s32 @!p0 $0x0  }
0x12: {  	s1 =	sld [smem:$0x3F97];
	s0 =	simm.s32 @p0 $0x1  }
0x13: {  	[smem:$0x3FB2] =	sst s0;
	s0 =	simm.s32 @!p1 $0x0  }
0x14: {  	s2 =	sld [smem:$0x3F96];
	s0 =	simm.s32 @p1 $0x1  }
0x15: {  	[smem:$0x3FB3] =	sst s0;
	s0 =	simm.s32 @!p2 $0x0  }
0x16: {  	s3 =	sld [smem:$0x3FDB];
	s0 =	simm.s32 @p2 $0x1  }
0x17: {  	s4 =	simm.s32 $0x1BF5;
	[smem:$0x3FB5] =	sst s0  }
0x18: {  	s0 =	sld [smem:$0x3F98];
	_ =	swait.ge [sflag:s4], $0x0  }
0x19: {  	s7 =	sld [smem:$0x3F99]  }
0x1a: {  	s8 =	sadd.s32 $0xFFFFE003, lr  }
0x1b: {  	s9 =	sadd.s32 $0xFFFFFEF7, lr;
	s5 =	simm.s32 $0xFFFFFFFF;
	p2 =	slt.u32 s8, $0xFFFFF086  }
0x1c: {  	p1 =	slt.u32 s9, $0xF7A;
	s5 =	simm.s32 @!p2 $0x0  }
0x1d: {  	s5 =	simm.s32 @p1 $0x1;
	p0 =	seq.s32 s7, s2  }
0x1e: {  	s7 =	smul.u32 @!p0 $0xF7A, s2;
	p2 =	seq.s32 @!p0 s5, $0x0  }
0x1f: {  	s9 =	smul.u32 $0xF7A, s1;
	s8 =	simm.s32 @!p0 $0x1BF5;
	p2 =	por !p2, p0  }
0x20: {  	[sflag:s8] =	ssyncset.s32 @!p0 $0xFFFFF086;
	s6 =	sadd.s32 @!p0 s3, s7;
	s7 =	simm.s32 @!p0 $0x108  }
0x21: {  	s3 =	sadd.s32 s3, s9;
	s6 =	sadd.s32 @!p0 $0x88, s6;
	s7 =	simm.s32 @p2 $0x1082  }
0x22: {  	[simem:s7], [sflag:s8] =	dma.local @!p0 [hbm:s6], $0xF7A  }
0x23: {  	s9 =	sor.u32 $0xD0000000, s2;
	s6 =	simm.s32 $0x108;
	_ =	swait.ge @!p0 [sflag:s8], $0x0  }
0x24: {  	s3 =	sadd.s32 $0x88, s3;
	s6 =	simm.s32 @!p1 $0x1082;
	[sflag:s4] =	ssyncset.s32 $0xFFFFF086  }
0x25: {  	[simem:s6], [sflag:s4] =	dma.local [hbm:s3], $0xF7A  }
0x26: {  	[smem:$0x3F99] =	sst s1;
	(tag) =	ssettag s2;
	_ =	strace s9  }
0x27: {  	s1 =	sld [smem:$0x3FA9]  }
0x28: {  	s2 =	sld [smem:$0x3FAA]  }
0x29: {  	s4 =	sld [smem:$0x3FAC]  }
0x2a: {  	p0 =	seq.s32 s5, $0x0;
	s5 =	sld [smem:$0x3FAD]  }
0x2b: {  	s6 =	sld [smem:$0x3FAE]  }
0x2c: {  	s7 =	sld [smem:$0x3FAF]  }
0x2d: {  	s3 =	simm.s32 $0x108;
	s8 =	sld [smem:$0x3FB0]  }
0x2e: {  	s3 =	simm.s32 @!p0 $0x1082;
	s9 =	sld [smem:$0x3FB1]  }
0x2f: {  	lr =	sadd.s32 s0, s3;
	s0 =	sld [smem:$0x3FA8]  }
0x30: {  	s3 =	sld [smem:$0x3FAB]  }
0x31: {  	[smem:$0x3FB4] =	sst s10  }
0x32: {  	s10 =	sld [smem:$0x3FB2];
	_ =	sdelay $0x3  }
0x33: {  	p0 =	seq.s32 s10, $0x1;
	s10 =	sld [smem:$0x3FB4];
	_ =	sdelay $0x3  }
0x34: {  	[smem:$0x3FB4] =	sst s10  }
0x35: {  	s10 =	sld [smem:$0x3FB3];
	_ =	sdelay $0x3  }
0x36: {  	p1 =	seq.s32 s10, $0x1;
	s10 =	sld [smem:$0x3FB4];
	_ =	sdelay $0x3  }
0x37: {  	[smem:$0x3FB4] =	sst s10  }
0x38: {  	s10 =	sld [smem:$0x3FB5]  }
0x39: {  	_ = 	snop;
	(pc) =	sbr.ind lr, $3  }
0x3a: {  	_ = 	snop  }
0x3b: {  	_ = 	snop  }
0x3c: {  	p2 =	seq.s32 s10, $0x1;
	s10 =	sld [smem:$0x3FB4]  }
0x3d: {  	_ =	shalt  }
0x3e: {  	_ =	shalt  }
0x3f: {  	_ =	shalt  }
0x40: {  	_ =	shalt  }
0x41: {  	_ =	shalt  }
0x42: {  	_ =	shalt  }
0x43: {  	_ =	shalt  }
0x44: {  	_ =	shalt  }
0x45: {  	_ =	shalt  }
0x46: {  	_ =	shalt  }
0x47: {  	_ =	shalt  }
0x48: {  	_ =	shalt  }
0x49: {  	_ =	shalt  }
0x4a: {  	_ =	shalt  }
0x4b: {  	_ =	shalt  }
0x4c: {  	_ =	shalt  }
0x4d: {  	_ =	shalt  }
0x4e: {  	_ =	shalt  }
0x4f: {  	_ =	shalt  }
0x50: {  	_ =	shalt  }
0x51: {  	_ =	shalt  }
0x52: {  	_ =	shalt  }
0x53: {  	_ =	shalt  }
0x54: {  	_ =	shalt  }
0x55: {  	_ =	shalt  }
0x56: {  	_ =	shalt  }
0x57: {  	_ =	shalt  }
0x58: {  	_ =	shalt  }
0x59: {  	_ =	shalt  }
0x5a: {  	_ =	shalt  }
0x5b: {  	_ =	shalt  }
0x5c: {  	_ =	shalt  }
0x5d: {  	_ =	shalt  }
0x5e: {  	_ =	shalt  }
0x5f: {  	_ =	shalt  }
0x60: {  	_ =	shalt  }
0x61: {  	_ =	shalt  }
0x62: {  	_ =	shalt  }
0x63: {  	_ =	shalt  }
0x64: {  	_ =	shalt  }
0x65: {  	_ =	shalt  }
0x66: {  	_ =	shalt  }
0x67: {  	_ =	shalt  }
0x68: {  	_ =	shalt  }
0x69: {  	_ =	shalt  }
0x6a: {  	_ =	shalt  }
0x6b: {  	_ =	shalt  }
0x6c: {  	_ =	shalt  }
0x6d: {  	_ =	shalt  }
0x6e: {  	_ =	shalt  }
0x6f: {  	_ =	shalt  }
0x70: {  	_ =	shalt  }
0x71: {  	_ =	shalt  }
0x72: {  	_ =	shalt  }
0x73: {  	_ =	shalt  }
0x74: {  	_ =	shalt  }
0x75: {  	_ =	shalt  }
0x76: {  	_ =	shalt  }
0x77: {  	_ =	shalt  }
0x78: {  	_ =	shalt  }
0x79: {  	_ =	shalt  }
0x7a: {  	_ =	shalt  }
0x7b: {  	_ =	shalt  }
0x7c: {  	_ =	shalt  }
0x7d: {  	_ =	shalt  }
0x7e: {  	_ =	shalt  }
0x7f: {  	_ =	shalt  }
0x80: {  	_ =	shalt  }
0x81: {  	_ =	shalt  }
0x82: {  	_ =	shalt  }
0x83: {  	_ =	shalt  }
0x84: {  	_ =	shalt  }
0x85: {  	_ =	shalt  }
0x86: {  	_ =	shalt  }
0x87: {  	_ =	shalt  }
.Lfunc_end0:
.L_simem_size_0:
called_computation.2_lowered:
.L_overlay_start_0:
0x88: {  	s2 =	sld [smem:$0x3FD9]  }
0x89: {  	s3 =	sld [smem:$0x3FFE];
	_ =	sdelay $0x1  }
0x8a: {  	s1 =	srdreg.scid  }
0x8b: {  	s0 =	sand.u32 $0x1, s1  }
0x8c: {  	s17 =	sshll.u32 s0, $0xA;
	s2 =	sadd.s32 s3, s2  }
0x8d: {  	s2 =	sadd.s32 s2, s17  }
0x8e: {  	[smem:$0x3FC0] =	sst s2  }
0x8f: {  	_ = 	snop  }
0x90: {  	s2 =	sld [smem:$0x3FD0];
	(tm) =	ssettm $0x1  }
0x91: {  	s18 =	sld [smem:$0x3FFB];
	_ =	sdelay $0x3  }
0x92: {  	_ =	strace s18  }
0x93: {  	s3 =	sld [smem:$0x3FFC];
	_ =	sdelay $0x3  }
0x94: {  	_ =	strace s3  }
0x95: {  	s3 =	sld [smem:$0x3FFD];
	_ =	sdelay $0x3  }
0x96: {  	_ =	strace s3  }
0x97: {  	_ =	strace $0x8FFFFFFF  }
0x98: {  	s19 =	sld [smem:$0x3FDB];
	_ =	sdelay $0x1  }
0x99: {  	s4 =	simm.s32 $_scs_section_size  }
0x9a: {  	s5 =	simm.s32 $_size__tile_overlayer_lowered;
	s6 =	simm.s32 $_tile_overlayer_lowered  }
0x9b: {  	s22 =	simm.s32 $0x1BFF;
	s21 =	sshll.u32 s6, $0x1;
	s3 =	sadd.s32 s4, s19  }
0x9c: {  	s7 =	simm.s32 $0x0;
	s20 =	sshll.u32 s5, $0x1;
	s5 =	sadd.s32 s21, s3  }
0x9d: {  	[timem:s7], [sflag:s22] =	dma.local [hbm:s5], s20  }
0x9e: {  	_ =	swait.ge [sflag:s22], s20  }
0x9f: {  	s4 =	ssub.s32 $0x0, s20;
	[sflag:s22] =	ssyncset.done $0x0  }
0xa0: {  	[sflag:s22] =	ssyncadd.s32 s4;
	_ =	sdelay $0x1  }
0xa1: {  	s23 =	simm.s32 $0x1B8B  }
0xa2: {  	_ =	swait.ge [sflag:s23], $0x1  }
0xa3: {  	[sflag:s23] =	ssyncset.done $0x0  }
0xa4: {  	s25 =	simm.s32 $0x1B8E;
	s24 =	sld [smem:$0x3FFE];
	[sflag:s23] =	ssyncadd.s32 $0xFFFFFFFF  }
0xa5: {  	s26 =	simm.s32 $execute0_lowered;
	[smem:$0x3FD2] =	sst s25  }
0xa6: {  	s5 =	sshll.u32 s26, $0x1;
	_ =	strace $0x8000004C;
	[dreg:$0x1] =	wrdreg $0xFFFFFFFF  }
0xa7: {  	s28 =	simm.s32 $_size_execute0_lowered;
	s3 =	sadd.s32 s3, s5;
	[dreg:$0x0] =	wrdreg $0x0  }
0xa8: {  	s5 =	sshll.u32 s28, $0x1;
	[dreg:$0x2] =	wrdreg s3  }
0xa9: {  	[dreg:$0x3] =	wrdreg s5  }
0xaa: {  	[dreg:$0x4] =	wrdreg $0xC0  }
0xab: {  	_ =	task [dreg:s7], $0x5FFFF  }
0xac: {  	[dreg:$0x1] =	wrdreg $0xFFFFFFFF  }
0xad: {  	[dreg:$0x0] =	wrdreg $0x60  }
0xae: {  	[dreg:$0x2] =	wrdreg s2  }
0xaf: {  	[dreg:$0x3] =	wrdreg s24  }
0xb0: {  	[dreg:$0x4] =	wrdreg $0x84000  }
0xb1: {  	[dreg:$0x5] =	wrdreg $0x9  }
0xb2: {  	_ =	task.clear_ibuf [dreg:s7], $0x6FFFF;
	_ =	strace $0x9000004C  }
0xb3: {  	s29 =	simm.s32 $0x9;
	_ =	strace $0x8000004E  }
0xb4: {  	_ =	swait.ge [sflag:s29], $0x1  }
0xb5: {  	[sflag:s29] =	ssyncadd.s32 $0xFFFFFFFF  }
0xb6: {  	_ =	strace $0x9000004E  }
0xb7: {  	_ =	sfence  }
0xb8: {  	s30 =	sld [smem:$0x0];
	_ =	sdelay $0x2  }
0xb9: {  	s31 =	sshll.u32 s1, $0xD;
	s1 =	sshrl.u32 s1, $0x2  }
0xba: {  	s3 =	sand.u32 $0x4000, s31;
	s1 =	sadd.s32 s1, s30  }
0xbb: {  	s0 =	sor.u32 s3, s0;
	s1 =	sshll.u32 s1, $0x11  }
0xbc: {  	s0 =	sor.u32 s1, s0  }
0xbd: {  	s0 =	sadd.s32 $0x8F2B, s0  }
0xbe: {  	[sflag:s0] =	ssyncadd.remote.s32 $0x1  }
0xbf: {  	_ =	sfence.sel $0xFFFF  }
0xc0: {  	[dreg:$0x0] =	wrdreg $0xFFFFFFFF;
	(pc) =	sbr.abs _section_cstart, $3  }
0xc1: {  	[dreg:$0x1] =	wrdreg $0xFFFFFFFF  }
0xc2: {  	_ =	task.clear_ibuf [dreg:s7], $0x2FFFF;
	_ =	strace $0x9FFFFFFF  }
0xc3: {  	(tm) =	ssettm $0x7FFFFFFF  }
tec
execute0_lowered:
.L_overlay_start_1:
0x0: {  	(tag) =	ssettag $0x1  }
0x1: {  	s1 =	rddreg [dreg:$0x0]  }
0x2: {  	s0 =	srdreg.scid;
	s2 =	rddreg [dreg:$0x1]  }
0x3: {  	s11 =	stileid.u32;
	s3 =	rddreg [dreg:$0x2];
	s4 =	simm.s32 $0x0  }
0x4: {  	s28 =	simm.s32 $0x1;
	s29 =	simm.s32 $0x2;
	s6 =	smul.u32 $0x14000, s11  }
0x5: {  	s0 =	sand.u32 $0x1, s0;
	[smem:$0x7FF] =	sst s4;
	s19 =	smul.u32 $0x50000, s11  }
0x6: {  	s18 =	sadd.s32 $0x3800, s2;
	s20 =	sshll.u32 s11, $0x1;
	s13 =	smul.u32 $0xC000, s11  }
0x7: {  	s5 =	smul.u32 $0x140000, s0;
	_ =	strace $0x8000004D;
	s7 =	ssub.s32 $0x2, s0  }
0x8: {  	s8 =	sor.u32 s0, s20;
	s14 =	smul.u32 $0x6000, s0;
	p0 =	seq.s32 s0, $0x0  }
0x9: {  	s0 =	simm.s32 $0x60;
	s21 =	sshrl.u32 s19, $0x2;
	s22 =	sshrl.u32 s7, $0x1  }
0xa: {  	s9 =	smul.u32 $0x6000, s8;
	s0 =	simm.s32 @!p0 $0x3E;
	s5 =	sadd.s32 s6, s5  }
0xb: {  	s17 =	ssub.s32 s7, s22;
	s19 =	sadd.s32 s14, s13;
	s15 =	sshll.u32 s0, $0x5  }
0xc: {  	s14 =	sadd.s32 $0xFFFFFFFE, s0;
	s22 =	simm.s32 $0x100;
	s5 =	sshrl.u32 s5, $0x3  }
0xd: {  	s10 =	sshrl.u32 s9, $0x3;
	s16 =	sor.u32 $0x500, s19;
	s20 =	sadd.s32 $0xFFFFFFC0, s15  }
0xe: {  	s15 =	sadd.s32 $0xFFFFFFFC, s0;
	s17 =	smax.u32 s17, $0x1;
	s30 =	sor.u32 $0x400, s19  }
0xf: {  	s31 =	sor.u32 $0x600, s19;
	s19 =	sor.u32 $0x700, s19;
	s2 =	sadd.s32 s5, s2  }
0x10: {  	s5 =	sadd.s32 s21, s3;
	s10 =	sadd.s32 s18, s10;
	s16 =	sshrl.u32 s16, $0x3  }
0x11: {  	[dreg:$0x6] =	wrdreg s20;
	s0 =	sshrl.u32 s30, $0x3;
	s19 =	sshrl.u32 s19, $0x3  }
0x12: {  	s20 =	simm.s32 $0x400;
	s21 =	simm.s32 $0x5;
	s23 =	sadd.s32 $0x4000, s5  }
0x13: {  	s24 =	sadd.s32 $0x8000, s5;
	s25 =	sadd.s32 $0xC000, s5;
	s9 =	sadd.s32 $0x10000, s5  }
0x14: {  	s11 =	sadd.s32 $0x20, s10;
	s12 =	sadd.s32 $0x40, s10;
	[dreg:$0x7] =	wrdreg s23  }
0x15: {  	s13 =	sadd.s32 $0x60, s10;
	s26 =	sadd.s32 s16, s18;
	[dreg:$0x8] =	wrdreg s24  }
0x16: {  	s16 =	sadd.s32 $0x1B800, s2;
	s2 =	sshrl.u32 s31, $0x3;
	[dreg:$0x9] =	wrdreg s25  }
0x17: {  	s0 =	sadd.s32 s0, s18;
	s19 =	sadd.s32 s19, s18;
	[dreg:$0x5] =	wrdreg s26  }
0x18: {  	s2 =	sadd.s32 s2, s18;
	[dreg:$0x4] =	wrdreg s0;
	s19 =	sadd.s32 $0xFFFFFFC0, s19  }
0x19: {  	v0 =	vimm.f32 $0.0e+00;
	s23 =	simm.s32 $0x80;
	s24 =	simm.s32 $0x4400;
	s18 =	sadd.s32 $0xFFFFFFC0, s2  }
.LBB2_1:
0x1a: {  	s0 =	simm.s32 $0x0;
	s2 =	simm.s32 $0x200  }
.LBB2_2:
0x1b: {  	p0 =	sne.s32 s2, $0xFE00;
	[tilespmem:s0+$0x470] =	vst v0  }
0x1c: {  	[tilespmem:s0+$0x400] =	vst v0  }
0x1d: {  	[tilespmem:s0+$0x410] =	vst v0  }
.Ltmp0:
0x1e: {  	[tilespmem:s0+$0x420] =	vst v0;
	(pc) =	sbr.rel @p0 .LBB2_2-.Ltmp0, $4  }
0x1f: {  	[tilespmem:s0+$0x430] =	vst v0  }
0x20: {  	[tilespmem:s0+$0x440] =	vst v0  }
0x21: {  	[tilespmem:s0+$0x450] =	vst v0  }
0x22: {  	[tilespmem:s0+$0x460] =	vst v0;
	s0 =	sshra.s32 s2, $0x2;
	s2 =	sadd.s32 $0x200, s2  }
0x23: {  	[tilespmem:s0+$0x470] =	vst v0  }
0x24: {  	[tilespmem:s0+$0x400] =	vst v0  }
0x25: {  	[tilespmem:s0+$0x410] =	vst v0  }
0x26: {  	[tilespmem:s0+$0x420] =	vst v0  }
0x27: {  	[tilespmem:s0+$0x430] =	vst v0  }
0x28: {  	[tilespmem:s0+$0x440] =	vst v0  }
0x29: {  	[tilespmem:s0+$0x450] =	vst v0  }
0x2a: {  	[tilespmem:s0+$0x460] =	vst v0  }
0x2b: {  	[spmem:s5] =	stream.linear.scatter [tilespmem:s20], [sflag:$0x5], $0x4000, $0x38;
	[tilespmem:$0x1C400] =	vst v63  }
0x2c: {  	_ =	swait.ge [sflag:s21], $0x4000  }
0x2d: {  	[sflag:s21] =	ssyncset.done $0x0  }
0x2e: {  	s6 =	rddreg [dreg:$0x7];
	[sflag:s21] =	ssyncadd.s32 $0xFFFFC000  }
0x2f: {  	[spmem:s6] =	stream.linear.scatter [tilespmem:s20], [sflag:$0x5], $0x4000, $0x38;
	[tilespmem:$0x1C400] =	vst v63  }
0x30: {  	_ =	swait.ge [sflag:s21], $0x4000  }
0x31: {  	[sflag:s21] =	ssyncset.done $0x0  }
0x32: {  	s7 =	rddreg [dreg:$0x8];
	[sflag:s21] =	ssyncadd.s32 $0xFFFFC000  }
0x33: {  	[spmem:s7] =	stream.linear.scatter [tilespmem:s20], [sflag:$0x5], $0x4000, $0x38;
	[tilespmem:$0x1C400] =	vst v63  }
0x34: {  	_ =	swait.ge [sflag:s21], $0x4000  }
0x35: {  	[sflag:s21] =	ssyncset.done $0x0  }
0x36: {  	s8 =	rddreg [dreg:$0x9];
	[sflag:s21] =	ssyncadd.s32 $0xFFFFC000  }
0x37: {  	[spmem:s8] =	stream.linear.scatter [tilespmem:s20], [sflag:$0x5], $0x4000, $0x38;
	[tilespmem:$0x1C400] =	vst v63  }
0x38: {  	_ =	swait.ge [sflag:s21], $0x4000  }
0x39: {  	[sflag:s21] =	ssyncset.done $0x0  }
0x3a: {  	[sflag:s21] =	ssyncadd.s32 $0xFFFFC000  }
0x3b: {  	[spmem:s9] =	stream.linear.scatter [tilespmem:s20], [sflag:$0x5], $0x4000, $0x38;
	[tilespmem:$0x1C400] =	vst v63  }
0x3c: {  	_ =	swait.ge [sflag:s21], $0x4000  }
0x3d: {  	[sflag:s21] =	ssyncset.done $0x0  }
0x3e: {  	[sflag:s21] =	ssyncadd.s32 $0xFFFFC000  }
0x3f: {  	s30 =	simm.s32 $0x0;
	[bflag:$0x0] =	sbarrier.arrive $0xFFFF  }
0x40: {  	[tilespmem:s30], [sflag:$0x5] =	stream.linear.gather [hbm4b:s10+s30], $0x100, $0x38;
	[tilespmem:$0x1C400] =	vst v63  }
0x41: {  	_ =	swait.ge [sflag:s21], $0x100  }
0x42: {  	[sflag:s21] =	ssyncset.done $0x0  }
0x43: {  	[sflag:s21] =	ssyncadd.s32 $0xFFFFFF00  }
0x44: {  	[tilespmem:s22], [sflag:$0x5] =	stream.linear.gather [hbm4b:s11+s30], $0x100, $0x38;
	[tilespmem:$0x1C400] =	vst v63  }
0x45: {  	_ =	swait.ge [sflag:s21], $0x100  }
0x46: {  	[sflag:s21] =	ssyncset.done $0x0  }
0x47: {  	[sflag:s21] =	ssyncadd.s32 $0xFFFFFF00  }
0x48: {  	[tilespmem:s20], [sflag:$0x1] =	stream.indirect.gather [hbm4b:s1+s23], $0x80, s30, s23, $0xb8;
	[tilespmem:$0x1C400] =	vst v63  }
0x49: {  	_ = 	snop  }
0x4a: {  	[tilespmem:s24], [sflag:$0x2] =	stream.indirect.gather [hbm4b:s1+s23], $0x80, s22, s23, $0xb8;
	[tilespmem:$0x1C400] =	vst v63  }
0x4b: {  	s25 =	simm.s32 $0x200  }
0x4c: {  	[tilespmem:s25], [sflag:$0x3] =	stream.linear.gather [hbm4b:s12+s30], $0x100, $0x38;
	[tilespmem:$0x1C400] =	vst v63  }
0x4d: {  	s26 =	simm.s32 $0x300;
	s0 =	simm.s32 $0xC00;
	s31 =	simm.s32 $0x1  }
0x4e: {  	[tilespmem:s26], [sflag:$0x4] =	stream.linear.gather [hbm4b:s13+s30], $0x100, $0x38;
	[tilespmem:$0x1C400] =	vst v63  }
.LBB2_4:
0x4f: {  	s7 =	sadd.s32 $0xFFFFF400, s0  }
0x50: {  	s2 =	smov.u32 s0;
	_ =	swait.ge [sflag:s28], $0x4000;
	s0 =	sand.u32 $0x800, s7  }
0x51: {  	[sflag:s28] =	ssyncset.done $0x0;
	s25 =	sshrl.u32 s0, $0x2  }
0x52: {  	[sflag:s28] =	ssyncadd.s32 $0xFFFFC000;
	s26 =	sor.u32 $0x80, s25  }
0x53: {  	[spmem:s3] =	stream.indirect.scatter.add.f32 [tilespmem:s20], [sflag:$0x5], $0x80, s26, s23, $0xb8;
	[tilespmem:$0x1C400] =	vst v63  }
0x54: {  	s26 =	sadd.s32 $0xFFFFFFFF, s31;
	_ =	swait.ge [sflag:s21], $0x4000  }
0x55: {  	p0 =	sge.u32 s26, s14;
	[sflag:s21] =	ssyncset.done $0x0  }
0x56: {  	s6 =	simm.s32 @!p0 $0x3;
	[sflag:s21] =	ssyncadd.s32 $0xFFFFC000  }
0x57: {  	_ =	swait.ge @!p0 [sflag:s6], $0x100  }
0x58: {  	s0 =	sxor.u32 @!p0 $0x800, s0;
	s7 =	simm.s32 @!p0 $0x400;
	[sflag:s6] =	ssyncset.done @!p0 $0x0  }
0x59: {  	s0 =	sshrl.u32 @!p0 s0, $0x2;
	[sflag:s6] =	ssyncadd.s32 @!p0 $0xFFFFFF00;
	s6 =	simm.s32 @!p0 $0x80  }
0x5a: {  	[tilespmem:s7], [sflag:$0x1] =	stream.indirect.gather @!p0 [hbm4b:s1+s6], $0x80, s0, s6, $0xb8;
	[tilespmem:$0x1C400] =	vst v63  }
0x5b: {  	s8 =	rddreg [dreg:$0x4];
	p0 =	sge.u32 s26, s15  }
0x5c: {  	s0 =	sadd.s32 @!p0 s30, s8;
	s6 =	simm.s32 @!p0 $0x0;
	s8 =	sadd.s32 $0xFFFFF800, s2  }
0x5d: {  	[tilespmem:s25], [sflag:$0x3] =	stream.linear.gather @!p0 [hbm4b:s0+s6], $0x100, $0x38;
	[tilespmem:$0x1C400] =	vst v63  }
0x5e: {  	s0 =	sand.u32 $0xC00, s8;
	_ =	swait.ge [sflag:s29], $0x4000  }
0x5f: {  	s0 =	sshrl.u32 s0, $0x2;
	[sflag:s29] =	ssyncset.done $0x0  }
0x60: {  	s25 =	sor.u32 $0x80, s0;
	[sflag:s29] =	ssyncadd.s32 $0xFFFFC000  }
0x61: {  	[spmem:s3] =	stream.indirect.scatter.add.f32 [tilespmem:s24], [sflag:$0x5], $0x80, s25, s23, $0xb8;
	[tilespmem:$0x1C400] =	vst v63  }
0x62: {  	_ =	swait.ge [sflag:s21], $0x4000  }
0x63: {  	p0 =	sge.u32 s31, s14;
	[sflag:s21] =	ssyncset.done $0x0  }
0x64: {  	s6 =	simm.s32 @!p0 $0x4;
	[sflag:s21] =	ssyncadd.s32 $0xFFFFC000  }
0x65: {  	s7 =	sand.u32 @!p0 $0xC00, s2;
	_ =	swait.ge @!p0 [sflag:s6], $0x100  }
0x66: {  	s8 =	simm.s32 @!p0 $0x4400;
	[sflag:s6] =	ssyncset.done @!p0 $0x0;
	s25 =	rddreg [dreg:$0x5]  }
0x67: {  	[sflag:s6] =	ssyncadd.s32 @!p0 $0xFFFFFF00;
	s6 =	sshrl.u32 @!p0 s7, $0x2;
	s7 =	simm.s32 @!p0 $0x80  }
0x68: {  	[tilespmem:s8], [sflag:$0x2] =	stream.indirect.gather @!p0 [hbm4b:s1+s7], $0x80, s6, s7, $0xb8;
	[tilespmem:$0x1C400] =	vst v63  }
0x69: {  	s26 =	rddreg [dreg:$0x6];
	p0 =	sge.u32 s31, s15  }
0x6a: {  	s6 =	sadd.s32 @!p0 s30, s25;
	s7 =	simm.s32 @!p0 $0x0;
	s30 =	sadd.s32 $0x40, s30  }
0x6b: {  	[tilespmem:s0], [sflag:$0x4] =	stream.linear.gather @!p0 [hbm4b:s6+s7], $0x100, $0x38;
	[tilespmem:$0x1C400] =	vst v63  }
0x6c: {  	p0 =	sne.s32 s26, s30  }
.Ltmp1:
0x6d: {  	_ = 	snop;
	(pc) =	sbr.rel @p0 .LBB2_4-.Ltmp1, $2  }
0x6e: {  	_ =	sdelay $0x2  }
0x6f: {  	s31 =	sadd.s32 $0x2, s31;
	s0 =	sadd.s32 $0x800, s2  }
0x70: {  	s6 =	sadd.s32 $0xFFFFF400, s0  }
0x71: {  	_ =	swait.ge [sflag:s28], $0x4000;
	s6 =	sand.u32 $0x800, s6  }
0x72: {  	[sflag:s28] =	ssyncset.done $0x0;
	s7 =	sshrl.u32 s6, $0x2  }
0x73: {  	[sflag:s28] =	ssyncadd.s32 $0xFFFFC000;
	s8 =	sor.u32 $0x80, s7  }
0x74: {  	[spmem:s3] =	stream.indirect.scatter.add.f32 [tilespmem:s20], [sflag:$0x5], $0x80, s8, s23, $0xb8;
	[tilespmem:$0x1C400] =	vst v63  }
0x75: {  	s8 =	sadd.s32 $0xFFFFFFFF, s31;
	_ =	swait.ge [sflag:s21], $0x4000  }
0x76: {  	p0 =	sge.u32 s8, s14;
	[sflag:s21] =	ssyncset.done $0x0  }
0x77: {  	s25 =	simm.s32 @!p0 $0x3;
	[sflag:s21] =	ssyncadd.s32 $0xFFFFC000  }
0x78: {  	_ =	swait.ge @!p0 [sflag:s25], $0x100  }
0x79: {  	s6 =	sxor.u32 @!p0 $0x800, s6;
	s26 =	simm.s32 @!p0 $0x400;
	[sflag:s25] =	ssyncset.done @!p0 $0x0  }
0x7a: {  	s6 =	sshrl.u32 @!p0 s6, $0x2;
	[sflag:s25] =	ssyncadd.s32 @!p0 $0xFFFFFF00;
	s25 =	simm.s32 @!p0 $0x80  }
0x7b: {  	[tilespmem:s26], [sflag:$0x1] =	stream.indirect.gather @!p0 [hbm4b:s1+s25], $0x80, s6, s25, $0xb8;
	[tilespmem:$0x1C400] =	vst v63  }
0x7c: {  	p0 =	sge.u32 s8, s15  }
0x7d: {  	s6 =	sadd.s32 @!p0 s30, s18;
	s8 =	simm.s32 @!p0 $0x0  }
0x7e: {  	[tilespmem:s7], [sflag:$0x3] =	stream.linear.gather @!p0 [hbm4b:s6+s8], $0x100, $0x38;
	[tilespmem:$0x1C400] =	vst v63  }
0x7f: {  	s2 =	sshrl.u32 s2, $0x2;
	_ =	swait.ge [sflag:s29], $0x4000  }
0x80: {  	s2 =	sand.u32 $0x300, s2;
	[sflag:s29] =	ssyncset.done $0x0  }
0x81: {  	s26 =	sor.u32 $0x80, s2;
	[sflag:s29] =	ssyncadd.s32 $0xFFFFC000  }
0x82: {  	[spmem:s3] =	stream.indirect.scatter.add.f32 [tilespmem:s24], [sflag:$0x5], $0x80, s26, s23, $0xb8;
	[tilespmem:$0x1C400] =	vst v63  }
0x83: {  	_ =	swait.ge [sflag:s21], $0x4000  }
0x84: {  	p0 =	sge.u32 s31, s14;
	[sflag:s21] =	ssyncset.done $0x0  }
0x85: {  	s6 =	simm.s32 @!p0 $0x4;
	[sflag:s21] =	ssyncadd.s32 $0xFFFFC000  }
0x86: {  	_ =	swait.ge @!p0 [sflag:s6], $0x100  }
0x87: {  	s0 =	sand.u32 @!p0 $0xC00, s0;
	s7 =	simm.s32 @!p0 $0x4400;
	[sflag:s6] =	ssyncset.done @!p0 $0x0  }
0x88: {  	s0 =	sshrl.u32 @!p0 s0, $0x2;
	[sflag:s6] =	ssyncadd.s32 @!p0 $0xFFFFFF00;
	s6 =	simm.s32 @!p0 $0x80  }
0x89: {  	[tilespmem:s7], [sflag:$0x2] =	stream.indirect.gather @!p0 [hbm4b:s1+s6], $0x80, s0, s6, $0xb8;
	[tilespmem:$0x1C400] =	vst v63  }
0x8a: {  	s4 =	sadd.s32 $0x1, s4;
	p0 =	sge.u32 s31, s15  }
0x8b: {  	s0 =	sadd.s32 @!p0 s30, s19;
	s6 =	simm.s32 @!p0 $0x0;
	s30 =	stileid.u32  }
0x8c: {  	[tilespmem:s2], [sflag:$0x4] =	stream.linear.gather @!p0 [hbm4b:s0+s6], $0x100, $0x38;
	[tilespmem:$0x1C400] =	vst v63  }
0x8d: {  	s31 =	sshrl.u32 s5, $0x3;
	s0 =	sshll.u32 s30, $0x6;
	p0 =	sne.s32 s4, s17  }
.Ltmp2:
0x8e: {  	[bflag:$0x0] =	sbarrier.arrive $0xFFFF;
	s0 =	sor.u32 $0x1C05, s0;
	(pc) =	sbr.rel @p0 .LBB2_1-.Ltmp2, $4  }
0x8f: {  	[hbm:s16], [sflag:s0] =	dma.local [spmem:s31], $0x2800  }
0x90: {  	_ =	swait.ge [sflag:s21], $0x2800  }
0x91: {  	[sflag:s21] =	ssyncset.done $0x0  }
0x92: {  	[sflag:s21] =	ssyncadd.s32 $0xFFFFD800  }
0x93: {  	_ =	sfence.sel $0x180000  }
0x94: {  	[bflag:$0x0] =	sbarrier.arrive $0xFFFF  }
0x95: {  	_ =	strace $0x9000004D  }
0x96: {  	s0 =	stileid.u32;
	[bflag:$0x2] =	sbarrier.arrive $0xFFFF  }
0x97: {  	p0 =	sne.s32 s0, $0x0;
	s0 =	rddreg [dreg:$0x3]  }
0x98: {  	s0 =	sadd.s32 @!p0 $0x100000, s0  }
0x99: {  	[sflag:s0] =	ssyncadd.tile.s32 @!p0 $0x1;
	_ =	shalt  }
.Lfunc_end2:
_tile_overlayer_lowered:
.L_overlay_start_2:
0x9a: {  	(tag) =	ssettag $0x2  }
0x9b: {  	s0 =	rddreg [dreg:$0x0];
	s2 =	stileid.u32  }
0x9c: {  	s1 =	rddreg [dreg:$0x1];
	p0 =	sne.s32 s2, $0x0  }
0x9d: {  	s3 =	rddreg [dreg:$0x2];
	[bflag:$0x3] =	sbarrier.arrive $0xFFFF;
	s2 =	simm.s32 @!p0 $0x1C05  }
0x9e: {  	[timem:s3], [sflag:s2] =	dma.local @!p0 [hbm:s0], s1  }
0x9f: {  	s0 =	simm.s32 @!p0 $0x5  }
0xa0: {  	_ =	swait.ge @!p0 [sflag:s0], s1  }
0xa1: {  	s1 =	ssub.s32 @!p0 $0x0, s1;
	[sflag:s0] =	ssyncset.done @!p0 $0x0  }
0xa2: {  	[sflag:s0] =	ssyncadd.s32 @!p0 s1  }
0xa3: {  	[bflag:$0x3] =	sbarrier.arrive $0xFFFF  }
0xa4: {  	_ =	shalt  }

// kernel: kernel.19.cloned.1.call-start
scs
__scs_entry_jumppad:
0x0: {  	(pc) =	sbr.rel $0x88, $3  }
0x1: {  	(tag) =	ssettag $0x0;
	lr =	simm.s32 $0x1  }
0x2: {  	[smem:$0x3F99] =	sst lr;
	_ =	strace $0xD0000000  }
0x3: {  	_ = 	snop  }
0x4: {  	_ = 	snop  }
0x5: {  	_ = 	snop  }
0x6: {  	_ = 	snop  }
0x7: {  	_ = 	snop  }
__scs_overlays_trampoline_lowered:
0x8: {  	[smem:$0x3FA8] =	sst s0  }
0x9: {  	[smem:$0x3FA9] =	sst s1  }
0xa: {  	[smem:$0x3FAA] =	sst s2  }
0xb: {  	[smem:$0x3FAB] =	sst s3  }
0xc: {  	[smem:$0x3FAC] =	sst s4  }
0xd: {  	[smem:$0x3FAD] =	sst s5  }
0xe: {  	[smem:$0x3FAE] =	sst s6  }
0xf: {  	[smem:$0x3FAF] =	sst s7  }
0x10: {  	[smem:$0x3FB0] =	sst s8  }
0x11: {  	[smem:$0x3FB1] =	sst s9;
	s0 =	simm.s32 @!p0 $0x0  }
0x12: {  	s1 =	sld [smem:$0x3F97];
	s0 =	simm.s32 @p0 $0x1  }
0x13: {  	[smem:$0x3FB2] =	sst s0;
	s0 =	simm.s32 @!p1 $0x0  }
0x14: {  	s2 =	sld [smem:$0x3F96];
	s0 =	simm.s32 @p1 $0x1  }
0x15: {  	[smem:$0x3FB3] =	sst s0;
	s0 =	simm.s32 @!p2 $0x0  }
0x16: {  	s3 =	sld [smem:$0x3FDB];
	s0 =	simm.s32 @p2 $0x1  }
0x17: {  	s4 =	simm.s32 $0x1BF5;
	[smem:$0x3FB5] =	sst s0  }
0x18: {  	s0 =	sld [smem:$0x3F98];
	_ =	swait.ge [sflag:s4], $0x0  }
0x19: {  	s7 =	sld [smem:$0x3F99]  }
0x1a: {  	s8 =	sadd.s32 $0xFFFFE003, lr  }
0x1b: {  	s9 =	sadd.s32 $0xFFFFFEF7, lr;
	s5 =	simm.s32 $0xFFFFFFFF;
	p2 =	slt.u32 s8, $0xFFFFF086  }
0x1c: {  	p1 =	slt.u32 s9, $0xF7A;
	s5 =	simm.s32 @!p2 $0x0  }
0x1d: {  	s5 =	simm.s32 @p1 $0x1;
	p0 =	seq.s32 s7, s2  }
0x1e: {  	s7 =	smul.u32 @!p0 $0xF7A, s2;
	p2 =	seq.s32 @!p0 s5, $0x0  }
0x1f: {  	s9 =	smul.u32 $0xF7A, s1;
	s8 =	simm.s32 @!p0 $0x1BF5;
	p2 =	por !p2, p0  }
0x20: {  	[sflag:s8] =	ssyncset.s32 @!p0 $0xFFFFF086;
	s6 =	sadd.s32 @!p0 s3, s7;
	s7 =	simm.s32 @!p0 $0x108  }
0x21: {  	s3 =	sadd.s32 s3, s9;
	s6 =	sadd.s32 @!p0 $0x88, s6;
	s7 =	simm.s32 @p2 $0x1082  }
0x22: {  	[simem:s7], [sflag:s8] =	dma.local @!p0 [hbm:s6], $0xF7A  }
0x23: {  	s9 =	sor.u32 $0xD0000000, s2;
	s6 =	simm.s32 $0x108;
	_ =	swait.ge @!p0 [sflag:s8], $0x0  }
0x24: {  	s3 =	sadd.s32 $0x88, s3;
	s6 =	simm.s32 @!p1 $0x1082;
	[sflag:s4] =	ssyncset.s32 $0xFFFFF086  }
0x25: {  	[simem:s6], [sflag:s4] =	dma.local [hbm:s3], $0xF7A  }
0x26: {  	[smem:$0x3F99] =	sst s1;
	(tag) =	ssettag s2;
	_ =	strace s9  }
0x27: {  	s1 =	sld [smem:$0x3FA9]  }
0x28: {  	s2 =	sld [smem:$0x3FAA]  }
0x29: {  	s4 =	sld [smem:$0x3FAC]  }
0x2a: {  	p0 =	seq.s32 s5, $0x0;
	s5 =	sld [smem:$0x3FAD]  }
0x2b: {  	s6 =	sld [smem:$0x3FAE]  }
0x2c: {  	s7 =	sld [smem:$0x3FAF]  }
0x2d: {  	s3 =	simm.s32 $0x108;
	s8 =	sld [smem:$0x3FB0]  }
0x2e: {  	s3 =	simm.s32 @!p0 $0x1082;
	s9 =	sld [smem:$0x3FB1]  }
0x2f: {  	lr =	sadd.s32 s0, s3;
	s0 =	sld [smem:$0x3FA8]  }
0x30: {  	s3 =	sld [smem:$0x3FAB]  }
0x31: {  	[smem:$0x3FB4] =	sst s10  }
0x32: {  	s10 =	sld [smem:$0x3FB2];
	_ =	sdelay $0x3  }
0x33: {  	p0 =	seq.s32 s10, $0x1;
	s10 =	sld [smem:$0x3FB4];
	_ =	sdelay $0x3  }
0x34: {  	[smem:$0x3FB4] =	sst s10  }
0x35: {  	s10 =	sld [smem:$0x3FB3];
	_ =	sdelay $0x3  }
0x36: {  	p1 =	seq.s32 s10, $0x1;
	s10 =	sld [smem:$0x3FB4];
	_ =	sdelay $0x3  }
0x37: {  	[smem:$0x3FB4] =	sst s10  }
0x38: {  	s10 =	sld [smem:$0x3FB5]  }
0x39: {  	_ = 	snop;
	(pc) =	sbr.ind lr, $3  }
0x3a: {  	_ = 	snop  }
0x3b: {  	_ = 	snop  }
0x3c: {  	p2 =	seq.s32 s10, $0x1;
	s10 =	sld [smem:$0x3FB4]  }
0x3d: {  	_ =	shalt  }
0x3e: {  	_ =	shalt  }
0x3f: {  	_ =	shalt  }
0x40: {  	_ =	shalt  }
0x41: {  	_ =	shalt  }
0x42: {  	_ =	shalt  }
0x43: {  	_ =	shalt  }
0x44: {  	_ =	shalt  }
0x45: {  	_ =	shalt  }
0x46: {  	_ =	shalt  }
0x47: {  	_ =	shalt  }
0x48: {  	_ =	shalt  }
0x49: {  	_ =	shalt  }
0x4a: {  	_ =	shalt  }
0x4b: {  	_ =	shalt  }
0x4c: {  	_ =	shalt  }
0x4d: {  	_ =	shalt  }
0x4e: {  	_ =	shalt  }
0x4f: {  	_ =	shalt  }
0x50: {  	_ =	shalt  }
0x51: {  	_ =	shalt  }
0x52: {  	_ =	shalt  }
0x53: {  	_ =	shalt  }
0x54: {  	_ =	shalt  }
0x55: {  	_ =	shalt  }
0x56: {  	_ =	shalt  }
0x57: {  	_ =	shalt  }
0x58: {  	_ =	shalt  }
0x59: {  	_ =	shalt  }
0x5a: {  	_ =	shalt  }
0x5b: {  	_ =	shalt  }
0x5c: {  	_ =	shalt  }
0x5d: {  	_ =	shalt  }
0x5e: {  	_ =	shalt  }
0x5f: {  	_ =	shalt  }
0x60: {  	_ =	shalt  }
0x61: {  	_ =	shalt  }
0x62: {  	_ =	shalt  }
0x63: {  	_ =	shalt  }
0x64: {  	_ =	shalt  }
0x65: {  	_ =	shalt  }
0x66: {  	_ =	shalt  }
0x67: {  	_ =	shalt  }
0x68: {  	_ =	shalt  }
0x69: {  	_ =	shalt  }
0x6a: {  	_ =	shalt  }
0x6b: {  	_ =	shalt  }
0x6c: {  	_ =	shalt  }
0x6d: {  	_ =	shalt  }
0x6e: {  	_ =	shalt  }
0x6f: {  	_ =	shalt  }
0x70: {  	_ =	shalt  }
0x71: {  	_ =	shalt  }
0x72: {  	_ =	shalt  }
0x73: {  	_ =	shalt  }
0x74: {  	_ =	shalt  }
0x75: {  	_ =	shalt  }
0x76: {  	_ =	shalt  }
0x77: {  	_ =	shalt  }
0x78: {  	_ =	shalt  }
0x79: {  	_ =	shalt  }
0x7a: {  	_ =	shalt  }
0x7b: {  	_ =	shalt  }
0x7c: {  	_ =	shalt  }
0x7d: {  	_ =	shalt  }
0x7e: {  	_ =	shalt  }
0x7f: {  	_ =	shalt  }
0x80: {  	_ =	shalt  }
0x81: {  	_ =	shalt  }
0x82: {  	_ =	shalt  }
0x83: {  	_ =	shalt  }
0x84: {  	_ =	shalt  }
0x85: {  	_ =	shalt  }
0x86: {  	_ =	shalt  }
0x87: {  	_ =	shalt  }
.Lfunc_end0:
.L_simem_size_0:
called_computation.3_lowered:
.L_overlay_start_0:
0x88: {  	s2 =	sld [smem:$0x3FD9]  }
0x89: {  	s3 =	sld [smem:$0x3FFE];
	_ =	sdelay $0x1  }
0x8a: {  	s1 =	srdreg.scid  }
0x8b: {  	s0 =	sand.u32 $0x1, s1  }
0x8c: {  	s17 =	sshll.u32 s0, $0xA;
	s2 =	sadd.s32 s3, s2  }
0x8d: {  	s2 =	sadd.s32 s2, s17  }
0x8e: {  	[smem:$0x3FC0] =	sst s2  }
0x8f: {  	_ = 	snop  }
0x90: {  	s2 =	sld [smem:$0x3FD0];
	(tm) =	ssettm $0x1  }
0x91: {  	s18 =	sld [smem:$0x3FFB];
	_ =	sdelay $0x3  }
0x92: {  	_ =	strace s18  }
0x93: {  	s3 =	sld [smem:$0x3FFC];
	_ =	sdelay $0x3  }
0x94: {  	_ =	strace s3  }
0x95: {  	s3 =	sld [smem:$0x3FFD];
	_ =	sdelay $0x3  }
0x96: {  	_ =	strace s3  }
0x97: {  	_ =	strace $0x8FFFFFFF  }
0x98: {  	s19 =	sld [smem:$0x3FDB];
	_ =	sdelay $0x1  }
0x99: {  	s4 =	simm.s32 $_scs_section_size  }
0x9a: {  	s5 =	simm.s32 $_size__tile_overlayer_lowered;
	s6 =	simm.s32 $_tile_overlayer_lowered  }
0x9b: {  	s22 =	simm.s32 $0x1BFF;
	s21 =	sshll.u32 s6, $0x1;
	s3 =	sadd.s32 s4, s19  }
0x9c: {  	s7 =	simm.s32 $0x0;
	s20 =	sshll.u32 s5, $0x1;
	s5 =	sadd.s32 s21, s3  }
0x9d: {  	[timem:s7], [sflag:s22] =	dma.local [hbm:s5], s20  }
0x9e: {  	_ =	swait.ge [sflag:s22], s20  }
0x9f: {  	s4 =	ssub.s32 $0x0, s20;
	[sflag:s22] =	ssyncset.done $0x0  }
0xa0: {  	[sflag:s22] =	ssyncadd.s32 s4;
	_ =	sdelay $0x1  }
0xa1: {  	s23 =	simm.s32 $0x1B8B  }
0xa2: {  	_ =	swait.ge [sflag:s23], $0x1  }
0xa3: {  	[sflag:s23] =	ssyncset.done $0x0  }
0xa4: {  	s25 =	simm.s32 $0x1B8E;
	s24 =	sld [smem:$0x3FFE];
	[sflag:s23] =	ssyncadd.s32 $0xFFFFFFFF  }
0xa5: {  	s26 =	simm.s32 $execute0_lowered;
	[smem:$0x3FD2] =	sst s25  }
0xa6: {  	s5 =	sshll.u32 s26, $0x1;
	_ =	strace $0x8000004F;
	[dreg:$0x1] =	wrdreg $0xFFFFFFFF  }
0xa7: {  	s28 =	simm.s32 $_size_execute0_lowered;
	s3 =	sadd.s32 s3, s5;
	[dreg:$0x0] =	wrdreg $0x0  }
0xa8: {  	s5 =	sshll.u32 s28, $0x1;
	[dreg:$0x2] =	wrdreg s3  }
0xa9: {  	[dreg:$0x3] =	wrdreg s5  }
0xaa: {  	[dreg:$0x4] =	wrdreg $0xC0  }
0xab: {  	_ =	task [dreg:s7], $0x5FFFF  }
0xac: {  	[dreg:$0x1] =	wrdreg $0xFFFFFFFF  }
0xad: {  	[dreg:$0x0] =	wrdreg $0x60  }
0xae: {  	[dreg:$0x2] =	wrdreg s2  }
0xaf: {  	[dreg:$0x3] =	wrdreg s24  }
0xb0: {  	[dreg:$0x4] =	wrdreg $0x84000  }
0xb1: {  	[dreg:$0x5] =	wrdreg $0x9  }
0xb2: {  	_ =	task.clear_ibuf [dreg:s7], $0x6FFFF;
	_ =	strace $0x9000004F  }
0xb3: {  	s29 =	simm.s32 $0x9;
	_ =	strace $0x80000051  }
0xb4: {  	_ =	swait.ge [sflag:s29], $0x1  }
0xb5: {  	[sflag:s29] =	ssyncadd.s32 $0xFFFFFFFF  }
0xb6: {  	_ =	strace $0x90000051  }
0xb7: {  	_ =	sfence  }
0xb8: {  	s30 =	sld [smem:$0x0];
	_ =	sdelay $0x2  }
0xb9: {  	s31 =	sshll.u32 s1, $0xD;
	s1 =	sshrl.u32 s1, $0x2  }
0xba: {  	s3 =	sand.u32 $0x4000, s31;
	s1 =	sadd.s32 s1, s30  }
0xbb: {  	s0 =	sor.u32 s3, s0;
	s1 =	sshll.u32 s1, $0x11  }
0xbc: {  	s0 =	sor.u32 s1, s0  }
0xbd: {  	s0 =	sadd.s32 $0x8F2B, s0  }
0xbe: {  	[sflag:s0] =	ssyncadd.remote.s32 $0x1  }
0xbf: {  	_ =	sfence.sel $0xFFFF  }
0xc0: {  	[dreg:$0x0] =	wrdreg $0xFFFFFFFF;
	(pc) =	sbr.abs _section_cstart, $3  }
0xc1: {  	[dreg:$0x1] =	wrdreg $0xFFFFFFFF  }
0xc2: {  	_ =	task.clear_ibuf [dreg:s7], $0x2FFFF;
	_ =	strace $0x9FFFFFFF  }
0xc3: {  	(tm) =	ssettm $0x7FFFFFFF  }
tec
execute0_lowered:
.L_overlay_start_1:
0x0: {  	(tag) =	ssettag $0x1  }
0x1: {  	s1 =	rddreg [dreg:$0x0]  }
0x2: {  	s0 =	srdreg.scid;
	s2 =	rddreg [dreg:$0x1]  }
0x3: {  	s11 =	stileid.u32;
	s3 =	rddreg [dreg:$0x2];
	s4 =	simm.s32 $0x0  }
0x4: {  	s28 =	simm.s32 $0x1;
	s29 =	simm.s32 $0x2;
	s6 =	smul.u32 $0x14000, s11  }
0x5: {  	s0 =	sand.u32 $0x1, s0;
	[smem:$0x7FF] =	sst s4;
	s19 =	smul.u32 $0x50000, s11  }
0x6: {  	s18 =	sadd.s32 $0x3800, s2;
	s20 =	sshll.u32 s11, $0x1;
	s13 =	smul.u32 $0xC000, s11  }
0x7: {  	s5 =	smul.u32 $0x140000, s0;
	_ =	strace $0x80000050;
	s7 =	ssub.s32 $0x2, s0  }
0x8: {  	s8 =	sor.u32 s0, s20;
	s14 =	smul.u32 $0x6000, s0;
	p0 =	seq.s32 s0, $0x0  }
0x9: {  	s0 =	simm.s32 $0x60;
	s21 =	sshrl.u32 s19, $0x2;
	s22 =	sshrl.u32 s7, $0x1  }
0xa: {  	s9 =	smul.u32 $0x6000, s8;
	s0 =	simm.s32 @!p0 $0x3E;
	s5 =	sadd.s32 s6, s5  }
0xb: {  	s17 =	ssub.s32 s7, s22;
	s19 =	sadd.s32 s14, s13;
	s15 =	sshll.u32 s0, $0x5  }
0xc: {  	s14 =	sadd.s32 $0xFFFFFFFE, s0;
	s22 =	simm.s32 $0x100;
	s5 =	sshrl.u32 s5, $0x3  }
0xd: {  	s10 =	sshrl.u32 s9, $0x3;
	s16 =	sor.u32 $0x500, s19;
	s20 =	sadd.s32 $0xFFFFFFC0, s15  }
0xe: {  	s15 =	sadd.s32 $0xFFFFFFFC, s0;
	s17 =	smax.u32 s17, $0x1;
	s30 =	sor.u32 $0x400, s19  }
0xf: {  	s31 =	sor.u32 $0x600, s19;
	s19 =	sor.u32 $0x700, s19;
	s2 =	sadd.s32 s5, s2  }
0x10: {  	s5 =	sadd.s32 s21, s3;
	s10 =	sadd.s32 s18, s10;
	s16 =	sshrl.u32 s16, $0x3  }
0x11: {  	[dreg:$0x6] =	wrdreg s20;
	s0 =	sshrl.u32 s30, $0x3;
	s19 =	sshrl.u32 s19, $0x3  }
0x12: {  	s20 =	simm.s32 $0x400;
	s21 =	simm.s32 $0x5;
	s23 =	sadd.s32 $0x4000, s5  }
0x13: {  	s24 =	sadd.s32 $0x8000, s5;
	s25 =	sadd.s32 $0xC000, s5;
	s9 =	sadd.s32 $0x10000, s5  }
0x14: {  	s11 =	sadd.s32 $0x20, s10;
	s12 =	sadd.s32 $0x40, s10;
	[dreg:$0x7] =	wrdreg s23  }
0x15: {  	s13 =	sadd.s32 $0x60, s10;
	s26 =	sadd.s32 s16, s18;
	[dreg:$0x8] =	wrdreg s24  }
0x16: {  	s16 =	sadd.s32 $0x1B800, s2;
	s2 =	sshrl.u32 s31, $0x3;
	[dreg:$0x9] =	wrdreg s25  }
0x17: {  	s0 =	sadd.s32 s0, s18;
	s19 =	sadd.s32 s19, s18;
	[dreg:$0x5] =	wrdreg s26  }
0x18: {  	s2 =	sadd.s32 s2, s18;
	[dreg:$0x4] =	wrdreg s0;
	s19 =	sadd.s32 $0xFFFFFFC0, s19  }
0x19: {  	v0 =	vimm.f32 $0.0e+00;
	s23 =	simm.s32 $0x80;
	s24 =	simm.s32 $0x4400;
	s18 =	sadd.s32 $0xFFFFFFC0, s2  }
.LBB2_1:
0x1a: {  	s0 =	simm.s32 $0x0;
	s2 =	simm.s32 $0x200  }
.LBB2_2:
0x1b: {  	p0 =	sne.s32 s2, $0xFE00;
	[tilespmem:s0+$0x470] =	vst v0  }
0x1c: {  	[tilespmem:s0+$0x400] =	vst v0  }
0x1d: {  	[tilespmem:s0+$0x410] =	vst v0  }
.Ltmp0:
0x1e: {  	[tilespmem:s0+$0x420] =	vst v0;
	(pc) =	sbr.rel @p0 .LBB2_2-.Ltmp0, $4  }
0x1f: {  	[tilespmem:s0+$0x430] =	vst v0  }
0x20: {  	[tilespmem:s0+$0x440] =	vst v0  }
0x21: {  	[tilespmem:s0+$0x450] =	vst v0  }
0x22: {  	[tilespmem:s0+$0x460] =	vst v0;
	s0 =	sshra.s32 s2, $0x2;
	s2 =	sadd.s32 $0x200, s2  }
0x23: {  	[tilespmem:s0+$0x470] =	vst v0  }
0x24: {  	[tilespmem:s0+$0x400] =	vst v0  }
0x25: {  	[tilespmem:s0+$0x410] =	vst v0  }
0x26: {  	[tilespmem:s0+$0x420] =	vst v0  }
0x27: {  	[tilespmem:s0+$0x430] =	vst v0  }
0x28: {  	[tilespmem:s0+$0x440] =	vst v0  }
0x29: {  	[tilespmem:s0+$0x450] =	vst v0  }
0x2a: {  	[tilespmem:s0+$0x460] =	vst v0  }
0x2b: {  	[spmem:s5] =	stream.linear.scatter [tilespmem:s20], [sflag:$0x5], $0x4000, $0x38;
	[tilespmem:$0x1C400] =	vst v63  }
0x2c: {  	_ =	swait.ge [sflag:s21], $0x4000  }
0x2d: {  	[sflag:s21] =	ssyncset.done $0x0  }
0x2e: {  	s6 =	rddreg [dreg:$0x7];
	[sflag:s21] =	ssyncadd.s32 $0xFFFFC000  }
0x2f: {  	[spmem:s6] =	stream.linear.scatter [tilespmem:s20], [sflag:$0x5], $0x4000, $0x38;
	[tilespmem:$0x1C400] =	vst v63  }
0x30: {  	_ =	swait.ge [sflag:s21], $0x4000  }
0x31: {  	[sflag:s21] =	ssyncset.done $0x0  }
0x32: {  	s7 =	rddreg [dreg:$0x8];
	[sflag:s21] =	ssyncadd.s32 $0xFFFFC000  }
0x33: {  	[spmem:s7] =	stream.linear.scatter [tilespmem:s20], [sflag:$0x5], $0x4000, $0x38;
	[tilespmem:$0x1C400] =	vst v63  }
0x34: {  	_ =	swait.ge [sflag:s21], $0x4000  }
0x35: {  	[sflag:s21] =	ssyncset.done $0x0  }
0x36: {  	s8 =	rddreg [dreg:$0x9];
	[sflag:s21] =	ssyncadd.s32 $0xFFFFC000  }
0x37: {  	[spmem:s8] =	stream.linear.scatter [tilespmem:s20], [sflag:$0x5], $0x4000, $0x38;
	[tilespmem:$0x1C400] =	vst v63  }
0x38: {  	_ =	swait.ge [sflag:s21], $0x4000  }
0x39: {  	[sflag:s21] =	ssyncset.done $0x0  }
0x3a: {  	[sflag:s21] =	ssyncadd.s32 $0xFFFFC000  }
0x3b: {  	[spmem:s9] =	stream.linear.scatter [tilespmem:s20], [sflag:$0x5], $0x4000, $0x38;
	[tilespmem:$0x1C400] =	vst v63  }
0x3c: {  	_ =	swait.ge [sflag:s21], $0x4000  }
0x3d: {  	[sflag:s21] =	ssyncset.done $0x0  }
0x3e: {  	[sflag:s21] =	ssyncadd.s32 $0xFFFFC000  }
0x3f: {  	s30 =	simm.s32 $0x0;
	[bflag:$0x0] =	sbarrier.arrive $0xFFFF  }
0x40: {  	[tilespmem:s30], [sflag:$0x5] =	stream.linear.gather [hbm4b:s10+s30], $0x100, $0x38;
	[tilespmem:$0x1C400] =	vst v63  }
0x41: {  	_ =	swait.ge [sflag:s21], $0x100  }
0x42: {  	[sflag:s21] =	ssyncset.done $0x0  }
0x43: {  	[sflag:s21] =	ssyncadd.s32 $0xFFFFFF00  }
0x44: {  	[tilespmem:s22], [sflag:$0x5] =	stream.linear.gather [hbm4b:s11+s30], $0x100, $0x38;
	[tilespmem:$0x1C400] =	vst v63  }
0x45: {  	_ =	swait.ge [sflag:s21], $0x100  }
0x46: {  	[sflag:s21] =	ssyncset.done $0x0  }
0x47: {  	[sflag:s21] =	ssyncadd.s32 $0xFFFFFF00  }
0x48: {  	[tilespmem:s20], [sflag:$0x1] =	stream.indirect.gather [hbm4b:s1+s23], $0x80, s30, s23, $0xb8;
	[tilespmem:$0x1C400] =	vst v63  }
0x49: {  	_ = 	snop  }
0x4a: {  	[tilespmem:s24], [sflag:$0x2] =	stream.indirect.gather [hbm4b:s1+s23], $0x80, s22, s23, $0xb8;
	[tilespmem:$0x1C400] =	vst v63  }
0x4b: {  	s25 =	simm.s32 $0x200  }
0x4c: {  	[tilespmem:s25], [sflag:$0x3] =	stream.linear.gather [hbm4b:s12+s30], $0x100, $0x38;
	[tilespmem:$0x1C400] =	vst v63  }
0x4d: {  	s26 =	simm.s32 $0x300;
	s0 =	simm.s32 $0xC00;
	s31 =	simm.s32 $0x1  }
0x4e: {  	[tilespmem:s26], [sflag:$0x4] =	stream.linear.gather [hbm4b:s13+s30], $0x100, $0x38;
	[tilespmem:$0x1C400] =	vst v63  }
.LBB2_4:
0x4f: {  	s7 =	sadd.s32 $0xFFFFF400, s0  }
0x50: {  	s2 =	smov.u32 s0;
	_ =	swait.ge [sflag:s28], $0x4000;
	s0 =	sand.u32 $0x800, s7  }
0x51: {  	[sflag:s28] =	ssyncset.done $0x0;
	s25 =	sshrl.u32 s0, $0x2  }
0x52: {  	[sflag:s28] =	ssyncadd.s32 $0xFFFFC000;
	s26 =	sor.u32 $0x80, s25  }
0x53: {  	[spmem:s3] =	stream.indirect.scatter.add.f32 [tilespmem:s20], [sflag:$0x5], $0x80, s26, s23, $0xb8;
	[tilespmem:$0x1C400] =	vst v63  }
0x54: {  	s26 =	sadd.s32 $0xFFFFFFFF, s31;
	_ =	swait.ge [sflag:s21], $0x4000  }
0x55: {  	p0 =	sge.u32 s26, s14;
	[sflag:s21] =	ssyncset.done $0x0  }
0x56: {  	s6 =	simm.s32 @!p0 $0x3;
	[sflag:s21] =	ssyncadd.s32 $0xFFFFC000  }
0x57: {  	_ =	swait.ge @!p0 [sflag:s6], $0x100  }
0x58: {  	s0 =	sxor.u32 @!p0 $0x800, s0;
	s7 =	simm.s32 @!p0 $0x400;
	[sflag:s6] =	ssyncset.done @!p0 $0x0  }
0x59: {  	s0 =	sshrl.u32 @!p0 s0, $0x2;
	[sflag:s6] =	ssyncadd.s32 @!p0 $0xFFFFFF00;
	s6 =	simm.s32 @!p0 $0x80  }
0x5a: {  	[tilespmem:s7], [sflag:$0x1] =	stream.indirect.gather @!p0 [hbm4b:s1+s6], $0x80, s0, s6, $0xb8;
	[tilespmem:$0x1C400] =	vst v63  }
0x5b: {  	s8 =	rddreg [dreg:$0x4];
	p0 =	sge.u32 s26, s15  }
0x5c: {  	s0 =	sadd.s32 @!p0 s30, s8;
	s6 =	simm.s32 @!p0 $0x0;
	s8 =	sadd.s32 $0xFFFFF800, s2  }
0x5d: {  	[tilespmem:s25], [sflag:$0x3] =	stream.linear.gather @!p0 [hbm4b:s0+s6], $0x100, $0x38;
	[tilespmem:$0x1C400] =	vst v63  }
0x5e: {  	s0 =	sand.u32 $0xC00, s8;
	_ =	swait.ge [sflag:s29], $0x4000  }
0x5f: {  	s0 =	sshrl.u32 s0, $0x2;
	[sflag:s29] =	ssyncset.done $0x0  }
0x60: {  	s25 =	sor.u32 $0x80, s0;
	[sflag:s29] =	ssyncadd.s32 $0xFFFFC000  }
0x61: {  	[spmem:s3] =	stream.indirect.scatter.add.f32 [tilespmem:s24], [sflag:$0x5], $0x80, s25, s23, $0xb8;
	[tilespmem:$0x1C400] =	vst v63  }
0x62: {  	_ =	swait.ge [sflag:s21], $0x4000  }
0x63: {  	p0 =	sge.u32 s31, s14;
	[sflag:s21] =	ssyncset.done $0x0  }
0x64: {  	s6 =	simm.s32 @!p0 $0x4;
	[sflag:s21] =	ssyncadd.s32 $0xFFFFC000  }
0x65: {  	s7 =	sand.u32 @!p0 $0xC00, s2;
	_ =	swait.ge @!p0 [sflag:s6], $0x100  }
0x66: {  	s8 =	simm.s32 @!p0 $0x4400;
	[sflag:s6] =	ssyncset.done @!p0 $0x0;
	s25 =	rddreg [dreg:$0x5]  }
0x67: {  	[sflag:s6] =	ssyncadd.s32 @!p0 $0xFFFFFF00;
	s6 =	sshrl.u32 @!p0 s7, $0x2;
	s7 =	simm.s32 @!p0 $0x80  }
0x68: {  	[tilespmem:s8], [sflag:$0x2] =	stream.indirect.gather @!p0 [hbm4b:s1+s7], $0x80, s6, s7, $0xb8;
	[tilespmem:$0x1C400] =	vst v63  }
0x69: {  	s26 =	rddreg [dreg:$0x6];
	p0 =	sge.u32 s31, s15  }
0x6a: {  	s6 =	sadd.s32 @!p0 s30, s25;
	s7 =	simm.s32 @!p0 $0x0;
	s30 =	sadd.s32 $0x40, s30  }
0x6b: {  	[tilespmem:s0], [sflag:$0x4] =	stream.linear.gather @!p0 [hbm4b:s6+s7], $0x100, $0x38;
	[tilespmem:$0x1C400] =	vst v63  }
0x6c: {  	p0 =	sne.s32 s26, s30  }
.Ltmp1:
0x6d: {  	_ = 	snop;
	(pc) =	sbr.rel @p0 .LBB2_4-.Ltmp1, $2  }
0x6e: {  	_ =	sdelay $0x2  }
0x6f: {  	s31 =	sadd.s32 $0x2, s31;
	s0 =	sadd.s32 $0x800, s2  }
0x70: {  	s6 =	sadd.s32 $0xFFFFF400, s0  }
0x71: {  	_ =	swait.ge [sflag:s28], $0x4000;
	s6 =	sand.u32 $0x800, s6  }
0x72: {  	[sflag:s28] =	ssyncset.done $0x0;
	s7 =	sshrl.u32 s6, $0x2  }
0x73: {  	[sflag:s28] =	ssyncadd.s32 $0xFFFFC000;
	s8 =	sor.u32 $0x80, s7  }
0x74: {  	[spmem:s3] =	stream.indirect.scatter.add.f32 [tilespmem:s20], [sflag:$0x5], $0x80, s8, s23, $0xb8;
	[tilespmem:$0x1C400] =	vst v63  }
0x75: {  	s8 =	sadd.s32 $0xFFFFFFFF, s31;
	_ =	swait.ge [sflag:s21], $0x4000  }
0x76: {  	p0 =	sge.u32 s8, s14;
	[sflag:s21] =	ssyncset.done $0x0  }
0x77: {  	s25 =	simm.s32 @!p0 $0x3;
	[sflag:s21] =	ssyncadd.s32 $0xFFFFC000  }
0x78: {  	_ =	swait.ge @!p0 [sflag:s25], $0x100  }
0x79: {  	s6 =	sxor.u32 @!p0 $0x800, s6;
	s26 =	simm.s32 @!p0 $0x400;
	[sflag:s25] =	ssyncset.done @!p0 $0x0  }
0x7a: {  	s6 =	sshrl.u32 @!p0 s6, $0x2;
	[sflag:s25] =	ssyncadd.s32 @!p0 $0xFFFFFF00;
	s25 =	simm.s32 @!p0 $0x80  }
0x7b: {  	[tilespmem:s26], [sflag:$0x1] =	stream.indirect.gather @!p0 [hbm4b:s1+s25], $0x80, s6, s25, $0xb8;
	[tilespmem:$0x1C400] =	vst v63  }
0x7c: {  	p0 =	sge.u32 s8, s15  }
0x7d: {  	s6 =	sadd.s32 @!p0 s30, s18;
	s8 =	simm.s32 @!p0 $0x0  }
0x7e: {  	[tilespmem:s7], [sflag:$0x3] =	stream.linear.gather @!p0 [hbm4b:s6+s8], $0x100, $0x38;
	[tilespmem:$0x1C400] =	vst v63  }
0x7f: {  	s2 =	sshrl.u32 s2, $0x2;
	_ =	swait.ge [sflag:s29], $0x4000  }
0x80: {  	s2 =	sand.u32 $0x300, s2;
	[sflag:s29] =	ssyncset.done $0x0  }
0x81: {  	s26 =	sor.u32 $0x80, s2;
	[sflag:s29] =	ssyncadd.s32 $0xFFFFC000  }
0x82: {  	[spmem:s3] =	stream.indirect.scatter.add.f32 [tilespmem:s24], [sflag:$0x5], $0x80, s26, s23, $0xb8;
	[tilespmem:$0x1C400] =	vst v63  }
0x83: {  	_ =	swait.ge [sflag:s21], $0x4000  }
0x84: {  	p0 =	sge.u32 s31, s14;
	[sflag:s21] =	ssyncset.done $0x0  }
0x85: {  	s6 =	simm.s32 @!p0 $0x4;
	[sflag:s21] =	ssyncadd.s32 $0xFFFFC000  }
0x86: {  	_ =	swait.ge @!p0 [sflag:s6], $0x100  }
0x87: {  	s0 =	sand.u32 @!p0 $0xC00, s0;
	s7 =	simm.s32 @!p0 $0x4400;
	[sflag:s6] =	ssyncset.done @!p0 $0x0  }
0x88: {  	s0 =	sshrl.u32 @!p0 s0, $0x2;
	[sflag:s6] =	ssyncadd.s32 @!p0 $0xFFFFFF00;
	s6 =	simm.s32 @!p0 $0x80  }
0x89: {  	[tilespmem:s7], [sflag:$0x2] =	stream.indirect.gather @!p0 [hbm4b:s1+s6], $0x80, s0, s6, $0xb8;
	[tilespmem:$0x1C400] =	vst v63  }
0x8a: {  	s4 =	sadd.s32 $0x1, s4;
	p0 =	sge.u32 s31, s15  }
0x8b: {  	s0 =	sadd.s32 @!p0 s30, s19;
	s6 =	simm.s32 @!p0 $0x0;
	s30 =	stileid.u32  }
0x8c: {  	[tilespmem:s2], [sflag:$0x4] =	stream.linear.gather @!p0 [hbm4b:s0+s6], $0x100, $0x38;
	[tilespmem:$0x1C400] =	vst v63  }
0x8d: {  	s31 =	sshrl.u32 s5, $0x3;
	s0 =	sshll.u32 s30, $0x6;
	p0 =	sne.s32 s4, s17  }
.Ltmp2:
0x8e: {  	[bflag:$0x0] =	sbarrier.arrive $0xFFFF;
	s0 =	sor.u32 $0x1C05, s0;
	(pc) =	sbr.rel @p0 .LBB2_1-.Ltmp2, $4  }
0x8f: {  	[hbm:s16], [sflag:s0] =	dma.local [spmem:s31], $0x2800  }
0x90: {  	_ =	swait.ge [sflag:s21], $0x2800  }
0x91: {  	[sflag:s21] =	ssyncset.done $0x0  }
0x92: {  	[sflag:s21] =	ssyncadd.s32 $0xFFFFD800  }
0x93: {  	_ =	sfence.sel $0x180000  }
0x94: {  	[bflag:$0x0] =	sbarrier.arrive $0xFFFF  }
0x95: {  	_ =	strace $0x90000050  }
0x96: {  	s0 =	stileid.u32;
	[bflag:$0x2] =	sbarrier.arrive $0xFFFF  }
0x97: {  	p0 =	sne.s32 s0, $0x0;
	s0 =	rddreg [dreg:$0x3]  }
0x98: {  	s0 =	sadd.s32 @!p0 $0x100000, s0  }
0x99: {  	[sflag:s0] =	ssyncadd.tile.s32 @!p0 $0x1;
	_ =	shalt  }
.Lfunc_end2:
_tile_overlayer_lowered:
.L_overlay_start_2:
0x9a: {  	(tag) =	ssettag $0x2  }
0x9b: {  	s0 =	rddreg [dreg:$0x0];
	s2 =	stileid.u32  }
0x9c: {  	s1 =	rddreg [dreg:$0x1];
	p0 =	sne.s32 s2, $0x0  }
0x9d: {  	s3 =	rddreg [dreg:$0x2];
	[bflag:$0x3] =	sbarrier.arrive $0xFFFF;
	s2 =	simm.s32 @!p0 $0x1C05  }
0x9e: {  	[timem:s3], [sflag:s2] =	dma.local @!p0 [hbm:s0], s1  }
0x9f: {  	s0 =	simm.s32 @!p0 $0x5  }
0xa0: {  	_ =	swait.ge @!p0 [sflag:s0], s1  }
0xa1: {  	s1 =	ssub.s32 @!p0 $0x0, s1;
	[sflag:s0] =	ssyncset.done @!p0 $0x0  }
0xa2: {  	[sflag:s0] =	ssyncadd.s32 @!p0 s1  }
0xa3: {  	[bflag:$0x3] =	sbarrier.arrive $0xFFFF  }
0xa4: {  	_ =	shalt  }

</sc_bundles>
